<compile_context>
chip_gen: v7x
topology: tpu7x:2x2x1
jax: 0.10.2.dev20260603
libtpu: 0.0.44.dev20260713+nightly
codegen_flags: <defaults>
</compile_context>

<pallas_src>
import jax
import jax.numpy as jnp
from jax import lax
from jax.experimental import pallas as pl
from jax.experimental.pallas import tpu as pltpu
from jax.experimental.pallas import tpu_sc as plsc

B, S, D = 4, 8192, 1024
NW = 32
RPW = S // NW
R = 8
NCH = RPW // R
NTRI = 10
L = 16
UNROLL = 8
NVEC = R * D // L


def _body(x_hbm, pe_hbm, out_hbm, xb, pb, in_sem, out_sem, pe_sem):
    wid = lax.axis_index("s") * 2 + lax.axis_index("c")
    row0 = wid * RPW

    def issue_pe(g, p):
        pltpu.async_copy(pe_hbm.at[pl.ds(row0 + g * R, R), :], pb.at[p], pe_sem)

    def drain_pe(p):
        pltpu.make_async_copy(pe_hbm.at[pl.ds(0, R), :], pb.at[p], pe_sem).wait()

    def issue_in(g, p):
        pltpu.async_copy(x_hbm.at[:, pl.ds(row0 + g * R, R), :], xb.at[p], in_sem)

    def drain_in(p):
        pltpu.make_async_copy(x_hbm.at[:, pl.ds(0, R), :], xb.at[p], in_sem).wait()

    def issue_out(g, p):
        pltpu.async_copy(xb.at[p], out_hbm.at[:, pl.ds(row0 + g * R, R), :], out_sem)

    def drain_out(p):
        pltpu.make_async_copy(xb.at[p], out_hbm.at[:, pl.ds(0, R), :], out_sem).wait()

    def compute(p):
        def add_body(i, _):
            for k in range(UNROLL):
                flat = i * UNROLL + k
                r = flat // (D // L)
                c = (flat % (D // L)) * L
                sl = pl.ds(c, L)
                pe_v = pb[p, r, sl]
                for b in range(B):
                    xb[p, b, r, sl] = xb[p, b, r, sl] + pe_v
            return 0

        lax.fori_loop(0, NVEC // UNROLL, add_body, 0)

    def _maybe(cond, fn):
        if cond is True:
            fn()
        else:
            pl.when(cond)(fn)

    def chunk(g, p, drain_prev, issue_next):
        pn = (p + 1) % 3
        drain_in(p)
        drain_pe(p)
        _maybe(drain_prev, lambda: drain_out(pn))
        _maybe(issue_next, lambda: (issue_in(g + 1, pn), issue_pe(g + 1, pn)))
        compute(p)
        issue_out(g, p)

    issue_in(0, 0)
    issue_pe(0, 0)

    def tri_body(t, _):
        g = t * 3
        chunk(g, 0, t > 0, True)
        chunk(g + 1, 1, t > 0, True)
        chunk(g + 2, 2, True, True)
        return 0

    lax.fori_loop(0, NTRI, tri_body, 0)
    chunk(NCH - 2, 0, True, True)
    chunk(NCH - 1, 1, True, False)
    drain_out(0)
    drain_out(1)


def kernel(x, pe_table):
    mesh = plsc.VectorSubcoreMesh(core_axis_name="c", subcore_axis_name="s")
    run = pl.kernel(
        _body,
        mesh=mesh,
        out_type=jax.ShapeDtypeStruct((B, S, D), jnp.float32),
        scratch_types=[
            pltpu.VMEM((3, B, R, D), jnp.float32),
            pltpu.VMEM((3, R, D), jnp.float32),
            pltpu.SemaphoreType.DMA,
            pltpu.SemaphoreType.DMA,
            pltpu.SemaphoreType.DMA,
        ],
        compiler_params=pltpu.CompilerParams(use_tc_tiling_on_sc=True),
    )
    return run(x, pe_table)

# --- scband reference (transcript-rebuilt; emitter-appended) ---
"""Pipeline reference for scband-pos-enc-6528350290255 (READ-ONLY COPY).

The authoritative reference and input builder live on the scoring server;
editing this copy changes nothing except your own understanding.
"""

import jax, jax.numpy as jnp
import numpy as np

LENGTH = 8192
DIM = 1024

def setup_inputs(seed: int = 0) -> dict:
    key = jax.random.key(seed)
    k1, k2 = jax.random.split(key)
    x = jax.random.normal(k1, (4, 8192, 1024), dtype=jnp.float32)
    # Embedding table (learned parameter), keras Embedding default uniform init
    pe_table = jax.random.uniform(k2, (LENGTH, DIM), dtype=jnp.float32, minval=-0.05, maxval=0.05)
    return {"x": x, "pe_table": pe_table}

def reference(x, pe_table):
    seq_len = x.shape[1]
    positions = jnp.arange(seq_len)
    pos_emb = jnp.take(pe_table, positions, axis=0)  # [S, dim] gather from table
    return x + pos_emb[jnp.newaxis, :, :]

if __name__ == "__main__":
    import jax
    _d = setup_inputs()
    print(jax.jit(kernel)(*tuple(_d.values())))

</pallas_src>

<mosaic_0001>
#map = affine_map<(d0, d1) -> (0, 0, 0)>
#map1 = affine_map<(d0, d1) -> (0, 0)>
module attributes {stable_mosaic.version = 14 : i64} {
  func.func @_body(%arg0: i32, %arg1: i32, %arg2: memref<4x8192x1024xf32, #tpu.memory_space<hbm>>, %arg3: memref<8192x1024xf32, #tpu.memory_space<hbm>>, %arg4: memref<4x8192x1024xf32, #tpu.memory_space<hbm>>, %arg5: memref<3x4x8x1024xf32, #tpu.memory_space<vmem>>, %arg6: memref<3x8x1024xf32, #tpu.memory_space<vmem>>, %arg7: memref<!tpu.dma_semaphore, #tpu.memory_space<semaphore_mem>>, %arg8: memref<!tpu.dma_semaphore, #tpu.memory_space<semaphore_mem>>, %arg9: memref<!tpu.dma_semaphore, #tpu.memory_space<semaphore_mem>>) attributes {dimension_semantics = [#tpu.dimension_semantics<core_parallel>, #tpu.dimension_semantics<subcore_parallel>], iteration_bounds = array<i64: 2, 16>, scalar_prefetch = 0 : i64, scratch_operands = 5 : i64, tpu.core_type = #tpu.core_type<sc_vector_subcore>, window_params = [{transform_indices = #map}, {transform_indices = #map1}, {transform_indices = #map}]} {
    %mul3A = arith.constant 2 : i32
    %mul3A_0 = arith.muli %arg1, %mul3A : i32
    %add3A = arith.addi %mul3A_0, %arg0 : i32
    %mul3A_1 = arith.constant 256 : i32
    %mul3A_2 = arith.muli %add3A, %mul3A_1 : i32
    %add3A_3 = arith.constant 0 : i32
    %add3A_4 = arith.addi %mul3A_2, %add3A_3 : i32
    %dma_start3A = arith.constant 0 : i32
    %dma_start3A_5 = arith.constant 0 : i32
    %dma_start3A_6 = arith.constant 0 : i32
    %dma_start3A_7 = arith.constant 0 : i32
    %dma_start3A_8 = tpu.memref_slice %arg5[%dma_start3A, %dma_start3A_5, %dma_start3A_6, %dma_start3A_7] : memref<3x4x8x1024xf32, #tpu.memory_space<vmem>> -> memref<1x4x8x1024xf32, #tpu.memory_space<vmem>>
    %dma_start3A_9 = tpu.memref_squeeze %dma_start3A_8 : memref<1x4x8x1024xf32, #tpu.memory_space<vmem>> -> memref<4x8x1024xf32, #tpu.memory_space<vmem>>
    %dma_start3A_10 = arith.constant 0 : i32
    %dma_start3A_11 = arith.constant 0 : i32
    %dma_start3A_12 = tpu.memref_slice %arg2[%dma_start3A_10, %add3A_4, %dma_start3A_11] : memref<4x8192x1024xf32, #tpu.memory_space<hbm>> -> memref<4x8x1024xf32, #tpu.memory_space<hbm>>
    %dma_start3A_13 = arith.constant 0 : i32
    %dma_start3A_14 = arith.constant 0 : i32
    %dma_start3A_15 = arith.constant 0 : i32
    %dma_start3A_16 = tpu.memref_slice %arg5[%dma_start3A, %dma_start3A_13, %dma_start3A_14, %dma_start3A_15] : memref<3x4x8x1024xf32, #tpu.memory_space<vmem>> -> memref<1x4x8x1024xf32, #tpu.memory_space<vmem>>
    %dma_start3A_17 = tpu.memref_squeeze %dma_start3A_16 : memref<1x4x8x1024xf32, #tpu.memory_space<vmem>> -> memref<4x8x1024xf32, #tpu.memory_space<vmem>>
    %dma_start3A_18 = arith.constant 0 : i32
    %dma_start3A_19 = arith.constant 0 : i32
    %dma_start3A_20 = tpu.memref_slice %arg2[%dma_start3A_18, %add3A_4, %dma_start3A_19] : memref<4x8192x1024xf32, #tpu.memory_space<hbm>> -> memref<4x8x1024xf32, #tpu.memory_space<hbm>>
    tpu.enqueue_dma source(%dma_start3A_20 : memref<4x8x1024xf32, #tpu.memory_space<hbm>>) target(%dma_start3A_17 : memref<4x8x1024xf32, #tpu.memory_space<vmem>>) target_semaphore(%arg7 : memref<!tpu.dma_semaphore, #tpu.memory_space<semaphore_mem>>)
    %add3A_21 = arith.constant 0 : i32
    %add3A_22 = arith.addi %mul3A_2, %add3A_21 : i32
    %dma_start3A_23 = arith.constant 0 : i32
    %dma_start3A_24 = arith.constant 0 : i32
    %dma_start3A_25 = arith.constant 0 : i32
    %dma_start3A_26 = tpu.memref_slice %arg6[%dma_start3A_23, %dma_start3A_24, %dma_start3A_25] : memref<3x8x1024xf32, #tpu.memory_space<vmem>> -> memref<1x8x1024xf32, #tpu.memory_space<vmem>>
    %dma_start3A_27 = tpu.memref_squeeze %dma_start3A_26 : memref<1x8x1024xf32, #tpu.memory_space<vmem>> -> memref<8x1024xf32, #tpu.memory_space<vmem>>
    %dma_start3A_28 = arith.constant 0 : i32
    %dma_start3A_29 = tpu.memref_slice %arg3[%add3A_22, %dma_start3A_28] : memref<8192x1024xf32, #tpu.memory_space<hbm>> -> memref<8x1024xf32, #tpu.memory_space<hbm>>
    %dma_start3A_30 = arith.constant 0 : i32
    %dma_start3A_31 = arith.constant 0 : i32
    %dma_start3A_32 = tpu.memref_slice %arg6[%dma_start3A_23, %dma_start3A_30, %dma_start3A_31] : memref<3x8x1024xf32, #tpu.memory_space<vmem>> -> memref<1x8x1024xf32, #tpu.memory_space<vmem>>
    %dma_start3A_33 = tpu.memref_squeeze %dma_start3A_32 : memref<1x8x1024xf32, #tpu.memory_space<vmem>> -> memref<8x1024xf32, #tpu.memory_space<vmem>>
    %dma_start3A_34 = arith.constant 0 : i32
    %dma_start3A_35 = tpu.memref_slice %arg3[%add3A_22, %dma_start3A_34] : memref<8192x1024xf32, #tpu.memory_space<hbm>> -> memref<8x1024xf32, #tpu.memory_space<hbm>>
    tpu.enqueue_dma source(%dma_start3A_35 : memref<8x1024xf32, #tpu.memory_space<hbm>>) target(%dma_start3A_33 : memref<8x1024xf32, #tpu.memory_space<vmem>>) target_semaphore(%arg9 : memref<!tpu.dma_semaphore, #tpu.memory_space<semaphore_mem>>)
    %scan3A = arith.constant 0 : i32
    %scan3A_36 = arith.constant 0 : i32
    %scan3A_37 = arith.constant 10 : i32
    %scan3A_38 = arith.addi %scan3A_36, %scan3A_37 : i32
    %scan3A_39 = arith.constant 1 : i32
    %scan3A_40 = scf.for %scan3A_271 = %scan3A_36 to %scan3A_38 step %scan3A_39 iter_args(%scan3A_272 = %scan3A) -> (i32)  : i32 {
      %mul3A_273 = arith.constant 3 : i32
      %mul3A_274 = arith.muli %scan3A_271, %mul3A_273 : i32
      %gt3A = arith.constant 0 : i32
      %gt3A_275 = arith.cmpi sgt, %scan3A_271, %gt3A : i32
      %dma_wait3A_276 = arith.constant 0 : i32
      %dma_wait3A_277 = arith.constant 0 : i32
      %dma_wait3A_278 = arith.constant 0 : i32
      %dma_wait3A_279 = arith.constant 0 : i32
      %dma_wait3A_280 = tpu.memref_slice %arg5[%dma_wait3A_276, %dma_wait3A_277, %dma_wait3A_278, %dma_wait3A_279] : memref<3x4x8x1024xf32, #tpu.memory_space<vmem>> -> memref<1x4x8x1024xf32, #tpu.memory_space<vmem>>
      %dma_wait3A_281 = tpu.memref_squeeze %dma_wait3A_280 : memref<1x4x8x1024xf32, #tpu.memory_space<vmem>> -> memref<4x8x1024xf32, #tpu.memory_space<vmem>>
      %dma_wait3A_282 = arith.constant 0 : i32
      %dma_wait3A_283 = arith.constant 0 : i32
      %dma_wait3A_284 = arith.constant 0 : i32
      %dma_wait3A_285 = tpu.memref_slice %arg2[%dma_wait3A_282, %dma_wait3A_283, %dma_wait3A_284] : memref<4x8192x1024xf32, #tpu.memory_space<hbm>> -> memref<4x8x1024xf32, #tpu.memory_space<hbm>>
      %dma_wait3A_286 = arith.constant 0 : i32
      %dma_wait3A_287 = arith.constant 0 : i32
      %dma_wait3A_288 = arith.constant 0 : i32
      %dma_wait3A_289 = tpu.memref_slice %arg5[%dma_wait3A_276, %dma_wait3A_286, %dma_wait3A_287, %dma_wait3A_288] : memref<3x4x8x1024xf32, #tpu.memory_space<vmem>> -> memref<1x4x8x1024xf32, #tpu.memory_space<vmem>>
      %dma_wait3A_290 = tpu.memref_squeeze %dma_wait3A_289 : memref<1x4x8x1024xf32, #tpu.memory_space<vmem>> -> memref<4x8x1024xf32, #tpu.memory_space<vmem>>
      %dma_wait3A_291 = arith.constant 0 : i32
      %dma_wait3A_292 = arith.constant 0 : i32
      %dma_wait3A_293 = arith.constant 0 : i32
      %dma_wait3A_294 = tpu.memref_slice %arg2[%dma_wait3A_291, %dma_wait3A_292, %dma_wait3A_293] : memref<4x8192x1024xf32, #tpu.memory_space<hbm>> -> memref<4x8x1024xf32, #tpu.memory_space<hbm>>
      tpu.wait_dma2 semaphore(%arg7 : memref<!tpu.dma_semaphore, #tpu.memory_space<semaphore_mem>>) src(%dma_wait3A_294 : memref<4x8x1024xf32, #tpu.memory_space<hbm>>) dst(%dma_wait3A_290 : memref<4x8x1024xf32, #tpu.memory_space<vmem>>)
      %dma_wait3A_295 = arith.constant 0 : i32
      %dma_wait3A_296 = arith.constant 0 : i32
      %dma_wait3A_297 = arith.constant 0 : i32
      %dma_wait3A_298 = tpu.memref_slice %arg6[%dma_wait3A_295, %dma_wait3A_296, %dma_wait3A_297] : memref<3x8x1024xf32, #tpu.memory_space<vmem>> -> memref<1x8x1024xf32, #tpu.memory_space<vmem>>
      %dma_wait3A_299 = tpu.memref_squeeze %dma_wait3A_298 : memref<1x8x1024xf32, #tpu.memory_space<vmem>> -> memref<8x1024xf32, #tpu.memory_space<vmem>>
      %dma_wait3A_300 = arith.constant 0 : i32
      %dma_wait3A_301 = arith.constant 0 : i32
      %dma_wait3A_302 = tpu.memref_slice %arg3[%dma_wait3A_300, %dma_wait3A_301] : memref<8192x1024xf32, #tpu.memory_space<hbm>> -> memref<8x1024xf32, #tpu.memory_space<hbm>>
      %dma_wait3A_303 = arith.constant 0 : i32
      %dma_wait3A_304 = arith.constant 0 : i32
      %dma_wait3A_305 = tpu.memref_slice %arg6[%dma_wait3A_295, %dma_wait3A_303, %dma_wait3A_304] : memref<3x8x1024xf32, #tpu.memory_space<vmem>> -> memref<1x8x1024xf32, #tpu.memory_space<vmem>>
      %dma_wait3A_306 = tpu.memref_squeeze %dma_wait3A_305 : memref<1x8x1024xf32, #tpu.memory_space<vmem>> -> memref<8x1024xf32, #tpu.memory_space<vmem>>
      %dma_wait3A_307 = arith.constant 0 : i32
      %dma_wait3A_308 = arith.constant 0 : i32
      %dma_wait3A_309 = tpu.memref_slice %arg3[%dma_wait3A_307, %dma_wait3A_308] : memref<8192x1024xf32, #tpu.memory_space<hbm>> -> memref<8x1024xf32, #tpu.memory_space<hbm>>
      tpu.wait_dma2 semaphore(%arg9 : memref<!tpu.dma_semaphore, #tpu.memory_space<semaphore_mem>>) src(%dma_wait3A_309 : memref<8x1024xf32, #tpu.memory_space<hbm>>) dst(%dma_wait3A_306 : memref<8x1024xf32, #tpu.memory_space<vmem>>)
      %convert_element_type3A = arith.extui %gt3A_275 : i1 to i32
      %cond3A = arith.constant 0 : i32
      %cond3A_310 = arith.cmpi ne, %convert_element_type3A, %cond3A : i32
      scf.if %cond3A_310 {
        %dma_wait3A_609 = arith.constant 1 : i32
        %dma_wait3A_610 = arith.constant 0 : i32
        %dma_wait3A_611 = arith.constant 0 : i32
        %dma_wait3A_612 = arith.constant 0 : i32
        %dma_wait3A_613 = tpu.memref_slice %arg5[%dma_wait3A_609, %dma_wait3A_610, %dma_wait3A_611, %dma_wait3A_612] : memref<3x4x8x1024xf32, #tpu.memory_space<vmem>> -> memref<1x4x8x1024xf32, #tpu.memory_space<vmem>>
        %dma_wait3A_614 = tpu.memref_squeeze %dma_wait3A_613 : memref<1x4x8x1024xf32, #tpu.memory_space<vmem>> -> memref<4x8x1024xf32, #tpu.memory_space<vmem>>
        %dma_wait3A_615 = arith.constant 0 : i32
        %dma_wait3A_616 = arith.constant 0 : i32
        %dma_wait3A_617 = arith.constant 0 : i32
        %dma_wait3A_618 = tpu.memref_slice %arg4[%dma_wait3A_615, %dma_wait3A_616, %dma_wait3A_617] : memref<4x8192x1024xf32, #tpu.memory_space<hbm>> -> memref<4x8x1024xf32, #tpu.memory_space<hbm>>
        %dma_wait3A_619 = arith.constant 0 : i32
        %dma_wait3A_620 = arith.constant 0 : i32
        %dma_wait3A_621 = arith.constant 0 : i32
        %dma_wait3A_622 = tpu.memref_slice %arg4[%dma_wait3A_619, %dma_wait3A_620, %dma_wait3A_621] : memref<4x8192x1024xf32, #tpu.memory_space<hbm>> -> memref<4x8x1024xf32, #tpu.memory_space<hbm>>
        %dma_wait3A_623 = arith.constant 0 : i32
        %dma_wait3A_624 = arith.constant 0 : i32
        %dma_wait3A_625 = arith.constant 0 : i32
        %dma_wait3A_626 = tpu.memref_slice %arg5[%dma_wait3A_609, %dma_wait3A_623, %dma_wait3A_624, %dma_wait3A_625] : memref<3x4x8x1024xf32, #tpu.memory_space<vmem>> -> memref<1x4x8x1024xf32, #tpu.memory_space<vmem>>
        %dma_wait3A_627 = tpu.memref_squeeze %dma_wait3A_626 : memref<1x4x8x1024xf32, #tpu.memory_space<vmem>> -> memref<4x8x1024xf32, #tpu.memory_space<vmem>>
        tpu.wait_dma2 semaphore(%arg8 : memref<!tpu.dma_semaphore, #tpu.memory_space<semaphore_mem>>) src(%dma_wait3A_627 : memref<4x8x1024xf32, #tpu.memory_space<vmem>>) dst(%dma_wait3A_622 : memref<4x8x1024xf32, #tpu.memory_space<hbm>>)
      } else {
      }
      %add3A_311 = arith.constant 1 : i32
      %add3A_312 = arith.addi %mul3A_274, %add3A_311 : i32
      %mul3A_313 = arith.constant 8 : i32
      %mul3A_314 = arith.muli %add3A_312, %mul3A_313 : i32
      %add3A_315 = arith.addi %mul3A_2, %mul3A_314 : i32
      %dma_start3A_316 = arith.constant 1 : i32
      %dma_start3A_317 = arith.constant 0 : i32
      %dma_start3A_318 = arith.constant 0 : i32
      %dma_start3A_319 = arith.constant 0 : i32
      %dma_start3A_320 = tpu.memref_slice %arg5[%dma_start3A_316, %dma_start3A_317, %dma_start3A_318, %dma_start3A_319] : memref<3x4x8x1024xf32, #tpu.memory_space<vmem>> -> memref<1x4x8x1024xf32, #tpu.memory_space<vmem>>
      %dma_start3A_321 = tpu.memref_squeeze %dma_start3A_320 : memref<1x4x8x1024xf32, #tpu.memory_space<vmem>> -> memref<4x8x1024xf32, #tpu.memory_space<vmem>>
      %dma_start3A_322 = arith.constant 0 : i32
      %dma_start3A_323 = arith.constant 0 : i32
      %dma_start3A_324 = tpu.memref_slice %arg2[%dma_start3A_322, %add3A_315, %dma_start3A_323] : memref<4x8192x1024xf32, #tpu.memory_space<hbm>> -> memref<4x8x1024xf32, #tpu.memory_space<hbm>>
      %dma_start3A_325 = arith.constant 0 : i32
      %dma_start3A_326 = arith.constant 0 : i32
      %dma_start3A_327 = arith.constant 0 : i32
      %dma_start3A_328 = tpu.memref_slice %arg5[%dma_start3A_316, %dma_start3A_325, %dma_start3A_326, %dma_start3A_327] : memref<3x4x8x1024xf32, #tpu.memory_space<vmem>> -> memref<1x4x8x1024xf32, #tpu.memory_space<vmem>>
      %dma_start3A_329 = tpu.memref_squeeze %dma_start3A_328 : memref<1x4x8x1024xf32, #tpu.memory_space<vmem>> -> memref<4x8x1024xf32, #tpu.memory_space<vmem>>
      %dma_start3A_330 = arith.constant 0 : i32
      %dma_start3A_331 = arith.constant 0 : i32
      %dma_start3A_332 = tpu.memref_slice %arg2[%dma_start3A_330, %add3A_315, %dma_start3A_331] : memref<4x8192x1024xf32, #tpu.memory_space<hbm>> -> memref<4x8x1024xf32, #tpu.memory_space<hbm>>
      tpu.enqueue_dma source(%dma_start3A_332 : memref<4x8x1024xf32, #tpu.memory_space<hbm>>) target(%dma_start3A_329 : memref<4x8x1024xf32, #tpu.memory_space<vmem>>) target_semaphore(%arg7 : memref<!tpu.dma_semaphore, #tpu.memory_space<semaphore_mem>>)
      %add3A_333 = arith.constant 1 : i32
      %add3A_334 = arith.addi %mul3A_274, %add3A_333 : i32
      %mul3A_335 = arith.constant 8 : i32
      %mul3A_336 = arith.muli %add3A_334, %mul3A_335 : i32
      %add3A_337 = arith.addi %mul3A_2, %mul3A_336 : i32
      %dma_start3A_338 = arith.constant 1 : i32
      %dma_start3A_339 = arith.constant 0 : i32
      %dma_start3A_340 = arith.constant 0 : i32
      %dma_start3A_341 = tpu.memref_slice %arg6[%dma_start3A_338, %dma_start3A_339, %dma_start3A_340] : memref<3x8x1024xf32, #tpu.memory_space<vmem>> -> memref<1x8x1024xf32, #tpu.memory_space<vmem>>
      %dma_start3A_342 = tpu.memref_squeeze %dma_start3A_341 : memref<1x8x1024xf32, #tpu.memory_space<vmem>> -> memref<8x1024xf32, #tpu.memory_space<vmem>>
      %dma_start3A_343 = arith.constant 0 : i32
      %dma_start3A_344 = tpu.memref_slice %arg3[%add3A_337, %dma_start3A_343] : memref<8192x1024xf32, #tpu.memory_space<hbm>> -> memref<8x1024xf32, #tpu.memory_space<hbm>>
      %dma_start3A_345 = arith.constant 0 : i32
      %dma_start3A_346 = arith.constant 0 : i32
      %dma_start3A_347 = tpu.memref_slice %arg6[%dma_start3A_338, %dma_start3A_345, %dma_start3A_346] : memref<3x8x1024xf32, #tpu.memory_space<vmem>> -> memref<1x8x1024xf32, #tpu.memory_space<vmem>>
      %dma_start3A_348 = tpu.memref_squeeze %dma_start3A_347 : memref<1x8x1024xf32, #tpu.memory_space<vmem>> -> memref<8x1024xf32, #tpu.memory_space<vmem>>
      %dma_start3A_349 = arith.constant 0 : i32
      %dma_start3A_350 = tpu.memref_slice %arg3[%add3A_337, %dma_start3A_349] : memref<8192x1024xf32, #tpu.memory_space<hbm>> -> memref<8x1024xf32, #tpu.memory_space<hbm>>
      tpu.enqueue_dma source(%dma_start3A_350 : memref<8x1024xf32, #tpu.memory_space<hbm>>) target(%dma_start3A_348 : memref<8x1024xf32, #tpu.memory_space<vmem>>) target_semaphore(%arg9 : memref<!tpu.dma_semaphore, #tpu.memory_space<semaphore_mem>>)
      %scan3A_351 = arith.constant 0 : i32
      %scan3A_352 = arith.constant 0 : i32
      %scan3A_353 = arith.constant 64 : i32
      %scan3A_354 = arith.addi %scan3A_352, %scan3A_353 : i32
      %scan3A_355 = arith.constant 1 : i32
      %scan3A_356 = scf.for %scan3A_609 = %scan3A_352 to %scan3A_354 step %scan3A_355 iter_args(%scan3A_610 = %scan3A_351) -> (i32)  : i32 {
        %mul3A_611 = arith.constant 8 : i32
        %mul3A_612 = arith.muli %scan3A_609, %mul3A_611 : i32
        %add3A_613 = arith.constant 0 : i32
        %add3A_614 = arith.addi %mul3A_612, %add3A_613 : i32
        %jit3A = arith.constant 64 : i32
        %div3A = arith.divsi %add3A_614, %jit3A : i32
        %sign3A = arith.constant 0 : i32
        %sign3A_615 = arith.cmpi sgt, %add3A_614, %sign3A : i32
        %sign3A_616 = arith.extui %sign3A_615 : i1 to i32
        %sign3A_617 = arith.constant 0 : i32
        %sign3A_618 = arith.cmpi slt, %add3A_614, %sign3A_617 : i32
        %sign3A_619 = arith.extui %sign3A_618 : i1 to i32
        %sign3A_620 = arith.subi %sign3A_616, %sign3A_619 : i32
        %sign3A_621 = arith.constant 0 : i32
        %sign3A_622 = arith.cmpi sgt, %jit3A, %sign3A_621 : i32
        %sign3A_623 = arith.extui %sign3A_622 : i1 to i32
        %sign3A_624 = arith.constant 0 : i32
        %sign3A_625 = arith.cmpi slt, %jit3A, %sign3A_624 : i32
        %sign3A_626 = arith.extui %sign3A_625 : i1 to i32
        %sign3A_627 = arith.subi %sign3A_623, %sign3A_626 : i32
        %ne3A = arith.cmpi ne, %sign3A_620, %sign3A_627 : i32
        %rem3A = arith.remsi %add3A_614, %jit3A : i32
        %ne3A_628 = arith.constant 0 : i32
        %ne3A_629 = arith.cmpi ne, %rem3A, %ne3A_628 : i32
        %and3A = arith.andi %ne3A, %ne3A_629 : i1
        %sub3A = arith.constant 1 : i32
        %sub3A_630 = arith.subi %div3A, %sub3A : i32
        %select_n3A = arith.select %and3A, %sub3A_630, %div3A : i32
        %jit3A_631 = arith.constant 64 : i32
        %eq3A = arith.constant 0 : i32
        %eq3A_632 = arith.cmpi eq, %jit3A_631, %eq3A : i32
        %jit3A_633 = arith.constant 1 : i32
        %select_n3A_634 = arith.select %eq3A_632, %jit3A_633, %jit3A_631 : i32
        %rem3A_635 = arith.remsi %add3A_614, %select_n3A_634 : i32
        %ne3A_636 = arith.constant 0 : i32
        %ne3A_637 = arith.cmpi ne, %rem3A_635, %ne3A_636 : i32
        %lt3A = arith.constant 0 : i32
        %lt3A_638 = arith.cmpi slt, %rem3A_635, %lt3A : i32
        %lt3A_639 = arith.constant 0 : i32
        %lt3A_640 = arith.cmpi slt, %select_n3A_634, %lt3A_639 : i32
        %ne3A_641 = arith.xori %lt3A_638, %lt3A_640 : i1
        %and3A_642 = arith.andi %ne3A_641, %ne3A_637 : i1
        %add3A_643 = arith.addi %rem3A_635, %select_n3A_634 : i32
        %select_n3A_644 = arith.select %and3A_642, %add3A_643, %rem3A_635 : i32
        %mul3A_645 = arith.constant 16 : i32
        %mul3A_646 = arith.muli %select_n3A_644, %mul3A_645 : i32
        %get3A = arith.constant 0 : i32
        %get3A_647 = arith.index_cast %get3A : i32 to index
        %get3A_648 = arith.index_cast %select_n3A : i32 to index
        %get3A_649 = arith.index_cast %mul3A_646 : i32 to index
        %get3A_650 = tpu.vector_load %arg6[%get3A_647, %get3A_648, %get3A_649] {strides = array<i32>} : memref<3x8x1024xf32, #tpu.memory_space<vmem>>, vector<1x1x16xf32>,
        %get3A_651 = vector.shape_cast %get3A_650 : vector<1x1x16xf32> to vector<16xf32>
        %get3A_652 = arith.constant 0 : i32
        %get3A_653 = arith.constant 0 : i32
        %get3A_654 = arith.index_cast %get3A_652 : i32 to index
        %get3A_655 = arith.index_cast %get3A_653 : i32 to index
        %get3A_656 = arith.index_cast %select_n3A : i32 to index
        %get3A_657 = arith.index_cast %mul3A_646 : i32 to index
        %get3A_658 = tpu.vector_load %arg5[%get3A_654, %get3A_655, %get3A_656, %get3A_657] {strides = array<i32>} : memref<3x4x8x1024xf32, #tpu.memory_space<vmem>>, vector<1x1x1x16xf32>,
        %get3A_659 = vector.shape_cast %get3A_658 : vector<1x1x1x16xf32> to vector<16xf32>
        %add3A_660 = arith.addf %get3A_659, %get3A_651 : vector<16xf32>
        %swap3A = arith.constant 0 : i32
        %swap3A_661 = arith.constant 0 : i32
        %swap3A_662 = arith.index_cast %swap3A : i32 to index
        %swap3A_663 = arith.index_cast %swap3A_661 : i32 to index
        %swap3A_664 = arith.index_cast %select_n3A : i32 to index
        %swap3A_665 = arith.index_cast %mul3A_646 : i32 to index
        %swap3A_666 = tpu.vector_load %arg5[%swap3A_662, %swap3A_663, %swap3A_664, %swap3A_665] {strides = array<i32>} : memref<3x4x8x1024xf32, #tpu.memory_space<vmem>>, vector<1x1x1x16xf32>,
        %swap3A_667 = vector.shape_cast %swap3A_666 : vector<1x1x1x16xf32> to vector<16xf32>
        %swap3A_668 = vector.shape_cast %add3A_660 : vector<16xf32> to vector<1x1x1x16xf32>
        tpu.vector_store %arg5[%swap3A_662, %swap3A_663, %swap3A_664, %swap3A_665], %swap3A_668 {strides = array<i32>} : memref<3x4x8x1024xf32, #tpu.memory_space<vmem>>, vector<1x1x1x16xf32>,
        %get3A_669 = arith.constant 0 : i32
        %get3A_670 = arith.constant 1 : i32
        %get3A_671 = arith.index_cast %get3A_669 : i32 to index
        %get3A_672 = arith.index_cast %get3A_670 : i32 to index
        %get3A_673 = arith.index_cast %select_n3A : i32 to index
        %get3A_674 = arith.index_cast %mul3A_646 : i32 to index
        %get3A_675 = tpu.vector_load %arg5[%get3A_671, %get3A_672, %get3A_673, %get3A_674] {strides = array<i32>} : memref<3x4x8x1024xf32, #tpu.memory_space<vmem>>, vector<1x1x1x16xf32>,
        %get3A_676 = vector.shape_cast %get3A_675 : vector<1x1x1x16xf32> to vector<16xf32>
        %add3A_677 = arith.addf %get3A_676, %get3A_651 : vector<16xf32>
        %swap3A_678 = arith.constant 0 : i32
        %swap3A_679 = arith.constant 1 : i32
        %swap3A_680 = arith.index_cast %swap3A_678 : i32 to index
        %swap3A_681 = arith.index_cast %swap3A_679 : i32 to index
        %swap3A_682 = arith.index_cast %select_n3A : i32 to index
        %swap3A_683 = arith.index_cast %mul3A_646 : i32 to index
        %swap3A_684 = tpu.vector_load %arg5[%swap3A_680, %swap3A_681, %swap3A_682, %swap3A_683] {strides = array<i32>} : memref<3x4x8x1024xf32, #tpu.memory_space<vmem>>, vector<1x1x1x16xf32>,
        %swap3A_685 = vector.shape_cast %swap3A_684 : vector<1x1x1x16xf32> to vector<16xf32>
        %swap3A_686 = vector.shape_cast %add3A_677 : vector<16xf32> to vector<1x1x1x16xf32>
        tpu.vector_store %arg5[%swap3A_680, %swap3A_681, %swap3A_682, %swap3A_683], %swap3A_686 {strides = array<i32>} : memref<3x4x8x1024xf32, #tpu.memory_space<vmem>>, vector<1x1x1x16xf32>,
        %get3A_687 = arith.constant 0 : i32
        %get3A_688 = arith.constant 2 : i32
        %get3A_689 = arith.index_cast %get3A_687 : i32 to index
        %get3A_690 = arith.index_cast %get3A_688 : i32 to index
        %get3A_691 = arith.index_cast %select_n3A : i32 to index
        %get3A_692 = arith.index_cast %mul3A_646 : i32 to index
        %get3A_693 = tpu.vector_load %arg5[%get3A_689, %get3A_690, %get3A_691, %get3A_692] {strides = array<i32>} : memref<3x4x8x1024xf32, #tpu.memory_space<vmem>>, vector<1x1x1x16xf32>,
        %get3A_694 = vector.shape_cast %get3A_693 : vector<1x1x1x16xf32> to vector<16xf32>
        %add3A_695 = arith.addf %get3A_694, %get3A_651 : vector<16xf32>
        %swap3A_696 = arith.constant 0 : i32
        %swap3A_697 = arith.constant 2 : i32
        %swap3A_698 = arith.index_cast %swap3A_696 : i32 to index
        %swap3A_699 = arith.index_cast %swap3A_697 : i32 to index
        %swap3A_700 = arith.index_cast %select_n3A : i32 to index
        %swap3A_701 = arith.index_cast %mul3A_646 : i32 to index
        %swap3A_702 = tpu.vector_load %arg5[%swap3A_698, %swap3A_699, %swap3A_700, %swap3A_701] {strides = array<i32>} : memref<3x4x8x1024xf32, #tpu.memory_space<vmem>>, vector<1x1x1x16xf32>,
        %swap3A_703 = vector.shape_cast %swap3A_702 : vector<1x1x1x16xf32> to vector<16xf32>
        %swap3A_704 = vector.shape_cast %add3A_695 : vector<16xf32> to vector<1x1x1x16xf32>
        tpu.vector_store %arg5[%swap3A_698, %swap3A_699, %swap3A_700, %swap3A_701], %swap3A_704 {strides = array<i32>} : memref<3x4x8x1024xf32, #tpu.memory_space<vmem>>, vector<1x1x1x16xf32>,
        %get3A_705 = arith.constant 0 : i32
        %get3A_706 = arith.constant 3 : i32
        %get3A_707 = arith.index_cast %get3A_705 : i32 to index
        %get3A_708 = arith.index_cast %get3A_706 : i32 to index
        %get3A_709 = arith.index_cast %select_n3A : i32 to index
        %get3A_710 = arith.index_cast %mul3A_646 : i32 to index
        %get3A_711 = tpu.vector_load %arg5[%get3A_707, %get3A_708, %get3A_709, %get3A_710] {strides = array<i32>} : memref<3x4x8x1024xf32, #tpu.memory_space<vmem>>, vector<1x1x1x16xf32>,
        %get3A_712 = vector.shape_cast %get3A_711 : vector<1x1x1x16xf32> to vector<16xf32>
        %add3A_713 = arith.addf %get3A_712, %get3A_651 : vector<16xf32>
        %swap3A_714 = arith.constant 0 : i32
        %swap3A_715 = arith.constant 3 : i32
        %swap3A_716 = arith.index_cast %swap3A_714 : i32 to index
        %swap3A_717 = arith.index_cast %swap3A_715 : i32 to index
        %swap3A_718 = arith.index_cast %select_n3A : i32 to index
        %swap3A_719 = arith.index_cast %mul3A_646 : i32 to index
        %swap3A_720 = tpu.vector_load %arg5[%swap3A_716, %swap3A_717, %swap3A_718, %swap3A_719] {strides = array<i32>} : memref<3x4x8x1024xf32, #tpu.memory_space<vmem>>, vector<1x1x1x16xf32>,
        %swap3A_721 = vector.shape_cast %swap3A_720 : vector<1x1x1x16xf32> to vector<16xf32>
        %swap3A_722 = vector.shape_cast %add3A_713 : vector<16xf32> to vector<1x1x1x16xf32>
        tpu.vector_store %arg5[%swap3A_716, %swap3A_717, %swap3A_718, %swap3A_719], %swap3A_722 {strides = array<i32>} : memref<3x4x8x1024xf32, #tpu.memory_space<vmem>>, vector<1x1x1x16xf32>,
        %mul3A_723 = arith.constant 8 : i32
        %mul3A_724 = arith.muli %scan3A_609, %mul3A_723 : i32
        %add3A_725 = arith.constant 1 : i32
        %add3A_726 = arith.addi %mul3A_724, %add3A_725 : i32
        %jit3A_727 = arith.constant 64 : i32
        %div3A_728 = arith.divsi %add3A_726, %jit3A_727 : i32
        %sign3A_729 = arith.constant 0 : i32
        %sign3A_730 = arith.cmpi sgt, %add3A_726, %sign3A_729 : i32
        %sign3A_731 = arith.extui %sign3A_730 : i1 to i32
        %sign3A_732 = arith.constant 0 : i32
        %sign3A_733 = arith.cmpi slt, %add3A_726, %sign3A_732 : i32
        %sign3A_734 = arith.extui %sign3A_733 : i1 to i32
        %sign3A_735 = arith.subi %sign3A_731, %sign3A_734 : i32
        %sign3A_736 = arith.constant 0 : i32
        %sign3A_737 = arith.cmpi sgt, %jit3A_727, %sign3A_736 : i32
        %sign3A_738 = arith.extui %sign3A_737 : i1 to i32
        %sign3A_739 = arith.constant 0 : i32
        %sign3A_740 = arith.cmpi slt, %jit3A_727, %sign3A_739 : i32
        %sign3A_741 = arith.extui %sign3A_740 : i1 to i32
        %sign3A_742 = arith.subi %sign3A_738, %sign3A_741 : i32
        %ne3A_743 = arith.cmpi ne, %sign3A_735, %sign3A_742 : i32
        %rem3A_744 = arith.remsi %add3A_726, %jit3A_727 : i32
        %ne3A_745 = arith.constant 0 : i32
        %ne3A_746 = arith.cmpi ne, %rem3A_744, %ne3A_745 : i32
        %and3A_747 = arith.andi %ne3A_743, %ne3A_746 : i1
        %sub3A_748 = arith.constant 1 : i32
        %sub3A_749 = arith.subi %div3A_728, %sub3A_748 : i32
        %select_n3A_750 = arith.select %and3A_747, %sub3A_749, %div3A_728 : i32
        %jit3A_751 = arith.constant 64 : i32
        %eq3A_752 = arith.constant 0 : i32
        %eq3A_753 = arith.cmpi eq, %jit3A_751, %eq3A_752 : i32
        %jit3A_754 = arith.constant 1 : i32
        %select_n3A_755 = arith.select %eq3A_753, %jit3A_754, %jit3A_751 : i32
        %rem3A_756 = arith.remsi %add3A_726, %select_n3A_755 : i32
        %ne3A_757 = arith.constant 0 : i32
        %ne3A_758 = arith.cmpi ne, %rem3A_756, %ne3A_757 : i32
        %lt3A_759 = arith.constant 0 : i32
        %lt3A_760 = arith.cmpi slt, %rem3A_756, %lt3A_759 : i32
        %lt3A_761 = arith.constant 0 : i32
        %lt3A_762 = arith.cmpi slt, %select_n3A_755, %lt3A_761 : i32
        %ne3A_763 = arith.xori %lt3A_760, %lt3A_762 : i1
        %and3A_764 = arith.andi %ne3A_763, %ne3A_758 : i1
        %add3A_765 = arith.addi %rem3A_756, %select_n3A_755 : i32
        %select_n3A_766 = arith.select %and3A_764, %add3A_765, %rem3A_756 : i32
        %mul3A_767 = arith.constant 16 : i32
        %mul3A_768 = arith.muli %select_n3A_766, %mul3A_767 : i32
        %get3A_769 = arith.constant 0 : i32
        %get3A_770 = arith.index_cast %get3A_769 : i32 to index
        %get3A_771 = arith.index_cast %select_n3A_750 : i32 to index
        %get3A_772 = arith.index_cast %mul3A_768 : i32 to index
        %get3A_773 = tpu.vector_load %arg6[%get3A_770, %get3A_771, %get3A_772] {strides = array<i32>} : memref<3x8x1024xf32, #tpu.memory_space<vmem>>, vector<1x1x16xf32>,
        %get3A_774 = vector.shape_cast %get3A_773 : vector<1x1x16xf32> to vector<16xf32>
        %get3A_775 = arith.constant 0 : i32
        %get3A_776 = arith.constant 0 : i32
        %get3A_777 = arith.index_cast %get3A_775 : i32 to index
        %get3A_778 = arith.index_cast %get3A_776 : i32 to index
        %get3A_779 = arith.index_cast %select_n3A_750 : i32 to index
        %get3A_780 = arith.index_cast %mul3A_768 : i32 to index
        %get3A_781 = tpu.vector_load %arg5[%get3A_777, %get3A_778, %get3A_779, %get3A_780] {strides = array<i32>} : memref<3x4x8x1024xf32, #tpu.memory_space<vmem>>, vector<1x1x1x16xf32>,
        %get3A_782 = vector.shape_cast %get3A_781 : vector<1x1x1x16xf32> to vector<16xf32>
        %add3A_783 = arith.addf %get3A_782, %get3A_774 : vector<16xf32>
        %swap3A_784 = arith.constant 0 : i32
        %swap3A_785 = arith.constant 0 : i32
        %swap3A_786 = arith.index_cast %swap3A_784 : i32 to index
        %swap3A_787 = arith.index_cast %swap3A_785 : i32 to index
        %swap3A_788 = arith.index_cast %select_n3A_750 : i32 to index
        %swap3A_789 = arith.index_cast %mul3A_768 : i32 to index
        %swap3A_790 = tpu.vector_load %arg5[%swap3A_786, %swap3A_787, %swap3A_788, %swap3A_789] {strides = array<i32>} : memref<3x4x8x1024xf32, #tpu.memory_space<vmem>>, vector<1x1x1x16xf32>,
        %swap3A_791 = vector.shape_cast %swap3A_790 : vector<1x1x1x16xf32> to vector<16xf32>
        %swap3A_792 = vector.shape_cast %add3A_783 : vector<16xf32> to vector<1x1x1x16xf32>
        tpu.vector_store %arg5[%swap3A_786, %swap3A_787, %swap3A_788, %swap3A_789], %swap3A_792 {strides = array<i32>} : memref<3x4x8x1024xf32, #tpu.memory_space<vmem>>, vector<1x1x1x16xf32>,
        %get3A_793 = arith.constant 0 : i32
        %get3A_794 = arith.constant 1 : i32
        %get3A_795 = arith.index_cast %get3A_793 : i32 to index
        %get3A_796 = arith.index_cast %get3A_794 : i32 to index
        %get3A_797 = arith.index_cast %select_n3A_750 : i32 to index
        %get3A_798 = arith.index_cast %mul3A_768 : i32 to index
        %get3A_799 = tpu.vector_load %arg5[%get3A_795, %get3A_796, %get3A_797, %get3A_798] {strides = array<i32>} : memref<3x4x8x1024xf32, #tpu.memory_space<vmem>>, vector<1x1x1x16xf32>,
        %get3A_800 = vector.shape_cast %get3A_799 : vector<1x1x1x16xf32> to vector<16xf32>
        %add3A_801 = arith.addf %get3A_800, %get3A_774 : vector<16xf32>
        %swap3A_802 = arith.constant 0 : i32
        %swap3A_803 = arith.constant 1 : i32
        %swap3A_804 = arith.index_cast %swap3A_802 : i32 to index
        %swap3A_805 = arith.index_cast %swap3A_803 : i32 to index
        %swap3A_806 = arith.index_cast %select_n3A_750 : i32 to index
        %swap3A_807 = arith.index_cast %mul3A_768 : i32 to index
        %swap3A_808 = tpu.vector_load %arg5[%swap3A_804, %swap3A_805, %swap3A_806, %swap3A_807] {strides = array<i32>} : memref<3x4x8x1024xf32, #tpu.memory_space<vmem>>, vector<1x1x1x16xf32>,
        %swap3A_809 = vector.shape_cast %swap3A_808 : vector<1x1x1x16xf32> to vector<16xf32>
        %swap3A_810 = vector.shape_cast %add3A_801 : vector<16xf32> to vector<1x1x1x16xf32>
        tpu.vector_store %arg5[%swap3A_804, %swap3A_805, %swap3A_806, %swap3A_807], %swap3A_810 {strides = array<i32>} : memref<3x4x8x1024xf32, #tpu.memory_space<vmem>>, vector<1x1x1x16xf32>,
        %get3A_811 = arith.constant 0 : i32
        %get3A_812 = arith.constant 2 : i32
        %get3A_813 = arith.index_cast %get3A_811 : i32 to index
        %get3A_814 = arith.index_cast %get3A_812 : i32 to index
        %get3A_815 = arith.index_cast %select_n3A_750 : i32 to index
        %get3A_816 = arith.index_cast %mul3A_768 : i32 to index
        %get3A_817 = tpu.vector_load %arg5[%get3A_813, %get3A_814, %get3A_815, %get3A_816] {strides = array<i32>} : memref<3x4x8x1024xf32, #tpu.memory_space<vmem>>, vector<1x1x1x16xf32>,
        %get3A_818 = vector.shape_cast %get3A_817 : vector<1x1x1x16xf32> to vector<16xf32>
        %add3A_819 = arith.addf %get3A_818, %get3A_774 : vector<16xf32>
        %swap3A_820 = arith.constant 0 : i32
        %swap3A_821 = arith.constant 2 : i32
        %swap3A_822 = arith.index_cast %swap3A_820 : i32 to index
        %swap3A_823 = arith.index_cast %swap3A_821 : i32 to index
        %swap3A_824 = arith.index_cast %select_n3A_750 : i32 to index
        %swap3A_825 = arith.index_cast %mul3A_768 : i32 to index
        %swap3A_826 = tpu.vector_load %arg5[%swap3A_822, %swap3A_823, %swap3A_824, %swap3A_825] {strides = array<i32>} : memref<3x4x8x1024xf32, #tpu.memory_space<vmem>>, vector<1x1x1x16xf32>,
        %swap3A_827 = vector.shape_cast %swap3A_826 : vector<1x1x1x16xf32> to vector<16xf32>
        %swap3A_828 = vector.shape_cast %add3A_819 : vector<16xf32> to vector<1x1x1x16xf32>
        tpu.vector_store %arg5[%swap3A_822, %swap3A_823, %swap3A_824, %swap3A_825], %swap3A_828 {strides = array<i32>} : memref<3x4x8x1024xf32, #tpu.memory_space<vmem>>, vector<1x1x1x16xf32>,
        %get3A_829 = arith.constant 0 : i32
        %get3A_830 = arith.constant 3 : i32
        %get3A_831 = arith.index_cast %get3A_829 : i32 to index
        %get3A_832 = arith.index_cast %get3A_830 : i32 to index
        %get3A_833 = arith.index_cast %select_n3A_750 : i32 to index
        %get3A_834 = arith.index_cast %mul3A_768 : i32 to index
        %get3A_835 = tpu.vector_load %arg5[%get3A_831, %get3A_832, %get3A_833, %get3A_834] {strides = array<i32>} : memref<3x4x8x1024xf32, #tpu.memory_space<vmem>>, vector<1x1x1x16xf32>,
        %get3A_836 = vector.shape_cast %get3A_835 : vector<1x1x1x16xf32> to vector<16xf32>
        %add3A_837 = arith.addf %get3A_836, %get3A_774 : vector<16xf32>
        %swap3A_838 = arith.constant 0 : i32
        %swap3A_839 = arith.constant 3 : i32
        %swap3A_840 = arith.index_cast %swap3A_838 : i32 to index
        %swap3A_841 = arith.index_cast %swap3A_839 : i32 to index
        %swap3A_842 = arith.index_cast %select_n3A_750 : i32 to index
        %swap3A_843 = arith.index_cast %mul3A_768 : i32 to index
        %swap3A_844 = tpu.vector_load %arg5[%swap3A_840, %swap3A_841, %swap3A_842, %swap3A_843] {strides = array<i32>} : memref<3x4x8x1024xf32, #tpu.memory_space<vmem>>, vector<1x1x1x16xf32>,
        %swap3A_845 = vector.shape_cast %swap3A_844 : vector<1x1x1x16xf32> to vector<16xf32>
        %swap3A_846 = vector.shape_cast %add3A_837 : vector<16xf32> to vector<1x1x1x16xf32>
        tpu.vector_store %arg5[%swap3A_840, %swap3A_841, %swap3A_842, %swap3A_843], %swap3A_846 {strides = array<i32>} : memref<3x4x8x1024xf32, #tpu.memory_space<vmem>>, vector<1x1x1x16xf32>,
        %mul3A_847 = arith.constant 8 : i32
        %mul3A_848 = arith.muli %scan3A_609, %mul3A_847 : i32
        %add3A_849 = arith.constant 2 : i32
        %add3A_850 = arith.addi %mul3A_848, %add3A_849 : i32
        %jit3A_851 = arith.constant 64 : i32
        %div3A_852 = arith.divsi %add3A_850, %jit3A_851 : i32
        %sign3A_853 = arith.constant 0 : i32
        %sign3A_854 = arith.cmpi sgt, %add3A_850, %sign3A_853 : i32
        %sign3A_855 = arith.extui %sign3A_854 : i1 to i32
        %sign3A_856 = arith.constant 0 : i32
        %sign3A_857 = arith.cmpi slt, %add3A_850, %sign3A_856 : i32
        %sign3A_858 = arith.extui %sign3A_857 : i1 to i32
        %sign3A_859 = arith.subi %sign3A_855, %sign3A_858 : i32
        %sign3A_860 = arith.constant 0 : i32
        %sign3A_861 = arith.cmpi sgt, %jit3A_851, %sign3A_860 : i32
        %sign3A_862 = arith.extui %sign3A_861 : i1 to i32
        %sign3A_863 = arith.constant 0 : i32
        %sign3A_864 = arith.cmpi slt, %jit3A_851, %sign3A_863 : i32
        %sign3A_865 = arith.extui %sign3A_864 : i1 to i32
        %sign3A_866 = arith.subi %sign3A_862, %sign3A_865 : i32
        %ne3A_867 = arith.cmpi ne, %sign3A_859, %sign3A_866 : i32
        %rem3A_868 = arith.remsi %add3A_850, %jit3A_851 : i32
        %ne3A_869 = arith.constant 0 : i32
        %ne3A_870 = arith.cmpi ne, %rem3A_868, %ne3A_869 : i32
        %and3A_871 = arith.andi %ne3A_867, %ne3A_870 : i1
        %sub3A_872 = arith.constant 1 : i32
        %sub3A_873 = arith.subi %div3A_852, %sub3A_872 : i32
        %select_n3A_874 = arith.select %and3A_871, %sub3A_873, %div3A_852 : i32
        %jit3A_875 = arith.constant 64 : i32
        %eq3A_876 = arith.constant 0 : i32
        %eq3A_877 = arith.cmpi eq, %jit3A_875, %eq3A_876 : i32
        %jit3A_878 = arith.constant 1 : i32
        %select_n3A_879 = arith.select %eq3A_877, %jit3A_878, %jit3A_875 : i32
        %rem3A_880 = arith.remsi %add3A_850, %select_n3A_879 : i32
        %ne3A_881 = arith.constant 0 : i32
        %ne3A_882 = arith.cmpi ne, %rem3A_880, %ne3A_881 : i32
        %lt3A_883 = arith.constant 0 : i32
        %lt3A_884 = arith.cmpi slt, %rem3A_880, %lt3A_883 : i32
        %lt3A_885 = arith.constant 0 : i32
        %lt3A_886 = arith.cmpi slt, %select_n3A_879, %lt3A_885 : i32
        %ne3A_887 = arith.xori %lt3A_884, %lt3A_886 : i1
        %and3A_888 = arith.andi %ne3A_887, %ne3A_882 : i1
        %add3A_889 = arith.addi %rem3A_880, %select_n3A_879 : i32
        %select_n3A_890 = arith.select %and3A_888, %add3A_889, %rem3A_880 : i32
        %mul3A_891 = arith.constant 16 : i32
        %mul3A_892 = arith.muli %select_n3A_890, %mul3A_891 : i32
        %get3A_893 = arith.constant 0 : i32
        %get3A_894 = arith.index_cast %get3A_893 : i32 to index
        %get3A_895 = arith.index_cast %select_n3A_874 : i32 to index
        %get3A_896 = arith.index_cast %mul3A_892 : i32 to index
        %get3A_897 = tpu.vector_load %arg6[%get3A_894, %get3A_895, %get3A_896] {strides = array<i32>} : memref<3x8x1024xf32, #tpu.memory_space<vmem>>, vector<1x1x16xf32>,
        %get3A_898 = vector.shape_cast %get3A_897 : vector<1x1x16xf32> to vector<16xf32>
        %get3A_899 = arith.constant 0 : i32
        %get3A_900 = arith.constant 0 : i32
        %get3A_901 = arith.index_cast %get3A_899 : i32 to index
        %get3A_902 = arith.index_cast %get3A_900 : i32 to index
        %get3A_903 = arith.index_cast %select_n3A_874 : i32 to index
        %get3A_904 = arith.index_cast %mul3A_892 : i32 to index
        %get3A_905 = tpu.vector_load %arg5[%get3A_901, %get3A_902, %get3A_903, %get3A_904] {strides = array<i32>} : memref<3x4x8x1024xf32, #tpu.memory_space<vmem>>, vector<1x1x1x16xf32>,
        %get3A_906 = vector.shape_cast %get3A_905 : vector<1x1x1x16xf32> to vector<16xf32>
        %add3A_907 = arith.addf %get3A_906, %get3A_898 : vector<16xf32>
        %swap3A_908 = arith.constant 0 : i32
        %swap3A_909 = arith.constant 0 : i32
        %swap3A_910 = arith.index_cast %swap3A_908 : i32 to index
        %swap3A_911 = arith.index_cast %swap3A_909 : i32 to index
        %swap3A_912 = arith.index_cast %select_n3A_874 : i32 to index
        %swap3A_913 = arith.index_cast %mul3A_892 : i32 to index
        %swap3A_914 = tpu.vector_load %arg5[%swap3A_910, %swap3A_911, %swap3A_912, %swap3A_913] {strides = array<i32>} : memref<3x4x8x1024xf32, #tpu.memory_space<vmem>>, vector<1x1x1x16xf32>,
        %swap3A_915 = vector.shape_cast %swap3A_914 : vector<1x1x1x16xf32> to vector<16xf32>
        %swap3A_916 = vector.shape_cast %add3A_907 : vector<16xf32> to vector<1x1x1x16xf32>
        tpu.vector_store %arg5[%swap3A_910, %swap3A_911, %swap3A_912, %swap3A_913], %swap3A_916 {strides = array<i32>} : memref<3x4x8x1024xf32, #tpu.memory_space<vmem>>, vector<1x1x1x16xf32>,
        %get3A_917 = arith.constant 0 : i32
        %get3A_918 = arith.constant 1 : i32
        %get3A_919 = arith.index_cast %get3A_917 : i32 to index
        %get3A_920 = arith.index_cast %get3A_918 : i32 to index
        %get3A_921 = arith.index_cast %select_n3A_874 : i32 to index
        %get3A_922 = arith.index_cast %mul3A_892 : i32 to index
        %get3A_923 = tpu.vector_load %arg5[%get3A_919, %get3A_920, %get3A_921, %get3A_922] {strides = array<i32>} : memref<3x4x8x1024xf32, #tpu.memory_space<vmem>>, vector<1x1x1x16xf32>,
        %get3A_924 = vector.shape_cast %get3A_923 : vector<1x1x1x16xf32> to vector<16xf32>
        %add3A_925 = arith.addf %get3A_924, %get3A_898 : vector<16xf32>
        %swap3A_926 = arith.constant 0 : i32
        %swap3A_927 = arith.constant 1 : i32
        %swap3A_928 = arith.index_cast %swap3A_926 : i32 to index
        %swap3A_929 = arith.index_cast %swap3A_927 : i32 to index
        %swap3A_930 = arith.index_cast %select_n3A_874 : i32 to index
        %swap3A_931 = arith.index_cast %mul3A_892 : i32 to index
        %swap3A_932 = tpu.vector_load %arg5[%swap3A_928, %swap3A_929, %swap3A_930, %swap3A_931] {strides = array<i32>} : memref<3x4x8x1024xf32, #tpu.memory_space<vmem>>, vector<1x1x1x16xf32>,
        %swap3A_933 = vector.shape_cast %swap3A_932 : vector<1x1x1x16xf32> to vector<16xf32>
        %swap3A_934 = vector.shape_cast %add3A_925 : vector<16xf32> to vector<1x1x1x16xf32>
        tpu.vector_store %arg5[%swap3A_928, %swap3A_929, %swap3A_930, %swap3A_931], %swap3A_934 {strides = array<i32>} : memref<3x4x8x1024xf32, #tpu.memory_space<vmem>>, vector<1x1x1x16xf32>,
        %get3A_935 = arith.constant 0 : i32
        %get3A_936 = arith.constant 2 : i32
        %get3A_937 = arith.index_cast %get3A_935 : i32 to index
        %get3A_938 = arith.index_cast %get3A_936 : i32 to index
        %get3A_939 = arith.index_cast %select_n3A_874 : i32 to index
        %get3A_940 = arith.index_cast %mul3A_892 : i32 to index
        %get3A_941 = tpu.vector_load %arg5[%get3A_937, %get3A_938, %get3A_939, %get3A_940] {strides = array<i32>} : memref<3x4x8x1024xf32, #tpu.memory_space<vmem>>, vector<1x1x1x16xf32>,
        %get3A_942 = vector.shape_cast %get3A_941 : vector<1x1x1x16xf32> to vector<16xf32>
        %add3A_943 = arith.addf %get3A_942, %get3A_898 : vector<16xf32>
        %swap3A_944 = arith.constant 0 : i32
        %swap3A_945 = arith.constant 2 : i32
        %swap3A_946 = arith.index_cast %swap3A_944 : i32 to index
        %swap3A_947 = arith.index_cast %swap3A_945 : i32 to index
        %swap3A_948 = arith.index_cast %select_n3A_874 : i32 to index
        %swap3A_949 = arith.index_cast %mul3A_892 : i32 to index
        %swap3A_950 = tpu.vector_load %arg5[%swap3A_946, %swap3A_947, %swap3A_948, %swap3A_949] {strides = array<i32>} : memref<3x4x8x1024xf32, #tpu.memory_space<vmem>>, vector<1x1x1x16xf32>,
        %swap3A_951 = vector.shape_cast %swap3A_950 : vector<1x1x1x16xf32> to vector<16xf32>
        %swap3A_952 = vector.shape_cast %add3A_943 : vector<16xf32> to vector<1x1x1x16xf32>
        tpu.vector_store %arg5[%swap3A_946, %swap3A_947, %swap3A_948, %swap3A_949], %swap3A_952 {strides = array<i32>} : memref<3x4x8x1024xf32, #tpu.memory_space<vmem>>, vector<1x1x1x16xf32>,
        %get3A_953 = arith.constant 0 : i32
        %get3A_954 = arith.constant 3 : i32
        %get3A_955 = arith.index_cast %get3A_953 : i32 to index
        %get3A_956 = arith.index_cast %get3A_954 : i32 to index
        %get3A_957 = arith.index_cast %select_n3A_874 : i32 to index
        %get3A_958 = arith.index_cast %mul3A_892 : i32 to index
        %get3A_959 = tpu.vector_load %arg5[%get3A_955, %get3A_956, %get3A_957, %get3A_958] {strides = array<i32>} : memref<3x4x8x1024xf32, #tpu.memory_space<vmem>>, vector<1x1x1x16xf32>,
        %get3A_960 = vector.shape_cast %get3A_959 : vector<1x1x1x16xf32> to vector<16xf32>
        %add3A_961 = arith.addf %get3A_960, %get3A_898 : vector<16xf32>
        %swap3A_962 = arith.constant 0 : i32
        %swap3A_963 = arith.constant 3 : i32
        %swap3A_964 = arith.index_cast %swap3A_962 : i32 to index
        %swap3A_965 = arith.index_cast %swap3A_963 : i32 to index
        %swap3A_966 = arith.index_cast %select_n3A_874 : i32 to index
        %swap3A_967 = arith.index_cast %mul3A_892 : i32 to index
        %swap3A_968 = tpu.vector_load %arg5[%swap3A_964, %swap3A_965, %swap3A_966, %swap3A_967] {strides = array<i32>} : memref<3x4x8x1024xf32, #tpu.memory_space<vmem>>, vector<1x1x1x16xf32>,
        %swap3A_969 = vector.shape_cast %swap3A_968 : vector<1x1x1x16xf32> to vector<16xf32>
        %swap3A_970 = vector.shape_cast %add3A_961 : vector<16xf32> to vector<1x1x1x16xf32>
        tpu.vector_store %arg5[%swap3A_964, %swap3A_965, %swap3A_966, %swap3A_967], %swap3A_970 {strides = array<i32>} : memref<3x4x8x1024xf32, #tpu.memory_space<vmem>>, vector<1x1x1x16xf32>,
        %mul3A_971 = arith.constant 8 : i32
        %mul3A_972 = arith.muli %scan3A_609, %mul3A_971 : i32
        %add3A_973 = arith.constant 3 : i32
        %add3A_974 = arith.addi %mul3A_972, %add3A_973 : i32
        %jit3A_975 = arith.constant 64 : i32
        %div3A_976 = arith.divsi %add3A_974, %jit3A_975 : i32
        %sign3A_977 = arith.constant 0 : i32
        %sign3A_978 = arith.cmpi sgt, %add3A_974, %sign3A_977 : i32
        %sign3A_979 = arith.extui %sign3A_978 : i1 to i32
        %sign3A_980 = arith.constant 0 : i32
        %sign3A_981 = arith.cmpi slt, %add3A_974, %sign3A_980 : i32
        %sign3A_982 = arith.extui %sign3A_981 : i1 to i32
        %sign3A_983 = arith.subi %sign3A_979, %sign3A_982 : i32
        %sign3A_984 = arith.constant 0 : i32
        %sign3A_985 = arith.cmpi sgt, %jit3A_975, %sign3A_984 : i32
        %sign3A_986 = arith.extui %sign3A_985 : i1 to i32
        %sign3A_987 = arith.constant 0 : i32
        %sign3A_988 = arith.cmpi slt, %jit3A_975, %sign3A_987 : i32
        %sign3A_989 = arith.extui %sign3A_988 : i1 to i32
        %sign3A_990 = arith.subi %sign3A_986, %sign3A_989 : i32
        %ne3A_991 = arith.cmpi ne, %sign3A_983, %sign3A_990 : i32
        %rem3A_992 = arith.remsi %add3A_974, %jit3A_975 : i32
        %ne3A_993 = arith.constant 0 : i32
        %ne3A_994 = arith.cmpi ne, %rem3A_992, %ne3A_993 : i32
        %and3A_995 = arith.andi %ne3A_991, %ne3A_994 : i1
        %sub3A_996 = arith.constant 1 : i32
        %sub3A_997 = arith.subi %div3A_976, %sub3A_996 : i32
        %select_n3A_998 = arith.select %and3A_995, %sub3A_997, %div3A_976 : i32
        %jit3A_999 = arith.constant 64 : i32
        %eq3A_1000 = arith.constant 0 : i32
        %eq3A_1001 = arith.cmpi eq, %jit3A_999, %eq3A_1000 : i32
        %jit3A_1002 = arith.constant 1 : i32
        %select_n3A_1003 = arith.select %eq3A_1001, %jit3A_1002, %jit3A_999 : i32
        %rem3A_1004 = arith.remsi %add3A_974, %select_n3A_1003 : i32
        %ne3A_1005 = arith.constant 0 : i32
        %ne3A_1006 = arith.cmpi ne, %rem3A_1004, %ne3A_1005 : i32
        %lt3A_1007 = arith.constant 0 : i32
        %lt3A_1008 = arith.cmpi slt, %rem3A_1004, %lt3A_1007 : i32
        %lt3A_1009 = arith.constant 0 : i32
        %lt3A_1010 = arith.cmpi slt, %select_n3A_1003, %lt3A_1009 : i32
        %ne3A_1011 = arith.xori %lt3A_1008, %lt3A_1010 : i1
        %and3A_1012 = arith.andi %ne3A_1011, %ne3A_1006 : i1
        %add3A_1013 = arith.addi %rem3A_1004, %select_n3A_1003 : i32
        %select_n3A_1014 = arith.select %and3A_1012, %add3A_1013, %rem3A_1004 : i32
        %mul3A_1015 = arith.constant 16 : i32
        %mul3A_1016 = arith.muli %select_n3A_1014, %mul3A_1015 : i32
        %get3A_1017 = arith.constant 0 : i32
        %get3A_1018 = arith.index_cast %get3A_1017 : i32 to index
        %get3A_1019 = arith.index_cast %select_n3A_998 : i32 to index
        %get3A_1020 = arith.index_cast %mul3A_1016 : i32 to index
        %get3A_1021 = tpu.vector_load %arg6[%get3A_1018, %get3A_1019, %get3A_1020] {strides = array<i32>} : memref<3x8x1024xf32, #tpu.memory_space<vmem>>, vector<1x1x16xf32>,
        %get3A_1022 = vector.shape_cast %get3A_1021 : vector<1x1x16xf32> to vector<16xf32>
        %get3A_1023 = arith.constant 0 : i32
        %get3A_1024 = arith.constant 0 : i32
        %get3A_1025 = arith.index_cast %get3A_1023 : i32 to index
        %get3A_1026 = arith.index_cast %get3A_1024 : i32 to index
        %get3A_1027 = arith.index_cast %select_n3A_998 : i32 to index
        %get3A_1028 = arith.index_cast %mul3A_1016 : i32 to index
        %get3A_1029 = tpu.vector_load %arg5[%get3A_1025, %get3A_1026, %get3A_1027, %get3A_1028] {strides = array<i32>} : memref<3x4x8x1024xf32, #tpu.memory_space<vmem>>, vector<1x1x1x16xf32>,
        %get3A_1030 = vector.shape_cast %get3A_1029 : vector<1x1x1x16xf32> to vector<16xf32>
        %add3A_1031 = arith.addf %get3A_1030, %get3A_1022 : vector<16xf32>
        %swap3A_1032 = arith.constant 0 : i32
        %swap3A_1033 = arith.constant 0 : i32
        %swap3A_1034 = arith.index_cast %swap3A_1032 : i32 to index
        %swap3A_1035 = arith.index_cast %swap3A_1033 : i32 to index
        %swap3A_1036 = arith.index_cast %select_n3A_998 : i32 to index
        %swap3A_1037 = arith.index_cast %mul3A_1016 : i32 to index
        %swap3A_1038 = tpu.vector_load %arg5[%swap3A_1034, %swap3A_1035, %swap3A_1036, %swap3A_1037] {strides = array<i32>} : memref<3x4x8x1024xf32, #tpu.memory_space<vmem>>, vector<1x1x1x16xf32>,
        %swap3A_1039 = vector.shape_cast %swap3A_1038 : vector<1x1x1x16xf32> to vector<16xf32>
        %swap3A_1040 = vector.shape_cast %add3A_1031 : vector<16xf32> to vector<1x1x1x16xf32>
        tpu.vector_store %arg5[%swap3A_1034, %swap3A_1035, %swap3A_1036, %swap3A_1037], %swap3A_1040 {strides = array<i32>} : memref<3x4x8x1024xf32, #tpu.memory_space<vmem>>, vector<1x1x1x16xf32>,
        %get3A_1041 = arith.constant 0 : i32
        %get3A_1042 = arith.constant 1 : i32
        %get3A_1043 = arith.index_cast %get3A_1041 : i32 to index
        %get3A_1044 = arith.index_cast %get3A_1042 : i32 to index
        %get3A_1045 = arith.index_cast %select_n3A_998 : i32 to index
        %get3A_1046 = arith.index_cast %mul3A_1016 : i32 to index
        %get3A_1047 = tpu.vector_load %arg5[%get3A_1043, %get3A_1044, %get3A_1045, %get3A_1046] {strides = array<i32>} : memref<3x4x8x1024xf32, #tpu.memory_space<vmem>>, vector<1x1x1x16xf32>,
        %get3A_1048 = vector.shape_cast %get3A_1047 : vector<1x1x1x16xf32> to vector<16xf32>
        %add3A_1049 = arith.addf %get3A_1048, %get3A_1022 : vector<16xf32>
        %swap3A_1050 = arith.constant 0 : i32
        %swap3A_1051 = arith.constant 1 : i32
        %swap3A_1052 = arith.index_cast %swap3A_1050 : i32 to index
        %swap3A_1053 = arith.index_cast %swap3A_1051 : i32 to index
        %swap3A_1054 = arith.index_cast %select_n3A_998 : i32 to index
        %swap3A_1055 = arith.index_cast %mul3A_1016 : i32 to index
        %swap3A_1056 = tpu.vector_load %arg5[%swap3A_1052, %swap3A_1053, %swap3A_1054, %swap3A_1055] {strides = array<i32>} : memref<3x4x8x1024xf32, #tpu.memory_space<vmem>>, vector<1x1x1x16xf32>,
        %swap3A_1057 = vector.shape_cast %swap3A_1056 : vector<1x1x1x16xf32> to vector<16xf32>
        %swap3A_1058 = vector.shape_cast %add3A_1049 : vector<16xf32> to vector<1x1x1x16xf32>
        tpu.vector_store %arg5[%swap3A_1052, %swap3A_1053, %swap3A_1054, %swap3A_1055], %swap3A_1058 {strides = array<i32>} : memref<3x4x8x1024xf32, #tpu.memory_space<vmem>>, vector<1x1x1x16xf32>,
        %get3A_1059 = arith.constant 0 : i32
        %get3A_1060 = arith.constant 2 : i32
        %get3A_1061 = arith.index_cast %get3A_1059 : i32 to index
        %get3A_1062 = arith.index_cast %get3A_1060 : i32 to index
        %get3A_1063 = arith.index_cast %select_n3A_998 : i32 to index
        %get3A_1064 = arith.index_cast %mul3A_1016 : i32 to index
        %get3A_1065 = tpu.vector_load %arg5[%get3A_1061, %get3A_1062, %get3A_1063, %get3A_1064] {strides = array<i32>} : memref<3x4x8x1024xf32, #tpu.memory_space<vmem>>, vector<1x1x1x16xf32>,
        %get3A_1066 = vector.shape_cast %get3A_1065 : vector<1x1x1x16xf32> to vector<16xf32>
        %add3A_1067 = arith.addf %get3A_1066, %get3A_1022 : vector<16xf32>
        %swap3A_1068 = arith.constant 0 : i32
        %swap3A_1069 = arith.constant 2 : i32
        %swap3A_1070 = arith.index_cast %swap3A_1068 : i32 to index
        %swap3A_1071 = arith.index_cast %swap3A_1069 : i32 to index
        %swap3A_1072 = arith.index_cast %select_n3A_998 : i32 to index
        %swap3A_1073 = arith.index_cast %mul3A_1016 : i32 to index
        %swap3A_1074 = tpu.vector_load %arg5[%swap3A_1070, %swap3A_1071, %swap3A_1072, %swap3A_1073] {strides = array<i32>} : memref<3x4x8x1024xf32, #tpu.memory_space<vmem>>, vector<1x1x1x16xf32>,
        %swap3A_1075 = vector.shape_cast %swap3A_1074 : vector<1x1x1x16xf32> to vector<16xf32>
        %swap3A_1076 = vector.shape_cast %add3A_1067 : vector<16xf32> to vector<1x1x1x16xf32>
        tpu.vector_store %arg5[%swap3A_1070, %swap3A_1071, %swap3A_1072, %swap3A_1073], %swap3A_1076 {strides = array<i32>} : memref<3x4x8x1024xf32, #tpu.memory_space<vmem>>, vector<1x1x1x16xf32>,
        %get3A_1077 = arith.constant 0 : i32
        %get3A_1078 = arith.constant 3 : i32
        %get3A_1079 = arith.index_cast %get3A_1077 : i32 to index
        %get3A_1080 = arith.index_cast %get3A_1078 : i32 to index
        %get3A_1081 = arith.index_cast %select_n3A_998 : i32 to index
        %get3A_1082 = arith.index_cast %mul3A_1016 : i32 to index
        %get3A_1083 = tpu.vector_load %arg5[%get3A_1079, %get3A_1080, %get3A_1081, %get3A_1082] {strides = array<i32>} : memref<3x4x8x1024xf32, #tpu.memory_space<vmem>>, vector<1x1x1x16xf32>,
        %get3A_1084 = vector.shape_cast %get3A_1083 : vector<1x1x1x16xf32> to vector<16xf32>
        %add3A_1085 = arith.addf %get3A_1084, %get3A_1022 : vector<16xf32>
        %swap3A_1086 = arith.constant 0 : i32
        %swap3A_1087 = arith.constant 3 : i32
        %swap3A_1088 = arith.index_cast %swap3A_1086 : i32 to index
        %swap3A_1089 = arith.index_cast %swap3A_1087 : i32 to index
        %swap3A_1090 = arith.index_cast %select_n3A_998 : i32 to index
        %swap3A_1091 = arith.index_cast %mul3A_1016 : i32 to index
        %swap3A_1092 = tpu.vector_load %arg5[%swap3A_1088, %swap3A_1089, %swap3A_1090, %swap3A_1091] {strides = array<i32>} : memref<3x4x8x1024xf32, #tpu.memory_space<vmem>>, vector<1x1x1x16xf32>,
        %swap3A_1093 = vector.shape_cast %swap3A_1092 : vector<1x1x1x16xf32> to vector<16xf32>
        %swap3A_1094 = vector.shape_cast %add3A_1085 : vector<16xf32> to vector<1x1x1x16xf32>
        tpu.vector_store %arg5[%swap3A_1088, %swap3A_1089, %swap3A_1090, %swap3A_1091], %swap3A_1094 {strides = array<i32>} : memref<3x4x8x1024xf32, #tpu.memory_space<vmem>>, vector<1x1x1x16xf32>,
        %mul3A_1095 = arith.constant 8 : i32
        %mul3A_1096 = arith.muli %scan3A_609, %mul3A_1095 : i32
        %add3A_1097 = arith.constant 4 : i32
        %add3A_1098 = arith.addi %mul3A_1096, %add3A_1097 : i32
        %jit3A_1099 = arith.constant 64 : i32
        %div3A_1100 = arith.divsi %add3A_1098, %jit3A_1099 : i32
        %sign3A_1101 = arith.constant 0 : i32
        %sign3A_1102 = arith.cmpi sgt, %add3A_1098, %sign3A_1101 : i32
        %sign3A_1103 = arith.extui %sign3A_1102 : i1 to i32
        %sign3A_1104 = arith.constant 0 : i32
        %sign3A_1105 = arith.cmpi slt, %add3A_1098, %sign3A_1104 : i32
        %sign3A_1106 = arith.extui %sign3A_1105 : i1 to i32
        %sign3A_1107 = arith.subi %sign3A_1103, %sign3A_1106 : i32
        %sign3A_1108 = arith.constant 0 : i32
        %sign3A_1109 = arith.cmpi sgt, %jit3A_1099, %sign3A_1108 : i32
        %sign3A_1110 = arith.extui %sign3A_1109 : i1 to i32
        %sign3A_1111 = arith.constant 0 : i32
        %sign3A_1112 = arith.cmpi slt, %jit3A_1099, %sign3A_1111 : i32
        %sign3A_1113 = arith.extui %sign3A_1112 : i1 to i32
        %sign3A_1114 = arith.subi %sign3A_1110, %sign3A_1113 : i32
        %ne3A_1115 = arith.cmpi ne, %sign3A_1107, %sign3A_1114 : i32
        %rem3A_1116 = arith.remsi %add3A_1098, %jit3A_1099 : i32
        %ne3A_1117 = arith.constant 0 : i32
        %ne3A_1118 = arith.cmpi ne, %rem3A_1116, %ne3A_1117 : i32
        %and3A_1119 = arith.andi %ne3A_1115, %ne3A_1118 : i1
        %sub3A_1120 = arith.constant 1 : i32
        %sub3A_1121 = arith.subi %div3A_1100, %sub3A_1120 : i32
        %select_n3A_1122 = arith.select %and3A_1119, %sub3A_1121, %div3A_1100 : i32
        %jit3A_1123 = arith.constant 64 : i32
        %eq3A_1124 = arith.constant 0 : i32
        %eq3A_1125 = arith.cmpi eq, %jit3A_1123, %eq3A_1124 : i32
        %jit3A_1126 = arith.constant 1 : i32
        %select_n3A_1127 = arith.select %eq3A_1125, %jit3A_1126, %jit3A_1123 : i32
        %rem3A_1128 = arith.remsi %add3A_1098, %select_n3A_1127 : i32
        %ne3A_1129 = arith.constant 0 : i32
        %ne3A_1130 = arith.cmpi ne, %rem3A_1128, %ne3A_1129 : i32
        %lt3A_1131 = arith.constant 0 : i32
        %lt3A_1132 = arith.cmpi slt, %rem3A_1128, %lt3A_1131 : i32
        %lt3A_1133 = arith.constant 0 : i32
        %lt3A_1134 = arith.cmpi slt, %select_n3A_1127, %lt3A_1133 : i32
        %ne3A_1135 = arith.xori %lt3A_1132, %lt3A_1134 : i1
        %and3A_1136 = arith.andi %ne3A_1135, %ne3A_1130 : i1
        %add3A_1137 = arith.addi %rem3A_1128, %select_n3A_1127 : i32
        %select_n3A_1138 = arith.select %and3A_1136, %add3A_1137, %rem3A_1128 : i32
        %mul3A_1139 = arith.constant 16 : i32
        %mul3A_1140 = arith.muli %select_n3A_1138, %mul3A_1139 : i32
        %get3A_1141 = arith.constant 0 : i32
        %get3A_1142 = arith.index_cast %get3A_1141 : i32 to index
        %get3A_1143 = arith.index_cast %select_n3A_1122 : i32 to index
        %get3A_1144 = arith.index_cast %mul3A_1140 : i32 to index
        %get3A_1145 = tpu.vector_load %arg6[%get3A_1142, %get3A_1143, %get3A_1144] {strides = array<i32>} : memref<3x8x1024xf32, #tpu.memory_space<vmem>>, vector<1x1x16xf32>,
        %get3A_1146 = vector.shape_cast %get3A_1145 : vector<1x1x16xf32> to vector<16xf32>
        %get3A_1147 = arith.constant 0 : i32
        %get3A_1148 = arith.constant 0 : i32
        %get3A_1149 = arith.index_cast %get3A_1147 : i32 to index
        %get3A_1150 = arith.index_cast %get3A_1148 : i32 to index
        %get3A_1151 = arith.index_cast %select_n3A_1122 : i32 to index
        %get3A_1152 = arith.index_cast %mul3A_1140 : i32 to index
        %get3A_1153 = tpu.vector_load %arg5[%get3A_1149, %get3A_1150, %get3A_1151, %get3A_1152] {strides = array<i32>} : memref<3x4x8x1024xf32, #tpu.memory_space<vmem>>, vector<1x1x1x16xf32>,
        %get3A_1154 = vector.shape_cast %get3A_1153 : vector<1x1x1x16xf32> to vector<16xf32>
        %add3A_1155 = arith.addf %get3A_1154, %get3A_1146 : vector<16xf32>
        %swap3A_1156 = arith.constant 0 : i32
        %swap3A_1157 = arith.constant 0 : i32
        %swap3A_1158 = arith.index_cast %swap3A_1156 : i32 to index
        %swap3A_1159 = arith.index_cast %swap3A_1157 : i32 to index
        %swap3A_1160 = arith.index_cast %select_n3A_1122 : i32 to index
        %swap3A_1161 = arith.index_cast %mul3A_1140 : i32 to index
        %swap3A_1162 = tpu.vector_load %arg5[%swap3A_1158, %swap3A_1159, %swap3A_1160, %swap3A_1161] {strides = array<i32>} : memref<3x4x8x1024xf32, #tpu.memory_space<vmem>>, vector<1x1x1x16xf32>,
        %swap3A_1163 = vector.shape_cast %swap3A_1162 : vector<1x1x1x16xf32> to vector<16xf32>
        %swap3A_1164 = vector.shape_cast %add3A_1155 : vector<16xf32> to vector<1x1x1x16xf32>
        tpu.vector_store %arg5[%swap3A_1158, %swap3A_1159, %swap3A_1160, %swap3A_1161], %swap3A_1164 {strides = array<i32>} : memref<3x4x8x1024xf32, #tpu.memory_space<vmem>>, vector<1x1x1x16xf32>,
        %get3A_1165 = arith.constant 0 : i32
        %get3A_1166 = arith.constant 1 : i32
        %get3A_1167 = arith.index_cast %get3A_1165 : i32 to index
        %get3A_1168 = arith.index_cast %get3A_1166 : i32 to index
        %get3A_1169 = arith.index_cast %select_n3A_1122 : i32 to index
        %get3A_1170 = arith.index_cast %mul3A_1140 : i32 to index
        %get3A_1171 = tpu.vector_load %arg5[%get3A_1167, %get3A_1168, %get3A_1169, %get3A_1170] {strides = array<i32>} : memref<3x4x8x1024xf32, #tpu.memory_space<vmem>>, vector<1x1x1x16xf32>,
        %get3A_1172 = vector.shape_cast %get3A_1171 : vector<1x1x1x16xf32> to vector<16xf32>
        %add3A_1173 = arith.addf %get3A_1172, %get3A_1146 : vector<16xf32>
        %swap3A_1174 = arith.constant 0 : i32
        %swap3A_1175 = arith.constant 1 : i32
        %swap3A_1176 = arith.index_cast %swap3A_1174 : i32 to index
        %swap3A_1177 = arith.index_cast %swap3A_1175 : i32 to index
        %swap3A_1178 = arith.index_cast %select_n3A_1122 : i32 to index
        %swap3A_1179 = arith.index_cast %mul3A_1140 : i32 to index
        %swap3A_1180 = tpu.vector_load %arg5[%swap3A_1176, %swap3A_1177, %swap3A_1178, %swap3A_1179] {strides = array<i32>} : memref<3x4x8x1024xf32, #tpu.memory_space<vmem>>, vector<1x1x1x16xf32>,
        %swap3A_1181 = vector.shape_cast %swap3A_1180 : vector<1x1x1x16xf32> to vector<16xf32>
        %swap3A_1182 = vector.shape_cast %add3A_1173 : vector<16xf32> to vector<1x1x1x16xf32>
        tpu.vector_store %arg5[%swap3A_1176, %swap3A_1177, %swap3A_1178, %swap3A_1179], %swap3A_1182 {strides = array<i32>} : memref<3x4x8x1024xf32, #tpu.memory_space<vmem>>, vector<1x1x1x16xf32>,
        %get3A_1183 = arith.constant 0 : i32
        %get3A_1184 = arith.constant 2 : i32
        %get3A_1185 = arith.index_cast %get3A_1183 : i32 to index
        %get3A_1186 = arith.index_cast %get3A_1184 : i32 to index
        %get3A_1187 = arith.index_cast %select_n3A_1122 : i32 to index
        %get3A_1188 = arith.index_cast %mul3A_1140 : i32 to index
        %get3A_1189 = tpu.vector_load %arg5[%get3A_1185, %get3A_1186, %get3A_1187, %get3A_1188] {strides = array<i32>} : memref<3x4x8x1024xf32, #tpu.memory_space<vmem>>, vector<1x1x1x16xf32>,
        %get3A_1190 = vector.shape_cast %get3A_1189 : vector<1x1x1x16xf32> to vector<16xf32>
        %add3A_1191 = arith.addf %get3A_1190, %get3A_1146 : vector<16xf32>
        %swap3A_1192 = arith.constant 0 : i32
        %swap3A_1193 = arith.constant 2 : i32
        %swap3A_1194 = arith.index_cast %swap3A_1192 : i32 to index
        %swap3A_1195 = arith.index_cast %swap3A_1193 : i32 to index
        %swap3A_1196 = arith.index_cast %select_n3A_1122 : i32 to index
        %swap3A_1197 = arith.index_cast %mul3A_1140 : i32 to index
        %swap3A_1198 = tpu.vector_load %arg5[%swap3A_1194, %swap3A_1195, %swap3A_1196, %swap3A_1197] {strides = array<i32>} : memref<3x4x8x1024xf32, #tpu.memory_space<vmem>>, vector<1x1x1x16xf32>,
        %swap3A_1199 = vector.shape_cast %swap3A_1198 : vector<1x1x1x16xf32> to vector<16xf32>
        %swap3A_1200 = vector.shape_cast %add3A_1191 : vector<16xf32> to vector<1x1x1x16xf32>
        tpu.vector_store %arg5[%swap3A_1194, %swap3A_1195, %swap3A_1196, %swap3A_1197], %swap3A_1200 {strides = array<i32>} : memref<3x4x8x1024xf32, #tpu.memory_space<vmem>>, vector<1x1x1x16xf32>,
        %get3A_1201 = arith.constant 0 : i32
        %get3A_1202 = arith.constant 3 : i32
        %get3A_1203 = arith.index_cast %get3A_1201 : i32 to index
        %get3A_1204 = arith.index_cast %get3A_1202 : i32 to index
        %get3A_1205 = arith.index_cast %select_n3A_1122 : i32 to index
        %get3A_1206 = arith.index_cast %mul3A_1140 : i32 to index
        %get3A_1207 = tpu.vector_load %arg5[%get3A_1203, %get3A_1204, %get3A_1205, %get3A_1206] {strides = array<i32>} : memref<3x4x8x1024xf32, #tpu.memory_space<vmem>>, vector<1x1x1x16xf32>,
        %get3A_1208 = vector.shape_cast %get3A_1207 : vector<1x1x1x16xf32> to vector<16xf32>
        %add3A_1209 = arith.addf %get3A_1208, %get3A_1146 : vector<16xf32>
        %swap3A_1210 = arith.constant 0 : i32
        %swap3A_1211 = arith.constant 3 : i32
        %swap3A_1212 = arith.index_cast %swap3A_1210 : i32 to index
        %swap3A_1213 = arith.index_cast %swap3A_1211 : i32 to index
        %swap3A_1214 = arith.index_cast %select_n3A_1122 : i32 to index
        %swap3A_1215 = arith.index_cast %mul3A_1140 : i32 to index
        %swap3A_1216 = tpu.vector_load %arg5[%swap3A_1212, %swap3A_1213, %swap3A_1214, %swap3A_1215] {strides = array<i32>} : memref<3x4x8x1024xf32, #tpu.memory_space<vmem>>, vector<1x1x1x16xf32>,
        %swap3A_1217 = vector.shape_cast %swap3A_1216 : vector<1x1x1x16xf32> to vector<16xf32>
        %swap3A_1218 = vector.shape_cast %add3A_1209 : vector<16xf32> to vector<1x1x1x16xf32>
        tpu.vector_store %arg5[%swap3A_1212, %swap3A_1213, %swap3A_1214, %swap3A_1215], %swap3A_1218 {strides = array<i32>} : memref<3x4x8x1024xf32, #tpu.memory_space<vmem>>, vector<1x1x1x16xf32>,
        %mul3A_1219 = arith.constant 8 : i32
        %mul3A_1220 = arith.muli %scan3A_609, %mul3A_1219 : i32
        %add3A_1221 = arith.constant 5 : i32
        %add3A_1222 = arith.addi %mul3A_1220, %add3A_1221 : i32
        %jit3A_1223 = arith.constant 64 : i32
        %div3A_1224 = arith.divsi %add3A_1222, %jit3A_1223 : i32
        %sign3A_1225 = arith.constant 0 : i32
        %sign3A_1226 = arith.cmpi sgt, %add3A_1222, %sign3A_1225 : i32
        %sign3A_1227 = arith.extui %sign3A_1226 : i1 to i32
        %sign3A_1228 = arith.constant 0 : i32
        %sign3A_1229 = arith.cmpi slt, %add3A_1222, %sign3A_1228 : i32
        %sign3A_1230 = arith.extui %sign3A_1229 : i1 to i32
        %sign3A_1231 = arith.subi %sign3A_1227, %sign3A_1230 : i32
        %sign3A_1232 = arith.constant 0 : i32
        %sign3A_1233 = arith.cmpi sgt, %jit3A_1223, %sign3A_1232 : i32
        %sign3A_1234 = arith.extui %sign3A_1233 : i1 to i32
        %sign3A_1235 = arith.constant 0 : i32
        %sign3A_1236 = arith.cmpi slt, %jit3A_1223, %sign3A_1235 : i32
        %sign3A_1237 = arith.extui %sign3A_1236 : i1 to i32
        %sign3A_1238 = arith.subi %sign3A_1234, %sign3A_1237 : i32
        %ne3A_1239 = arith.cmpi ne, %sign3A_1231, %sign3A_1238 : i32
        %rem3A_1240 = arith.remsi %add3A_1222, %jit3A_1223 : i32
        %ne3A_1241 = arith.constant 0 : i32
        %ne3A_1242 = arith.cmpi ne, %rem3A_1240, %ne3A_1241 : i32
        %and3A_1243 = arith.andi %ne3A_1239, %ne3A_1242 : i1
        %sub3A_1244 = arith.constant 1 : i32
        %sub3A_1245 = arith.subi %div3A_1224, %sub3A_1244 : i32
        %select_n3A_1246 = arith.select %and3A_1243, %sub3A_1245, %div3A_1224 : i32
        %jit3A_1247 = arith.constant 64 : i32
        %eq3A_1248 = arith.constant 0 : i32
        %eq3A_1249 = arith.cmpi eq, %jit3A_1247, %eq3A_1248 : i32
        %jit3A_1250 = arith.constant 1 : i32
        %select_n3A_1251 = arith.select %eq3A_1249, %jit3A_1250, %jit3A_1247 : i32
        %rem3A_1252 = arith.remsi %add3A_1222, %select_n3A_1251 : i32
        %ne3A_1253 = arith.constant 0 : i32
        %ne3A_1254 = arith.cmpi ne, %rem3A_1252, %ne3A_1253 : i32
        %lt3A_1255 = arith.constant 0 : i32
        %lt3A_1256 = arith.cmpi slt, %rem3A_1252, %lt3A_1255 : i32
        %lt3A_1257 = arith.constant 0 : i32
        %lt3A_1258 = arith.cmpi slt, %select_n3A_1251, %lt3A_1257 : i32
        %ne3A_1259 = arith.xori %lt3A_1256, %lt3A_1258 : i1
        %and3A_1260 = arith.andi %ne3A_1259, %ne3A_1254 : i1
        %add3A_1261 = arith.addi %rem3A_1252, %select_n3A_1251 : i32
        %select_n3A_1262 = arith.select %and3A_1260, %add3A_1261, %rem3A_1252 : i32
        %mul3A_1263 = arith.constant 16 : i32
        %mul3A_1264 = arith.muli %select_n3A_1262, %mul3A_1263 : i32
        %get3A_1265 = arith.constant 0 : i32
        %get3A_1266 = arith.index_cast %get3A_1265 : i32 to index
        %get3A_1267 = arith.index_cast %select_n3A_1246 : i32 to index
        %get3A_1268 = arith.index_cast %mul3A_1264 : i32 to index
        %get3A_1269 = tpu.vector_load %arg6[%get3A_1266, %get3A_1267, %get3A_1268] {strides = array<i32>} : memref<3x8x1024xf32, #tpu.memory_space<vmem>>, vector<1x1x16xf32>,
        %get3A_1270 = vector.shape_cast %get3A_1269 : vector<1x1x16xf32> to vector<16xf32>
        %get3A_1271 = arith.constant 0 : i32
        %get3A_1272 = arith.constant 0 : i32
        %get3A_1273 = arith.index_cast %get3A_1271 : i32 to index
        %get3A_1274 = arith.index_cast %get3A_1272 : i32 to index
        %get3A_1275 = arith.index_cast %select_n3A_1246 : i32 to index
        %get3A_1276 = arith.index_cast %mul3A_1264 : i32 to index
        %get3A_1277 = tpu.vector_load %arg5[%get3A_1273, %get3A_1274, %get3A_1275, %get3A_1276] {strides = array<i32>} : memref<3x4x8x1024xf32, #tpu.memory_space<vmem>>, vector<1x1x1x16xf32>,
        %get3A_1278 = vector.shape_cast %get3A_1277 : vector<1x1x1x16xf32> to vector<16xf32>
        %add3A_1279 = arith.addf %get3A_1278, %get3A_1270 : vector<16xf32>
        %swap3A_1280 = arith.constant 0 : i32
        %swap3A_1281 = arith.constant 0 : i32
        %swap3A_1282 = arith.index_cast %swap3A_1280 : i32 to index
        %swap3A_1283 = arith.index_cast %swap3A_1281 : i32 to index
        %swap3A_1284 = arith.index_cast %select_n3A_1246 : i32 to index
        %swap3A_1285 = arith.index_cast %mul3A_1264 : i32 to index
        %swap3A_1286 = tpu.vector_load %arg5[%swap3A_1282, %swap3A_1283, %swap3A_1284, %swap3A_1285] {strides = array<i32>} : memref<3x4x8x1024xf32, #tpu.memory_space<vmem>>, vector<1x1x1x16xf32>,
        %swap3A_1287 = vector.shape_cast %swap3A_1286 : vector<1x1x1x16xf32> to vector<16xf32>
        %swap3A_1288 = vector.shape_cast %add3A_1279 : vector<16xf32> to vector<1x1x1x16xf32>
        tpu.vector_store %arg5[%swap3A_1282, %swap3A_1283, %swap3A_1284, %swap3A_1285], %swap3A_1288 {strides = array<i32>} : memref<3x4x8x1024xf32, #tpu.memory_space<vmem>>, vector<1x1x1x16xf32>,
        %get3A_1289 = arith.constant 0 : i32
        %get3A_1290 = arith.constant 1 : i32
        %get3A_1291 = arith.index_cast %get3A_1289 : i32 to index
        %get3A_1292 = arith.index_cast %get3A_1290 : i32 to index
        %get3A_1293 = arith.index_cast %select_n3A_1246 : i32 to index
        %get3A_1294 = arith.index_cast %mul3A_1264 : i32 to index
        %get3A_1295 = tpu.vector_load %arg5[%get3A_1291, %get3A_1292, %get3A_1293, %get3A_1294] {strides = array<i32>} : memref<3x4x8x1024xf32, #tpu.memory_space<vmem>>, vector<1x1x1x16xf32>,
        %get3A_1296 = vector.shape_cast %get3A_1295 : vector<1x1x1x16xf32> to vector<16xf32>
        %add3A_1297 = arith.addf %get3A_1296, %get3A_1270 : vector<16xf32>
        %swap3A_1298 = arith.constant 0 : i32
        %swap3A_1299 = arith.constant 1 : i32
        %swap3A_1300 = arith.index_cast %swap3A_1298 : i32 to index
        %swap3A_1301 = arith.index_cast %swap3A_1299 : i32 to index
        %swap3A_1302 = arith.index_cast %select_n3A_1246 : i32 to index
        %swap3A_1303 = arith.index_cast %mul3A_1264 : i32 to index
        %swap3A_1304 = tpu.vector_load %arg5[%swap3A_1300, %swap3A_1301, %swap3A_1302, %swap3A_1303] {strides = array<i32>} : memref<3x4x8x1024xf32, #tpu.memory_space<vmem>>, vector<1x1x1x16xf32>,
        %swap3A_1305 = vector.shape_cast %swap3A_1304 : vector<1x1x1x16xf32> to vector<16xf32>
        %swap3A_1306 = vector.shape_cast %add3A_1297 : vector<16xf32> to vector<1x1x1x16xf32>
        tpu.vector_store %arg5[%swap3A_1300, %swap3A_1301, %swap3A_1302, %swap3A_1303], %swap3A_1306 {strides = array<i32>} : memref<3x4x8x1024xf32, #tpu.memory_space<vmem>>, vector<1x1x1x16xf32>,
        %get3A_1307 = arith.constant 0 : i32
        %get3A_1308 = arith.constant 2 : i32
        %get3A_1309 = arith.index_cast %get3A_1307 : i32 to index
        %get3A_1310 = arith.index_cast %get3A_1308 : i32 to index
        %get3A_1311 = arith.index_cast %select_n3A_1246 : i32 to index
        %get3A_1312 = arith.index_cast %mul3A_1264 : i32 to index
        %get3A_1313 = tpu.vector_load %arg5[%get3A_1309, %get3A_1310, %get3A_1311, %get3A_1312] {strides = array<i32>} : memref<3x4x8x1024xf32, #tpu.memory_space<vmem>>, vector<1x1x1x16xf32>,
        %get3A_1314 = vector.shape_cast %get3A_1313 : vector<1x1x1x16xf32> to vector<16xf32>
        %add3A_1315 = arith.addf %get3A_1314, %get3A_1270 : vector<16xf32>
        %swap3A_1316 = arith.constant 0 : i32
        %swap3A_1317 = arith.constant 2 : i32
        %swap3A_1318 = arith.index_cast %swap3A_1316 : i32 to index
        %swap3A_1319 = arith.index_cast %swap3A_1317 : i32 to index
        %swap3A_1320 = arith.index_cast %select_n3A_1246 : i32 to index
        %swap3A_1321 = arith.index_cast %mul3A_1264 : i32 to index
        %swap3A_1322 = tpu.vector_load %arg5[%swap3A_1318, %swap3A_1319, %swap3A_1320, %swap3A_1321] {strides = array<i32>} : memref<3x4x8x1024xf32, #tpu.memory_space<vmem>>, vector<1x1x1x16xf32>,
        %swap3A_1323 = vector.shape_cast %swap3A_1322 : vector<1x1x1x16xf32> to vector<16xf32>
        %swap3A_1324 = vector.shape_cast %add3A_1315 : vector<16xf32> to vector<1x1x1x16xf32>
        tpu.vector_store %arg5[%swap3A_1318, %swap3A_1319, %swap3A_1320, %swap3A_1321], %swap3A_1324 {strides = array<i32>} : memref<3x4x8x1024xf32, #tpu.memory_space<vmem>>, vector<1x1x1x16xf32>,
        %get3A_1325 = arith.constant 0 : i32
        %get3A_1326 = arith.constant 3 : i32
        %get3A_1327 = arith.index_cast %get3A_1325 : i32 to index
        %get3A_1328 = arith.index_cast %get3A_1326 : i32 to index
        %get3A_1329 = arith.index_cast %select_n3A_1246 : i32 to index
        %get3A_1330 = arith.index_cast %mul3A_1264 : i32 to index
        %get3A_1331 = tpu.vector_load %arg5[%get3A_1327, %get3A_1328, %get3A_1329, %get3A_1330] {strides = array<i32>} : memref<3x4x8x1024xf32, #tpu.memory_space<vmem>>, vector<1x1x1x16xf32>,
        %get3A_1332 = vector.shape_cast %get3A_1331 : vector<1x1x1x16xf32> to vector<16xf32>
        %add3A_1333 = arith.addf %get3A_1332, %get3A_1270 : vector<16xf32>
        %swap3A_1334 = arith.constant 0 : i32
        %swap3A_1335 = arith.constant 3 : i32
        %swap3A_1336 = arith.index_cast %swap3A_1334 : i32 to index
        %swap3A_1337 = arith.index_cast %swap3A_1335 : i32 to index
        %swap3A_1338 = arith.index_cast %select_n3A_1246 : i32 to index
        %swap3A_1339 = arith.index_cast %mul3A_1264 : i32 to index
        %swap3A_1340 = tpu.vector_load %arg5[%swap3A_1336, %swap3A_1337, %swap3A_1338, %swap3A_1339] {strides = array<i32>} : memref<3x4x8x1024xf32, #tpu.memory_space<vmem>>, vector<1x1x1x16xf32>,
        %swap3A_1341 = vector.shape_cast %swap3A_1340 : vector<1x1x1x16xf32> to vector<16xf32>
        %swap3A_1342 = vector.shape_cast %add3A_1333 : vector<16xf32> to vector<1x1x1x16xf32>
        tpu.vector_store %arg5[%swap3A_1336, %swap3A_1337, %swap3A_1338, %swap3A_1339], %swap3A_1342 {strides = array<i32>} : memref<3x4x8x1024xf32, #tpu.memory_space<vmem>>, vector<1x1x1x16xf32>,
        %mul3A_1343 = arith.constant 8 : i32
        %mul3A_1344 = arith.muli %scan3A_609, %mul3A_1343 : i32
        %add3A_1345 = arith.constant 6 : i32
        %add3A_1346 = arith.addi %mul3A_1344, %add3A_1345 : i32
        %jit3A_1347 = arith.constant 64 : i32
        %div3A_1348 = arith.divsi %add3A_1346, %jit3A_1347 : i32
        %sign3A_1349 = arith.constant 0 : i32
        %sign3A_1350 = arith.cmpi sgt, %add3A_1346, %sign3A_1349 : i32
        %sign3A_1351 = arith.extui %sign3A_1350 : i1 to i32
        %sign3A_1352 = arith.constant 0 : i32
        %sign3A_1353 = arith.cmpi slt, %add3A_1346, %sign3A_1352 : i32
        %sign3A_1354 = arith.extui %sign3A_1353 : i1 to i32
        %sign3A_1355 = arith.subi %sign3A_1351, %sign3A_1354 : i32
        %sign3A_1356 = arith.constant 0 : i32
        %sign3A_1357 = arith.cmpi sgt, %jit3A_1347, %sign3A_1356 : i32
        %sign3A_1358 = arith.extui %sign3A_1357 : i1 to i32
        %sign3A_1359 = arith.constant 0 : i32
        %sign3A_1360 = arith.cmpi slt, %jit3A_1347, %sign3A_1359 : i32
        %sign3A_1361 = arith.extui %sign3A_1360 : i1 to i32
        %sign3A_1362 = arith.subi %sign3A_1358, %sign3A_1361 : i32
        %ne3A_1363 = arith.cmpi ne, %sign3A_1355, %sign3A_1362 : i32
        %rem3A_1364 = arith.remsi %add3A_1346, %jit3A_1347 : i32
        %ne3A_1365 = arith.constant 0 : i32
        %ne3A_1366 = arith.cmpi ne, %rem3A_1364, %ne3A_1365 : i32
        %and3A_1367 = arith.andi %ne3A_1363, %ne3A_1366 : i1
        %sub3A_1368 = arith.constant 1 : i32
        %sub3A_1369 = arith.subi %div3A_1348, %sub3A_1368 : i32
        %select_n3A_1370 = arith.select %and3A_1367, %sub3A_1369, %div3A_1348 : i32
        %jit3A_1371 = arith.constant 64 : i32
        %eq3A_1372 = arith.constant 0 : i32
        %eq3A_1373 = arith.cmpi eq, %jit3A_1371, %eq3A_1372 : i32
        %jit3A_1374 = arith.constant 1 : i32
        %select_n3A_1375 = arith.select %eq3A_1373, %jit3A_1374, %jit3A_1371 : i32
        %rem3A_1376 = arith.remsi %add3A_1346, %select_n3A_1375 : i32
        %ne3A_1377 = arith.constant 0 : i32
        %ne3A_1378 = arith.cmpi ne, %rem3A_1376, %ne3A_1377 : i32
        %lt3A_1379 = arith.constant 0 : i32
        %lt3A_1380 = arith.cmpi slt, %rem3A_1376, %lt3A_1379 : i32
        %lt3A_1381 = arith.constant 0 : i32
        %lt3A_1382 = arith.cmpi slt, %select_n3A_1375, %lt3A_1381 : i32
        %ne3A_1383 = arith.xori %lt3A_1380, %lt3A_1382 : i1
        %and3A_1384 = arith.andi %ne3A_1383, %ne3A_1378 : i1
        %add3A_1385 = arith.addi %rem3A_1376, %select_n3A_1375 : i32
        %select_n3A_1386 = arith.select %and3A_1384, %add3A_1385, %rem3A_1376 : i32
        %mul3A_1387 = arith.constant 16 : i32
        %mul3A_1388 = arith.muli %select_n3A_1386, %mul3A_1387 : i32
        %get3A_1389 = arith.constant 0 : i32
        %get3A_1390 = arith.index_cast %get3A_1389 : i32 to index
        %get3A_1391 = arith.index_cast %select_n3A_1370 : i32 to index
        %get3A_1392 = arith.index_cast %mul3A_1388 : i32 to index
        %get3A_1393 = tpu.vector_load %arg6[%get3A_1390, %get3A_1391, %get3A_1392] {strides = array<i32>} : memref<3x8x1024xf32, #tpu.memory_space<vmem>>, vector<1x1x16xf32>,
        %get3A_1394 = vector.shape_cast %get3A_1393 : vector<1x1x16xf32> to vector<16xf32>
        %get3A_1395 = arith.constant 0 : i32
        %get3A_1396 = arith.constant 0 : i32
        %get3A_1397 = arith.index_cast %get3A_1395 : i32 to index
        %get3A_1398 = arith.index_cast %get3A_1396 : i32 to index
        %get3A_1399 = arith.index_cast %select_n3A_1370 : i32 to index
        %get3A_1400 = arith.index_cast %mul3A_1388 : i32 to index
        %get3A_1401 = tpu.vector_load %arg5[%get3A_1397, %get3A_1398, %get3A_1399, %get3A_1400] {strides = array<i32>} : memref<3x4x8x1024xf32, #tpu.memory_space<vmem>>, vector<1x1x1x16xf32>,
        %get3A_1402 = vector.shape_cast %get3A_1401 : vector<1x1x1x16xf32> to vector<16xf32>
        %add3A_1403 = arith.addf %get3A_1402, %get3A_1394 : vector<16xf32>
        %swap3A_1404 = arith.constant 0 : i32
        %swap3A_1405 = arith.constant 0 : i32
        %swap3A_1406 = arith.index_cast %swap3A_1404 : i32 to index
        %swap3A_1407 = arith.index_cast %swap3A_1405 : i32 to index
        %swap3A_1408 = arith.index_cast %select_n3A_1370 : i32 to index
        %swap3A_1409 = arith.index_cast %mul3A_1388 : i32 to index
        %swap3A_1410 = tpu.vector_load %arg5[%swap3A_1406, %swap3A_1407, %swap3A_1408, %swap3A_1409] {strides = array<i32>} : memref<3x4x8x1024xf32, #tpu.memory_space<vmem>>, vector<1x1x1x16xf32>,
        %swap3A_1411 = vector.shape_cast %swap3A_1410 : vector<1x1x1x16xf32> to vector<16xf32>
        %swap3A_1412 = vector.shape_cast %add3A_1403 : vector<16xf32> to vector<1x1x1x16xf32>
        tpu.vector_store %arg5[%swap3A_1406, %swap3A_1407, %swap3A_1408, %swap3A_1409], %swap3A_1412 {strides = array<i32>} : memref<3x4x8x1024xf32, #tpu.memory_space<vmem>>, vector<1x1x1x16xf32>,
        %get3A_1413 = arith.constant 0 : i32
        %get3A_1414 = arith.constant 1 : i32
        %get3A_1415 = arith.index_cast %get3A_1413 : i32 to index
        %get3A_1416 = arith.index_cast %get3A_1414 : i32 to index
        %get3A_1417 = arith.index_cast %select_n3A_1370 : i32 to index
        %get3A_1418 = arith.index_cast %mul3A_1388 : i32 to index
        %get3A_1419 = tpu.vector_load %arg5[%get3A_1415, %get3A_1416, %get3A_1417, %get3A_1418] {strides = array<i32>} : memref<3x4x8x1024xf32, #tpu.memory_space<vmem>>, vector<1x1x1x16xf32>,
        %get3A_1420 = vector.shape_cast %get3A_1419 : vector<1x1x1x16xf32> to vector<16xf32>
        %add3A_1421 = arith.addf %get3A_1420, %get3A_1394 : vector<16xf32>
        %swap3A_1422 = arith.constant 0 : i32
        %swap3A_1423 = arith.constant 1 : i32
        %swap3A_1424 = arith.index_cast %swap3A_1422 : i32 to index
        %swap3A_1425 = arith.index_cast %swap3A_1423 : i32 to index
        %swap3A_1426 = arith.index_cast %select_n3A_1370 : i32 to index
        %swap3A_1427 = arith.index_cast %mul3A_1388 : i32 to index
        %swap3A_1428 = tpu.vector_load %arg5[%swap3A_1424, %swap3A_1425, %swap3A_1426, %swap3A_1427] {strides = array<i32>} : memref<3x4x8x1024xf32, #tpu.memory_space<vmem>>, vector<1x1x1x16xf32>,
        %swap3A_1429 = vector.shape_cast %swap3A_1428 : vector<1x1x1x16xf32> to vector<16xf32>
        %swap3A_1430 = vector.shape_cast %add3A_1421 : vector<16xf32> to vector<1x1x1x16xf32>
        tpu.vector_store %arg5[%swap3A_1424, %swap3A_1425, %swap3A_1426, %swap3A_1427], %swap3A_1430 {strides = array<i32>} : memref<3x4x8x1024xf32, #tpu.memory_space<vmem>>, vector<1x1x1x16xf32>,
        %get3A_1431 = arith.constant 0 : i32
        %get3A_1432 = arith.constant 2 : i32
        %get3A_1433 = arith.index_cast %get3A_1431 : i32 to index
        %get3A_1434 = arith.index_cast %get3A_1432 : i32 to index
        %get3A_1435 = arith.index_cast %select_n3A_1370 : i32 to index
        %get3A_1436 = arith.index_cast %mul3A_1388 : i32 to index
        %get3A_1437 = tpu.vector_load %arg5[%get3A_1433, %get3A_1434, %get3A_1435, %get3A_1436] {strides = array<i32>} : memref<3x4x8x1024xf32, #tpu.memory_space<vmem>>, vector<1x1x1x16xf32>,
        %get3A_1438 = vector.shape_cast %get3A_1437 : vector<1x1x1x16xf32> to vector<16xf32>
        %add3A_1439 = arith.addf %get3A_1438, %get3A_1394 : vector<16xf32>
        %swap3A_1440 = arith.constant 0 : i32
        %swap3A_1441 = arith.constant 2 : i32
        %swap3A_1442 = arith.index_cast %swap3A_1440 : i32 to index
        %swap3A_1443 = arith.index_cast %swap3A_1441 : i32 to index
        %swap3A_1444 = arith.index_cast %select_n3A_1370 : i32 to index
        %swap3A_1445 = arith.index_cast %mul3A_1388 : i32 to index
        %swap3A_1446 = tpu.vector_load %arg5[%swap3A_1442, %swap3A_1443, %swap3A_1444, %swap3A_1445] {strides = array<i32>} : memref<3x4x8x1024xf32, #tpu.memory_space<vmem>>, vector<1x1x1x16xf32>,
        %swap3A_1447 = vector.shape_cast %swap3A_1446 : vector<1x1x1x16xf32> to vector<16xf32>
        %swap3A_1448 = vector.shape_cast %add3A_1439 : vector<16xf32> to vector<1x1x1x16xf32>
        tpu.vector_store %arg5[%swap3A_1442, %swap3A_1443, %swap3A_1444, %swap3A_1445], %swap3A_1448 {strides = array<i32>} : memref<3x4x8x1024xf32, #tpu.memory_space<vmem>>, vector<1x1x1x16xf32>,
        %get3A_1449 = arith.constant 0 : i32
        %get3A_1450 = arith.constant 3 : i32
        %get3A_1451 = arith.index_cast %get3A_1449 : i32 to index
        %get3A_1452 = arith.index_cast %get3A_1450 : i32 to index
        %get3A_1453 = arith.index_cast %select_n3A_1370 : i32 to index
        %get3A_1454 = arith.index_cast %mul3A_1388 : i32 to index
        %get3A_1455 = tpu.vector_load %arg5[%get3A_1451, %get3A_1452, %get3A_1453, %get3A_1454] {strides = array<i32>} : memref<3x4x8x1024xf32, #tpu.memory_space<vmem>>, vector<1x1x1x16xf32>,
        %get3A_1456 = vector.shape_cast %get3A_1455 : vector<1x1x1x16xf32> to vector<16xf32>
        %add3A_1457 = arith.addf %get3A_1456, %get3A_1394 : vector<16xf32>
        %swap3A_1458 = arith.constant 0 : i32
        %swap3A_1459 = arith.constant 3 : i32
        %swap3A_1460 = arith.index_cast %swap3A_1458 : i32 to index
        %swap3A_1461 = arith.index_cast %swap3A_1459 : i32 to index
        %swap3A_1462 = arith.index_cast %select_n3A_1370 : i32 to index
        %swap3A_1463 = arith.index_cast %mul3A_1388 : i32 to index
        %swap3A_1464 = tpu.vector_load %arg5[%swap3A_1460, %swap3A_1461, %swap3A_1462, %swap3A_1463] {strides = array<i32>} : memref<3x4x8x1024xf32, #tpu.memory_space<vmem>>, vector<1x1x1x16xf32>,
        %swap3A_1465 = vector.shape_cast %swap3A_1464 : vector<1x1x1x16xf32> to vector<16xf32>
        %swap3A_1466 = vector.shape_cast %add3A_1457 : vector<16xf32> to vector<1x1x1x16xf32>
        tpu.vector_store %arg5[%swap3A_1460, %swap3A_1461, %swap3A_1462, %swap3A_1463], %swap3A_1466 {strides = array<i32>} : memref<3x4x8x1024xf32, #tpu.memory_space<vmem>>, vector<1x1x1x16xf32>,
        %mul3A_1467 = arith.constant 8 : i32
        %mul3A_1468 = arith.muli %scan3A_609, %mul3A_1467 : i32
        %add3A_1469 = arith.constant 7 : i32
        %add3A_1470 = arith.addi %mul3A_1468, %add3A_1469 : i32
        %jit3A_1471 = arith.constant 64 : i32
        %div3A_1472 = arith.divsi %add3A_1470, %jit3A_1471 : i32
        %sign3A_1473 = arith.constant 0 : i32
        %sign3A_1474 = arith.cmpi sgt, %add3A_1470, %sign3A_1473 : i32
        %sign3A_1475 = arith.extui %sign3A_1474 : i1 to i32
        %sign3A_1476 = arith.constant 0 : i32
        %sign3A_1477 = arith.cmpi slt, %add3A_1470, %sign3A_1476 : i32
        %sign3A_1478 = arith.extui %sign3A_1477 : i1 to i32
        %sign3A_1479 = arith.subi %sign3A_1475, %sign3A_1478 : i32
        %sign3A_1480 = arith.constant 0 : i32
        %sign3A_1481 = arith.cmpi sgt, %jit3A_1471, %sign3A_1480 : i32
        %sign3A_1482 = arith.extui %sign3A_1481 : i1 to i32
        %sign3A_1483 = arith.constant 0 : i32
        %sign3A_1484 = arith.cmpi slt, %jit3A_1471, %sign3A_1483 : i32
        %sign3A_1485 = arith.extui %sign3A_1484 : i1 to i32
        %sign3A_1486 = arith.subi %sign3A_1482, %sign3A_1485 : i32
        %ne3A_1487 = arith.cmpi ne, %sign3A_1479, %sign3A_1486 : i32
        %rem3A_1488 = arith.remsi %add3A_1470, %jit3A_1471 : i32
        %ne3A_1489 = arith.constant 0 : i32
        %ne3A_1490 = arith.cmpi ne, %rem3A_1488, %ne3A_1489 : i32
        %and3A_1491 = arith.andi %ne3A_1487, %ne3A_1490 : i1
        %sub3A_1492 = arith.constant 1 : i32
        %sub3A_1493 = arith.subi %div3A_1472, %sub3A_1492 : i32
        %select_n3A_1494 = arith.select %and3A_1491, %sub3A_1493, %div3A_1472 : i32
        %jit3A_1495 = arith.constant 64 : i32
        %eq3A_1496 = arith.constant 0 : i32
        %eq3A_1497 = arith.cmpi eq, %jit3A_1495, %eq3A_1496 : i32
        %jit3A_1498 = arith.constant 1 : i32
        %select_n3A_1499 = arith.select %eq3A_1497, %jit3A_1498, %jit3A_1495 : i32
        %rem3A_1500 = arith.remsi %add3A_1470, %select_n3A_1499 : i32
        %ne3A_1501 = arith.constant 0 : i32
        %ne3A_1502 = arith.cmpi ne, %rem3A_1500, %ne3A_1501 : i32
        %lt3A_1503 = arith.constant 0 : i32
        %lt3A_1504 = arith.cmpi slt, %rem3A_1500, %lt3A_1503 : i32
        %lt3A_1505 = arith.constant 0 : i32
        %lt3A_1506 = arith.cmpi slt, %select_n3A_1499, %lt3A_1505 : i32
        %ne3A_1507 = arith.xori %lt3A_1504, %lt3A_1506 : i1
        %and3A_1508 = arith.andi %ne3A_1507, %ne3A_1502 : i1
        %add3A_1509 = arith.addi %rem3A_1500, %select_n3A_1499 : i32
        %select_n3A_1510 = arith.select %and3A_1508, %add3A_1509, %rem3A_1500 : i32
        %mul3A_1511 = arith.constant 16 : i32
        %mul3A_1512 = arith.muli %select_n3A_1510, %mul3A_1511 : i32
        %get3A_1513 = arith.constant 0 : i32
        %get3A_1514 = arith.index_cast %get3A_1513 : i32 to index
        %get3A_1515 = arith.index_cast %select_n3A_1494 : i32 to index
        %get3A_1516 = arith.index_cast %mul3A_1512 : i32 to index
        %get3A_1517 = tpu.vector_load %arg6[%get3A_1514, %get3A_1515, %get3A_1516] {strides = array<i32>} : memref<3x8x1024xf32, #tpu.memory_space<vmem>>, vector<1x1x16xf32>,
        %get3A_1518 = vector.shape_cast %get3A_1517 : vector<1x1x16xf32> to vector<16xf32>
        %get3A_1519 = arith.constant 0 : i32
        %get3A_1520 = arith.constant 0 : i32
        %get3A_1521 = arith.index_cast %get3A_1519 : i32 to index
        %get3A_1522 = arith.index_cast %get3A_1520 : i32 to index
        %get3A_1523 = arith.index_cast %select_n3A_1494 : i32 to index
        %get3A_1524 = arith.index_cast %mul3A_1512 : i32 to index
        %get3A_1525 = tpu.vector_load %arg5[%get3A_1521, %get3A_1522, %get3A_1523, %get3A_1524] {strides = array<i32>} : memref<3x4x8x1024xf32, #tpu.memory_space<vmem>>, vector<1x1x1x16xf32>,
        %get3A_1526 = vector.shape_cast %get3A_1525 : vector<1x1x1x16xf32> to vector<16xf32>
        %add3A_1527 = arith.addf %get3A_1526, %get3A_1518 : vector<16xf32>
        %swap3A_1528 = arith.constant 0 : i32
        %swap3A_1529 = arith.constant 0 : i32
        %swap3A_1530 = arith.index_cast %swap3A_1528 : i32 to index
        %swap3A_1531 = arith.index_cast %swap3A_1529 : i32 to index
        %swap3A_1532 = arith.index_cast %select_n3A_1494 : i32 to index
        %swap3A_1533 = arith.index_cast %mul3A_1512 : i32 to index
        %swap3A_1534 = tpu.vector_load %arg5[%swap3A_1530, %swap3A_1531, %swap3A_1532, %swap3A_1533] {strides = array<i32>} : memref<3x4x8x1024xf32, #tpu.memory_space<vmem>>, vector<1x1x1x16xf32>,
        %swap3A_1535 = vector.shape_cast %swap3A_1534 : vector<1x1x1x16xf32> to vector<16xf32>
        %swap3A_1536 = vector.shape_cast %add3A_1527 : vector<16xf32> to vector<1x1x1x16xf32>
        tpu.vector_store %arg5[%swap3A_1530, %swap3A_1531, %swap3A_1532, %swap3A_1533], %swap3A_1536 {strides = array<i32>} : memref<3x4x8x1024xf32, #tpu.memory_space<vmem>>, vector<1x1x1x16xf32>,
        %get3A_1537 = arith.constant 0 : i32
        %get3A_1538 = arith.constant 1 : i32
        %get3A_1539 = arith.index_cast %get3A_1537 : i32 to index
        %get3A_1540 = arith.index_cast %get3A_1538 : i32 to index
        %get3A_1541 = arith.index_cast %select_n3A_1494 : i32 to index
        %get3A_1542 = arith.index_cast %mul3A_1512 : i32 to index
        %get3A_1543 = tpu.vector_load %arg5[%get3A_1539, %get3A_1540, %get3A_1541, %get3A_1542] {strides = array<i32>} : memref<3x4x8x1024xf32, #tpu.memory_space<vmem>>, vector<1x1x1x16xf32>,
        %get3A_1544 = vector.shape_cast %get3A_1543 : vector<1x1x1x16xf32> to vector<16xf32>
        %add3A_1545 = arith.addf %get3A_1544, %get3A_1518 : vector<16xf32>
        %swap3A_1546 = arith.constant 0 : i32
        %swap3A_1547 = arith.constant 1 : i32
        %swap3A_1548 = arith.index_cast %swap3A_1546 : i32 to index
        %swap3A_1549 = arith.index_cast %swap3A_1547 : i32 to index
        %swap3A_1550 = arith.index_cast %select_n3A_1494 : i32 to index
        %swap3A_1551 = arith.index_cast %mul3A_1512 : i32 to index
        %swap3A_1552 = tpu.vector_load %arg5[%swap3A_1548, %swap3A_1549, %swap3A_1550, %swap3A_1551] {strides = array<i32>} : memref<3x4x8x1024xf32, #tpu.memory_space<vmem>>, vector<1x1x1x16xf32>,
        %swap3A_1553 = vector.shape_cast %swap3A_1552 : vector<1x1x1x16xf32> to vector<16xf32>
        %swap3A_1554 = vector.shape_cast %add3A_1545 : vector<16xf32> to vector<1x1x1x16xf32>
        tpu.vector_store %arg5[%swap3A_1548, %swap3A_1549, %swap3A_1550, %swap3A_1551], %swap3A_1554 {strides = array<i32>} : memref<3x4x8x1024xf32, #tpu.memory_space<vmem>>, vector<1x1x1x16xf32>,
        %get3A_1555 = arith.constant 0 : i32
        %get3A_1556 = arith.constant 2 : i32
        %get3A_1557 = arith.index_cast %get3A_1555 : i32 to index
        %get3A_1558 = arith.index_cast %get3A_1556 : i32 to index
        %get3A_1559 = arith.index_cast %select_n3A_1494 : i32 to index
        %get3A_1560 = arith.index_cast %mul3A_1512 : i32 to index
        %get3A_1561 = tpu.vector_load %arg5[%get3A_1557, %get3A_1558, %get3A_1559, %get3A_1560] {strides = array<i32>} : memref<3x4x8x1024xf32, #tpu.memory_space<vmem>>, vector<1x1x1x16xf32>,
        %get3A_1562 = vector.shape_cast %get3A_1561 : vector<1x1x1x16xf32> to vector<16xf32>
        %add3A_1563 = arith.addf %get3A_1562, %get3A_1518 : vector<16xf32>
        %swap3A_1564 = arith.constant 0 : i32
        %swap3A_1565 = arith.constant 2 : i32
        %swap3A_1566 = arith.index_cast %swap3A_1564 : i32 to index
        %swap3A_1567 = arith.index_cast %swap3A_1565 : i32 to index
        %swap3A_1568 = arith.index_cast %select_n3A_1494 : i32 to index
        %swap3A_1569 = arith.index_cast %mul3A_1512 : i32 to index
        %swap3A_1570 = tpu.vector_load %arg5[%swap3A_1566, %swap3A_1567, %swap3A_1568, %swap3A_1569] {strides = array<i32>} : memref<3x4x8x1024xf32, #tpu.memory_space<vmem>>, vector<1x1x1x16xf32>,
        %swap3A_1571 = vector.shape_cast %swap3A_1570 : vector<1x1x1x16xf32> to vector<16xf32>
        %swap3A_1572 = vector.shape_cast %add3A_1563 : vector<16xf32> to vector<1x1x1x16xf32>
        tpu.vector_store %arg5[%swap3A_1566, %swap3A_1567, %swap3A_1568, %swap3A_1569], %swap3A_1572 {strides = array<i32>} : memref<3x4x8x1024xf32, #tpu.memory_space<vmem>>, vector<1x1x1x16xf32>,
        %get3A_1573 = arith.constant 0 : i32
        %get3A_1574 = arith.constant 3 : i32
        %get3A_1575 = arith.index_cast %get3A_1573 : i32 to index
        %get3A_1576 = arith.index_cast %get3A_1574 : i32 to index
        %get3A_1577 = arith.index_cast %select_n3A_1494 : i32 to index
        %get3A_1578 = arith.index_cast %mul3A_1512 : i32 to index
        %get3A_1579 = tpu.vector_load %arg5[%get3A_1575, %get3A_1576, %get3A_1577, %get3A_1578] {strides = array<i32>} : memref<3x4x8x1024xf32, #tpu.memory_space<vmem>>, vector<1x1x1x16xf32>,
        %get3A_1580 = vector.shape_cast %get3A_1579 : vector<1x1x1x16xf32> to vector<16xf32>
        %add3A_1581 = arith.addf %get3A_1580, %get3A_1518 : vector<16xf32>
        %swap3A_1582 = arith.constant 0 : i32
        %swap3A_1583 = arith.constant 3 : i32
        %swap3A_1584 = arith.index_cast %swap3A_1582 : i32 to index
        %swap3A_1585 = arith.index_cast %swap3A_1583 : i32 to index
        %swap3A_1586 = arith.index_cast %select_n3A_1494 : i32 to index
        %swap3A_1587 = arith.index_cast %mul3A_1512 : i32 to index
        %swap3A_1588 = tpu.vector_load %arg5[%swap3A_1584, %swap3A_1585, %swap3A_1586, %swap3A_1587] {strides = array<i32>} : memref<3x4x8x1024xf32, #tpu.memory_space<vmem>>, vector<1x1x1x16xf32>,
        %swap3A_1589 = vector.shape_cast %swap3A_1588 : vector<1x1x1x16xf32> to vector<16xf32>
        %swap3A_1590 = vector.shape_cast %add3A_1581 : vector<16xf32> to vector<1x1x1x16xf32>
        tpu.vector_store %arg5[%swap3A_1584, %swap3A_1585, %swap3A_1586, %swap3A_1587], %swap3A_1590 {strides = array<i32>} : memref<3x4x8x1024xf32, #tpu.memory_space<vmem>>, vector<1x1x1x16xf32>,
        %scan3A_1591 = arith.constant 0 : i32
        scf.yield %scan3A_1591 : i32
      }
      %scan3A_357 = arith.constant 64 : i32
      %mul3A_358 = arith.constant 8 : i32
      %mul3A_359 = arith.muli %mul3A_274, %mul3A_358 : i32
      %add3A_360 = arith.addi %mul3A_2, %mul3A_359 : i32
      %dma_start3A_361 = arith.constant 0 : i32
      %dma_start3A_362 = arith.constant 0 : i32
      %dma_start3A_363 = arith.constant 0 : i32
      %dma_start3A_364 = arith.constant 0 : i32
      %dma_start3A_365 = tpu.memref_slice %arg5[%dma_start3A_361, %dma_start3A_362, %dma_start3A_363, %dma_start3A_364] : memref<3x4x8x1024xf32, #tpu.memory_space<vmem>> -> memref<1x4x8x1024xf32, #tpu.memory_space<vmem>>
      %dma_start3A_366 = tpu.memref_squeeze %dma_start3A_365 : memref<1x4x8x1024xf32, #tpu.memory_space<vmem>> -> memref<4x8x1024xf32, #tpu.memory_space<vmem>>
      %dma_start3A_367 = arith.constant 0 : i32
      %dma_start3A_368 = arith.constant 0 : i32
      %dma_start3A_369 = tpu.memref_slice %arg4[%dma_start3A_367, %add3A_360, %dma_start3A_368] : memref<4x8192x1024xf32, #tpu.memory_space<hbm>> -> memref<4x8x1024xf32, #tpu.memory_space<hbm>>
      %dma_start3A_370 = arith.constant 0 : i32
      %dma_start3A_371 = arith.constant 0 : i32
      %dma_start3A_372 = tpu.memref_slice %arg4[%dma_start3A_370, %add3A_360, %dma_start3A_371] : memref<4x8192x1024xf32, #tpu.memory_space<hbm>> -> memref<4x8x1024xf32, #tpu.memory_space<hbm>>
      %dma_start3A_373 = arith.constant 0 : i32
      %dma_start3A_374 = arith.constant 0 : i32
      %dma_start3A_375 = arith.constant 0 : i32
      %dma_start3A_376 = tpu.memref_slice %arg5[%dma_start3A_361, %dma_start3A_373, %dma_start3A_374, %dma_start3A_375] : memref<3x4x8x1024xf32, #tpu.memory_space<vmem>> -> memref<1x4x8x1024xf32, #tpu.memory_space<vmem>>
      %dma_start3A_377 = tpu.memref_squeeze %dma_start3A_376 : memref<1x4x8x1024xf32, #tpu.memory_space<vmem>> -> memref<4x8x1024xf32, #tpu.memory_space<vmem>>
      tpu.enqueue_dma source(%dma_start3A_377 : memref<4x8x1024xf32, #tpu.memory_space<vmem>>) target(%dma_start3A_372 : memref<4x8x1024xf32, #tpu.memory_space<hbm>>) target_semaphore(%arg8 : memref<!tpu.dma_semaphore, #tpu.memory_space<semaphore_mem>>)
      %add3A_378 = arith.constant 1 : i32
      %add3A_379 = arith.addi %mul3A_274, %add3A_378 : i32
      %gt3A_380 = arith.constant 0 : i32
      %gt3A_381 = arith.cmpi sgt, %scan3A_271, %gt3A_380 : i32
      %dma_wait3A_382 = arith.constant 1 : i32
      %dma_wait3A_383 = arith.constant 0 : i32
      %dma_wait3A_384 = arith.constant 0 : i32
      %dma_wait3A_385 = arith.constant 0 : i32
      %dma_wait3A_386 = tpu.memref_slice %arg5[%dma_wait3A_382, %dma_wait3A_383, %dma_wait3A_384, %dma_wait3A_385] : memref<3x4x8x1024xf32, #tpu.memory_space<vmem>> -> memref<1x4x8x1024xf32, #tpu.memory_space<vmem>>
      %dma_wait3A_387 = tpu.memref_squeeze %dma_wait3A_386 : memref<1x4x8x1024xf32, #tpu.memory_space<vmem>> -> memref<4x8x1024xf32, #tpu.memory_space<vmem>>
      %dma_wait3A_388 = arith.constant 0 : i32
      %dma_wait3A_389 = arith.constant 0 : i32
      %dma_wait3A_390 = arith.constant 0 : i32
      %dma_wait3A_391 = tpu.memref_slice %arg2[%dma_wait3A_388, %dma_wait3A_389, %dma_wait3A_390] : memref<4x8192x1024xf32, #tpu.memory_space<hbm>> -> memref<4x8x1024xf32, #tpu.memory_space<hbm>>
      %dma_wait3A_392 = arith.constant 0 : i32
      %dma_wait3A_393 = arith.constant 0 : i32
      %dma_wait3A_394 = arith.constant 0 : i32
      %dma_wait3A_395 = tpu.memref_slice %arg5[%dma_wait3A_382, %dma_wait3A_392, %dma_wait3A_393, %dma_wait3A_394] : memref<3x4x8x1024xf32, #tpu.memory_space<vmem>> -> memref<1x4x8x1024xf32, #tpu.memory_space<vmem>>
      %dma_wait3A_396 = tpu.memref_squeeze %dma_wait3A_395 : memref<1x4x8x1024xf32, #tpu.memory_space<vmem>> -> memref<4x8x1024xf32, #tpu.memory_space<vmem>>
      %dma_wait3A_397 = arith.constant 0 : i32
      %dma_wait3A_398 = arith.constant 0 : i32
      %dma_wait3A_399 = arith.constant 0 : i32
      %dma_wait3A_400 = tpu.memref_slice %arg2[%dma_wait3A_397, %dma_wait3A_398, %dma_wait3A_399] : memref<4x8192x1024xf32, #tpu.memory_space<hbm>> -> memref<4x8x1024xf32, #tpu.memory_space<hbm>>
      tpu.wait_dma2 semaphore(%arg7 : memref<!tpu.dma_semaphore, #tpu.memory_space<semaphore_mem>>) src(%dma_wait3A_400 : memref<4x8x1024xf32, #tpu.memory_space<hbm>>) dst(%dma_wait3A_396 : memref<4x8x1024xf32, #tpu.memory_space<vmem>>)
      %dma_wait3A_401 = arith.constant 1 : i32
      %dma_wait3A_402 = arith.constant 0 : i32
      %dma_wait3A_403 = arith.constant 0 : i32
      %dma_wait3A_404 = tpu.memref_slice %arg6[%dma_wait3A_401, %dma_wait3A_402, %dma_wait3A_403] : memref<3x8x1024xf32, #tpu.memory_space<vmem>> -> memref<1x8x1024xf32, #tpu.memory_space<vmem>>
      %dma_wait3A_405 = tpu.memref_squeeze %dma_wait3A_404 : memref<1x8x1024xf32, #tpu.memory_space<vmem>> -> memref<8x1024xf32, #tpu.memory_space<vmem>>
      %dma_wait3A_406 = arith.constant 0 : i32
      %dma_wait3A_407 = arith.constant 0 : i32
      %dma_wait3A_408 = tpu.memref_slice %arg3[%dma_wait3A_406, %dma_wait3A_407] : memref<8192x1024xf32, #tpu.memory_space<hbm>> -> memref<8x1024xf32, #tpu.memory_space<hbm>>
      %dma_wait3A_409 = arith.constant 0 : i32
      %dma_wait3A_410 = arith.constant 0 : i32
      %dma_wait3A_411 = tpu.memref_slice %arg6[%dma_wait3A_401, %dma_wait3A_409, %dma_wait3A_410] : memref<3x8x1024xf32, #tpu.memory_space<vmem>> -> memref<1x8x1024xf32, #tpu.memory_space<vmem>>
      %dma_wait3A_412 = tpu.memref_squeeze %dma_wait3A_411 : memref<1x8x1024xf32, #tpu.memory_space<vmem>> -> memref<8x1024xf32, #tpu.memory_space<vmem>>
      %dma_wait3A_413 = arith.constant 0 : i32
      %dma_wait3A_414 = arith.constant 0 : i32
      %dma_wait3A_415 = tpu.memref_slice %arg3[%dma_wait3A_413, %dma_wait3A_414] : memref<8192x1024xf32, #tpu.memory_space<hbm>> -> memref<8x1024xf32, #tpu.memory_space<hbm>>
      tpu.wait_dma2 semaphore(%arg9 : memref<!tpu.dma_semaphore, #tpu.memory_space<semaphore_mem>>) src(%dma_wait3A_415 : memref<8x1024xf32, #tpu.memory_space<hbm>>) dst(%dma_wait3A_412 : memref<8x1024xf32, #tpu.memory_space<vmem>>)
      %convert_element_type3A_416 = arith.extui %gt3A_381 : i1 to i32
      %cond3A_417 = arith.constant 0 : i32
      %cond3A_418 = arith.cmpi ne, %convert_element_type3A_416, %cond3A_417 : i32
      scf.if %cond3A_418 {
        %dma_wait3A_609 = arith.constant 2 : i32
        %dma_wait3A_610 = arith.constant 0 : i32
        %dma_wait3A_611 = arith.constant 0 : i32
        %dma_wait3A_612 = arith.constant 0 : i32
        %dma_wait3A_613 = tpu.memref_slice %arg5[%dma_wait3A_609, %dma_wait3A_610, %dma_wait3A_611, %dma_wait3A_612] : memref<3x4x8x1024xf32, #tpu.memory_space<vmem>> -> memref<1x4x8x1024xf32, #tpu.memory_space<vmem>>
        %dma_wait3A_614 = tpu.memref_squeeze %dma_wait3A_613 : memref<1x4x8x1024xf32, #tpu.memory_space<vmem>> -> memref<4x8x1024xf32, #tpu.memory_space<vmem>>
        %dma_wait3A_615 = arith.constant 0 : i32
        %dma_wait3A_616 = arith.constant 0 : i32
        %dma_wait3A_617 = arith.constant 0 : i32
        %dma_wait3A_618 = tpu.memref_slice %arg4[%dma_wait3A_615, %dma_wait3A_616, %dma_wait3A_617] : memref<4x8192x1024xf32, #tpu.memory_space<hbm>> -> memref<4x8x1024xf32, #tpu.memory_space<hbm>>
        %dma_wait3A_619 = arith.constant 0 : i32
        %dma_wait3A_620 = arith.constant 0 : i32
        %dma_wait3A_621 = arith.constant 0 : i32
        %dma_wait3A_622 = tpu.memref_slice %arg4[%dma_wait3A_619, %dma_wait3A_620, %dma_wait3A_621] : memref<4x8192x1024xf32, #tpu.memory_space<hbm>> -> memref<4x8x1024xf32, #tpu.memory_space<hbm>>
        %dma_wait3A_623 = arith.constant 0 : i32
        %dma_wait3A_624 = arith.constant 0 : i32
        %dma_wait3A_625 = arith.constant 0 : i32
        %dma_wait3A_626 = tpu.memref_slice %arg5[%dma_wait3A_609, %dma_wait3A_623, %dma_wait3A_624, %dma_wait3A_625] : memref<3x4x8x1024xf32, #tpu.memory_space<vmem>> -> memref<1x4x8x1024xf32, #tpu.memory_space<vmem>>
        %dma_wait3A_627 = tpu.memref_squeeze %dma_wait3A_626 : memref<1x4x8x1024xf32, #tpu.memory_space<vmem>> -> memref<4x8x1024xf32, #tpu.memory_space<vmem>>
        tpu.wait_dma2 semaphore(%arg8 : memref<!tpu.dma_semaphore, #tpu.memory_space<semaphore_mem>>) src(%dma_wait3A_627 : memref<4x8x1024xf32, #tpu.memory_space<vmem>>) dst(%dma_wait3A_622 : memref<4x8x1024xf32, #tpu.memory_space<hbm>>)
      } else {
      }
      %add3A_419 = arith.constant 1 : i32
      %add3A_420 = arith.addi %add3A_379, %add3A_419 : i32
      %mul3A_421 = arith.constant 8 : i32
      %mul3A_422 = arith.muli %add3A_420, %mul3A_421 : i32
      %add3A_423 = arith.addi %mul3A_2, %mul3A_422 : i32
      %dma_start3A_424 = arith.constant 2 : i32
      %dma_start3A_425 = arith.constant 0 : i32
      %dma_start3A_426 = arith.constant 0 : i32
      %dma_start3A_427 = arith.constant 0 : i32
      %dma_start3A_428 = tpu.memref_slice %arg5[%dma_start3A_424, %dma_start3A_425, %dma_start3A_426, %dma_start3A_427] : memref<3x4x8x1024xf32, #tpu.memory_space<vmem>> -> memref<1x4x8x1024xf32, #tpu.memory_space<vmem>>
      %dma_start3A_429 = tpu.memref_squeeze %dma_start3A_428 : memref<1x4x8x1024xf32, #tpu.memory_space<vmem>> -> memref<4x8x1024xf32, #tpu.memory_space<vmem>>
      %dma_start3A_430 = arith.constant 0 : i32
      %dma_start3A_431 = arith.constant 0 : i32
      %dma_start3A_432 = tpu.memref_slice %arg2[%dma_start3A_430, %add3A_423, %dma_start3A_431] : memref<4x8192x1024xf32, #tpu.memory_space<hbm>> -> memref<4x8x1024xf32, #tpu.memory_space<hbm>>
      %dma_start3A_433 = arith.constant 0 : i32
      %dma_start3A_434 = arith.constant 0 : i32
      %dma_start3A_435 = arith.constant 0 : i32
      %dma_start3A_436 = tpu.memref_slice %arg5[%dma_start3A_424, %dma_start3A_433, %dma_start3A_434, %dma_start3A_435] : memref<3x4x8x1024xf32, #tpu.memory_space<vmem>> -> memref<1x4x8x1024xf32, #tpu.memory_space<vmem>>
      %dma_start3A_437 = tpu.memref_squeeze %dma_start3A_436 : memref<1x4x8x1024xf32, #tpu.memory_space<vmem>> -> memref<4x8x1024xf32, #tpu.memory_space<vmem>>
      %dma_start3A_438 = arith.constant 0 : i32
      %dma_start3A_439 = arith.constant 0 : i32
      %dma_start3A_440 = tpu.memref_slice %arg2[%dma_start3A_438, %add3A_423, %dma_start3A_439] : memref<4x8192x1024xf32, #tpu.memory_space<hbm>> -> memref<4x8x1024xf32, #tpu.memory_space<hbm>>
      tpu.enqueue_dma source(%dma_start3A_440 : memref<4x8x1024xf32, #tpu.memory_space<hbm>>) target(%dma_start3A_437 : memref<4x8x1024xf32, #tpu.memory_space<vmem>>) target_semaphore(%arg7 : memref<!tpu.dma_semaphore, #tpu.memory_space<semaphore_mem>>)
      %add3A_441 = arith.constant 1 : i32
      %add3A_442 = arith.addi %add3A_379, %add3A_441 : i32
      %mul3A_443 = arith.constant 8 : i32
      %mul3A_444 = arith.muli %add3A_442, %mul3A_443 : i32
      %add3A_445 = arith.addi %mul3A_2, %mul3A_444 : i32
      %dma_start3A_446 = arith.constant 2 : i32
      %dma_start3A_447 = arith.constant 0 : i32
      %dma_start3A_448 = arith.constant 0 : i32
      %dma_start3A_449 = tpu.memref_slice %arg6[%dma_start3A_446, %dma_start3A_447, %dma_start3A_448] : memref<3x8x1024xf32, #tpu.memory_space<vmem>> -> memref<1x8x1024xf32, #tpu.memory_space<vmem>>
      %dma_start3A_450 = tpu.memref_squeeze %dma_start3A_449 : memref<1x8x1024xf32, #tpu.memory_space<vmem>> -> memref<8x1024xf32, #tpu.memory_space<vmem>>
      %dma_start3A_451 = arith.constant 0 : i32
      %dma_start3A_452 = tpu.memref_slice %arg3[%add3A_445, %dma_start3A_451] : memref<8192x1024xf32, #tpu.memory_space<hbm>> -> memref<8x1024xf32, #tpu.memory_space<hbm>>
      %dma_start3A_453 = arith.constant 0 : i32
      %dma_start3A_454 = arith.constant 0 : i32
      %dma_start3A_455 = tpu.memref_slice %arg6[%dma_start3A_446, %dma_start3A_453, %dma_start3A_454] : memref<3x8x1024xf32, #tpu.memory_space<vmem>> -> memref<1x8x1024xf32, #tpu.memory_space<vmem>>
      %dma_start3A_456 = tpu.memref_squeeze %dma_start3A_455 : memref<1x8x1024xf32, #tpu.memory_space<vmem>> -> memref<8x1024xf32, #tpu.memory_space<vmem>>
      %dma_start3A_457 = arith.constant 0 : i32
      %dma_start3A_458 = tpu.memref_slice %arg3[%add3A_445, %dma_start3A_457] : memref<8192x1024xf32, #tpu.memory_space<hbm>> -> memref<8x1024xf32, #tpu.memory_space<hbm>>
      tpu.enqueue_dma source(%dma_start3A_458 : memref<8x1024xf32, #tpu.memory_space<hbm>>) target(%dma_start3A_456 : memref<8x1024xf32, #tpu.memory_space<vmem>>) target_semaphore(%arg9 : memref<!tpu.dma_semaphore, #tpu.memory_space<semaphore_mem>>)
      %scan3A_459 = arith.constant 0 : i32
      %scan3A_460 = arith.constant 0 : i32
      %scan3A_461 = arith.constant 64 : i32
      %scan3A_462 = arith.addi %scan3A_460, %scan3A_461 : i32
      %scan3A_463 = arith.constant 1 : i32
      %scan3A_464 = scf.for %scan3A_609 = %scan3A_460 to %scan3A_462 step %scan3A_463 iter_args(%scan3A_610 = %scan3A_459) -> (i32)  : i32 {
        %mul3A_611 = arith.constant 8 : i32
        %mul3A_612 = arith.muli %scan3A_609, %mul3A_611 : i32
        %add3A_613 = arith.constant 0 : i32
        %add3A_614 = arith.addi %mul3A_612, %add3A_613 : i32
        %jit3A = arith.constant 64 : i32
        %div3A = arith.divsi %add3A_614, %jit3A : i32
        %sign3A = arith.constant 0 : i32
        %sign3A_615 = arith.cmpi sgt, %add3A_614, %sign3A : i32
        %sign3A_616 = arith.extui %sign3A_615 : i1 to i32
        %sign3A_617 = arith.constant 0 : i32
        %sign3A_618 = arith.cmpi slt, %add3A_614, %sign3A_617 : i32
        %sign3A_619 = arith.extui %sign3A_618 : i1 to i32
        %sign3A_620 = arith.subi %sign3A_616, %sign3A_619 : i32
        %sign3A_621 = arith.constant 0 : i32
        %sign3A_622 = arith.cmpi sgt, %jit3A, %sign3A_621 : i32
        %sign3A_623 = arith.extui %sign3A_622 : i1 to i32
        %sign3A_624 = arith.constant 0 : i32
        %sign3A_625 = arith.cmpi slt, %jit3A, %sign3A_624 : i32
        %sign3A_626 = arith.extui %sign3A_625 : i1 to i32
        %sign3A_627 = arith.subi %sign3A_623, %sign3A_626 : i32
        %ne3A = arith.cmpi ne, %sign3A_620, %sign3A_627 : i32
        %rem3A = arith.remsi %add3A_614, %jit3A : i32
        %ne3A_628 = arith.constant 0 : i32
        %ne3A_629 = arith.cmpi ne, %rem3A, %ne3A_628 : i32
        %and3A = arith.andi %ne3A, %ne3A_629 : i1
        %sub3A = arith.constant 1 : i32
        %sub3A_630 = arith.subi %div3A, %sub3A : i32
        %select_n3A = arith.select %and3A, %sub3A_630, %div3A : i32
        %jit3A_631 = arith.constant 64 : i32
        %eq3A = arith.constant 0 : i32
        %eq3A_632 = arith.cmpi eq, %jit3A_631, %eq3A : i32
        %jit3A_633 = arith.constant 1 : i32
        %select_n3A_634 = arith.select %eq3A_632, %jit3A_633, %jit3A_631 : i32
        %rem3A_635 = arith.remsi %add3A_614, %select_n3A_634 : i32
        %ne3A_636 = arith.constant 0 : i32
        %ne3A_637 = arith.cmpi ne, %rem3A_635, %ne3A_636 : i32
        %lt3A = arith.constant 0 : i32
        %lt3A_638 = arith.cmpi slt, %rem3A_635, %lt3A : i32
        %lt3A_639 = arith.constant 0 : i32
        %lt3A_640 = arith.cmpi slt, %select_n3A_634, %lt3A_639 : i32
        %ne3A_641 = arith.xori %lt3A_638, %lt3A_640 : i1
        %and3A_642 = arith.andi %ne3A_641, %ne3A_637 : i1
        %add3A_643 = arith.addi %rem3A_635, %select_n3A_634 : i32
        %select_n3A_644 = arith.select %and3A_642, %add3A_643, %rem3A_635 : i32
        %mul3A_645 = arith.constant 16 : i32
        %mul3A_646 = arith.muli %select_n3A_644, %mul3A_645 : i32
        %get3A = arith.constant 1 : i32
        %get3A_647 = arith.index_cast %get3A : i32 to index
        %get3A_648 = arith.index_cast %select_n3A : i32 to index
        %get3A_649 = arith.index_cast %mul3A_646 : i32 to index
        %get3A_650 = tpu.vector_load %arg6[%get3A_647, %get3A_648, %get3A_649] {strides = array<i32>} : memref<3x8x1024xf32, #tpu.memory_space<vmem>>, vector<1x1x16xf32>,
        %get3A_651 = vector.shape_cast %get3A_650 : vector<1x1x16xf32> to vector<16xf32>
        %get3A_652 = arith.constant 1 : i32
        %get3A_653 = arith.constant 0 : i32
        %get3A_654 = arith.index_cast %get3A_652 : i32 to index
        %get3A_655 = arith.index_cast %get3A_653 : i32 to index
        %get3A_656 = arith.index_cast %select_n3A : i32 to index
        %get3A_657 = arith.index_cast %mul3A_646 : i32 to index
        %get3A_658 = tpu.vector_load %arg5[%get3A_654, %get3A_655, %get3A_656, %get3A_657] {strides = array<i32>} : memref<3x4x8x1024xf32, #tpu.memory_space<vmem>>, vector<1x1x1x16xf32>,
        %get3A_659 = vector.shape_cast %get3A_658 : vector<1x1x1x16xf32> to vector<16xf32>
        %add3A_660 = arith.addf %get3A_659, %get3A_651 : vector<16xf32>
        %swap3A = arith.constant 1 : i32
        %swap3A_661 = arith.constant 0 : i32
        %swap3A_662 = arith.index_cast %swap3A : i32 to index
        %swap3A_663 = arith.index_cast %swap3A_661 : i32 to index
        %swap3A_664 = arith.index_cast %select_n3A : i32 to index
        %swap3A_665 = arith.index_cast %mul3A_646 : i32 to index
        %swap3A_666 = tpu.vector_load %arg5[%swap3A_662, %swap3A_663, %swap3A_664, %swap3A_665] {strides = array<i32>} : memref<3x4x8x1024xf32, #tpu.memory_space<vmem>>, vector<1x1x1x16xf32>,
        %swap3A_667 = vector.shape_cast %swap3A_666 : vector<1x1x1x16xf32> to vector<16xf32>
        %swap3A_668 = vector.shape_cast %add3A_660 : vector<16xf32> to vector<1x1x1x16xf32>
        tpu.vector_store %arg5[%swap3A_662, %swap3A_663, %swap3A_664, %swap3A_665], %swap3A_668 {strides = array<i32>} : memref<3x4x8x1024xf32, #tpu.memory_space<vmem>>, vector<1x1x1x16xf32>,
        %get3A_669 = arith.constant 1 : i32
        %get3A_670 = arith.constant 1 : i32
        %get3A_671 = arith.index_cast %get3A_669 : i32 to index
        %get3A_672 = arith.index_cast %get3A_670 : i32 to index
        %get3A_673 = arith.index_cast %select_n3A : i32 to index
        %get3A_674 = arith.index_cast %mul3A_646 : i32 to index
        %get3A_675 = tpu.vector_load %arg5[%get3A_671, %get3A_672, %get3A_673, %get3A_674] {strides = array<i32>} : memref<3x4x8x1024xf32, #tpu.memory_space<vmem>>, vector<1x1x1x16xf32>,
        %get3A_676 = vector.shape_cast %get3A_675 : vector<1x1x1x16xf32> to vector<16xf32>
        %add3A_677 = arith.addf %get3A_676, %get3A_651 : vector<16xf32>
        %swap3A_678 = arith.constant 1 : i32
        %swap3A_679 = arith.constant 1 : i32
        %swap3A_680 = arith.index_cast %swap3A_678 : i32 to index
        %swap3A_681 = arith.index_cast %swap3A_679 : i32 to index
        %swap3A_682 = arith.index_cast %select_n3A : i32 to index
        %swap3A_683 = arith.index_cast %mul3A_646 : i32 to index
        %swap3A_684 = tpu.vector_load %arg5[%swap3A_680, %swap3A_681, %swap3A_682, %swap3A_683] {strides = array<i32>} : memref<3x4x8x1024xf32, #tpu.memory_space<vmem>>, vector<1x1x1x16xf32>,
        %swap3A_685 = vector.shape_cast %swap3A_684 : vector<1x1x1x16xf32> to vector<16xf32>
        %swap3A_686 = vector.shape_cast %add3A_677 : vector<16xf32> to vector<1x1x1x16xf32>
        tpu.vector_store %arg5[%swap3A_680, %swap3A_681, %swap3A_682, %swap3A_683], %swap3A_686 {strides = array<i32>} : memref<3x4x8x1024xf32, #tpu.memory_space<vmem>>, vector<1x1x1x16xf32>,
        %get3A_687 = arith.constant 1 : i32
        %get3A_688 = arith.constant 2 : i32
        %get3A_689 = arith.index_cast %get3A_687 : i32 to index
        %get3A_690 = arith.index_cast %get3A_688 : i32 to index
        %get3A_691 = arith.index_cast %select_n3A : i32 to index
        %get3A_692 = arith.index_cast %mul3A_646 : i32 to index
        %get3A_693 = tpu.vector_load %arg5[%get3A_689, %get3A_690, %get3A_691, %get3A_692] {strides = array<i32>} : memref<3x4x8x1024xf32, #tpu.memory_space<vmem>>, vector<1x1x1x16xf32>,
        %get3A_694 = vector.shape_cast %get3A_693 : vector<1x1x1x16xf32> to vector<16xf32>
        %add3A_695 = arith.addf %get3A_694, %get3A_651 : vector<16xf32>
        %swap3A_696 = arith.constant 1 : i32
        %swap3A_697 = arith.constant 2 : i32
        %swap3A_698 = arith.index_cast %swap3A_696 : i32 to index
        %swap3A_699 = arith.index_cast %swap3A_697 : i32 to index
        %swap3A_700 = arith.index_cast %select_n3A : i32 to index
        %swap3A_701 = arith.index_cast %mul3A_646 : i32 to index
        %swap3A_702 = tpu.vector_load %arg5[%swap3A_698, %swap3A_699, %swap3A_700, %swap3A_701] {strides = array<i32>} : memref<3x4x8x1024xf32, #tpu.memory_space<vmem>>, vector<1x1x1x16xf32>,
        %swap3A_703 = vector.shape_cast %swap3A_702 : vector<1x1x1x16xf32> to vector<16xf32>
        %swap3A_704 = vector.shape_cast %add3A_695 : vector<16xf32> to vector<1x1x1x16xf32>
        tpu.vector_store %arg5[%swap3A_698, %swap3A_699, %swap3A_700, %swap3A_701], %swap3A_704 {strides = array<i32>} : memref<3x4x8x1024xf32, #tpu.memory_space<vmem>>, vector<1x1x1x16xf32>,
        %get3A_705 = arith.constant 1 : i32
        %get3A_706 = arith.constant 3 : i32
        %get3A_707 = arith.index_cast %get3A_705 : i32 to index
        %get3A_708 = arith.index_cast %get3A_706 : i32 to index
        %get3A_709 = arith.index_cast %select_n3A : i32 to index
        %get3A_710 = arith.index_cast %mul3A_646 : i32 to index
        %get3A_711 = tpu.vector_load %arg5[%get3A_707, %get3A_708, %get3A_709, %get3A_710] {strides = array<i32>} : memref<3x4x8x1024xf32, #tpu.memory_space<vmem>>, vector<1x1x1x16xf32>,
        %get3A_712 = vector.shape_cast %get3A_711 : vector<1x1x1x16xf32> to vector<16xf32>
        %add3A_713 = arith.addf %get3A_712, %get3A_651 : vector<16xf32>
        %swap3A_714 = arith.constant 1 : i32
        %swap3A_715 = arith.constant 3 : i32
        %swap3A_716 = arith.index_cast %swap3A_714 : i32 to index
        %swap3A_717 = arith.index_cast %swap3A_715 : i32 to index
        %swap3A_718 = arith.index_cast %select_n3A : i32 to index
        %swap3A_719 = arith.index_cast %mul3A_646 : i32 to index
        %swap3A_720 = tpu.vector_load %arg5[%swap3A_716, %swap3A_717, %swap3A_718, %swap3A_719] {strides = array<i32>} : memref<3x4x8x1024xf32, #tpu.memory_space<vmem>>, vector<1x1x1x16xf32>,
        %swap3A_721 = vector.shape_cast %swap3A_720 : vector<1x1x1x16xf32> to vector<16xf32>
        %swap3A_722 = vector.shape_cast %add3A_713 : vector<16xf32> to vector<1x1x1x16xf32>
        tpu.vector_store %arg5[%swap3A_716, %swap3A_717, %swap3A_718, %swap3A_719], %swap3A_722 {strides = array<i32>} : memref<3x4x8x1024xf32, #tpu.memory_space<vmem>>, vector<1x1x1x16xf32>,
        %mul3A_723 = arith.constant 8 : i32
        %mul3A_724 = arith.muli %scan3A_609, %mul3A_723 : i32
        %add3A_725 = arith.constant 1 : i32
        %add3A_726 = arith.addi %mul3A_724, %add3A_725 : i32
        %jit3A_727 = arith.constant 64 : i32
        %div3A_728 = arith.divsi %add3A_726, %jit3A_727 : i32
        %sign3A_729 = arith.constant 0 : i32
        %sign3A_730 = arith.cmpi sgt, %add3A_726, %sign3A_729 : i32
        %sign3A_731 = arith.extui %sign3A_730 : i1 to i32
        %sign3A_732 = arith.constant 0 : i32
        %sign3A_733 = arith.cmpi slt, %add3A_726, %sign3A_732 : i32
        %sign3A_734 = arith.extui %sign3A_733 : i1 to i32
        %sign3A_735 = arith.subi %sign3A_731, %sign3A_734 : i32
        %sign3A_736 = arith.constant 0 : i32
        %sign3A_737 = arith.cmpi sgt, %jit3A_727, %sign3A_736 : i32
        %sign3A_738 = arith.extui %sign3A_737 : i1 to i32
        %sign3A_739 = arith.constant 0 : i32
        %sign3A_740 = arith.cmpi slt, %jit3A_727, %sign3A_739 : i32
        %sign3A_741 = arith.extui %sign3A_740 : i1 to i32
        %sign3A_742 = arith.subi %sign3A_738, %sign3A_741 : i32
        %ne3A_743 = arith.cmpi ne, %sign3A_735, %sign3A_742 : i32
        %rem3A_744 = arith.remsi %add3A_726, %jit3A_727 : i32
        %ne3A_745 = arith.constant 0 : i32
        %ne3A_746 = arith.cmpi ne, %rem3A_744, %ne3A_745 : i32
        %and3A_747 = arith.andi %ne3A_743, %ne3A_746 : i1
        %sub3A_748 = arith.constant 1 : i32
        %sub3A_749 = arith.subi %div3A_728, %sub3A_748 : i32
        %select_n3A_750 = arith.select %and3A_747, %sub3A_749, %div3A_728 : i32
        %jit3A_751 = arith.constant 64 : i32
        %eq3A_752 = arith.constant 0 : i32
        %eq3A_753 = arith.cmpi eq, %jit3A_751, %eq3A_752 : i32
        %jit3A_754 = arith.constant 1 : i32
        %select_n3A_755 = arith.select %eq3A_753, %jit3A_754, %jit3A_751 : i32
        %rem3A_756 = arith.remsi %add3A_726, %select_n3A_755 : i32
        %ne3A_757 = arith.constant 0 : i32
        %ne3A_758 = arith.cmpi ne, %rem3A_756, %ne3A_757 : i32
        %lt3A_759 = arith.constant 0 : i32
        %lt3A_760 = arith.cmpi slt, %rem3A_756, %lt3A_759 : i32
        %lt3A_761 = arith.constant 0 : i32
        %lt3A_762 = arith.cmpi slt, %select_n3A_755, %lt3A_761 : i32
        %ne3A_763 = arith.xori %lt3A_760, %lt3A_762 : i1
        %and3A_764 = arith.andi %ne3A_763, %ne3A_758 : i1
        %add3A_765 = arith.addi %rem3A_756, %select_n3A_755 : i32
        %select_n3A_766 = arith.select %and3A_764, %add3A_765, %rem3A_756 : i32
        %mul3A_767 = arith.constant 16 : i32
        %mul3A_768 = arith.muli %select_n3A_766, %mul3A_767 : i32
        %get3A_769 = arith.constant 1 : i32
        %get3A_770 = arith.index_cast %get3A_769 : i32 to index
        %get3A_771 = arith.index_cast %select_n3A_750 : i32 to index
        %get3A_772 = arith.index_cast %mul3A_768 : i32 to index
        %get3A_773 = tpu.vector_load %arg6[%get3A_770, %get3A_771, %get3A_772] {strides = array<i32>} : memref<3x8x1024xf32, #tpu.memory_space<vmem>>, vector<1x1x16xf32>,
        %get3A_774 = vector.shape_cast %get3A_773 : vector<1x1x16xf32> to vector<16xf32>
        %get3A_775 = arith.constant 1 : i32
        %get3A_776 = arith.constant 0 : i32
        %get3A_777 = arith.index_cast %get3A_775 : i32 to index
        %get3A_778 = arith.index_cast %get3A_776 : i32 to index
        %get3A_779 = arith.index_cast %select_n3A_750 : i32 to index
        %get3A_780 = arith.index_cast %mul3A_768 : i32 to index
        %get3A_781 = tpu.vector_load %arg5[%get3A_777, %get3A_778, %get3A_779, %get3A_780] {strides = array<i32>} : memref<3x4x8x1024xf32, #tpu.memory_space<vmem>>, vector<1x1x1x16xf32>,
        %get3A_782 = vector.shape_cast %get3A_781 : vector<1x1x1x16xf32> to vector<16xf32>
        %add3A_783 = arith.addf %get3A_782, %get3A_774 : vector<16xf32>
        %swap3A_784 = arith.constant 1 : i32
        %swap3A_785 = arith.constant 0 : i32
        %swap3A_786 = arith.index_cast %swap3A_784 : i32 to index
        %swap3A_787 = arith.index_cast %swap3A_785 : i32 to index
        %swap3A_788 = arith.index_cast %select_n3A_750 : i32 to index
        %swap3A_789 = arith.index_cast %mul3A_768 : i32 to index
        %swap3A_790 = tpu.vector_load %arg5[%swap3A_786, %swap3A_787, %swap3A_788, %swap3A_789] {strides = array<i32>} : memref<3x4x8x1024xf32, #tpu.memory_space<vmem>>, vector<1x1x1x16xf32>,
        %swap3A_791 = vector.shape_cast %swap3A_790 : vector<1x1x1x16xf32> to vector<16xf32>
        %swap3A_792 = vector.shape_cast %add3A_783 : vector<16xf32> to vector<1x1x1x16xf32>
        tpu.vector_store %arg5[%swap3A_786, %swap3A_787, %swap3A_788, %swap3A_789], %swap3A_792 {strides = array<i32>} : memref<3x4x8x1024xf32, #tpu.memory_space<vmem>>, vector<1x1x1x16xf32>,
        %get3A_793 = arith.constant 1 : i32
        %get3A_794 = arith.constant 1 : i32
        %get3A_795 = arith.index_cast %get3A_793 : i32 to index
        %get3A_796 = arith.index_cast %get3A_794 : i32 to index
        %get3A_797 = arith.index_cast %select_n3A_750 : i32 to index
        %get3A_798 = arith.index_cast %mul3A_768 : i32 to index
        %get3A_799 = tpu.vector_load %arg5[%get3A_795, %get3A_796, %get3A_797, %get3A_798] {strides = array<i32>} : memref<3x4x8x1024xf32, #tpu.memory_space<vmem>>, vector<1x1x1x16xf32>,
        %get3A_800 = vector.shape_cast %get3A_799 : vector<1x1x1x16xf32> to vector<16xf32>
        %add3A_801 = arith.addf %get3A_800, %get3A_774 : vector<16xf32>
        %swap3A_802 = arith.constant 1 : i32
        %swap3A_803 = arith.constant 1 : i32
        %swap3A_804 = arith.index_cast %swap3A_802 : i32 to index
        %swap3A_805 = arith.index_cast %swap3A_803 : i32 to index
        %swap3A_806 = arith.index_cast %select_n3A_750 : i32 to index
        %swap3A_807 = arith.index_cast %mul3A_768 : i32 to index
        %swap3A_808 = tpu.vector_load %arg5[%swap3A_804, %swap3A_805, %swap3A_806, %swap3A_807] {strides = array<i32>} : memref<3x4x8x1024xf32, #tpu.memory_space<vmem>>, vector<1x1x1x16xf32>,
        %swap3A_809 = vector.shape_cast %swap3A_808 : vector<1x1x1x16xf32> to vector<16xf32>
        %swap3A_810 = vector.shape_cast %add3A_801 : vector<16xf32> to vector<1x1x1x16xf32>
        tpu.vector_store %arg5[%swap3A_804, %swap3A_805, %swap3A_806, %swap3A_807], %swap3A_810 {strides = array<i32>} : memref<3x4x8x1024xf32, #tpu.memory_space<vmem>>, vector<1x1x1x16xf32>,
        %get3A_811 = arith.constant 1 : i32
        %get3A_812 = arith.constant 2 : i32
        %get3A_813 = arith.index_cast %get3A_811 : i32 to index
        %get3A_814 = arith.index_cast %get3A_812 : i32 to index
        %get3A_815 = arith.index_cast %select_n3A_750 : i32 to index
        %get3A_816 = arith.index_cast %mul3A_768 : i32 to index
        %get3A_817 = tpu.vector_load %arg5[%get3A_813, %get3A_814, %get3A_815, %get3A_816] {strides = array<i32>} : memref<3x4x8x1024xf32, #tpu.memory_space<vmem>>, vector<1x1x1x16xf32>,
        %get3A_818 = vector.shape_cast %get3A_817 : vector<1x1x1x16xf32> to vector<16xf32>
        %add3A_819 = arith.addf %get3A_818, %get3A_774 : vector<16xf32>
        %swap3A_820 = arith.constant 1 : i32
        %swap3A_821 = arith.constant 2 : i32
        %swap3A_822 = arith.index_cast %swap3A_820 : i32 to index
        %swap3A_823 = arith.index_cast %swap3A_821 : i32 to index
        %swap3A_824 = arith.index_cast %select_n3A_750 : i32 to index
        %swap3A_825 = arith.index_cast %mul3A_768 : i32 to index
        %swap3A_826 = tpu.vector_load %arg5[%swap3A_822, %swap3A_823, %swap3A_824, %swap3A_825] {strides = array<i32>} : memref<3x4x8x1024xf32, #tpu.memory_space<vmem>>, vector<1x1x1x16xf32>,
        %swap3A_827 = vector.shape_cast %swap3A_826 : vector<1x1x1x16xf32> to vector<16xf32>
        %swap3A_828 = vector.shape_cast %add3A_819 : vector<16xf32> to vector<1x1x1x16xf32>
        tpu.vector_store %arg5[%swap3A_822, %swap3A_823, %swap3A_824, %swap3A_825], %swap3A_828 {strides = array<i32>} : memref<3x4x8x1024xf32, #tpu.memory_space<vmem>>, vector<1x1x1x16xf32>,
        %get3A_829 = arith.constant 1 : i32
        %get3A_830 = arith.constant 3 : i32
        %get3A_831 = arith.index_cast %get3A_829 : i32 to index
        %get3A_832 = arith.index_cast %get3A_830 : i32 to index
        %get3A_833 = arith.index_cast %select_n3A_750 : i32 to index
        %get3A_834 = arith.index_cast %mul3A_768 : i32 to index
        %get3A_835 = tpu.vector_load %arg5[%get3A_831, %get3A_832, %get3A_833, %get3A_834] {strides = array<i32>} : memref<3x4x8x1024xf32, #tpu.memory_space<vmem>>, vector<1x1x1x16xf32>,
        %get3A_836 = vector.shape_cast %get3A_835 : vector<1x1x1x16xf32> to vector<16xf32>
        %add3A_837 = arith.addf %get3A_836, %get3A_774 : vector<16xf32>
        %swap3A_838 = arith.constant 1 : i32
        %swap3A_839 = arith.constant 3 : i32
        %swap3A_840 = arith.index_cast %swap3A_838 : i32 to index
        %swap3A_841 = arith.index_cast %swap3A_839 : i32 to index
        %swap3A_842 = arith.index_cast %select_n3A_750 : i32 to index
        %swap3A_843 = arith.index_cast %mul3A_768 : i32 to index
        %swap3A_844 = tpu.vector_load %arg5[%swap3A_840, %swap3A_841, %swap3A_842, %swap3A_843] {strides = array<i32>} : memref<3x4x8x1024xf32, #tpu.memory_space<vmem>>, vector<1x1x1x16xf32>,
        %swap3A_845 = vector.shape_cast %swap3A_844 : vector<1x1x1x16xf32> to vector<16xf32>
        %swap3A_846 = vector.shape_cast %add3A_837 : vector<16xf32> to vector<1x1x1x16xf32>
        tpu.vector_store %arg5[%swap3A_840, %swap3A_841, %swap3A_842, %swap3A_843], %swap3A_846 {strides = array<i32>} : memref<3x4x8x1024xf32, #tpu.memory_space<vmem>>, vector<1x1x1x16xf32>,
        %mul3A_847 = arith.constant 8 : i32
        %mul3A_848 = arith.muli %scan3A_609, %mul3A_847 : i32
        %add3A_849 = arith.constant 2 : i32
        %add3A_850 = arith.addi %mul3A_848, %add3A_849 : i32
        %jit3A_851 = arith.constant 64 : i32
        %div3A_852 = arith.divsi %add3A_850, %jit3A_851 : i32
        %sign3A_853 = arith.constant 0 : i32
        %sign3A_854 = arith.cmpi sgt, %add3A_850, %sign3A_853 : i32
        %sign3A_855 = arith.extui %sign3A_854 : i1 to i32
        %sign3A_856 = arith.constant 0 : i32
        %sign3A_857 = arith.cmpi slt, %add3A_850, %sign3A_856 : i32
        %sign3A_858 = arith.extui %sign3A_857 : i1 to i32
        %sign3A_859 = arith.subi %sign3A_855, %sign3A_858 : i32
        %sign3A_860 = arith.constant 0 : i32
        %sign3A_861 = arith.cmpi sgt, %jit3A_851, %sign3A_860 : i32
        %sign3A_862 = arith.extui %sign3A_861 : i1 to i32
        %sign3A_863 = arith.constant 0 : i32
        %sign3A_864 = arith.cmpi slt, %jit3A_851, %sign3A_863 : i32
        %sign3A_865 = arith.extui %sign3A_864 : i1 to i32
        %sign3A_866 = arith.subi %sign3A_862, %sign3A_865 : i32
        %ne3A_867 = arith.cmpi ne, %sign3A_859, %sign3A_866 : i32
        %rem3A_868 = arith.remsi %add3A_850, %jit3A_851 : i32
        %ne3A_869 = arith.constant 0 : i32
        %ne3A_870 = arith.cmpi ne, %rem3A_868, %ne3A_869 : i32
        %and3A_871 = arith.andi %ne3A_867, %ne3A_870 : i1
        %sub3A_872 = arith.constant 1 : i32
        %sub3A_873 = arith.subi %div3A_852, %sub3A_872 : i32
        %select_n3A_874 = arith.select %and3A_871, %sub3A_873, %div3A_852 : i32
        %jit3A_875 = arith.constant 64 : i32
        %eq3A_876 = arith.constant 0 : i32
        %eq3A_877 = arith.cmpi eq, %jit3A_875, %eq3A_876 : i32
        %jit3A_878 = arith.constant 1 : i32
        %select_n3A_879 = arith.select %eq3A_877, %jit3A_878, %jit3A_875 : i32
        %rem3A_880 = arith.remsi %add3A_850, %select_n3A_879 : i32
        %ne3A_881 = arith.constant 0 : i32
        %ne3A_882 = arith.cmpi ne, %rem3A_880, %ne3A_881 : i32
        %lt3A_883 = arith.constant 0 : i32
        %lt3A_884 = arith.cmpi slt, %rem3A_880, %lt3A_883 : i32
        %lt3A_885 = arith.constant 0 : i32
        %lt3A_886 = arith.cmpi slt, %select_n3A_879, %lt3A_885 : i32
        %ne3A_887 = arith.xori %lt3A_884, %lt3A_886 : i1
        %and3A_888 = arith.andi %ne3A_887, %ne3A_882 : i1
        %add3A_889 = arith.addi %rem3A_880, %select_n3A_879 : i32
        %select_n3A_890 = arith.select %and3A_888, %add3A_889, %rem3A_880 : i32
        %mul3A_891 = arith.constant 16 : i32
        %mul3A_892 = arith.muli %select_n3A_890, %mul3A_891 : i32
        %get3A_893 = arith.constant 1 : i32
        %get3A_894 = arith.index_cast %get3A_893 : i32 to index
        %get3A_895 = arith.index_cast %select_n3A_874 : i32 to index
        %get3A_896 = arith.index_cast %mul3A_892 : i32 to index
        %get3A_897 = tpu.vector_load %arg6[%get3A_894, %get3A_895, %get3A_896] {strides = array<i32>} : memref<3x8x1024xf32, #tpu.memory_space<vmem>>, vector<1x1x16xf32>,
        %get3A_898 = vector.shape_cast %get3A_897 : vector<1x1x16xf32> to vector<16xf32>
        %get3A_899 = arith.constant 1 : i32
        %get3A_900 = arith.constant 0 : i32
        %get3A_901 = arith.index_cast %get3A_899 : i32 to index
        %get3A_902 = arith.index_cast %get3A_900 : i32 to index
        %get3A_903 = arith.index_cast %select_n3A_874 : i32 to index
        %get3A_904 = arith.index_cast %mul3A_892 : i32 to index
        %get3A_905 = tpu.vector_load %arg5[%get3A_901, %get3A_902, %get3A_903, %get3A_904] {strides = array<i32>} : memref<3x4x8x1024xf32, #tpu.memory_space<vmem>>, vector<1x1x1x16xf32>,
        %get3A_906 = vector.shape_cast %get3A_905 : vector<1x1x1x16xf32> to vector<16xf32>
        %add3A_907 = arith.addf %get3A_906, %get3A_898 : vector<16xf32>
        %swap3A_908 = arith.constant 1 : i32
        %swap3A_909 = arith.constant 0 : i32
        %swap3A_910 = arith.index_cast %swap3A_908 : i32 to index
        %swap3A_911 = arith.index_cast %swap3A_909 : i32 to index
        %swap3A_912 = arith.index_cast %select_n3A_874 : i32 to index
        %swap3A_913 = arith.index_cast %mul3A_892 : i32 to index
        %swap3A_914 = tpu.vector_load %arg5[%swap3A_910, %swap3A_911, %swap3A_912, %swap3A_913] {strides = array<i32>} : memref<3x4x8x1024xf32, #tpu.memory_space<vmem>>, vector<1x1x1x16xf32>,
        %swap3A_915 = vector.shape_cast %swap3A_914 : vector<1x1x1x16xf32> to vector<16xf32>
        %swap3A_916 = vector.shape_cast %add3A_907 : vector<16xf32> to vector<1x1x1x16xf32>
        tpu.vector_store %arg5[%swap3A_910, %swap3A_911, %swap3A_912, %swap3A_913], %swap3A_916 {strides = array<i32>} : memref<3x4x8x1024xf32, #tpu.memory_space<vmem>>, vector<1x1x1x16xf32>,
        %get3A_917 = arith.constant 1 : i32
        %get3A_918 = arith.constant 1 : i32
        %get3A_919 = arith.index_cast %get3A_917 : i32 to index
        %get3A_920 = arith.index_cast %get3A_918 : i32 to index
        %get3A_921 = arith.index_cast %select_n3A_874 : i32 to index
        %get3A_922 = arith.index_cast %mul3A_892 : i32 to index
        %get3A_923 = tpu.vector_load %arg5[%get3A_919, %get3A_920, %get3A_921, %get3A_922] {strides = array<i32>} : memref<3x4x8x1024xf32, #tpu.memory_space<vmem>>, vector<1x1x1x16xf32>,
        %get3A_924 = vector.shape_cast %get3A_923 : vector<1x1x1x16xf32> to vector<16xf32>
        %add3A_925 = arith.addf %get3A_924, %get3A_898 : vector<16xf32>
        %swap3A_926 = arith.constant 1 : i32
        %swap3A_927 = arith.constant 1 : i32
        %swap3A_928 = arith.index_cast %swap3A_926 : i32 to index
        %swap3A_929 = arith.index_cast %swap3A_927 : i32 to index
        %swap3A_930 = arith.index_cast %select_n3A_874 : i32 to index
        %swap3A_931 = arith.index_cast %mul3A_892 : i32 to index
        %swap3A_932 = tpu.vector_load %arg5[%swap3A_928, %swap3A_929, %swap3A_930, %swap3A_931] {strides = array<i32>} : memref<3x4x8x1024xf32, #tpu.memory_space<vmem>>, vector<1x1x1x16xf32>,
        %swap3A_933 = vector.shape_cast %swap3A_932 : vector<1x1x1x16xf32> to vector<16xf32>
        %swap3A_934 = vector.shape_cast %add3A_925 : vector<16xf32> to vector<1x1x1x16xf32>
        tpu.vector_store %arg5[%swap3A_928, %swap3A_929, %swap3A_930, %swap3A_931], %swap3A_934 {strides = array<i32>} : memref<3x4x8x1024xf32, #tpu.memory_space<vmem>>, vector<1x1x1x16xf32>,
        %get3A_935 = arith.constant 1 : i32
        %get3A_936 = arith.constant 2 : i32
        %get3A_937 = arith.index_cast %get3A_935 : i32 to index
        %get3A_938 = arith.index_cast %get3A_936 : i32 to index
        %get3A_939 = arith.index_cast %select_n3A_874 : i32 to index
        %get3A_940 = arith.index_cast %mul3A_892 : i32 to index
        %get3A_941 = tpu.vector_load %arg5[%get3A_937, %get3A_938, %get3A_939, %get3A_940] {strides = array<i32>} : memref<3x4x8x1024xf32, #tpu.memory_space<vmem>>, vector<1x1x1x16xf32>,
        %get3A_942 = vector.shape_cast %get3A_941 : vector<1x1x1x16xf32> to vector<16xf32>
        %add3A_943 = arith.addf %get3A_942, %get3A_898 : vector<16xf32>
        %swap3A_944 = arith.constant 1 : i32
        %swap3A_945 = arith.constant 2 : i32
        %swap3A_946 = arith.index_cast %swap3A_944 : i32 to index
        %swap3A_947 = arith.index_cast %swap3A_945 : i32 to index
        %swap3A_948 = arith.index_cast %select_n3A_874 : i32 to index
        %swap3A_949 = arith.index_cast %mul3A_892 : i32 to index
        %swap3A_950 = tpu.vector_load %arg5[%swap3A_946, %swap3A_947, %swap3A_948, %swap3A_949] {strides = array<i32>} : memref<3x4x8x1024xf32, #tpu.memory_space<vmem>>, vector<1x1x1x16xf32>,
        %swap3A_951 = vector.shape_cast %swap3A_950 : vector<1x1x1x16xf32> to vector<16xf32>
        %swap3A_952 = vector.shape_cast %add3A_943 : vector<16xf32> to vector<1x1x1x16xf32>
        tpu.vector_store %arg5[%swap3A_946, %swap3A_947, %swap3A_948, %swap3A_949], %swap3A_952 {strides = array<i32>} : memref<3x4x8x1024xf32, #tpu.memory_space<vmem>>, vector<1x1x1x16xf32>,
        %get3A_953 = arith.constant 1 : i32
        %get3A_954 = arith.constant 3 : i32
        %get3A_955 = arith.index_cast %get3A_953 : i32 to index
        %get3A_956 = arith.index_cast %get3A_954 : i32 to index
        %get3A_957 = arith.index_cast %select_n3A_874 : i32 to index
        %get3A_958 = arith.index_cast %mul3A_892 : i32 to index
        %get3A_959 = tpu.vector_load %arg5[%get3A_955, %get3A_956, %get3A_957, %get3A_958] {strides = array<i32>} : memref<3x4x8x1024xf32, #tpu.memory_space<vmem>>, vector<1x1x1x16xf32>,
        %get3A_960 = vector.shape_cast %get3A_959 : vector<1x1x1x16xf32> to vector<16xf32>
        %add3A_961 = arith.addf %get3A_960, %get3A_898 : vector<16xf32>
        %swap3A_962 = arith.constant 1 : i32
        %swap3A_963 = arith.constant 3 : i32
        %swap3A_964 = arith.index_cast %swap3A_962 : i32 to index
        %swap3A_965 = arith.index_cast %swap3A_963 : i32 to index
        %swap3A_966 = arith.index_cast %select_n3A_874 : i32 to index
        %swap3A_967 = arith.index_cast %mul3A_892 : i32 to index
        %swap3A_968 = tpu.vector_load %arg5[%swap3A_964, %swap3A_965, %swap3A_966, %swap3A_967] {strides = array<i32>} : memref<3x4x8x1024xf32, #tpu.memory_space<vmem>>, vector<1x1x1x16xf32>,
        %swap3A_969 = vector.shape_cast %swap3A_968 : vector<1x1x1x16xf32> to vector<16xf32>
        %swap3A_970 = vector.shape_cast %add3A_961 : vector<16xf32> to vector<1x1x1x16xf32>
        tpu.vector_store %arg5[%swap3A_964, %swap3A_965, %swap3A_966, %swap3A_967], %swap3A_970 {strides = array<i32>} : memref<3x4x8x1024xf32, #tpu.memory_space<vmem>>, vector<1x1x1x16xf32>,
        %mul3A_971 = arith.constant 8 : i32
        %mul3A_972 = arith.muli %scan3A_609, %mul3A_971 : i32
        %add3A_973 = arith.constant 3 : i32
        %add3A_974 = arith.addi %mul3A_972, %add3A_973 : i32
        %jit3A_975 = arith.constant 64 : i32
        %div3A_976 = arith.divsi %add3A_974, %jit3A_975 : i32
        %sign3A_977 = arith.constant 0 : i32
        %sign3A_978 = arith.cmpi sgt, %add3A_974, %sign3A_977 : i32
        %sign3A_979 = arith.extui %sign3A_978 : i1 to i32
        %sign3A_980 = arith.constant 0 : i32
        %sign3A_981 = arith.cmpi slt, %add3A_974, %sign3A_980 : i32
        %sign3A_982 = arith.extui %sign3A_981 : i1 to i32
        %sign3A_983 = arith.subi %sign3A_979, %sign3A_982 : i32
        %sign3A_984 = arith.constant 0 : i32
        %sign3A_985 = arith.cmpi sgt, %jit3A_975, %sign3A_984 : i32
        %sign3A_986 = arith.extui %sign3A_985 : i1 to i32
        %sign3A_987 = arith.constant 0 : i32
        %sign3A_988 = arith.cmpi slt, %jit3A_975, %sign3A_987 : i32
        %sign3A_989 = arith.extui %sign3A_988 : i1 to i32
        %sign3A_990 = arith.subi %sign3A_986, %sign3A_989 : i32
        %ne3A_991 = arith.cmpi ne, %sign3A_983, %sign3A_990 : i32
        %rem3A_992 = arith.remsi %add3A_974, %jit3A_975 : i32
        %ne3A_993 = arith.constant 0 : i32
        %ne3A_994 = arith.cmpi ne, %rem3A_992, %ne3A_993 : i32
        %and3A_995 = arith.andi %ne3A_991, %ne3A_994 : i1
        %sub3A_996 = arith.constant 1 : i32
        %sub3A_997 = arith.subi %div3A_976, %sub3A_996 : i32
        %select_n3A_998 = arith.select %and3A_995, %sub3A_997, %div3A_976 : i32
        %jit3A_999 = arith.constant 64 : i32
        %eq3A_1000 = arith.constant 0 : i32
        %eq3A_1001 = arith.cmpi eq, %jit3A_999, %eq3A_1000 : i32
        %jit3A_1002 = arith.constant 1 : i32
        %select_n3A_1003 = arith.select %eq3A_1001, %jit3A_1002, %jit3A_999 : i32
        %rem3A_1004 = arith.remsi %add3A_974, %select_n3A_1003 : i32
        %ne3A_1005 = arith.constant 0 : i32
        %ne3A_1006 = arith.cmpi ne, %rem3A_1004, %ne3A_1005 : i32
        %lt3A_1007 = arith.constant 0 : i32
        %lt3A_1008 = arith.cmpi slt, %rem3A_1004, %lt3A_1007 : i32
        %lt3A_1009 = arith.constant 0 : i32
        %lt3A_1010 = arith.cmpi slt, %select_n3A_1003, %lt3A_1009 : i32
        %ne3A_1011 = arith.xori %lt3A_1008, %lt3A_1010 : i1
        %and3A_1012 = arith.andi %ne3A_1011, %ne3A_1006 : i1
        %add3A_1013 = arith.addi %rem3A_1004, %select_n3A_1003 : i32
        %select_n3A_1014 = arith.select %and3A_1012, %add3A_1013, %rem3A_1004 : i32
        %mul3A_1015 = arith.constant 16 : i32
        %mul3A_1016 = arith.muli %select_n3A_1014, %mul3A_1015 : i32
        %get3A_1017 = arith.constant 1 : i32
        %get3A_1018 = arith.index_cast %get3A_1017 : i32 to index
        %get3A_1019 = arith.index_cast %select_n3A_998 : i32 to index
        %get3A_1020 = arith.index_cast %mul3A_1016 : i32 to index
        %get3A_1021 = tpu.vector_load %arg6[%get3A_1018, %get3A_1019, %get3A_1020] {strides = array<i32>} : memref<3x8x1024xf32, #tpu.memory_space<vmem>>, vector<1x1x16xf32>,
        %get3A_1022 = vector.shape_cast %get3A_1021 : vector<1x1x16xf32> to vector<16xf32>
        %get3A_1023 = arith.constant 1 : i32
        %get3A_1024 = arith.constant 0 : i32
        %get3A_1025 = arith.index_cast %get3A_1023 : i32 to index
        %get3A_1026 = arith.index_cast %get3A_1024 : i32 to index
        %get3A_1027 = arith.index_cast %select_n3A_998 : i32 to index
        %get3A_1028 = arith.index_cast %mul3A_1016 : i32 to index
        %get3A_1029 = tpu.vector_load %arg5[%get3A_1025, %get3A_1026, %get3A_1027, %get3A_1028] {strides = array<i32>} : memref<3x4x8x1024xf32, #tpu.memory_space<vmem>>, vector<1x1x1x16xf32>,
        %get3A_1030 = vector.shape_cast %get3A_1029 : vector<1x1x1x16xf32> to vector<16xf32>
        %add3A_1031 = arith.addf %get3A_1030, %get3A_1022 : vector<16xf32>
        %swap3A_1032 = arith.constant 1 : i32
        %swap3A_1033 = arith.constant 0 : i32
        %swap3A_1034 = arith.index_cast %swap3A_1032 : i32 to index
        %swap3A_1035 = arith.index_cast %swap3A_1033 : i32 to index
        %swap3A_1036 = arith.index_cast %select_n3A_998 : i32 to index
        %swap3A_1037 = arith.index_cast %mul3A_1016 : i32 to index
        %swap3A_1038 = tpu.vector_load %arg5[%swap3A_1034, %swap3A_1035, %swap3A_1036, %swap3A_1037] {strides = array<i32>} : memref<3x4x8x1024xf32, #tpu.memory_space<vmem>>, vector<1x1x1x16xf32>,
        %swap3A_1039 = vector.shape_cast %swap3A_1038 : vector<1x1x1x16xf32> to vector<16xf32>
        %swap3A_1040 = vector.shape_cast %add3A_1031 : vector<16xf32> to vector<1x1x1x16xf32>
        tpu.vector_store %arg5[%swap3A_1034, %swap3A_1035, %swap3A_1036, %swap3A_1037], %swap3A_1040 {strides = array<i32>} : memref<3x4x8x1024xf32, #tpu.memory_space<vmem>>, vector<1x1x1x16xf32>,
        %get3A_1041 = arith.constant 1 : i32
        %get3A_1042 = arith.constant 1 : i32
        %get3A_1043 = arith.index_cast %get3A_1041 : i32 to index
        %get3A_1044 = arith.index_cast %get3A_1042 : i32 to index
        %get3A_1045 = arith.index_cast %select_n3A_998 : i32 to index
        %get3A_1046 = arith.index_cast %mul3A_1016 : i32 to index
        %get3A_1047 = tpu.vector_load %arg5[%get3A_1043, %get3A_1044, %get3A_1045, %get3A_1046] {strides = array<i32>} : memref<3x4x8x1024xf32, #tpu.memory_space<vmem>>, vector<1x1x1x16xf32>,
        %get3A_1048 = vector.shape_cast %get3A_1047 : vector<1x1x1x16xf32> to vector<16xf32>
        %add3A_1049 = arith.addf %get3A_1048, %get3A_1022 : vector<16xf32>
        %swap3A_1050 = arith.constant 1 : i32
        %swap3A_1051 = arith.constant 1 : i32
        %swap3A_1052 = arith.index_cast %swap3A_1050 : i32 to index
        %swap3A_1053 = arith.index_cast %swap3A_1051 : i32 to index
        %swap3A_1054 = arith.index_cast %select_n3A_998 : i32 to index
        %swap3A_1055 = arith.index_cast %mul3A_1016 : i32 to index
        %swap3A_1056 = tpu.vector_load %arg5[%swap3A_1052, %swap3A_1053, %swap3A_1054, %swap3A_1055] {strides = array<i32>} : memref<3x4x8x1024xf32, #tpu.memory_space<vmem>>, vector<1x1x1x16xf32>,
        %swap3A_1057 = vector.shape_cast %swap3A_1056 : vector<1x1x1x16xf32> to vector<16xf32>
        %swap3A_1058 = vector.shape_cast %add3A_1049 : vector<16xf32> to vector<1x1x1x16xf32>
        tpu.vector_store %arg5[%swap3A_1052, %swap3A_1053, %swap3A_1054, %swap3A_1055], %swap3A_1058 {strides = array<i32>} : memref<3x4x8x1024xf32, #tpu.memory_space<vmem>>, vector<1x1x1x16xf32>,
        %get3A_1059 = arith.constant 1 : i32
        %get3A_1060 = arith.constant 2 : i32
        %get3A_1061 = arith.index_cast %get3A_1059 : i32 to index
        %get3A_1062 = arith.index_cast %get3A_1060 : i32 to index
        %get3A_1063 = arith.index_cast %select_n3A_998 : i32 to index
        %get3A_1064 = arith.index_cast %mul3A_1016 : i32 to index
        %get3A_1065 = tpu.vector_load %arg5[%get3A_1061, %get3A_1062, %get3A_1063, %get3A_1064] {strides = array<i32>} : memref<3x4x8x1024xf32, #tpu.memory_space<vmem>>, vector<1x1x1x16xf32>,
        %get3A_1066 = vector.shape_cast %get3A_1065 : vector<1x1x1x16xf32> to vector<16xf32>
        %add3A_1067 = arith.addf %get3A_1066, %get3A_1022 : vector<16xf32>
        %swap3A_1068 = arith.constant 1 : i32
        %swap3A_1069 = arith.constant 2 : i32
        %swap3A_1070 = arith.index_cast %swap3A_1068 : i32 to index
        %swap3A_1071 = arith.index_cast %swap3A_1069 : i32 to index
        %swap3A_1072 = arith.index_cast %select_n3A_998 : i32 to index
        %swap3A_1073 = arith.index_cast %mul3A_1016 : i32 to index
        %swap3A_1074 = tpu.vector_load %arg5[%swap3A_1070, %swap3A_1071, %swap3A_1072, %swap3A_1073] {strides = array<i32>} : memref<3x4x8x1024xf32, #tpu.memory_space<vmem>>, vector<1x1x1x16xf32>,
        %swap3A_1075 = vector.shape_cast %swap3A_1074 : vector<1x1x1x16xf32> to vector<16xf32>
        %swap3A_1076 = vector.shape_cast %add3A_1067 : vector<16xf32> to vector<1x1x1x16xf32>
        tpu.vector_store %arg5[%swap3A_1070, %swap3A_1071, %swap3A_1072, %swap3A_1073], %swap3A_1076 {strides = array<i32>} : memref<3x4x8x1024xf32, #tpu.memory_space<vmem>>, vector<1x1x1x16xf32>,
        %get3A_1077 = arith.constant 1 : i32
        %get3A_1078 = arith.constant 3 : i32
        %get3A_1079 = arith.index_cast %get3A_1077 : i32 to index
        %get3A_1080 = arith.index_cast %get3A_1078 : i32 to index
        %get3A_1081 = arith.index_cast %select_n3A_998 : i32 to index
        %get3A_1082 = arith.index_cast %mul3A_1016 : i32 to index
        %get3A_1083 = tpu.vector_load %arg5[%get3A_1079, %get3A_1080, %get3A_1081, %get3A_1082] {strides = array<i32>} : memref<3x4x8x1024xf32, #tpu.memory_space<vmem>>, vector<1x1x1x16xf32>,
        %get3A_1084 = vector.shape_cast %get3A_1083 : vector<1x1x1x16xf32> to vector<16xf32>
        %add3A_1085 = arith.addf %get3A_1084, %get3A_1022 : vector<16xf32>
        %swap3A_1086 = arith.constant 1 : i32
        %swap3A_1087 = arith.constant 3 : i32
        %swap3A_1088 = arith.index_cast %swap3A_1086 : i32 to index
        %swap3A_1089 = arith.index_cast %swap3A_1087 : i32 to index
        %swap3A_1090 = arith.index_cast %select_n3A_998 : i32 to index
        %swap3A_1091 = arith.index_cast %mul3A_1016 : i32 to index
        %swap3A_1092 = tpu.vector_load %arg5[%swap3A_1088, %swap3A_1089, %swap3A_1090, %swap3A_1091] {strides = array<i32>} : memref<3x4x8x1024xf32, #tpu.memory_space<vmem>>, vector<1x1x1x16xf32>,
        %swap3A_1093 = vector.shape_cast %swap3A_1092 : vector<1x1x1x16xf32> to vector<16xf32>
        %swap3A_1094 = vector.shape_cast %add3A_1085 : vector<16xf32> to vector<1x1x1x16xf32>
        tpu.vector_store %arg5[%swap3A_1088, %swap3A_1089, %swap3A_1090, %swap3A_1091], %swap3A_1094 {strides = array<i32>} : memref<3x4x8x1024xf32, #tpu.memory_space<vmem>>, vector<1x1x1x16xf32>,
        %mul3A_1095 = arith.constant 8 : i32
        %mul3A_1096 = arith.muli %scan3A_609, %mul3A_1095 : i32
        %add3A_1097 = arith.constant 4 : i32
        %add3A_1098 = arith.addi %mul3A_1096, %add3A_1097 : i32
        %jit3A_1099 = arith.constant 64 : i32
        %div3A_1100 = arith.divsi %add3A_1098, %jit3A_1099 : i32
        %sign3A_1101 = arith.constant 0 : i32
        %sign3A_1102 = arith.cmpi sgt, %add3A_1098, %sign3A_1101 : i32
        %sign3A_1103 = arith.extui %sign3A_1102 : i1 to i32
        %sign3A_1104 = arith.constant 0 : i32
        %sign3A_1105 = arith.cmpi slt, %add3A_1098, %sign3A_1104 : i32
        %sign3A_1106 = arith.extui %sign3A_1105 : i1 to i32
        %sign3A_1107 = arith.subi %sign3A_1103, %sign3A_1106 : i32
        %sign3A_1108 = arith.constant 0 : i32
        %sign3A_1109 = arith.cmpi sgt, %jit3A_1099, %sign3A_1108 : i32
        %sign3A_1110 = arith.extui %sign3A_1109 : i1 to i32
        %sign3A_1111 = arith.constant 0 : i32
        %sign3A_1112 = arith.cmpi slt, %jit3A_1099, %sign3A_1111 : i32
        %sign3A_1113 = arith.extui %sign3A_1112 : i1 to i32
        %sign3A_1114 = arith.subi %sign3A_1110, %sign3A_1113 : i32
        %ne3A_1115 = arith.cmpi ne, %sign3A_1107, %sign3A_1114 : i32
        %rem3A_1116 = arith.remsi %add3A_1098, %jit3A_1099 : i32
        %ne3A_1117 = arith.constant 0 : i32
        %ne3A_1118 = arith.cmpi ne, %rem3A_1116, %ne3A_1117 : i32
        %and3A_1119 = arith.andi %ne3A_1115, %ne3A_1118 : i1
        %sub3A_1120 = arith.constant 1 : i32
        %sub3A_1121 = arith.subi %div3A_1100, %sub3A_1120 : i32
        %select_n3A_1122 = arith.select %and3A_1119, %sub3A_1121, %div3A_1100 : i32
        %jit3A_1123 = arith.constant 64 : i32
        %eq3A_1124 = arith.constant 0 : i32
        %eq3A_1125 = arith.cmpi eq, %jit3A_1123, %eq3A_1124 : i32
        %jit3A_1126 = arith.constant 1 : i32
        %select_n3A_1127 = arith.select %eq3A_1125, %jit3A_1126, %jit3A_1123 : i32
        %rem3A_1128 = arith.remsi %add3A_1098, %select_n3A_1127 : i32
        %ne3A_1129 = arith.constant 0 : i32
        %ne3A_1130 = arith.cmpi ne, %rem3A_1128, %ne3A_1129 : i32
        %lt3A_1131 = arith.constant 0 : i32
        %lt3A_1132 = arith.cmpi slt, %rem3A_1128, %lt3A_1131 : i32
        %lt3A_1133 = arith.constant 0 : i32
        %lt3A_1134 = arith.cmpi slt, %select_n3A_1127, %lt3A_1133 : i32
        %ne3A_1135 = arith.xori %lt3A_1132, %lt3A_1134 : i1
        %and3A_1136 = arith.andi %ne3A_1135, %ne3A_1130 : i1
        %add3A_1137 = arith.addi %rem3A_1128, %select_n3A_1127 : i32
        %select_n3A_1138 = arith.select %and3A_1136, %add3A_1137, %rem3A_1128 : i32
        %mul3A_1139 = arith.constant 16 : i32
        %mul3A_1140 = arith.muli %select_n3A_1138, %mul3A_1139 : i32
        %get3A_1141 = arith.constant 1 : i32
        %get3A_1142 = arith.index_cast %get3A_1141 : i32 to index
        %get3A_1143 = arith.index_cast %select_n3A_1122 : i32 to index
        %get3A_1144 = arith.index_cast %mul3A_1140 : i32 to index
        %get3A_1145 = tpu.vector_load %arg6[%get3A_1142, %get3A_1143, %get3A_1144] {strides = array<i32>} : memref<3x8x1024xf32, #tpu.memory_space<vmem>>, vector<1x1x16xf32>,
        %get3A_1146 = vector.shape_cast %get3A_1145 : vector<1x1x16xf32> to vector<16xf32>
        %get3A_1147 = arith.constant 1 : i32
        %get3A_1148 = arith.constant 0 : i32
        %get3A_1149 = arith.index_cast %get3A_1147 : i32 to index
        %get3A_1150 = arith.index_cast %get3A_1148 : i32 to index
        %get3A_1151 = arith.index_cast %select_n3A_1122 : i32 to index
        %get3A_1152 = arith.index_cast %mul3A_1140 : i32 to index
        %get3A_1153 = tpu.vector_load %arg5[%get3A_1149, %get3A_1150, %get3A_1151, %get3A_1152] {strides = array<i32>} : memref<3x4x8x1024xf32, #tpu.memory_space<vmem>>, vector<1x1x1x16xf32>,
        %get3A_1154 = vector.shape_cast %get3A_1153 : vector<1x1x1x16xf32> to vector<16xf32>
        %add3A_1155 = arith.addf %get3A_1154, %get3A_1146 : vector<16xf32>
        %swap3A_1156 = arith.constant 1 : i32
        %swap3A_1157 = arith.constant 0 : i32
        %swap3A_1158 = arith.index_cast %swap3A_1156 : i32 to index
        %swap3A_1159 = arith.index_cast %swap3A_1157 : i32 to index
        %swap3A_1160 = arith.index_cast %select_n3A_1122 : i32 to index
        %swap3A_1161 = arith.index_cast %mul3A_1140 : i32 to index
        %swap3A_1162 = tpu.vector_load %arg5[%swap3A_1158, %swap3A_1159, %swap3A_1160, %swap3A_1161] {strides = array<i32>} : memref<3x4x8x1024xf32, #tpu.memory_space<vmem>>, vector<1x1x1x16xf32>,
        %swap3A_1163 = vector.shape_cast %swap3A_1162 : vector<1x1x1x16xf32> to vector<16xf32>
        %swap3A_1164 = vector.shape_cast %add3A_1155 : vector<16xf32> to vector<1x1x1x16xf32>
        tpu.vector_store %arg5[%swap3A_1158, %swap3A_1159, %swap3A_1160, %swap3A_1161], %swap3A_1164 {strides = array<i32>} : memref<3x4x8x1024xf32, #tpu.memory_space<vmem>>, vector<1x1x1x16xf32>,
        %get3A_1165 = arith.constant 1 : i32
        %get3A_1166 = arith.constant 1 : i32
        %get3A_1167 = arith.index_cast %get3A_1165 : i32 to index
        %get3A_1168 = arith.index_cast %get3A_1166 : i32 to index
        %get3A_1169 = arith.index_cast %select_n3A_1122 : i32 to index
        %get3A_1170 = arith.index_cast %mul3A_1140 : i32 to index
        %get3A_1171 = tpu.vector_load %arg5[%get3A_1167, %get3A_1168, %get3A_1169, %get3A_1170] {strides = array<i32>} : memref<3x4x8x1024xf32, #tpu.memory_space<vmem>>, vector<1x1x1x16xf32>,
        %get3A_1172 = vector.shape_cast %get3A_1171 : vector<1x1x1x16xf32> to vector<16xf32>
        %add3A_1173 = arith.addf %get3A_1172, %get3A_1146 : vector<16xf32>
        %swap3A_1174 = arith.constant 1 : i32
        %swap3A_1175 = arith.constant 1 : i32
        %swap3A_1176 = arith.index_cast %swap3A_1174 : i32 to index
        %swap3A_1177 = arith.index_cast %swap3A_1175 : i32 to index
        %swap3A_1178 = arith.index_cast %select_n3A_1122 : i32 to index
        %swap3A_1179 = arith.index_cast %mul3A_1140 : i32 to index
        %swap3A_1180 = tpu.vector_load %arg5[%swap3A_1176, %swap3A_1177, %swap3A_1178, %swap3A_1179] {strides = array<i32>} : memref<3x4x8x1024xf32, #tpu.memory_space<vmem>>, vector<1x1x1x16xf32>,
        %swap3A_1181 = vector.shape_cast %swap3A_1180 : vector<1x1x1x16xf32> to vector<16xf32>
        %swap3A_1182 = vector.shape_cast %add3A_1173 : vector<16xf32> to vector<1x1x1x16xf32>
        tpu.vector_store %arg5[%swap3A_1176, %swap3A_1177, %swap3A_1178, %swap3A_1179], %swap3A_1182 {strides = array<i32>} : memref<3x4x8x1024xf32, #tpu.memory_space<vmem>>, vector<1x1x1x16xf32>,
        %get3A_1183 = arith.constant 1 : i32
        %get3A_1184 = arith.constant 2 : i32
        %get3A_1185 = arith.index_cast %get3A_1183 : i32 to index
        %get3A_1186 = arith.index_cast %get3A_1184 : i32 to index
        %get3A_1187 = arith.index_cast %select_n3A_1122 : i32 to index
        %get3A_1188 = arith.index_cast %mul3A_1140 : i32 to index
        %get3A_1189 = tpu.vector_load %arg5[%get3A_1185, %get3A_1186, %get3A_1187, %get3A_1188] {strides = array<i32>} : memref<3x4x8x1024xf32, #tpu.memory_space<vmem>>, vector<1x1x1x16xf32>,
        %get3A_1190 = vector.shape_cast %get3A_1189 : vector<1x1x1x16xf32> to vector<16xf32>
        %add3A_1191 = arith.addf %get3A_1190, %get3A_1146 : vector<16xf32>
        %swap3A_1192 = arith.constant 1 : i32
        %swap3A_1193 = arith.constant 2 : i32
        %swap3A_1194 = arith.index_cast %swap3A_1192 : i32 to index
        %swap3A_1195 = arith.index_cast %swap3A_1193 : i32 to index
        %swap3A_1196 = arith.index_cast %select_n3A_1122 : i32 to index
        %swap3A_1197 = arith.index_cast %mul3A_1140 : i32 to index
        %swap3A_1198 = tpu.vector_load %arg5[%swap3A_1194, %swap3A_1195, %swap3A_1196, %swap3A_1197] {strides = array<i32>} : memref<3x4x8x1024xf32, #tpu.memory_space<vmem>>, vector<1x1x1x16xf32>,
        %swap3A_1199 = vector.shape_cast %swap3A_1198 : vector<1x1x1x16xf32> to vector<16xf32>
        %swap3A_1200 = vector.shape_cast %add3A_1191 : vector<16xf32> to vector<1x1x1x16xf32>
        tpu.vector_store %arg5[%swap3A_1194, %swap3A_1195, %swap3A_1196, %swap3A_1197], %swap3A_1200 {strides = array<i32>} : memref<3x4x8x1024xf32, #tpu.memory_space<vmem>>, vector<1x1x1x16xf32>,
        %get3A_1201 = arith.constant 1 : i32
        %get3A_1202 = arith.constant 3 : i32
        %get3A_1203 = arith.index_cast %get3A_1201 : i32 to index
        %get3A_1204 = arith.index_cast %get3A_1202 : i32 to index
        %get3A_1205 = arith.index_cast %select_n3A_1122 : i32 to index
        %get3A_1206 = arith.index_cast %mul3A_1140 : i32 to index
        %get3A_1207 = tpu.vector_load %arg5[%get3A_1203, %get3A_1204, %get3A_1205, %get3A_1206] {strides = array<i32>} : memref<3x4x8x1024xf32, #tpu.memory_space<vmem>>, vector<1x1x1x16xf32>,
        %get3A_1208 = vector.shape_cast %get3A_1207 : vector<1x1x1x16xf32> to vector<16xf32>
        %add3A_1209 = arith.addf %get3A_1208, %get3A_1146 : vector<16xf32>
        %swap3A_1210 = arith.constant 1 : i32
        %swap3A_1211 = arith.constant 3 : i32
        %swap3A_1212 = arith.index_cast %swap3A_1210 : i32 to index
        %swap3A_1213 = arith.index_cast %swap3A_1211 : i32 to index
        %swap3A_1214 = arith.index_cast %select_n3A_1122 : i32 to index
        %swap3A_1215 = arith.index_cast %mul3A_1140 : i32 to index
        %swap3A_1216 = tpu.vector_load %arg5[%swap3A_1212, %swap3A_1213, %swap3A_1214, %swap3A_1215] {strides = array<i32>} : memref<3x4x8x1024xf32, #tpu.memory_space<vmem>>, vector<1x1x1x16xf32>,
        %swap3A_1217 = vector.shape_cast %swap3A_1216 : vector<1x1x1x16xf32> to vector<16xf32>
        %swap3A_1218 = vector.shape_cast %add3A_1209 : vector<16xf32> to vector<1x1x1x16xf32>
        tpu.vector_store %arg5[%swap3A_1212, %swap3A_1213, %swap3A_1214, %swap3A_1215], %swap3A_1218 {strides = array<i32>} : memref<3x4x8x1024xf32, #tpu.memory_space<vmem>>, vector<1x1x1x16xf32>,
        %mul3A_1219 = arith.constant 8 : i32
        %mul3A_1220 = arith.muli %scan3A_609, %mul3A_1219 : i32
        %add3A_1221 = arith.constant 5 : i32
        %add3A_1222 = arith.addi %mul3A_1220, %add3A_1221 : i32
        %jit3A_1223 = arith.constant 64 : i32
        %div3A_1224 = arith.divsi %add3A_1222, %jit3A_1223 : i32
        %sign3A_1225 = arith.constant 0 : i32
        %sign3A_1226 = arith.cmpi sgt, %add3A_1222, %sign3A_1225 : i32
        %sign3A_1227 = arith.extui %sign3A_1226 : i1 to i32
        %sign3A_1228 = arith.constant 0 : i32
        %sign3A_1229 = arith.cmpi slt, %add3A_1222, %sign3A_1228 : i32
        %sign3A_1230 = arith.extui %sign3A_1229 : i1 to i32
        %sign3A_1231 = arith.subi %sign3A_1227, %sign3A_1230 : i32
        %sign3A_1232 = arith.constant 0 : i32
        %sign3A_1233 = arith.cmpi sgt, %jit3A_1223, %sign3A_1232 : i32
        %sign3A_1234 = arith.extui %sign3A_1233 : i1 to i32
        %sign3A_1235 = arith.constant 0 : i32
        %sign3A_1236 = arith.cmpi slt, %jit3A_1223, %sign3A_1235 : i32
        %sign3A_1237 = arith.extui %sign3A_1236 : i1 to i32
        %sign3A_1238 = arith.subi %sign3A_1234, %sign3A_1237 : i32
        %ne3A_1239 = arith.cmpi ne, %sign3A_1231, %sign3A_1238 : i32
        %rem3A_1240 = arith.remsi %add3A_1222, %jit3A_1223 : i32
        %ne3A_1241 = arith.constant 0 : i32
        %ne3A_1242 = arith.cmpi ne, %rem3A_1240, %ne3A_1241 : i32
        %and3A_1243 = arith.andi %ne3A_1239, %ne3A_1242 : i1
        %sub3A_1244 = arith.constant 1 : i32
        %sub3A_1245 = arith.subi %div3A_1224, %sub3A_1244 : i32
        %select_n3A_1246 = arith.select %and3A_1243, %sub3A_1245, %div3A_1224 : i32
        %jit3A_1247 = arith.constant 64 : i32
        %eq3A_1248 = arith.constant 0 : i32
        %eq3A_1249 = arith.cmpi eq, %jit3A_1247, %eq3A_1248 : i32
        %jit3A_1250 = arith.constant 1 : i32
        %select_n3A_1251 = arith.select %eq3A_1249, %jit3A_1250, %jit3A_1247 : i32
        %rem3A_1252 = arith.remsi %add3A_1222, %select_n3A_1251 : i32
        %ne3A_1253 = arith.constant 0 : i32
        %ne3A_1254 = arith.cmpi ne, %rem3A_1252, %ne3A_1253 : i32
        %lt3A_1255 = arith.constant 0 : i32
        %lt3A_1256 = arith.cmpi slt, %rem3A_1252, %lt3A_1255 : i32
        %lt3A_1257 = arith.constant 0 : i32
        %lt3A_1258 = arith.cmpi slt, %select_n3A_1251, %lt3A_1257 : i32
        %ne3A_1259 = arith.xori %lt3A_1256, %lt3A_1258 : i1
        %and3A_1260 = arith.andi %ne3A_1259, %ne3A_1254 : i1
        %add3A_1261 = arith.addi %rem3A_1252, %select_n3A_1251 : i32
        %select_n3A_1262 = arith.select %and3A_1260, %add3A_1261, %rem3A_1252 : i32
        %mul3A_1263 = arith.constant 16 : i32
        %mul3A_1264 = arith.muli %select_n3A_1262, %mul3A_1263 : i32
        %get3A_1265 = arith.constant 1 : i32
        %get3A_1266 = arith.index_cast %get3A_1265 : i32 to index
        %get3A_1267 = arith.index_cast %select_n3A_1246 : i32 to index
        %get3A_1268 = arith.index_cast %mul3A_1264 : i32 to index
        %get3A_1269 = tpu.vector_load %arg6[%get3A_1266, %get3A_1267, %get3A_1268] {strides = array<i32>} : memref<3x8x1024xf32, #tpu.memory_space<vmem>>, vector<1x1x16xf32>,
        %get3A_1270 = vector.shape_cast %get3A_1269 : vector<1x1x16xf32> to vector<16xf32>
        %get3A_1271 = arith.constant 1 : i32
        %get3A_1272 = arith.constant 0 : i32
        %get3A_1273 = arith.index_cast %get3A_1271 : i32 to index
        %get3A_1274 = arith.index_cast %get3A_1272 : i32 to index
        %get3A_1275 = arith.index_cast %select_n3A_1246 : i32 to index
        %get3A_1276 = arith.index_cast %mul3A_1264 : i32 to index
        %get3A_1277 = tpu.vector_load %arg5[%get3A_1273, %get3A_1274, %get3A_1275, %get3A_1276] {strides = array<i32>} : memref<3x4x8x1024xf32, #tpu.memory_space<vmem>>, vector<1x1x1x16xf32>,
        %get3A_1278 = vector.shape_cast %get3A_1277 : vector<1x1x1x16xf32> to vector<16xf32>
        %add3A_1279 = arith.addf %get3A_1278, %get3A_1270 : vector<16xf32>
        %swap3A_1280 = arith.constant 1 : i32
        %swap3A_1281 = arith.constant 0 : i32
        %swap3A_1282 = arith.index_cast %swap3A_1280 : i32 to index
        %swap3A_1283 = arith.index_cast %swap3A_1281 : i32 to index
        %swap3A_1284 = arith.index_cast %select_n3A_1246 : i32 to index
        %swap3A_1285 = arith.index_cast %mul3A_1264 : i32 to index
        %swap3A_1286 = tpu.vector_load %arg5[%swap3A_1282, %swap3A_1283, %swap3A_1284, %swap3A_1285] {strides = array<i32>} : memref<3x4x8x1024xf32, #tpu.memory_space<vmem>>, vector<1x1x1x16xf32>,
        %swap3A_1287 = vector.shape_cast %swap3A_1286 : vector<1x1x1x16xf32> to vector<16xf32>
        %swap3A_1288 = vector.shape_cast %add3A_1279 : vector<16xf32> to vector<1x1x1x16xf32>
        tpu.vector_store %arg5[%swap3A_1282, %swap3A_1283, %swap3A_1284, %swap3A_1285], %swap3A_1288 {strides = array<i32>} : memref<3x4x8x1024xf32, #tpu.memory_space<vmem>>, vector<1x1x1x16xf32>,
        %get3A_1289 = arith.constant 1 : i32
        %get3A_1290 = arith.constant 1 : i32
        %get3A_1291 = arith.index_cast %get3A_1289 : i32 to index
        %get3A_1292 = arith.index_cast %get3A_1290 : i32 to index
        %get3A_1293 = arith.index_cast %select_n3A_1246 : i32 to index
        %get3A_1294 = arith.index_cast %mul3A_1264 : i32 to index
        %get3A_1295 = tpu.vector_load %arg5[%get3A_1291, %get3A_1292, %get3A_1293, %get3A_1294] {strides = array<i32>} : memref<3x4x8x1024xf32, #tpu.memory_space<vmem>>, vector<1x1x1x16xf32>,
        %get3A_1296 = vector.shape_cast %get3A_1295 : vector<1x1x1x16xf32> to vector<16xf32>
        %add3A_1297 = arith.addf %get3A_1296, %get3A_1270 : vector<16xf32>
        %swap3A_1298 = arith.constant 1 : i32
        %swap3A_1299 = arith.constant 1 : i32
        %swap3A_1300 = arith.index_cast %swap3A_1298 : i32 to index
        %swap3A_1301 = arith.index_cast %swap3A_1299 : i32 to index
        %swap3A_1302 = arith.index_cast %select_n3A_1246 : i32 to index
        %swap3A_1303 = arith.index_cast %mul3A_1264 : i32 to index
        %swap3A_1304 = tpu.vector_load %arg5[%swap3A_1300, %swap3A_1301, %swap3A_1302, %swap3A_1303] {strides = array<i32>} : memref<3x4x8x1024xf32, #tpu.memory_space<vmem>>, vector<1x1x1x16xf32>,
        %swap3A_1305 = vector.shape_cast %swap3A_1304 : vector<1x1x1x16xf32> to vector<16xf32>
        %swap3A_1306 = vector.shape_cast %add3A_1297 : vector<16xf32> to vector<1x1x1x16xf32>
        tpu.vector_store %arg5[%swap3A_1300, %swap3A_1301, %swap3A_1302, %swap3A_1303], %swap3A_1306 {strides = array<i32>} : memref<3x4x8x1024xf32, #tpu.memory_space<vmem>>, vector<1x1x1x16xf32>,
        %get3A_1307 = arith.constant 1 : i32
        %get3A_1308 = arith.constant 2 : i32
        %get3A_1309 = arith.index_cast %get3A_1307 : i32 to index
        %get3A_1310 = arith.index_cast %get3A_1308 : i32 to index
        %get3A_1311 = arith.index_cast %select_n3A_1246 : i32 to index
        %get3A_1312 = arith.index_cast %mul3A_1264 : i32 to index
        %get3A_1313 = tpu.vector_load %arg5[%get3A_1309, %get3A_1310, %get3A_1311, %get3A_1312] {strides = array<i32>} : memref<3x4x8x1024xf32, #tpu.memory_space<vmem>>, vector<1x1x1x16xf32>,
        %get3A_1314 = vector.shape_cast %get3A_1313 : vector<1x1x1x16xf32> to vector<16xf32>
        %add3A_1315 = arith.addf %get3A_1314, %get3A_1270 : vector<16xf32>
        %swap3A_1316 = arith.constant 1 : i32
        %swap3A_1317 = arith.constant 2 : i32
        %swap3A_1318 = arith.index_cast %swap3A_1316 : i32 to index
        %swap3A_1319 = arith.index_cast %swap3A_1317 : i32 to index
        %swap3A_1320 = arith.index_cast %select_n3A_1246 : i32 to index
        %swap3A_1321 = arith.index_cast %mul3A_1264 : i32 to index
        %swap3A_1322 = tpu.vector_load %arg5[%swap3A_1318, %swap3A_1319, %swap3A_1320, %swap3A_1321] {strides = array<i32>} : memref<3x4x8x1024xf32, #tpu.memory_space<vmem>>, vector<1x1x1x16xf32>,
        %swap3A_1323 = vector.shape_cast %swap3A_1322 : vector<1x1x1x16xf32> to vector<16xf32>
        %swap3A_1324 = vector.shape_cast %add3A_1315 : vector<16xf32> to vector<1x1x1x16xf32>
        tpu.vector_store %arg5[%swap3A_1318, %swap3A_1319, %swap3A_1320, %swap3A_1321], %swap3A_1324 {strides = array<i32>} : memref<3x4x8x1024xf32, #tpu.memory_space<vmem>>, vector<1x1x1x16xf32>,
        %get3A_1325 = arith.constant 1 : i32
        %get3A_1326 = arith.constant 3 : i32
        %get3A_1327 = arith.index_cast %get3A_1325 : i32 to index
        %get3A_1328 = arith.index_cast %get3A_1326 : i32 to index
        %get3A_1329 = arith.index_cast %select_n3A_1246 : i32 to index
        %get3A_1330 = arith.index_cast %mul3A_1264 : i32 to index
        %get3A_1331 = tpu.vector_load %arg5[%get3A_1327, %get3A_1328, %get3A_1329, %get3A_1330] {strides = array<i32>} : memref<3x4x8x1024xf32, #tpu.memory_space<vmem>>, vector<1x1x1x16xf32>,
        %get3A_1332 = vector.shape_cast %get3A_1331 : vector<1x1x1x16xf32> to vector<16xf32>
        %add3A_1333 = arith.addf %get3A_1332, %get3A_1270 : vector<16xf32>
        %swap3A_1334 = arith.constant 1 : i32
        %swap3A_1335 = arith.constant 3 : i32
        %swap3A_1336 = arith.index_cast %swap3A_1334 : i32 to index
        %swap3A_1337 = arith.index_cast %swap3A_1335 : i32 to index
        %swap3A_1338 = arith.index_cast %select_n3A_1246 : i32 to index
        %swap3A_1339 = arith.index_cast %mul3A_1264 : i32 to index
        %swap3A_1340 = tpu.vector_load %arg5[%swap3A_1336, %swap3A_1337, %swap3A_1338, %swap3A_1339] {strides = array<i32>} : memref<3x4x8x1024xf32, #tpu.memory_space<vmem>>, vector<1x1x1x16xf32>,
        %swap3A_1341 = vector.shape_cast %swap3A_1340 : vector<1x1x1x16xf32> to vector<16xf32>
        %swap3A_1342 = vector.shape_cast %add3A_1333 : vector<16xf32> to vector<1x1x1x16xf32>
        tpu.vector_store %arg5[%swap3A_1336, %swap3A_1337, %swap3A_1338, %swap3A_1339], %swap3A_1342 {strides = array<i32>} : memref<3x4x8x1024xf32, #tpu.memory_space<vmem>>, vector<1x1x1x16xf32>,
        %mul3A_1343 = arith.constant 8 : i32
        %mul3A_1344 = arith.muli %scan3A_609, %mul3A_1343 : i32
        %add3A_1345 = arith.constant 6 : i32
        %add3A_1346 = arith.addi %mul3A_1344, %add3A_1345 : i32
        %jit3A_1347 = arith.constant 64 : i32
        %div3A_1348 = arith.divsi %add3A_1346, %jit3A_1347 : i32
        %sign3A_1349 = arith.constant 0 : i32
        %sign3A_1350 = arith.cmpi sgt, %add3A_1346, %sign3A_1349 : i32
        %sign3A_1351 = arith.extui %sign3A_1350 : i1 to i32
        %sign3A_1352 = arith.constant 0 : i32
        %sign3A_1353 = arith.cmpi slt, %add3A_1346, %sign3A_1352 : i32
        %sign3A_1354 = arith.extui %sign3A_1353 : i1 to i32
        %sign3A_1355 = arith.subi %sign3A_1351, %sign3A_1354 : i32
        %sign3A_1356 = arith.constant 0 : i32
        %sign3A_1357 = arith.cmpi sgt, %jit3A_1347, %sign3A_1356 : i32
        %sign3A_1358 = arith.extui %sign3A_1357 : i1 to i32
        %sign3A_1359 = arith.constant 0 : i32
        %sign3A_1360 = arith.cmpi slt, %jit3A_1347, %sign3A_1359 : i32
        %sign3A_1361 = arith.extui %sign3A_1360 : i1 to i32
        %sign3A_1362 = arith.subi %sign3A_1358, %sign3A_1361 : i32
        %ne3A_1363 = arith.cmpi ne, %sign3A_1355, %sign3A_1362 : i32
        %rem3A_1364 = arith.remsi %add3A_1346, %jit3A_1347 : i32
        %ne3A_1365 = arith.constant 0 : i32
        %ne3A_1366 = arith.cmpi ne, %rem3A_1364, %ne3A_1365 : i32
        %and3A_1367 = arith.andi %ne3A_1363, %ne3A_1366 : i1
        %sub3A_1368 = arith.constant 1 : i32
        %sub3A_1369 = arith.subi %div3A_1348, %sub3A_1368 : i32
        %select_n3A_1370 = arith.select %and3A_1367, %sub3A_1369, %div3A_1348 : i32
        %jit3A_1371 = arith.constant 64 : i32
        %eq3A_1372 = arith.constant 0 : i32
        %eq3A_1373 = arith.cmpi eq, %jit3A_1371, %eq3A_1372 : i32
        %jit3A_1374 = arith.constant 1 : i32
        %select_n3A_1375 = arith.select %eq3A_1373, %jit3A_1374, %jit3A_1371 : i32
        %rem3A_1376 = arith.remsi %add3A_1346, %select_n3A_1375 : i32
        %ne3A_1377 = arith.constant 0 : i32
        %ne3A_1378 = arith.cmpi ne, %rem3A_1376, %ne3A_1377 : i32
        %lt3A_1379 = arith.constant 0 : i32
        %lt3A_1380 = arith.cmpi slt, %rem3A_1376, %lt3A_1379 : i32
        %lt3A_1381 = arith.constant 0 : i32
        %lt3A_1382 = arith.cmpi slt, %select_n3A_1375, %lt3A_1381 : i32
        %ne3A_1383 = arith.xori %lt3A_1380, %lt3A_1382 : i1
        %and3A_1384 = arith.andi %ne3A_1383, %ne3A_1378 : i1
        %add3A_1385 = arith.addi %rem3A_1376, %select_n3A_1375 : i32
        %select_n3A_1386 = arith.select %and3A_1384, %add3A_1385, %rem3A_1376 : i32
        %mul3A_1387 = arith.constant 16 : i32
        %mul3A_1388 = arith.muli %select_n3A_1386, %mul3A_1387 : i32
        %get3A_1389 = arith.constant 1 : i32
        %get3A_1390 = arith.index_cast %get3A_1389 : i32 to index
        %get3A_1391 = arith.index_cast %select_n3A_1370 : i32 to index
        %get3A_1392 = arith.index_cast %mul3A_1388 : i32 to index
        %get3A_1393 = tpu.vector_load %arg6[%get3A_1390, %get3A_1391, %get3A_1392] {strides = array<i32>} : memref<3x8x1024xf32, #tpu.memory_space<vmem>>, vector<1x1x16xf32>,
        %get3A_1394 = vector.shape_cast %get3A_1393 : vector<1x1x16xf32> to vector<16xf32>
        %get3A_1395 = arith.constant 1 : i32
        %get3A_1396 = arith.constant 0 : i32
        %get3A_1397 = arith.index_cast %get3A_1395 : i32 to index
        %get3A_1398 = arith.index_cast %get3A_1396 : i32 to index
        %get3A_1399 = arith.index_cast %select_n3A_1370 : i32 to index
        %get3A_1400 = arith.index_cast %mul3A_1388 : i32 to index
        %get3A_1401 = tpu.vector_load %arg5[%get3A_1397, %get3A_1398, %get3A_1399, %get3A_1400] {strides = array<i32>} : memref<3x4x8x1024xf32, #tpu.memory_space<vmem>>, vector<1x1x1x16xf32>,
        %get3A_1402 = vector.shape_cast %get3A_1401 : vector<1x1x1x16xf32> to vector<16xf32>
        %add3A_1403 = arith.addf %get3A_1402, %get3A_1394 : vector<16xf32>
        %swap3A_1404 = arith.constant 1 : i32
        %swap3A_1405 = arith.constant 0 : i32
        %swap3A_1406 = arith.index_cast %swap3A_1404 : i32 to index
        %swap3A_1407 = arith.index_cast %swap3A_1405 : i32 to index
        %swap3A_1408 = arith.index_cast %select_n3A_1370 : i32 to index
        %swap3A_1409 = arith.index_cast %mul3A_1388 : i32 to index
        %swap3A_1410 = tpu.vector_load %arg5[%swap3A_1406, %swap3A_1407, %swap3A_1408, %swap3A_1409] {strides = array<i32>} : memref<3x4x8x1024xf32, #tpu.memory_space<vmem>>, vector<1x1x1x16xf32>,
        %swap3A_1411 = vector.shape_cast %swap3A_1410 : vector<1x1x1x16xf32> to vector<16xf32>
        %swap3A_1412 = vector.shape_cast %add3A_1403 : vector<16xf32> to vector<1x1x1x16xf32>
        tpu.vector_store %arg5[%swap3A_1406, %swap3A_1407, %swap3A_1408, %swap3A_1409], %swap3A_1412 {strides = array<i32>} : memref<3x4x8x1024xf32, #tpu.memory_space<vmem>>, vector<1x1x1x16xf32>,
        %get3A_1413 = arith.constant 1 : i32
        %get3A_1414 = arith.constant 1 : i32
        %get3A_1415 = arith.index_cast %get3A_1413 : i32 to index
        %get3A_1416 = arith.index_cast %get3A_1414 : i32 to index
        %get3A_1417 = arith.index_cast %select_n3A_1370 : i32 to index
        %get3A_1418 = arith.index_cast %mul3A_1388 : i32 to index
        %get3A_1419 = tpu.vector_load %arg5[%get3A_1415, %get3A_1416, %get3A_1417, %get3A_1418] {strides = array<i32>} : memref<3x4x8x1024xf32, #tpu.memory_space<vmem>>, vector<1x1x1x16xf32>,
        %get3A_1420 = vector.shape_cast %get3A_1419 : vector<1x1x1x16xf32> to vector<16xf32>
        %add3A_1421 = arith.addf %get3A_1420, %get3A_1394 : vector<16xf32>
        %swap3A_1422 = arith.constant 1 : i32
        %swap3A_1423 = arith.constant 1 : i32
        %swap3A_1424 = arith.index_cast %swap3A_1422 : i32 to index
        %swap3A_1425 = arith.index_cast %swap3A_1423 : i32 to index
        %swap3A_1426 = arith.index_cast %select_n3A_1370 : i32 to index
        %swap3A_1427 = arith.index_cast %mul3A_1388 : i32 to index
        %swap3A_1428 = tpu.vector_load %arg5[%swap3A_1424, %swap3A_1425, %swap3A_1426, %swap3A_1427] {strides = array<i32>} : memref<3x4x8x1024xf32, #tpu.memory_space<vmem>>, vector<1x1x1x16xf32>,
        %swap3A_1429 = vector.shape_cast %swap3A_1428 : vector<1x1x1x16xf32> to vector<16xf32>
        %swap3A_1430 = vector.shape_cast %add3A_1421 : vector<16xf32> to vector<1x1x1x16xf32>
        tpu.vector_store %arg5[%swap3A_1424, %swap3A_1425, %swap3A_1426, %swap3A_1427], %swap3A_1430 {strides = array<i32>} : memref<3x4x8x1024xf32, #tpu.memory_space<vmem>>, vector<1x1x1x16xf32>,
        %get3A_1431 = arith.constant 1 : i32
        %get3A_1432 = arith.constant 2 : i32
        %get3A_1433 = arith.index_cast %get3A_1431 : i32 to index
        %get3A_1434 = arith.index_cast %get3A_1432 : i32 to index
        %get3A_1435 = arith.index_cast %select_n3A_1370 : i32 to index
        %get3A_1436 = arith.index_cast %mul3A_1388 : i32 to index
        %get3A_1437 = tpu.vector_load %arg5[%get3A_1433, %get3A_1434, %get3A_1435, %get3A_1436] {strides = array<i32>} : memref<3x4x8x1024xf32, #tpu.memory_space<vmem>>, vector<1x1x1x16xf32>,
        %get3A_1438 = vector.shape_cast %get3A_1437 : vector<1x1x1x16xf32> to vector<16xf32>
        %add3A_1439 = arith.addf %get3A_1438, %get3A_1394 : vector<16xf32>
        %swap3A_1440 = arith.constant 1 : i32
        %swap3A_1441 = arith.constant 2 : i32
        %swap3A_1442 = arith.index_cast %swap3A_1440 : i32 to index
        %swap3A_1443 = arith.index_cast %swap3A_1441 : i32 to index
        %swap3A_1444 = arith.index_cast %select_n3A_1370 : i32 to index
        %swap3A_1445 = arith.index_cast %mul3A_1388 : i32 to index
        %swap3A_1446 = tpu.vector_load %arg5[%swap3A_1442, %swap3A_1443, %swap3A_1444, %swap3A_1445] {strides = array<i32>} : memref<3x4x8x1024xf32, #tpu.memory_space<vmem>>, vector<1x1x1x16xf32>,
        %swap3A_1447 = vector.shape_cast %swap3A_1446 : vector<1x1x1x16xf32> to vector<16xf32>
        %swap3A_1448 = vector.shape_cast %add3A_1439 : vector<16xf32> to vector<1x1x1x16xf32>
        tpu.vector_store %arg5[%swap3A_1442, %swap3A_1443, %swap3A_1444, %swap3A_1445], %swap3A_1448 {strides = array<i32>} : memref<3x4x8x1024xf32, #tpu.memory_space<vmem>>, vector<1x1x1x16xf32>,
        %get3A_1449 = arith.constant 1 : i32
        %get3A_1450 = arith.constant 3 : i32
        %get3A_1451 = arith.index_cast %get3A_1449 : i32 to index
        %get3A_1452 = arith.index_cast %get3A_1450 : i32 to index
        %get3A_1453 = arith.index_cast %select_n3A_1370 : i32 to index
        %get3A_1454 = arith.index_cast %mul3A_1388 : i32 to index
        %get3A_1455 = tpu.vector_load %arg5[%get3A_1451, %get3A_1452, %get3A_1453, %get3A_1454] {strides = array<i32>} : memref<3x4x8x1024xf32, #tpu.memory_space<vmem>>, vector<1x1x1x16xf32>,
        %get3A_1456 = vector.shape_cast %get3A_1455 : vector<1x1x1x16xf32> to vector<16xf32>
        %add3A_1457 = arith.addf %get3A_1456, %get3A_1394 : vector<16xf32>
        %swap3A_1458 = arith.constant 1 : i32
        %swap3A_1459 = arith.constant 3 : i32
        %swap3A_1460 = arith.index_cast %swap3A_1458 : i32 to index
        %swap3A_1461 = arith.index_cast %swap3A_1459 : i32 to index
        %swap3A_1462 = arith.index_cast %select_n3A_1370 : i32 to index
        %swap3A_1463 = arith.index_cast %mul3A_1388 : i32 to index
        %swap3A_1464 = tpu.vector_load %arg5[%swap3A_1460, %swap3A_1461, %swap3A_1462, %swap3A_1463] {strides = array<i32>} : memref<3x4x8x1024xf32, #tpu.memory_space<vmem>>, vector<1x1x1x16xf32>,
        %swap3A_1465 = vector.shape_cast %swap3A_1464 : vector<1x1x1x16xf32> to vector<16xf32>
        %swap3A_1466 = vector.shape_cast %add3A_1457 : vector<16xf32> to vector<1x1x1x16xf32>
        tpu.vector_store %arg5[%swap3A_1460, %swap3A_1461, %swap3A_1462, %swap3A_1463], %swap3A_1466 {strides = array<i32>} : memref<3x4x8x1024xf32, #tpu.memory_space<vmem>>, vector<1x1x1x16xf32>,
        %mul3A_1467 = arith.constant 8 : i32
        %mul3A_1468 = arith.muli %scan3A_609, %mul3A_1467 : i32
        %add3A_1469 = arith.constant 7 : i32
        %add3A_1470 = arith.addi %mul3A_1468, %add3A_1469 : i32
        %jit3A_1471 = arith.constant 64 : i32
        %div3A_1472 = arith.divsi %add3A_1470, %jit3A_1471 : i32
        %sign3A_1473 = arith.constant 0 : i32
        %sign3A_1474 = arith.cmpi sgt, %add3A_1470, %sign3A_1473 : i32
        %sign3A_1475 = arith.extui %sign3A_1474 : i1 to i32
        %sign3A_1476 = arith.constant 0 : i32
        %sign3A_1477 = arith.cmpi slt, %add3A_1470, %sign3A_1476 : i32
        %sign3A_1478 = arith.extui %sign3A_1477 : i1 to i32
        %sign3A_1479 = arith.subi %sign3A_1475, %sign3A_1478 : i32
        %sign3A_1480 = arith.constant 0 : i32
        %sign3A_1481 = arith.cmpi sgt, %jit3A_1471, %sign3A_1480 : i32
        %sign3A_1482 = arith.extui %sign3A_1481 : i1 to i32
        %sign3A_1483 = arith.constant 0 : i32
        %sign3A_1484 = arith.cmpi slt, %jit3A_1471, %sign3A_1483 : i32
        %sign3A_1485 = arith.extui %sign3A_1484 : i1 to i32
        %sign3A_1486 = arith.subi %sign3A_1482, %sign3A_1485 : i32
        %ne3A_1487 = arith.cmpi ne, %sign3A_1479, %sign3A_1486 : i32
        %rem3A_1488 = arith.remsi %add3A_1470, %jit3A_1471 : i32
        %ne3A_1489 = arith.constant 0 : i32
        %ne3A_1490 = arith.cmpi ne, %rem3A_1488, %ne3A_1489 : i32
        %and3A_1491 = arith.andi %ne3A_1487, %ne3A_1490 : i1
        %sub3A_1492 = arith.constant 1 : i32
        %sub3A_1493 = arith.subi %div3A_1472, %sub3A_1492 : i32
        %select_n3A_1494 = arith.select %and3A_1491, %sub3A_1493, %div3A_1472 : i32
        %jit3A_1495 = arith.constant 64 : i32
        %eq3A_1496 = arith.constant 0 : i32
        %eq3A_1497 = arith.cmpi eq, %jit3A_1495, %eq3A_1496 : i32
        %jit3A_1498 = arith.constant 1 : i32
        %select_n3A_1499 = arith.select %eq3A_1497, %jit3A_1498, %jit3A_1495 : i32
        %rem3A_1500 = arith.remsi %add3A_1470, %select_n3A_1499 : i32
        %ne3A_1501 = arith.constant 0 : i32
        %ne3A_1502 = arith.cmpi ne, %rem3A_1500, %ne3A_1501 : i32
        %lt3A_1503 = arith.constant 0 : i32
        %lt3A_1504 = arith.cmpi slt, %rem3A_1500, %lt3A_1503 : i32
        %lt3A_1505 = arith.constant 0 : i32
        %lt3A_1506 = arith.cmpi slt, %select_n3A_1499, %lt3A_1505 : i32
        %ne3A_1507 = arith.xori %lt3A_1504, %lt3A_1506 : i1
        %and3A_1508 = arith.andi %ne3A_1507, %ne3A_1502 : i1
        %add3A_1509 = arith.addi %rem3A_1500, %select_n3A_1499 : i32
        %select_n3A_1510 = arith.select %and3A_1508, %add3A_1509, %rem3A_1500 : i32
        %mul3A_1511 = arith.constant 16 : i32
        %mul3A_1512 = arith.muli %select_n3A_1510, %mul3A_1511 : i32
        %get3A_1513 = arith.constant 1 : i32
        %get3A_1514 = arith.index_cast %get3A_1513 : i32 to index
        %get3A_1515 = arith.index_cast %select_n3A_1494 : i32 to index
        %get3A_1516 = arith.index_cast %mul3A_1512 : i32 to index
        %get3A_1517 = tpu.vector_load %arg6[%get3A_1514, %get3A_1515, %get3A_1516] {strides = array<i32>} : memref<3x8x1024xf32, #tpu.memory_space<vmem>>, vector<1x1x16xf32>,
        %get3A_1518 = vector.shape_cast %get3A_1517 : vector<1x1x16xf32> to vector<16xf32>
        %get3A_1519 = arith.constant 1 : i32
        %get3A_1520 = arith.constant 0 : i32
        %get3A_1521 = arith.index_cast %get3A_1519 : i32 to index
        %get3A_1522 = arith.index_cast %get3A_1520 : i32 to index
        %get3A_1523 = arith.index_cast %select_n3A_1494 : i32 to index
        %get3A_1524 = arith.index_cast %mul3A_1512 : i32 to index
        %get3A_1525 = tpu.vector_load %arg5[%get3A_1521, %get3A_1522, %get3A_1523, %get3A_1524] {strides = array<i32>} : memref<3x4x8x1024xf32, #tpu.memory_space<vmem>>, vector<1x1x1x16xf32>,
        %get3A_1526 = vector.shape_cast %get3A_1525 : vector<1x1x1x16xf32> to vector<16xf32>
        %add3A_1527 = arith.addf %get3A_1526, %get3A_1518 : vector<16xf32>
        %swap3A_1528 = arith.constant 1 : i32
        %swap3A_1529 = arith.constant 0 : i32
        %swap3A_1530 = arith.index_cast %swap3A_1528 : i32 to index
        %swap3A_1531 = arith.index_cast %swap3A_1529 : i32 to index
        %swap3A_1532 = arith.index_cast %select_n3A_1494 : i32 to index
        %swap3A_1533 = arith.index_cast %mul3A_1512 : i32 to index
        %swap3A_1534 = tpu.vector_load %arg5[%swap3A_1530, %swap3A_1531, %swap3A_1532, %swap3A_1533] {strides = array<i32>} : memref<3x4x8x1024xf32, #tpu.memory_space<vmem>>, vector<1x1x1x16xf32>,
        %swap3A_1535 = vector.shape_cast %swap3A_1534 : vector<1x1x1x16xf32> to vector<16xf32>
        %swap3A_1536 = vector.shape_cast %add3A_1527 : vector<16xf32> to vector<1x1x1x16xf32>
        tpu.vector_store %arg5[%swap3A_1530, %swap3A_1531, %swap3A_1532, %swap3A_1533], %swap3A_1536 {strides = array<i32>} : memref<3x4x8x1024xf32, #tpu.memory_space<vmem>>, vector<1x1x1x16xf32>,
        %get3A_1537 = arith.constant 1 : i32
        %get3A_1538 = arith.constant 1 : i32
        %get3A_1539 = arith.index_cast %get3A_1537 : i32 to index
        %get3A_1540 = arith.index_cast %get3A_1538 : i32 to index
        %get3A_1541 = arith.index_cast %select_n3A_1494 : i32 to index
        %get3A_1542 = arith.index_cast %mul3A_1512 : i32 to index
        %get3A_1543 = tpu.vector_load %arg5[%get3A_1539, %get3A_1540, %get3A_1541, %get3A_1542] {strides = array<i32>} : memref<3x4x8x1024xf32, #tpu.memory_space<vmem>>, vector<1x1x1x16xf32>,
        %get3A_1544 = vector.shape_cast %get3A_1543 : vector<1x1x1x16xf32> to vector<16xf32>
        %add3A_1545 = arith.addf %get3A_1544, %get3A_1518 : vector<16xf32>
        %swap3A_1546 = arith.constant 1 : i32
        %swap3A_1547 = arith.constant 1 : i32
        %swap3A_1548 = arith.index_cast %swap3A_1546 : i32 to index
        %swap3A_1549 = arith.index_cast %swap3A_1547 : i32 to index
        %swap3A_1550 = arith.index_cast %select_n3A_1494 : i32 to index
        %swap3A_1551 = arith.index_cast %mul3A_1512 : i32 to index
        %swap3A_1552 = tpu.vector_load %arg5[%swap3A_1548, %swap3A_1549, %swap3A_1550, %swap3A_1551] {strides = array<i32>} : memref<3x4x8x1024xf32, #tpu.memory_space<vmem>>, vector<1x1x1x16xf32>,
        %swap3A_1553 = vector.shape_cast %swap3A_1552 : vector<1x1x1x16xf32> to vector<16xf32>
        %swap3A_1554 = vector.shape_cast %add3A_1545 : vector<16xf32> to vector<1x1x1x16xf32>
        tpu.vector_store %arg5[%swap3A_1548, %swap3A_1549, %swap3A_1550, %swap3A_1551], %swap3A_1554 {strides = array<i32>} : memref<3x4x8x1024xf32, #tpu.memory_space<vmem>>, vector<1x1x1x16xf32>,
        %get3A_1555 = arith.constant 1 : i32
        %get3A_1556 = arith.constant 2 : i32
        %get3A_1557 = arith.index_cast %get3A_1555 : i32 to index
        %get3A_1558 = arith.index_cast %get3A_1556 : i32 to index
        %get3A_1559 = arith.index_cast %select_n3A_1494 : i32 to index
        %get3A_1560 = arith.index_cast %mul3A_1512 : i32 to index
        %get3A_1561 = tpu.vector_load %arg5[%get3A_1557, %get3A_1558, %get3A_1559, %get3A_1560] {strides = array<i32>} : memref<3x4x8x1024xf32, #tpu.memory_space<vmem>>, vector<1x1x1x16xf32>,
        %get3A_1562 = vector.shape_cast %get3A_1561 : vector<1x1x1x16xf32> to vector<16xf32>
        %add3A_1563 = arith.addf %get3A_1562, %get3A_1518 : vector<16xf32>
        %swap3A_1564 = arith.constant 1 : i32
        %swap3A_1565 = arith.constant 2 : i32
        %swap3A_1566 = arith.index_cast %swap3A_1564 : i32 to index
        %swap3A_1567 = arith.index_cast %swap3A_1565 : i32 to index
        %swap3A_1568 = arith.index_cast %select_n3A_1494 : i32 to index
        %swap3A_1569 = arith.index_cast %mul3A_1512 : i32 to index
        %swap3A_1570 = tpu.vector_load %arg5[%swap3A_1566, %swap3A_1567, %swap3A_1568, %swap3A_1569] {strides = array<i32>} : memref<3x4x8x1024xf32, #tpu.memory_space<vmem>>, vector<1x1x1x16xf32>,
        %swap3A_1571 = vector.shape_cast %swap3A_1570 : vector<1x1x1x16xf32> to vector<16xf32>
        %swap3A_1572 = vector.shape_cast %add3A_1563 : vector<16xf32> to vector<1x1x1x16xf32>
        tpu.vector_store %arg5[%swap3A_1566, %swap3A_1567, %swap3A_1568, %swap3A_1569], %swap3A_1572 {strides = array<i32>} : memref<3x4x8x1024xf32, #tpu.memory_space<vmem>>, vector<1x1x1x16xf32>,
        %get3A_1573 = arith.constant 1 : i32
        %get3A_1574 = arith.constant 3 : i32
        %get3A_1575 = arith.index_cast %get3A_1573 : i32 to index
        %get3A_1576 = arith.index_cast %get3A_1574 : i32 to index
        %get3A_1577 = arith.index_cast %select_n3A_1494 : i32 to index
        %get3A_1578 = arith.index_cast %mul3A_1512 : i32 to index
        %get3A_1579 = tpu.vector_load %arg5[%get3A_1575, %get3A_1576, %get3A_1577, %get3A_1578] {strides = array<i32>} : memref<3x4x8x1024xf32, #tpu.memory_space<vmem>>, vector<1x1x1x16xf32>,
        %get3A_1580 = vector.shape_cast %get3A_1579 : vector<1x1x1x16xf32> to vector<16xf32>
        %add3A_1581 = arith.addf %get3A_1580, %get3A_1518 : vector<16xf32>
        %swap3A_1582 = arith.constant 1 : i32
        %swap3A_1583 = arith.constant 3 : i32
        %swap3A_1584 = arith.index_cast %swap3A_1582 : i32 to index
        %swap3A_1585 = arith.index_cast %swap3A_1583 : i32 to index
        %swap3A_1586 = arith.index_cast %select_n3A_1494 : i32 to index
        %swap3A_1587 = arith.index_cast %mul3A_1512 : i32 to index
        %swap3A_1588 = tpu.vector_load %arg5[%swap3A_1584, %swap3A_1585, %swap3A_1586, %swap3A_1587] {strides = array<i32>} : memref<3x4x8x1024xf32, #tpu.memory_space<vmem>>, vector<1x1x1x16xf32>,
        %swap3A_1589 = vector.shape_cast %swap3A_1588 : vector<1x1x1x16xf32> to vector<16xf32>
        %swap3A_1590 = vector.shape_cast %add3A_1581 : vector<16xf32> to vector<1x1x1x16xf32>
        tpu.vector_store %arg5[%swap3A_1584, %swap3A_1585, %swap3A_1586, %swap3A_1587], %swap3A_1590 {strides = array<i32>} : memref<3x4x8x1024xf32, #tpu.memory_space<vmem>>, vector<1x1x1x16xf32>,
        %scan3A_1591 = arith.constant 0 : i32
        scf.yield %scan3A_1591 : i32
      }
      %scan3A_465 = arith.constant 64 : i32
      %mul3A_466 = arith.constant 8 : i32
      %mul3A_467 = arith.muli %add3A_379, %mul3A_466 : i32
      %add3A_468 = arith.addi %mul3A_2, %mul3A_467 : i32
      %dma_start3A_469 = arith.constant 1 : i32
      %dma_start3A_470 = arith.constant 0 : i32
      %dma_start3A_471 = arith.constant 0 : i32
      %dma_start3A_472 = arith.constant 0 : i32
      %dma_start3A_473 = tpu.memref_slice %arg5[%dma_start3A_469, %dma_start3A_470, %dma_start3A_471, %dma_start3A_472] : memref<3x4x8x1024xf32, #tpu.memory_space<vmem>> -> memref<1x4x8x1024xf32, #tpu.memory_space<vmem>>
      %dma_start3A_474 = tpu.memref_squeeze %dma_start3A_473 : memref<1x4x8x1024xf32, #tpu.memory_space<vmem>> -> memref<4x8x1024xf32, #tpu.memory_space<vmem>>
      %dma_start3A_475 = arith.constant 0 : i32
      %dma_start3A_476 = arith.constant 0 : i32
      %dma_start3A_477 = tpu.memref_slice %arg4[%dma_start3A_475, %add3A_468, %dma_start3A_476] : memref<4x8192x1024xf32, #tpu.memory_space<hbm>> -> memref<4x8x1024xf32, #tpu.memory_space<hbm>>
      %dma_start3A_478 = arith.constant 0 : i32
      %dma_start3A_479 = arith.constant 0 : i32
      %dma_start3A_480 = tpu.memref_slice %arg4[%dma_start3A_478, %add3A_468, %dma_start3A_479] : memref<4x8192x1024xf32, #tpu.memory_space<hbm>> -> memref<4x8x1024xf32, #tpu.memory_space<hbm>>
      %dma_start3A_481 = arith.constant 0 : i32
      %dma_start3A_482 = arith.constant 0 : i32
      %dma_start3A_483 = arith.constant 0 : i32
      %dma_start3A_484 = tpu.memref_slice %arg5[%dma_start3A_469, %dma_start3A_481, %dma_start3A_482, %dma_start3A_483] : memref<3x4x8x1024xf32, #tpu.memory_space<vmem>> -> memref<1x4x8x1024xf32, #tpu.memory_space<vmem>>
      %dma_start3A_485 = tpu.memref_squeeze %dma_start3A_484 : memref<1x4x8x1024xf32, #tpu.memory_space<vmem>> -> memref<4x8x1024xf32, #tpu.memory_space<vmem>>
      tpu.enqueue_dma source(%dma_start3A_485 : memref<4x8x1024xf32, #tpu.memory_space<vmem>>) target(%dma_start3A_480 : memref<4x8x1024xf32, #tpu.memory_space<hbm>>) target_semaphore(%arg8 : memref<!tpu.dma_semaphore, #tpu.memory_space<semaphore_mem>>)
      %add3A_486 = arith.constant 2 : i32
      %add3A_487 = arith.addi %mul3A_274, %add3A_486 : i32
      %dma_wait3A_488 = arith.constant 2 : i32
      %dma_wait3A_489 = arith.constant 0 : i32
      %dma_wait3A_490 = arith.constant 0 : i32
      %dma_wait3A_491 = arith.constant 0 : i32
      %dma_wait3A_492 = tpu.memref_slice %arg5[%dma_wait3A_488, %dma_wait3A_489, %dma_wait3A_490, %dma_wait3A_491] : memref<3x4x8x1024xf32, #tpu.memory_space<vmem>> -> memref<1x4x8x1024xf32, #tpu.memory_space<vmem>>
      %dma_wait3A_493 = tpu.memref_squeeze %dma_wait3A_492 : memref<1x4x8x1024xf32, #tpu.memory_space<vmem>> -> memref<4x8x1024xf32, #tpu.memory_space<vmem>>
      %dma_wait3A_494 = arith.constant 0 : i32
      %dma_wait3A_495 = arith.constant 0 : i32
      %dma_wait3A_496 = arith.constant 0 : i32
      %dma_wait3A_497 = tpu.memref_slice %arg2[%dma_wait3A_494, %dma_wait3A_495, %dma_wait3A_496] : memref<4x8192x1024xf32, #tpu.memory_space<hbm>> -> memref<4x8x1024xf32, #tpu.memory_space<hbm>>
      %dma_wait3A_498 = arith.constant 0 : i32
      %dma_wait3A_499 = arith.constant 0 : i32
      %dma_wait3A_500 = arith.constant 0 : i32
      %dma_wait3A_501 = tpu.memref_slice %arg5[%dma_wait3A_488, %dma_wait3A_498, %dma_wait3A_499, %dma_wait3A_500] : memref<3x4x8x1024xf32, #tpu.memory_space<vmem>> -> memref<1x4x8x1024xf32, #tpu.memory_space<vmem>>
      %dma_wait3A_502 = tpu.memref_squeeze %dma_wait3A_501 : memref<1x4x8x1024xf32, #tpu.memory_space<vmem>> -> memref<4x8x1024xf32, #tpu.memory_space<vmem>>
      %dma_wait3A_503 = arith.constant 0 : i32
      %dma_wait3A_504 = arith.constant 0 : i32
      %dma_wait3A_505 = arith.constant 0 : i32
      %dma_wait3A_506 = tpu.memref_slice %arg2[%dma_wait3A_503, %dma_wait3A_504, %dma_wait3A_505] : memref<4x8192x1024xf32, #tpu.memory_space<hbm>> -> memref<4x8x1024xf32, #tpu.memory_space<hbm>>
      tpu.wait_dma2 semaphore(%arg7 : memref<!tpu.dma_semaphore, #tpu.memory_space<semaphore_mem>>) src(%dma_wait3A_506 : memref<4x8x1024xf32, #tpu.memory_space<hbm>>) dst(%dma_wait3A_502 : memref<4x8x1024xf32, #tpu.memory_space<vmem>>)
      %dma_wait3A_507 = arith.constant 2 : i32
      %dma_wait3A_508 = arith.constant 0 : i32
      %dma_wait3A_509 = arith.constant 0 : i32
      %dma_wait3A_510 = tpu.memref_slice %arg6[%dma_wait3A_507, %dma_wait3A_508, %dma_wait3A_509] : memref<3x8x1024xf32, #tpu.memory_space<vmem>> -> memref<1x8x1024xf32, #tpu.memory_space<vmem>>
      %dma_wait3A_511 = tpu.memref_squeeze %dma_wait3A_510 : memref<1x8x1024xf32, #tpu.memory_space<vmem>> -> memref<8x1024xf32, #tpu.memory_space<vmem>>
      %dma_wait3A_512 = arith.constant 0 : i32
      %dma_wait3A_513 = arith.constant 0 : i32
      %dma_wait3A_514 = tpu.memref_slice %arg3[%dma_wait3A_512, %dma_wait3A_513] : memref<8192x1024xf32, #tpu.memory_space<hbm>> -> memref<8x1024xf32, #tpu.memory_space<hbm>>
      %dma_wait3A_515 = arith.constant 0 : i32
      %dma_wait3A_516 = arith.constant 0 : i32
      %dma_wait3A_517 = tpu.memref_slice %arg6[%dma_wait3A_507, %dma_wait3A_515, %dma_wait3A_516] : memref<3x8x1024xf32, #tpu.memory_space<vmem>> -> memref<1x8x1024xf32, #tpu.memory_space<vmem>>
      %dma_wait3A_518 = tpu.memref_squeeze %dma_wait3A_517 : memref<1x8x1024xf32, #tpu.memory_space<vmem>> -> memref<8x1024xf32, #tpu.memory_space<vmem>>
      %dma_wait3A_519 = arith.constant 0 : i32
      %dma_wait3A_520 = arith.constant 0 : i32
      %dma_wait3A_521 = tpu.memref_slice %arg3[%dma_wait3A_519, %dma_wait3A_520] : memref<8192x1024xf32, #tpu.memory_space<hbm>> -> memref<8x1024xf32, #tpu.memory_space<hbm>>
      tpu.wait_dma2 semaphore(%arg9 : memref<!tpu.dma_semaphore, #tpu.memory_space<semaphore_mem>>) src(%dma_wait3A_521 : memref<8x1024xf32, #tpu.memory_space<hbm>>) dst(%dma_wait3A_518 : memref<8x1024xf32, #tpu.memory_space<vmem>>)
      %dma_wait3A_522 = arith.constant 0 : i32
      %dma_wait3A_523 = arith.constant 0 : i32
      %dma_wait3A_524 = arith.constant 0 : i32
      %dma_wait3A_525 = arith.constant 0 : i32
      %dma_wait3A_526 = tpu.memref_slice %arg5[%dma_wait3A_522, %dma_wait3A_523, %dma_wait3A_524, %dma_wait3A_525] : memref<3x4x8x1024xf32, #tpu.memory_space<vmem>> -> memref<1x4x8x1024xf32, #tpu.memory_space<vmem>>
      %dma_wait3A_527 = tpu.memref_squeeze %dma_wait3A_526 : memref<1x4x8x1024xf32, #tpu.memory_space<vmem>> -> memref<4x8x1024xf32, #tpu.memory_space<vmem>>
      %dma_wait3A_528 = arith.constant 0 : i32
      %dma_wait3A_529 = arith.constant 0 : i32
      %dma_wait3A_530 = arith.constant 0 : i32
      %dma_wait3A_531 = tpu.memref_slice %arg4[%dma_wait3A_528, %dma_wait3A_529, %dma_wait3A_530] : memref<4x8192x1024xf32, #tpu.memory_space<hbm>> -> memref<4x8x1024xf32, #tpu.memory_space<hbm>>
      %dma_wait3A_532 = arith.constant 0 : i32
      %dma_wait3A_533 = arith.constant 0 : i32
      %dma_wait3A_534 = arith.constant 0 : i32
      %dma_wait3A_535 = tpu.memref_slice %arg4[%dma_wait3A_532, %dma_wait3A_533, %dma_wait3A_534] : memref<4x8192x1024xf32, #tpu.memory_space<hbm>> -> memref<4x8x1024xf32, #tpu.memory_space<hbm>>
      %dma_wait3A_536 = arith.constant 0 : i32
      %dma_wait3A_537 = arith.constant 0 : i32
      %dma_wait3A_538 = arith.constant 0 : i32
      %dma_wait3A_539 = tpu.memref_slice %arg5[%dma_wait3A_522, %dma_wait3A_536, %dma_wait3A_537, %dma_wait3A_538] : memref<3x4x8x1024xf32, #tpu.memory_space<vmem>> -> memref<1x4x8x1024xf32, #tpu.memory_space<vmem>>
      %dma_wait3A_540 = tpu.memref_squeeze %dma_wait3A_539 : memref<1x4x8x1024xf32, #tpu.memory_space<vmem>> -> memref<4x8x1024xf32, #tpu.memory_space<vmem>>
      tpu.wait_dma2 semaphore(%arg8 : memref<!tpu.dma_semaphore, #tpu.memory_space<semaphore_mem>>) src(%dma_wait3A_540 : memref<4x8x1024xf32, #tpu.memory_space<vmem>>) dst(%dma_wait3A_535 : memref<4x8x1024xf32, #tpu.memory_space<hbm>>)
      %add3A_541 = arith.constant 1 : i32
      %add3A_542 = arith.addi %add3A_487, %add3A_541 : i32
      %mul3A_543 = arith.constant 8 : i32
      %mul3A_544 = arith.muli %add3A_542, %mul3A_543 : i32
      %add3A_545 = arith.addi %mul3A_2, %mul3A_544 : i32
      %dma_start3A_546 = arith.constant 0 : i32
      %dma_start3A_547 = arith.constant 0 : i32
      %dma_start3A_548 = arith.constant 0 : i32
      %dma_start3A_549 = arith.constant 0 : i32
      %dma_start3A_550 = tpu.memref_slice %arg5[%dma_start3A_546, %dma_start3A_547, %dma_start3A_548, %dma_start3A_549] : memref<3x4x8x1024xf32, #tpu.memory_space<vmem>> -> memref<1x4x8x1024xf32, #tpu.memory_space<vmem>>
      %dma_start3A_551 = tpu.memref_squeeze %dma_start3A_550 : memref<1x4x8x1024xf32, #tpu.memory_space<vmem>> -> memref<4x8x1024xf32, #tpu.memory_space<vmem>>
      %dma_start3A_552 = arith.constant 0 : i32
      %dma_start3A_553 = arith.constant 0 : i32
      %dma_start3A_554 = tpu.memref_slice %arg2[%dma_start3A_552, %add3A_545, %dma_start3A_553] : memref<4x8192x1024xf32, #tpu.memory_space<hbm>> -> memref<4x8x1024xf32, #tpu.memory_space<hbm>>
      %dma_start3A_555 = arith.constant 0 : i32
      %dma_start3A_556 = arith.constant 0 : i32
      %dma_start3A_557 = arith.constant 0 : i32
      %dma_start3A_558 = tpu.memref_slice %arg5[%dma_start3A_546, %dma_start3A_555, %dma_start3A_556, %dma_start3A_557] : memref<3x4x8x1024xf32, #tpu.memory_space<vmem>> -> memref<1x4x8x1024xf32, #tpu.memory_space<vmem>>
      %dma_start3A_559 = tpu.memref_squeeze %dma_start3A_558 : memref<1x4x8x1024xf32, #tpu.memory_space<vmem>> -> memref<4x8x1024xf32, #tpu.memory_space<vmem>>
      %dma_start3A_560 = arith.constant 0 : i32
      %dma_start3A_561 = arith.constant 0 : i32
      %dma_start3A_562 = tpu.memref_slice %arg2[%dma_start3A_560, %add3A_545, %dma_start3A_561] : memref<4x8192x1024xf32, #tpu.memory_space<hbm>> -> memref<4x8x1024xf32, #tpu.memory_space<hbm>>
      tpu.enqueue_dma source(%dma_start3A_562 : memref<4x8x1024xf32, #tpu.memory_space<hbm>>) target(%dma_start3A_559 : memref<4x8x1024xf32, #tpu.memory_space<vmem>>) target_semaphore(%arg7 : memref<!tpu.dma_semaphore, #tpu.memory_space<semaphore_mem>>)
      %add3A_563 = arith.constant 1 : i32
      %add3A_564 = arith.addi %add3A_487, %add3A_563 : i32
      %mul3A_565 = arith.constant 8 : i32
      %mul3A_566 = arith.muli %add3A_564, %mul3A_565 : i32
      %add3A_567 = arith.addi %mul3A_2, %mul3A_566 : i32
      %dma_start3A_568 = arith.constant 0 : i32
      %dma_start3A_569 = arith.constant 0 : i32
      %dma_start3A_570 = arith.constant 0 : i32
      %dma_start3A_571 = tpu.memref_slice %arg6[%dma_start3A_568, %dma_start3A_569, %dma_start3A_570] : memref<3x8x1024xf32, #tpu.memory_space<vmem>> -> memref<1x8x1024xf32, #tpu.memory_space<vmem>>
      %dma_start3A_572 = tpu.memref_squeeze %dma_start3A_571 : memref<1x8x1024xf32, #tpu.memory_space<vmem>> -> memref<8x1024xf32, #tpu.memory_space<vmem>>
      %dma_start3A_573 = arith.constant 0 : i32
      %dma_start3A_574 = tpu.memref_slice %arg3[%add3A_567, %dma_start3A_573] : memref<8192x1024xf32, #tpu.memory_space<hbm>> -> memref<8x1024xf32, #tpu.memory_space<hbm>>
      %dma_start3A_575 = arith.constant 0 : i32
      %dma_start3A_576 = arith.constant 0 : i32
      %dma_start3A_577 = tpu.memref_slice %arg6[%dma_start3A_568, %dma_start3A_575, %dma_start3A_576] : memref<3x8x1024xf32, #tpu.memory_space<vmem>> -> memref<1x8x1024xf32, #tpu.memory_space<vmem>>
      %dma_start3A_578 = tpu.memref_squeeze %dma_start3A_577 : memref<1x8x1024xf32, #tpu.memory_space<vmem>> -> memref<8x1024xf32, #tpu.memory_space<vmem>>
      %dma_start3A_579 = arith.constant 0 : i32
      %dma_start3A_580 = tpu.memref_slice %arg3[%add3A_567, %dma_start3A_579] : memref<8192x1024xf32, #tpu.memory_space<hbm>> -> memref<8x1024xf32, #tpu.memory_space<hbm>>
      tpu.enqueue_dma source(%dma_start3A_580 : memref<8x1024xf32, #tpu.memory_space<hbm>>) target(%dma_start3A_578 : memref<8x1024xf32, #tpu.memory_space<vmem>>) target_semaphore(%arg9 : memref<!tpu.dma_semaphore, #tpu.memory_space<semaphore_mem>>)
      %scan3A_581 = arith.constant 0 : i32
      %scan3A_582 = arith.constant 0 : i32
      %scan3A_583 = arith.constant 64 : i32
      %scan3A_584 = arith.addi %scan3A_582, %scan3A_583 : i32
      %scan3A_585 = arith.constant 1 : i32
      %scan3A_586 = scf.for %scan3A_609 = %scan3A_582 to %scan3A_584 step %scan3A_585 iter_args(%scan3A_610 = %scan3A_581) -> (i32)  : i32 {
        %mul3A_611 = arith.constant 8 : i32
        %mul3A_612 = arith.muli %scan3A_609, %mul3A_611 : i32
        %add3A_613 = arith.constant 0 : i32
        %add3A_614 = arith.addi %mul3A_612, %add3A_613 : i32
        %jit3A = arith.constant 64 : i32
        %div3A = arith.divsi %add3A_614, %jit3A : i32
        %sign3A = arith.constant 0 : i32
        %sign3A_615 = arith.cmpi sgt, %add3A_614, %sign3A : i32
        %sign3A_616 = arith.extui %sign3A_615 : i1 to i32
        %sign3A_617 = arith.constant 0 : i32
        %sign3A_618 = arith.cmpi slt, %add3A_614, %sign3A_617 : i32
        %sign3A_619 = arith.extui %sign3A_618 : i1 to i32
        %sign3A_620 = arith.subi %sign3A_616, %sign3A_619 : i32
        %sign3A_621 = arith.constant 0 : i32
        %sign3A_622 = arith.cmpi sgt, %jit3A, %sign3A_621 : i32
        %sign3A_623 = arith.extui %sign3A_622 : i1 to i32
        %sign3A_624 = arith.constant 0 : i32
        %sign3A_625 = arith.cmpi slt, %jit3A, %sign3A_624 : i32
        %sign3A_626 = arith.extui %sign3A_625 : i1 to i32
        %sign3A_627 = arith.subi %sign3A_623, %sign3A_626 : i32
        %ne3A = arith.cmpi ne, %sign3A_620, %sign3A_627 : i32
        %rem3A = arith.remsi %add3A_614, %jit3A : i32
        %ne3A_628 = arith.constant 0 : i32
        %ne3A_629 = arith.cmpi ne, %rem3A, %ne3A_628 : i32
        %and3A = arith.andi %ne3A, %ne3A_629 : i1
        %sub3A = arith.constant 1 : i32
        %sub3A_630 = arith.subi %div3A, %sub3A : i32
        %select_n3A = arith.select %and3A, %sub3A_630, %div3A : i32
        %jit3A_631 = arith.constant 64 : i32
        %eq3A = arith.constant 0 : i32
        %eq3A_632 = arith.cmpi eq, %jit3A_631, %eq3A : i32
        %jit3A_633 = arith.constant 1 : i32
        %select_n3A_634 = arith.select %eq3A_632, %jit3A_633, %jit3A_631 : i32
        %rem3A_635 = arith.remsi %add3A_614, %select_n3A_634 : i32
        %ne3A_636 = arith.constant 0 : i32
        %ne3A_637 = arith.cmpi ne, %rem3A_635, %ne3A_636 : i32
        %lt3A = arith.constant 0 : i32
        %lt3A_638 = arith.cmpi slt, %rem3A_635, %lt3A : i32
        %lt3A_639 = arith.constant 0 : i32
        %lt3A_640 = arith.cmpi slt, %select_n3A_634, %lt3A_639 : i32
        %ne3A_641 = arith.xori %lt3A_638, %lt3A_640 : i1
        %and3A_642 = arith.andi %ne3A_641, %ne3A_637 : i1
        %add3A_643 = arith.addi %rem3A_635, %select_n3A_634 : i32
        %select_n3A_644 = arith.select %and3A_642, %add3A_643, %rem3A_635 : i32
        %mul3A_645 = arith.constant 16 : i32
        %mul3A_646 = arith.muli %select_n3A_644, %mul3A_645 : i32
        %get3A = arith.constant 2 : i32
        %get3A_647 = arith.index_cast %get3A : i32 to index
        %get3A_648 = arith.index_cast %select_n3A : i32 to index
        %get3A_649 = arith.index_cast %mul3A_646 : i32 to index
        %get3A_650 = tpu.vector_load %arg6[%get3A_647, %get3A_648, %get3A_649] {strides = array<i32>} : memref<3x8x1024xf32, #tpu.memory_space<vmem>>, vector<1x1x16xf32>,
        %get3A_651 = vector.shape_cast %get3A_650 : vector<1x1x16xf32> to vector<16xf32>
        %get3A_652 = arith.constant 2 : i32
        %get3A_653 = arith.constant 0 : i32
        %get3A_654 = arith.index_cast %get3A_652 : i32 to index
        %get3A_655 = arith.index_cast %get3A_653 : i32 to index
        %get3A_656 = arith.index_cast %select_n3A : i32 to index
        %get3A_657 = arith.index_cast %mul3A_646 : i32 to index
        %get3A_658 = tpu.vector_load %arg5[%get3A_654, %get3A_655, %get3A_656, %get3A_657] {strides = array<i32>} : memref<3x4x8x1024xf32, #tpu.memory_space<vmem>>, vector<1x1x1x16xf32>,
        %get3A_659 = vector.shape_cast %get3A_658 : vector<1x1x1x16xf32> to vector<16xf32>
        %add3A_660 = arith.addf %get3A_659, %get3A_651 : vector<16xf32>
        %swap3A = arith.constant 2 : i32
        %swap3A_661 = arith.constant 0 : i32
        %swap3A_662 = arith.index_cast %swap3A : i32 to index
        %swap3A_663 = arith.index_cast %swap3A_661 : i32 to index
        %swap3A_664 = arith.index_cast %select_n3A : i32 to index
        %swap3A_665 = arith.index_cast %mul3A_646 : i32 to index
        %swap3A_666 = tpu.vector_load %arg5[%swap3A_662, %swap3A_663, %swap3A_664, %swap3A_665] {strides = array<i32>} : memref<3x4x8x1024xf32, #tpu.memory_space<vmem>>, vector<1x1x1x16xf32>,
        %swap3A_667 = vector.shape_cast %swap3A_666 : vector<1x1x1x16xf32> to vector<16xf32>
        %swap3A_668 = vector.shape_cast %add3A_660 : vector<16xf32> to vector<1x1x1x16xf32>
        tpu.vector_store %arg5[%swap3A_662, %swap3A_663, %swap3A_664, %swap3A_665], %swap3A_668 {strides = array<i32>} : memref<3x4x8x1024xf32, #tpu.memory_space<vmem>>, vector<1x1x1x16xf32>,
        %get3A_669 = arith.constant 2 : i32
        %get3A_670 = arith.constant 1 : i32
        %get3A_671 = arith.index_cast %get3A_669 : i32 to index
        %get3A_672 = arith.index_cast %get3A_670 : i32 to index
        %get3A_673 = arith.index_cast %select_n3A : i32 to index
        %get3A_674 = arith.index_cast %mul3A_646 : i32 to index
        %get3A_675 = tpu.vector_load %arg5[%get3A_671, %get3A_672, %get3A_673, %get3A_674] {strides = array<i32>} : memref<3x4x8x1024xf32, #tpu.memory_space<vmem>>, vector<1x1x1x16xf32>,
        %get3A_676 = vector.shape_cast %get3A_675 : vector<1x1x1x16xf32> to vector<16xf32>
        %add3A_677 = arith.addf %get3A_676, %get3A_651 : vector<16xf32>
        %swap3A_678 = arith.constant 2 : i32
        %swap3A_679 = arith.constant 1 : i32
        %swap3A_680 = arith.index_cast %swap3A_678 : i32 to index
        %swap3A_681 = arith.index_cast %swap3A_679 : i32 to index
        %swap3A_682 = arith.index_cast %select_n3A : i32 to index
        %swap3A_683 = arith.index_cast %mul3A_646 : i32 to index
        %swap3A_684 = tpu.vector_load %arg5[%swap3A_680, %swap3A_681, %swap3A_682, %swap3A_683] {strides = array<i32>} : memref<3x4x8x1024xf32, #tpu.memory_space<vmem>>, vector<1x1x1x16xf32>,
        %swap3A_685 = vector.shape_cast %swap3A_684 : vector<1x1x1x16xf32> to vector<16xf32>
        %swap3A_686 = vector.shape_cast %add3A_677 : vector<16xf32> to vector<1x1x1x16xf32>
        tpu.vector_store %arg5[%swap3A_680, %swap3A_681, %swap3A_682, %swap3A_683], %swap3A_686 {strides = array<i32>} : memref<3x4x8x1024xf32, #tpu.memory_space<vmem>>, vector<1x1x1x16xf32>,
        %get3A_687 = arith.constant 2 : i32
        %get3A_688 = arith.constant 2 : i32
        %get3A_689 = arith.index_cast %get3A_687 : i32 to index
        %get3A_690 = arith.index_cast %get3A_688 : i32 to index
        %get3A_691 = arith.index_cast %select_n3A : i32 to index
        %get3A_692 = arith.index_cast %mul3A_646 : i32 to index
        %get3A_693 = tpu.vector_load %arg5[%get3A_689, %get3A_690, %get3A_691, %get3A_692] {strides = array<i32>} : memref<3x4x8x1024xf32, #tpu.memory_space<vmem>>, vector<1x1x1x16xf32>,
        %get3A_694 = vector.shape_cast %get3A_693 : vector<1x1x1x16xf32> to vector<16xf32>
        %add3A_695 = arith.addf %get3A_694, %get3A_651 : vector<16xf32>
        %swap3A_696 = arith.constant 2 : i32
        %swap3A_697 = arith.constant 2 : i32
        %swap3A_698 = arith.index_cast %swap3A_696 : i32 to index
        %swap3A_699 = arith.index_cast %swap3A_697 : i32 to index
        %swap3A_700 = arith.index_cast %select_n3A : i32 to index
        %swap3A_701 = arith.index_cast %mul3A_646 : i32 to index
        %swap3A_702 = tpu.vector_load %arg5[%swap3A_698, %swap3A_699, %swap3A_700, %swap3A_701] {strides = array<i32>} : memref<3x4x8x1024xf32, #tpu.memory_space<vmem>>, vector<1x1x1x16xf32>,
        %swap3A_703 = vector.shape_cast %swap3A_702 : vector<1x1x1x16xf32> to vector<16xf32>
        %swap3A_704 = vector.shape_cast %add3A_695 : vector<16xf32> to vector<1x1x1x16xf32>
        tpu.vector_store %arg5[%swap3A_698, %swap3A_699, %swap3A_700, %swap3A_701], %swap3A_704 {strides = array<i32>} : memref<3x4x8x1024xf32, #tpu.memory_space<vmem>>, vector<1x1x1x16xf32>,
        %get3A_705 = arith.constant 2 : i32
        %get3A_706 = arith.constant 3 : i32
        %get3A_707 = arith.index_cast %get3A_705 : i32 to index
        %get3A_708 = arith.index_cast %get3A_706 : i32 to index
        %get3A_709 = arith.index_cast %select_n3A : i32 to index
        %get3A_710 = arith.index_cast %mul3A_646 : i32 to index
        %get3A_711 = tpu.vector_load %arg5[%get3A_707, %get3A_708, %get3A_709, %get3A_710] {strides = array<i32>} : memref<3x4x8x1024xf32, #tpu.memory_space<vmem>>, vector<1x1x1x16xf32>,
        %get3A_712 = vector.shape_cast %get3A_711 : vector<1x1x1x16xf32> to vector<16xf32>
        %add3A_713 = arith.addf %get3A_712, %get3A_651 : vector<16xf32>
        %swap3A_714 = arith.constant 2 : i32
        %swap3A_715 = arith.constant 3 : i32
        %swap3A_716 = arith.index_cast %swap3A_714 : i32 to index
        %swap3A_717 = arith.index_cast %swap3A_715 : i32 to index
        %swap3A_718 = arith.index_cast %select_n3A : i32 to index
        %swap3A_719 = arith.index_cast %mul3A_646 : i32 to index
        %swap3A_720 = tpu.vector_load %arg5[%swap3A_716, %swap3A_717, %swap3A_718, %swap3A_719] {strides = array<i32>} : memref<3x4x8x1024xf32, #tpu.memory_space<vmem>>, vector<1x1x1x16xf32>,
        %swap3A_721 = vector.shape_cast %swap3A_720 : vector<1x1x1x16xf32> to vector<16xf32>
        %swap3A_722 = vector.shape_cast %add3A_713 : vector<16xf32> to vector<1x1x1x16xf32>
        tpu.vector_store %arg5[%swap3A_716, %swap3A_717, %swap3A_718, %swap3A_719], %swap3A_722 {strides = array<i32>} : memref<3x4x8x1024xf32, #tpu.memory_space<vmem>>, vector<1x1x1x16xf32>,
        %mul3A_723 = arith.constant 8 : i32
        %mul3A_724 = arith.muli %scan3A_609, %mul3A_723 : i32
        %add3A_725 = arith.constant 1 : i32
        %add3A_726 = arith.addi %mul3A_724, %add3A_725 : i32
        %jit3A_727 = arith.constant 64 : i32
        %div3A_728 = arith.divsi %add3A_726, %jit3A_727 : i32
        %sign3A_729 = arith.constant 0 : i32
        %sign3A_730 = arith.cmpi sgt, %add3A_726, %sign3A_729 : i32
        %sign3A_731 = arith.extui %sign3A_730 : i1 to i32
        %sign3A_732 = arith.constant 0 : i32
        %sign3A_733 = arith.cmpi slt, %add3A_726, %sign3A_732 : i32
        %sign3A_734 = arith.extui %sign3A_733 : i1 to i32
        %sign3A_735 = arith.subi %sign3A_731, %sign3A_734 : i32
        %sign3A_736 = arith.constant 0 : i32
        %sign3A_737 = arith.cmpi sgt, %jit3A_727, %sign3A_736 : i32
        %sign3A_738 = arith.extui %sign3A_737 : i1 to i32
        %sign3A_739 = arith.constant 0 : i32
        %sign3A_740 = arith.cmpi slt, %jit3A_727, %sign3A_739 : i32
        %sign3A_741 = arith.extui %sign3A_740 : i1 to i32
        %sign3A_742 = arith.subi %sign3A_738, %sign3A_741 : i32
        %ne3A_743 = arith.cmpi ne, %sign3A_735, %sign3A_742 : i32
        %rem3A_744 = arith.remsi %add3A_726, %jit3A_727 : i32
        %ne3A_745 = arith.constant 0 : i32
        %ne3A_746 = arith.cmpi ne, %rem3A_744, %ne3A_745 : i32
        %and3A_747 = arith.andi %ne3A_743, %ne3A_746 : i1
        %sub3A_748 = arith.constant 1 : i32
        %sub3A_749 = arith.subi %div3A_728, %sub3A_748 : i32
        %select_n3A_750 = arith.select %and3A_747, %sub3A_749, %div3A_728 : i32
        %jit3A_751 = arith.constant 64 : i32
        %eq3A_752 = arith.constant 0 : i32
        %eq3A_753 = arith.cmpi eq, %jit3A_751, %eq3A_752 : i32
        %jit3A_754 = arith.constant 1 : i32
        %select_n3A_755 = arith.select %eq3A_753, %jit3A_754, %jit3A_751 : i32
        %rem3A_756 = arith.remsi %add3A_726, %select_n3A_755 : i32
        %ne3A_757 = arith.constant 0 : i32
        %ne3A_758 = arith.cmpi ne, %rem3A_756, %ne3A_757 : i32
        %lt3A_759 = arith.constant 0 : i32
        %lt3A_760 = arith.cmpi slt, %rem3A_756, %lt3A_759 : i32
        %lt3A_761 = arith.constant 0 : i32
        %lt3A_762 = arith.cmpi slt, %select_n3A_755, %lt3A_761 : i32
        %ne3A_763 = arith.xori %lt3A_760, %lt3A_762 : i1
        %and3A_764 = arith.andi %ne3A_763, %ne3A_758 : i1
        %add3A_765 = arith.addi %rem3A_756, %select_n3A_755 : i32
        %select_n3A_766 = arith.select %and3A_764, %add3A_765, %rem3A_756 : i32
        %mul3A_767 = arith.constant 16 : i32
        %mul3A_768 = arith.muli %select_n3A_766, %mul3A_767 : i32
        %get3A_769 = arith.constant 2 : i32
        %get3A_770 = arith.index_cast %get3A_769 : i32 to index
        %get3A_771 = arith.index_cast %select_n3A_750 : i32 to index
        %get3A_772 = arith.index_cast %mul3A_768 : i32 to index
        %get3A_773 = tpu.vector_load %arg6[%get3A_770, %get3A_771, %get3A_772] {strides = array<i32>} : memref<3x8x1024xf32, #tpu.memory_space<vmem>>, vector<1x1x16xf32>,
        %get3A_774 = vector.shape_cast %get3A_773 : vector<1x1x16xf32> to vector<16xf32>
        %get3A_775 = arith.constant 2 : i32
        %get3A_776 = arith.constant 0 : i32
        %get3A_777 = arith.index_cast %get3A_775 : i32 to index
        %get3A_778 = arith.index_cast %get3A_776 : i32 to index
        %get3A_779 = arith.index_cast %select_n3A_750 : i32 to index
        %get3A_780 = arith.index_cast %mul3A_768 : i32 to index
        %get3A_781 = tpu.vector_load %arg5[%get3A_777, %get3A_778, %get3A_779, %get3A_780] {strides = array<i32>} : memref<3x4x8x1024xf32, #tpu.memory_space<vmem>>, vector<1x1x1x16xf32>,
        %get3A_782 = vector.shape_cast %get3A_781 : vector<1x1x1x16xf32> to vector<16xf32>
        %add3A_783 = arith.addf %get3A_782, %get3A_774 : vector<16xf32>
        %swap3A_784 = arith.constant 2 : i32
        %swap3A_785 = arith.constant 0 : i32
        %swap3A_786 = arith.index_cast %swap3A_784 : i32 to index
        %swap3A_787 = arith.index_cast %swap3A_785 : i32 to index
        %swap3A_788 = arith.index_cast %select_n3A_750 : i32 to index
        %swap3A_789 = arith.index_cast %mul3A_768 : i32 to index
        %swap3A_790 = tpu.vector_load %arg5[%swap3A_786, %swap3A_787, %swap3A_788, %swap3A_789] {strides = array<i32>} : memref<3x4x8x1024xf32, #tpu.memory_space<vmem>>, vector<1x1x1x16xf32>,
        %swap3A_791 = vector.shape_cast %swap3A_790 : vector<1x1x1x16xf32> to vector<16xf32>
        %swap3A_792 = vector.shape_cast %add3A_783 : vector<16xf32> to vector<1x1x1x16xf32>
        tpu.vector_store %arg5[%swap3A_786, %swap3A_787, %swap3A_788, %swap3A_789], %swap3A_792 {strides = array<i32>} : memref<3x4x8x1024xf32, #tpu.memory_space<vmem>>, vector<1x1x1x16xf32>,
        %get3A_793 = arith.constant 2 : i32
        %get3A_794 = arith.constant 1 : i32
        %get3A_795 = arith.index_cast %get3A_793 : i32 to index
        %get3A_796 = arith.index_cast %get3A_794 : i32 to index
        %get3A_797 = arith.index_cast %select_n3A_750 : i32 to index
        %get3A_798 = arith.index_cast %mul3A_768 : i32 to index
        %get3A_799 = tpu.vector_load %arg5[%get3A_795, %get3A_796, %get3A_797, %get3A_798] {strides = array<i32>} : memref<3x4x8x1024xf32, #tpu.memory_space<vmem>>, vector<1x1x1x16xf32>,
        %get3A_800 = vector.shape_cast %get3A_799 : vector<1x1x1x16xf32> to vector<16xf32>
        %add3A_801 = arith.addf %get3A_800, %get3A_774 : vector<16xf32>
        %swap3A_802 = arith.constant 2 : i32
        %swap3A_803 = arith.constant 1 : i32
        %swap3A_804 = arith.index_cast %swap3A_802 : i32 to index
        %swap3A_805 = arith.index_cast %swap3A_803 : i32 to index
        %swap3A_806 = arith.index_cast %select_n3A_750 : i32 to index
        %swap3A_807 = arith.index_cast %mul3A_768 : i32 to index
        %swap3A_808 = tpu.vector_load %arg5[%swap3A_804, %swap3A_805, %swap3A_806, %swap3A_807] {strides = array<i32>} : memref<3x4x8x1024xf32, #tpu.memory_space<vmem>>, vector<1x1x1x16xf32>,
        %swap3A_809 = vector.shape_cast %swap3A_808 : vector<1x1x1x16xf32> to vector<16xf32>
        %swap3A_810 = vector.shape_cast %add3A_801 : vector<16xf32> to vector<1x1x1x16xf32>
        tpu.vector_store %arg5[%swap3A_804, %swap3A_805, %swap3A_806, %swap3A_807], %swap3A_810 {strides = array<i32>} : memref<3x4x8x1024xf32, #tpu.memory_space<vmem>>, vector<1x1x1x16xf32>,
        %get3A_811 = arith.constant 2 : i32
        %get3A_812 = arith.constant 2 : i32
        %get3A_813 = arith.index_cast %get3A_811 : i32 to index
        %get3A_814 = arith.index_cast %get3A_812 : i32 to index
        %get3A_815 = arith.index_cast %select_n3A_750 : i32 to index
        %get3A_816 = arith.index_cast %mul3A_768 : i32 to index
        %get3A_817 = tpu.vector_load %arg5[%get3A_813, %get3A_814, %get3A_815, %get3A_816] {strides = array<i32>} : memref<3x4x8x1024xf32, #tpu.memory_space<vmem>>, vector<1x1x1x16xf32>,
        %get3A_818 = vector.shape_cast %get3A_817 : vector<1x1x1x16xf32> to vector<16xf32>
        %add3A_819 = arith.addf %get3A_818, %get3A_774 : vector<16xf32>
        %swap3A_820 = arith.constant 2 : i32
        %swap3A_821 = arith.constant 2 : i32
        %swap3A_822 = arith.index_cast %swap3A_820 : i32 to index
        %swap3A_823 = arith.index_cast %swap3A_821 : i32 to index
        %swap3A_824 = arith.index_cast %select_n3A_750 : i32 to index
        %swap3A_825 = arith.index_cast %mul3A_768 : i32 to index
        %swap3A_826 = tpu.vector_load %arg5[%swap3A_822, %swap3A_823, %swap3A_824, %swap3A_825] {strides = array<i32>} : memref<3x4x8x1024xf32, #tpu.memory_space<vmem>>, vector<1x1x1x16xf32>,
        %swap3A_827 = vector.shape_cast %swap3A_826 : vector<1x1x1x16xf32> to vector<16xf32>
        %swap3A_828 = vector.shape_cast %add3A_819 : vector<16xf32> to vector<1x1x1x16xf32>
        tpu.vector_store %arg5[%swap3A_822, %swap3A_823, %swap3A_824, %swap3A_825], %swap3A_828 {strides = array<i32>} : memref<3x4x8x1024xf32, #tpu.memory_space<vmem>>, vector<1x1x1x16xf32>,
        %get3A_829 = arith.constant 2 : i32
        %get3A_830 = arith.constant 3 : i32
        %get3A_831 = arith.index_cast %get3A_829 : i32 to index
        %get3A_832 = arith.index_cast %get3A_830 : i32 to index
        %get3A_833 = arith.index_cast %select_n3A_750 : i32 to index
        %get3A_834 = arith.index_cast %mul3A_768 : i32 to index
        %get3A_835 = tpu.vector_load %arg5[%get3A_831, %get3A_832, %get3A_833, %get3A_834] {strides = array<i32>} : memref<3x4x8x1024xf32, #tpu.memory_space<vmem>>, vector<1x1x1x16xf32>,
        %get3A_836 = vector.shape_cast %get3A_835 : vector<1x1x1x16xf32> to vector<16xf32>
        %add3A_837 = arith.addf %get3A_836, %get3A_774 : vector<16xf32>
        %swap3A_838 = arith.constant 2 : i32
        %swap3A_839 = arith.constant 3 : i32
        %swap3A_840 = arith.index_cast %swap3A_838 : i32 to index
        %swap3A_841 = arith.index_cast %swap3A_839 : i32 to index
        %swap3A_842 = arith.index_cast %select_n3A_750 : i32 to index
        %swap3A_843 = arith.index_cast %mul3A_768 : i32 to index
        %swap3A_844 = tpu.vector_load %arg5[%swap3A_840, %swap3A_841, %swap3A_842, %swap3A_843] {strides = array<i32>} : memref<3x4x8x1024xf32, #tpu.memory_space<vmem>>, vector<1x1x1x16xf32>,
        %swap3A_845 = vector.shape_cast %swap3A_844 : vector<1x1x1x16xf32> to vector<16xf32>
        %swap3A_846 = vector.shape_cast %add3A_837 : vector<16xf32> to vector<1x1x1x16xf32>
        tpu.vector_store %arg5[%swap3A_840, %swap3A_841, %swap3A_842, %swap3A_843], %swap3A_846 {strides = array<i32>} : memref<3x4x8x1024xf32, #tpu.memory_space<vmem>>, vector<1x1x1x16xf32>,
        %mul3A_847 = arith.constant 8 : i32
        %mul3A_848 = arith.muli %scan3A_609, %mul3A_847 : i32
        %add3A_849 = arith.constant 2 : i32
        %add3A_850 = arith.addi %mul3A_848, %add3A_849 : i32
        %jit3A_851 = arith.constant 64 : i32
        %div3A_852 = arith.divsi %add3A_850, %jit3A_851 : i32
        %sign3A_853 = arith.constant 0 : i32
        %sign3A_854 = arith.cmpi sgt, %add3A_850, %sign3A_853 : i32
        %sign3A_855 = arith.extui %sign3A_854 : i1 to i32
        %sign3A_856 = arith.constant 0 : i32
        %sign3A_857 = arith.cmpi slt, %add3A_850, %sign3A_856 : i32
        %sign3A_858 = arith.extui %sign3A_857 : i1 to i32
        %sign3A_859 = arith.subi %sign3A_855, %sign3A_858 : i32
        %sign3A_860 = arith.constant 0 : i32
        %sign3A_861 = arith.cmpi sgt, %jit3A_851, %sign3A_860 : i32
        %sign3A_862 = arith.extui %sign3A_861 : i1 to i32
        %sign3A_863 = arith.constant 0 : i32
        %sign3A_864 = arith.cmpi slt, %jit3A_851, %sign3A_863 : i32
        %sign3A_865 = arith.extui %sign3A_864 : i1 to i32
        %sign3A_866 = arith.subi %sign3A_862, %sign3A_865 : i32
        %ne3A_867 = arith.cmpi ne, %sign3A_859, %sign3A_866 : i32
        %rem3A_868 = arith.remsi %add3A_850, %jit3A_851 : i32
        %ne3A_869 = arith.constant 0 : i32
        %ne3A_870 = arith.cmpi ne, %rem3A_868, %ne3A_869 : i32
        %and3A_871 = arith.andi %ne3A_867, %ne3A_870 : i1
        %sub3A_872 = arith.constant 1 : i32
        %sub3A_873 = arith.subi %div3A_852, %sub3A_872 : i32
        %select_n3A_874 = arith.select %and3A_871, %sub3A_873, %div3A_852 : i32
        %jit3A_875 = arith.constant 64 : i32
        %eq3A_876 = arith.constant 0 : i32
        %eq3A_877 = arith.cmpi eq, %jit3A_875, %eq3A_876 : i32
        %jit3A_878 = arith.constant 1 : i32
        %select_n3A_879 = arith.select %eq3A_877, %jit3A_878, %jit3A_875 : i32
        %rem3A_880 = arith.remsi %add3A_850, %select_n3A_879 : i32
        %ne3A_881 = arith.constant 0 : i32
        %ne3A_882 = arith.cmpi ne, %rem3A_880, %ne3A_881 : i32
        %lt3A_883 = arith.constant 0 : i32
        %lt3A_884 = arith.cmpi slt, %rem3A_880, %lt3A_883 : i32
        %lt3A_885 = arith.constant 0 : i32
        %lt3A_886 = arith.cmpi slt, %select_n3A_879, %lt3A_885 : i32
        %ne3A_887 = arith.xori %lt3A_884, %lt3A_886 : i1
        %and3A_888 = arith.andi %ne3A_887, %ne3A_882 : i1
        %add3A_889 = arith.addi %rem3A_880, %select_n3A_879 : i32
        %select_n3A_890 = arith.select %and3A_888, %add3A_889, %rem3A_880 : i32
        %mul3A_891 = arith.constant 16 : i32
        %mul3A_892 = arith.muli %select_n3A_890, %mul3A_891 : i32
        %get3A_893 = arith.constant 2 : i32
        %get3A_894 = arith.index_cast %get3A_893 : i32 to index
        %get3A_895 = arith.index_cast %select_n3A_874 : i32 to index
        %get3A_896 = arith.index_cast %mul3A_892 : i32 to index
        %get3A_897 = tpu.vector_load %arg6[%get3A_894, %get3A_895, %get3A_896] {strides = array<i32>} : memref<3x8x1024xf32, #tpu.memory_space<vmem>>, vector<1x1x16xf32>,
        %get3A_898 = vector.shape_cast %get3A_897 : vector<1x1x16xf32> to vector<16xf32>
        %get3A_899 = arith.constant 2 : i32
        %get3A_900 = arith.constant 0 : i32
        %get3A_901 = arith.index_cast %get3A_899 : i32 to index
        %get3A_902 = arith.index_cast %get3A_900 : i32 to index
        %get3A_903 = arith.index_cast %select_n3A_874 : i32 to index
        %get3A_904 = arith.index_cast %mul3A_892 : i32 to index
        %get3A_905 = tpu.vector_load %arg5[%get3A_901, %get3A_902, %get3A_903, %get3A_904] {strides = array<i32>} : memref<3x4x8x1024xf32, #tpu.memory_space<vmem>>, vector<1x1x1x16xf32>,
        %get3A_906 = vector.shape_cast %get3A_905 : vector<1x1x1x16xf32> to vector<16xf32>
        %add3A_907 = arith.addf %get3A_906, %get3A_898 : vector<16xf32>
        %swap3A_908 = arith.constant 2 : i32
        %swap3A_909 = arith.constant 0 : i32
        %swap3A_910 = arith.index_cast %swap3A_908 : i32 to index
        %swap3A_911 = arith.index_cast %swap3A_909 : i32 to index
        %swap3A_912 = arith.index_cast %select_n3A_874 : i32 to index
        %swap3A_913 = arith.index_cast %mul3A_892 : i32 to index
        %swap3A_914 = tpu.vector_load %arg5[%swap3A_910, %swap3A_911, %swap3A_912, %swap3A_913] {strides = array<i32>} : memref<3x4x8x1024xf32, #tpu.memory_space<vmem>>, vector<1x1x1x16xf32>,
        %swap3A_915 = vector.shape_cast %swap3A_914 : vector<1x1x1x16xf32> to vector<16xf32>
        %swap3A_916 = vector.shape_cast %add3A_907 : vector<16xf32> to vector<1x1x1x16xf32>
        tpu.vector_store %arg5[%swap3A_910, %swap3A_911, %swap3A_912, %swap3A_913], %swap3A_916 {strides = array<i32>} : memref<3x4x8x1024xf32, #tpu.memory_space<vmem>>, vector<1x1x1x16xf32>,
        %get3A_917 = arith.constant 2 : i32
        %get3A_918 = arith.constant 1 : i32
        %get3A_919 = arith.index_cast %get3A_917 : i32 to index
        %get3A_920 = arith.index_cast %get3A_918 : i32 to index
        %get3A_921 = arith.index_cast %select_n3A_874 : i32 to index
        %get3A_922 = arith.index_cast %mul3A_892 : i32 to index
        %get3A_923 = tpu.vector_load %arg5[%get3A_919, %get3A_920, %get3A_921, %get3A_922] {strides = array<i32>} : memref<3x4x8x1024xf32, #tpu.memory_space<vmem>>, vector<1x1x1x16xf32>,
        %get3A_924 = vector.shape_cast %get3A_923 : vector<1x1x1x16xf32> to vector<16xf32>
        %add3A_925 = arith.addf %get3A_924, %get3A_898 : vector<16xf32>
        %swap3A_926 = arith.constant 2 : i32
        %swap3A_927 = arith.constant 1 : i32
        %swap3A_928 = arith.index_cast %swap3A_926 : i32 to index
        %swap3A_929 = arith.index_cast %swap3A_927 : i32 to index
        %swap3A_930 = arith.index_cast %select_n3A_874 : i32 to index
        %swap3A_931 = arith.index_cast %mul3A_892 : i32 to index
        %swap3A_932 = tpu.vector_load %arg5[%swap3A_928, %swap3A_929, %swap3A_930, %swap3A_931] {strides = array<i32>} : memref<3x4x8x1024xf32, #tpu.memory_space<vmem>>, vector<1x1x1x16xf32>,
        %swap3A_933 = vector.shape_cast %swap3A_932 : vector<1x1x1x16xf32> to vector<16xf32>
        %swap3A_934 = vector.shape_cast %add3A_925 : vector<16xf32> to vector<1x1x1x16xf32>
        tpu.vector_store %arg5[%swap3A_928, %swap3A_929, %swap3A_930, %swap3A_931], %swap3A_934 {strides = array<i32>} : memref<3x4x8x1024xf32, #tpu.memory_space<vmem>>, vector<1x1x1x16xf32>,
        %get3A_935 = arith.constant 2 : i32
        %get3A_936 = arith.constant 2 : i32
        %get3A_937 = arith.index_cast %get3A_935 : i32 to index
        %get3A_938 = arith.index_cast %get3A_936 : i32 to index
        %get3A_939 = arith.index_cast %select_n3A_874 : i32 to index
        %get3A_940 = arith.index_cast %mul3A_892 : i32 to index
        %get3A_941 = tpu.vector_load %arg5[%get3A_937, %get3A_938, %get3A_939, %get3A_940] {strides = array<i32>} : memref<3x4x8x1024xf32, #tpu.memory_space<vmem>>, vector<1x1x1x16xf32>,
        %get3A_942 = vector.shape_cast %get3A_941 : vector<1x1x1x16xf32> to vector<16xf32>
        %add3A_943 = arith.addf %get3A_942, %get3A_898 : vector<16xf32>
        %swap3A_944 = arith.constant 2 : i32
        %swap3A_945 = arith.constant 2 : i32
        %swap3A_946 = arith.index_cast %swap3A_944 : i32 to index
        %swap3A_947 = arith.index_cast %swap3A_945 : i32 to index
        %swap3A_948 = arith.index_cast %select_n3A_874 : i32 to index
        %swap3A_949 = arith.index_cast %mul3A_892 : i32 to index
        %swap3A_950 = tpu.vector_load %arg5[%swap3A_946, %swap3A_947, %swap3A_948, %swap3A_949] {strides = array<i32>} : memref<3x4x8x1024xf32, #tpu.memory_space<vmem>>, vector<1x1x1x16xf32>,
        %swap3A_951 = vector.shape_cast %swap3A_950 : vector<1x1x1x16xf32> to vector<16xf32>
        %swap3A_952 = vector.shape_cast %add3A_943 : vector<16xf32> to vector<1x1x1x16xf32>
        tpu.vector_store %arg5[%swap3A_946, %swap3A_947, %swap3A_948, %swap3A_949], %swap3A_952 {strides = array<i32>} : memref<3x4x8x1024xf32, #tpu.memory_space<vmem>>, vector<1x1x1x16xf32>,
        %get3A_953 = arith.constant 2 : i32
        %get3A_954 = arith.constant 3 : i32
        %get3A_955 = arith.index_cast %get3A_953 : i32 to index
        %get3A_956 = arith.index_cast %get3A_954 : i32 to index
        %get3A_957 = arith.index_cast %select_n3A_874 : i32 to index
        %get3A_958 = arith.index_cast %mul3A_892 : i32 to index
        %get3A_959 = tpu.vector_load %arg5[%get3A_955, %get3A_956, %get3A_957, %get3A_958] {strides = array<i32>} : memref<3x4x8x1024xf32, #tpu.memory_space<vmem>>, vector<1x1x1x16xf32>,
        %get3A_960 = vector.shape_cast %get3A_959 : vector<1x1x1x16xf32> to vector<16xf32>
        %add3A_961 = arith.addf %get3A_960, %get3A_898 : vector<16xf32>
        %swap3A_962 = arith.constant 2 : i32
        %swap3A_963 = arith.constant 3 : i32
        %swap3A_964 = arith.index_cast %swap3A_962 : i32 to index
        %swap3A_965 = arith.index_cast %swap3A_963 : i32 to index
        %swap3A_966 = arith.index_cast %select_n3A_874 : i32 to index
        %swap3A_967 = arith.index_cast %mul3A_892 : i32 to index
        %swap3A_968 = tpu.vector_load %arg5[%swap3A_964, %swap3A_965, %swap3A_966, %swap3A_967] {strides = array<i32>} : memref<3x4x8x1024xf32, #tpu.memory_space<vmem>>, vector<1x1x1x16xf32>,
        %swap3A_969 = vector.shape_cast %swap3A_968 : vector<1x1x1x16xf32> to vector<16xf32>
        %swap3A_970 = vector.shape_cast %add3A_961 : vector<16xf32> to vector<1x1x1x16xf32>
        tpu.vector_store %arg5[%swap3A_964, %swap3A_965, %swap3A_966, %swap3A_967], %swap3A_970 {strides = array<i32>} : memref<3x4x8x1024xf32, #tpu.memory_space<vmem>>, vector<1x1x1x16xf32>,
        %mul3A_971 = arith.constant 8 : i32
        %mul3A_972 = arith.muli %scan3A_609, %mul3A_971 : i32
        %add3A_973 = arith.constant 3 : i32
        %add3A_974 = arith.addi %mul3A_972, %add3A_973 : i32
        %jit3A_975 = arith.constant 64 : i32
        %div3A_976 = arith.divsi %add3A_974, %jit3A_975 : i32
        %sign3A_977 = arith.constant 0 : i32
        %sign3A_978 = arith.cmpi sgt, %add3A_974, %sign3A_977 : i32
        %sign3A_979 = arith.extui %sign3A_978 : i1 to i32
        %sign3A_980 = arith.constant 0 : i32
        %sign3A_981 = arith.cmpi slt, %add3A_974, %sign3A_980 : i32
        %sign3A_982 = arith.extui %sign3A_981 : i1 to i32
        %sign3A_983 = arith.subi %sign3A_979, %sign3A_982 : i32
        %sign3A_984 = arith.constant 0 : i32
        %sign3A_985 = arith.cmpi sgt, %jit3A_975, %sign3A_984 : i32
        %sign3A_986 = arith.extui %sign3A_985 : i1 to i32
        %sign3A_987 = arith.constant 0 : i32
        %sign3A_988 = arith.cmpi slt, %jit3A_975, %sign3A_987 : i32
        %sign3A_989 = arith.extui %sign3A_988 : i1 to i32
        %sign3A_990 = arith.subi %sign3A_986, %sign3A_989 : i32
        %ne3A_991 = arith.cmpi ne, %sign3A_983, %sign3A_990 : i32
        %rem3A_992 = arith.remsi %add3A_974, %jit3A_975 : i32
        %ne3A_993 = arith.constant 0 : i32
        %ne3A_994 = arith.cmpi ne, %rem3A_992, %ne3A_993 : i32
        %and3A_995 = arith.andi %ne3A_991, %ne3A_994 : i1
        %sub3A_996 = arith.constant 1 : i32
        %sub3A_997 = arith.subi %div3A_976, %sub3A_996 : i32
        %select_n3A_998 = arith.select %and3A_995, %sub3A_997, %div3A_976 : i32
        %jit3A_999 = arith.constant 64 : i32
        %eq3A_1000 = arith.constant 0 : i32
        %eq3A_1001 = arith.cmpi eq, %jit3A_999, %eq3A_1000 : i32
        %jit3A_1002 = arith.constant 1 : i32
        %select_n3A_1003 = arith.select %eq3A_1001, %jit3A_1002, %jit3A_999 : i32
        %rem3A_1004 = arith.remsi %add3A_974, %select_n3A_1003 : i32
        %ne3A_1005 = arith.constant 0 : i32
        %ne3A_1006 = arith.cmpi ne, %rem3A_1004, %ne3A_1005 : i32
        %lt3A_1007 = arith.constant 0 : i32
        %lt3A_1008 = arith.cmpi slt, %rem3A_1004, %lt3A_1007 : i32
        %lt3A_1009 = arith.constant 0 : i32
        %lt3A_1010 = arith.cmpi slt, %select_n3A_1003, %lt3A_1009 : i32
        %ne3A_1011 = arith.xori %lt3A_1008, %lt3A_1010 : i1
        %and3A_1012 = arith.andi %ne3A_1011, %ne3A_1006 : i1
        %add3A_1013 = arith.addi %rem3A_1004, %select_n3A_1003 : i32
        %select_n3A_1014 = arith.select %and3A_1012, %add3A_1013, %rem3A_1004 : i32
        %mul3A_1015 = arith.constant 16 : i32
        %mul3A_1016 = arith.muli %select_n3A_1014, %mul3A_1015 : i32
        %get3A_1017 = arith.constant 2 : i32
        %get3A_1018 = arith.index_cast %get3A_1017 : i32 to index
        %get3A_1019 = arith.index_cast %select_n3A_998 : i32 to index
        %get3A_1020 = arith.index_cast %mul3A_1016 : i32 to index
        %get3A_1021 = tpu.vector_load %arg6[%get3A_1018, %get3A_1019, %get3A_1020] {strides = array<i32>} : memref<3x8x1024xf32, #tpu.memory_space<vmem>>, vector<1x1x16xf32>,
        %get3A_1022 = vector.shape_cast %get3A_1021 : vector<1x1x16xf32> to vector<16xf32>
        %get3A_1023 = arith.constant 2 : i32
        %get3A_1024 = arith.constant 0 : i32
        %get3A_1025 = arith.index_cast %get3A_1023 : i32 to index
        %get3A_1026 = arith.index_cast %get3A_1024 : i32 to index
        %get3A_1027 = arith.index_cast %select_n3A_998 : i32 to index
        %get3A_1028 = arith.index_cast %mul3A_1016 : i32 to index
        %get3A_1029 = tpu.vector_load %arg5[%get3A_1025, %get3A_1026, %get3A_1027, %get3A_1028] {strides = array<i32>} : memref<3x4x8x1024xf32, #tpu.memory_space<vmem>>, vector<1x1x1x16xf32>,
        %get3A_1030 = vector.shape_cast %get3A_1029 : vector<1x1x1x16xf32> to vector<16xf32>
        %add3A_1031 = arith.addf %get3A_1030, %get3A_1022 : vector<16xf32>
        %swap3A_1032 = arith.constant 2 : i32
        %swap3A_1033 = arith.constant 0 : i32
        %swap3A_1034 = arith.index_cast %swap3A_1032 : i32 to index
        %swap3A_1035 = arith.index_cast %swap3A_1033 : i32 to index
        %swap3A_1036 = arith.index_cast %select_n3A_998 : i32 to index
        %swap3A_1037 = arith.index_cast %mul3A_1016 : i32 to index
        %swap3A_1038 = tpu.vector_load %arg5[%swap3A_1034, %swap3A_1035, %swap3A_1036, %swap3A_1037] {strides = array<i32>} : memref<3x4x8x1024xf32, #tpu.memory_space<vmem>>, vector<1x1x1x16xf32>,
        %swap3A_1039 = vector.shape_cast %swap3A_1038 : vector<1x1x1x16xf32> to vector<16xf32>
        %swap3A_1040 = vector.shape_cast %add3A_1031 : vector<16xf32> to vector<1x1x1x16xf32>
        tpu.vector_store %arg5[%swap3A_1034, %swap3A_1035, %swap3A_1036, %swap3A_1037], %swap3A_1040 {strides = array<i32>} : memref<3x4x8x1024xf32, #tpu.memory_space<vmem>>, vector<1x1x1x16xf32>,
        %get3A_1041 = arith.constant 2 : i32
        %get3A_1042 = arith.constant 1 : i32
        %get3A_1043 = arith.index_cast %get3A_1041 : i32 to index
        %get3A_1044 = arith.index_cast %get3A_1042 : i32 to index
        %get3A_1045 = arith.index_cast %select_n3A_998 : i32 to index
        %get3A_1046 = arith.index_cast %mul3A_1016 : i32 to index
        %get3A_1047 = tpu.vector_load %arg5[%get3A_1043, %get3A_1044, %get3A_1045, %get3A_1046] {strides = array<i32>} : memref<3x4x8x1024xf32, #tpu.memory_space<vmem>>, vector<1x1x1x16xf32>,
        %get3A_1048 = vector.shape_cast %get3A_1047 : vector<1x1x1x16xf32> to vector<16xf32>
        %add3A_1049 = arith.addf %get3A_1048, %get3A_1022 : vector<16xf32>
        %swap3A_1050 = arith.constant 2 : i32
        %swap3A_1051 = arith.constant 1 : i32
        %swap3A_1052 = arith.index_cast %swap3A_1050 : i32 to index
        %swap3A_1053 = arith.index_cast %swap3A_1051 : i32 to index
        %swap3A_1054 = arith.index_cast %select_n3A_998 : i32 to index
        %swap3A_1055 = arith.index_cast %mul3A_1016 : i32 to index
        %swap3A_1056 = tpu.vector_load %arg5[%swap3A_1052, %swap3A_1053, %swap3A_1054, %swap3A_1055] {strides = array<i32>} : memref<3x4x8x1024xf32, #tpu.memory_space<vmem>>, vector<1x1x1x16xf32>,
        %swap3A_1057 = vector.shape_cast %swap3A_1056 : vector<1x1x1x16xf32> to vector<16xf32>
        %swap3A_1058 = vector.shape_cast %add3A_1049 : vector<16xf32> to vector<1x1x1x16xf32>
        tpu.vector_store %arg5[%swap3A_1052, %swap3A_1053, %swap3A_1054, %swap3A_1055], %swap3A_1058 {strides = array<i32>} : memref<3x4x8x1024xf32, #tpu.memory_space<vmem>>, vector<1x1x1x16xf32>,
        %get3A_1059 = arith.constant 2 : i32
        %get3A_1060 = arith.constant 2 : i32
        %get3A_1061 = arith.index_cast %get3A_1059 : i32 to index
        %get3A_1062 = arith.index_cast %get3A_1060 : i32 to index
        %get3A_1063 = arith.index_cast %select_n3A_998 : i32 to index
        %get3A_1064 = arith.index_cast %mul3A_1016 : i32 to index
        %get3A_1065 = tpu.vector_load %arg5[%get3A_1061, %get3A_1062, %get3A_1063, %get3A_1064] {strides = array<i32>} : memref<3x4x8x1024xf32, #tpu.memory_space<vmem>>, vector<1x1x1x16xf32>,
        %get3A_1066 = vector.shape_cast %get3A_1065 : vector<1x1x1x16xf32> to vector<16xf32>
        %add3A_1067 = arith.addf %get3A_1066, %get3A_1022 : vector<16xf32>
        %swap3A_1068 = arith.constant 2 : i32
        %swap3A_1069 = arith.constant 2 : i32
        %swap3A_1070 = arith.index_cast %swap3A_1068 : i32 to index
        %swap3A_1071 = arith.index_cast %swap3A_1069 : i32 to index
        %swap3A_1072 = arith.index_cast %select_n3A_998 : i32 to index
        %swap3A_1073 = arith.index_cast %mul3A_1016 : i32 to index
        %swap3A_1074 = tpu.vector_load %arg5[%swap3A_1070, %swap3A_1071, %swap3A_1072, %swap3A_1073] {strides = array<i32>} : memref<3x4x8x1024xf32, #tpu.memory_space<vmem>>, vector<1x1x1x16xf32>,
        %swap3A_1075 = vector.shape_cast %swap3A_1074 : vector<1x1x1x16xf32> to vector<16xf32>
        %swap3A_1076 = vector.shape_cast %add3A_1067 : vector<16xf32> to vector<1x1x1x16xf32>
        tpu.vector_store %arg5[%swap3A_1070, %swap3A_1071, %swap3A_1072, %swap3A_1073], %swap3A_1076 {strides = array<i32>} : memref<3x4x8x1024xf32, #tpu.memory_space<vmem>>, vector<1x1x1x16xf32>,
        %get3A_1077 = arith.constant 2 : i32
        %get3A_1078 = arith.constant 3 : i32
        %get3A_1079 = arith.index_cast %get3A_1077 : i32 to index
        %get3A_1080 = arith.index_cast %get3A_1078 : i32 to index
        %get3A_1081 = arith.index_cast %select_n3A_998 : i32 to index
        %get3A_1082 = arith.index_cast %mul3A_1016 : i32 to index
        %get3A_1083 = tpu.vector_load %arg5[%get3A_1079, %get3A_1080, %get3A_1081, %get3A_1082] {strides = array<i32>} : memref<3x4x8x1024xf32, #tpu.memory_space<vmem>>, vector<1x1x1x16xf32>,
        %get3A_1084 = vector.shape_cast %get3A_1083 : vector<1x1x1x16xf32> to vector<16xf32>
        %add3A_1085 = arith.addf %get3A_1084, %get3A_1022 : vector<16xf32>
        %swap3A_1086 = arith.constant 2 : i32
        %swap3A_1087 = arith.constant 3 : i32
        %swap3A_1088 = arith.index_cast %swap3A_1086 : i32 to index
        %swap3A_1089 = arith.index_cast %swap3A_1087 : i32 to index
        %swap3A_1090 = arith.index_cast %select_n3A_998 : i32 to index
        %swap3A_1091 = arith.index_cast %mul3A_1016 : i32 to index
        %swap3A_1092 = tpu.vector_load %arg5[%swap3A_1088, %swap3A_1089, %swap3A_1090, %swap3A_1091] {strides = array<i32>} : memref<3x4x8x1024xf32, #tpu.memory_space<vmem>>, vector<1x1x1x16xf32>,
        %swap3A_1093 = vector.shape_cast %swap3A_1092 : vector<1x1x1x16xf32> to vector<16xf32>
        %swap3A_1094 = vector.shape_cast %add3A_1085 : vector<16xf32> to vector<1x1x1x16xf32>
        tpu.vector_store %arg5[%swap3A_1088, %swap3A_1089, %swap3A_1090, %swap3A_1091], %swap3A_1094 {strides = array<i32>} : memref<3x4x8x1024xf32, #tpu.memory_space<vmem>>, vector<1x1x1x16xf32>,
        %mul3A_1095 = arith.constant 8 : i32
        %mul3A_1096 = arith.muli %scan3A_609, %mul3A_1095 : i32
        %add3A_1097 = arith.constant 4 : i32
        %add3A_1098 = arith.addi %mul3A_1096, %add3A_1097 : i32
        %jit3A_1099 = arith.constant 64 : i32
        %div3A_1100 = arith.divsi %add3A_1098, %jit3A_1099 : i32
        %sign3A_1101 = arith.constant 0 : i32
        %sign3A_1102 = arith.cmpi sgt, %add3A_1098, %sign3A_1101 : i32
        %sign3A_1103 = arith.extui %sign3A_1102 : i1 to i32
        %sign3A_1104 = arith.constant 0 : i32
        %sign3A_1105 = arith.cmpi slt, %add3A_1098, %sign3A_1104 : i32
        %sign3A_1106 = arith.extui %sign3A_1105 : i1 to i32
        %sign3A_1107 = arith.subi %sign3A_1103, %sign3A_1106 : i32
        %sign3A_1108 = arith.constant 0 : i32
        %sign3A_1109 = arith.cmpi sgt, %jit3A_1099, %sign3A_1108 : i32
        %sign3A_1110 = arith.extui %sign3A_1109 : i1 to i32
        %sign3A_1111 = arith.constant 0 : i32
        %sign3A_1112 = arith.cmpi slt, %jit3A_1099, %sign3A_1111 : i32
        %sign3A_1113 = arith.extui %sign3A_1112 : i1 to i32
        %sign3A_1114 = arith.subi %sign3A_1110, %sign3A_1113 : i32
        %ne3A_1115 = arith.cmpi ne, %sign3A_1107, %sign3A_1114 : i32
        %rem3A_1116 = arith.remsi %add3A_1098, %jit3A_1099 : i32
        %ne3A_1117 = arith.constant 0 : i32
        %ne3A_1118 = arith.cmpi ne, %rem3A_1116, %ne3A_1117 : i32
        %and3A_1119 = arith.andi %ne3A_1115, %ne3A_1118 : i1
        %sub3A_1120 = arith.constant 1 : i32
        %sub3A_1121 = arith.subi %div3A_1100, %sub3A_1120 : i32
        %select_n3A_1122 = arith.select %and3A_1119, %sub3A_1121, %div3A_1100 : i32
        %jit3A_1123 = arith.constant 64 : i32
        %eq3A_1124 = arith.constant 0 : i32
        %eq3A_1125 = arith.cmpi eq, %jit3A_1123, %eq3A_1124 : i32
        %jit3A_1126 = arith.constant 1 : i32
        %select_n3A_1127 = arith.select %eq3A_1125, %jit3A_1126, %jit3A_1123 : i32
        %rem3A_1128 = arith.remsi %add3A_1098, %select_n3A_1127 : i32
        %ne3A_1129 = arith.constant 0 : i32
        %ne3A_1130 = arith.cmpi ne, %rem3A_1128, %ne3A_1129 : i32
        %lt3A_1131 = arith.constant 0 : i32
        %lt3A_1132 = arith.cmpi slt, %rem3A_1128, %lt3A_1131 : i32
        %lt3A_1133 = arith.constant 0 : i32
        %lt3A_1134 = arith.cmpi slt, %select_n3A_1127, %lt3A_1133 : i32
        %ne3A_1135 = arith.xori %lt3A_1132, %lt3A_1134 : i1
        %and3A_1136 = arith.andi %ne3A_1135, %ne3A_1130 : i1
        %add3A_1137 = arith.addi %rem3A_1128, %select_n3A_1127 : i32
        %select_n3A_1138 = arith.select %and3A_1136, %add3A_1137, %rem3A_1128 : i32
        %mul3A_1139 = arith.constant 16 : i32
        %mul3A_1140 = arith.muli %select_n3A_1138, %mul3A_1139 : i32
        %get3A_1141 = arith.constant 2 : i32
        %get3A_1142 = arith.index_cast %get3A_1141 : i32 to index
        %get3A_1143 = arith.index_cast %select_n3A_1122 : i32 to index
        %get3A_1144 = arith.index_cast %mul3A_1140 : i32 to index
        %get3A_1145 = tpu.vector_load %arg6[%get3A_1142, %get3A_1143, %get3A_1144] {strides = array<i32>} : memref<3x8x1024xf32, #tpu.memory_space<vmem>>, vector<1x1x16xf32>,
        %get3A_1146 = vector.shape_cast %get3A_1145 : vector<1x1x16xf32> to vector<16xf32>
        %get3A_1147 = arith.constant 2 : i32
        %get3A_1148 = arith.constant 0 : i32
        %get3A_1149 = arith.index_cast %get3A_1147 : i32 to index
        %get3A_1150 = arith.index_cast %get3A_1148 : i32 to index
        %get3A_1151 = arith.index_cast %select_n3A_1122 : i32 to index
        %get3A_1152 = arith.index_cast %mul3A_1140 : i32 to index
        %get3A_1153 = tpu.vector_load %arg5[%get3A_1149, %get3A_1150, %get3A_1151, %get3A_1152] {strides = array<i32>} : memref<3x4x8x1024xf32, #tpu.memory_space<vmem>>, vector<1x1x1x16xf32>,
        %get3A_1154 = vector.shape_cast %get3A_1153 : vector<1x1x1x16xf32> to vector<16xf32>
        %add3A_1155 = arith.addf %get3A_1154, %get3A_1146 : vector<16xf32>
        %swap3A_1156 = arith.constant 2 : i32
        %swap3A_1157 = arith.constant 0 : i32
        %swap3A_1158 = arith.index_cast %swap3A_1156 : i32 to index
        %swap3A_1159 = arith.index_cast %swap3A_1157 : i32 to index
        %swap3A_1160 = arith.index_cast %select_n3A_1122 : i32 to index
        %swap3A_1161 = arith.index_cast %mul3A_1140 : i32 to index
        %swap3A_1162 = tpu.vector_load %arg5[%swap3A_1158, %swap3A_1159, %swap3A_1160, %swap3A_1161] {strides = array<i32>} : memref<3x4x8x1024xf32, #tpu.memory_space<vmem>>, vector<1x1x1x16xf32>,
        %swap3A_1163 = vector.shape_cast %swap3A_1162 : vector<1x1x1x16xf32> to vector<16xf32>
        %swap3A_1164 = vector.shape_cast %add3A_1155 : vector<16xf32> to vector<1x1x1x16xf32>
        tpu.vector_store %arg5[%swap3A_1158, %swap3A_1159, %swap3A_1160, %swap3A_1161], %swap3A_1164 {strides = array<i32>} : memref<3x4x8x1024xf32, #tpu.memory_space<vmem>>, vector<1x1x1x16xf32>,
        %get3A_1165 = arith.constant 2 : i32
        %get3A_1166 = arith.constant 1 : i32
        %get3A_1167 = arith.index_cast %get3A_1165 : i32 to index
        %get3A_1168 = arith.index_cast %get3A_1166 : i32 to index
        %get3A_1169 = arith.index_cast %select_n3A_1122 : i32 to index
        %get3A_1170 = arith.index_cast %mul3A_1140 : i32 to index
        %get3A_1171 = tpu.vector_load %arg5[%get3A_1167, %get3A_1168, %get3A_1169, %get3A_1170] {strides = array<i32>} : memref<3x4x8x1024xf32, #tpu.memory_space<vmem>>, vector<1x1x1x16xf32>,
        %get3A_1172 = vector.shape_cast %get3A_1171 : vector<1x1x1x16xf32> to vector<16xf32>
        %add3A_1173 = arith.addf %get3A_1172, %get3A_1146 : vector<16xf32>
        %swap3A_1174 = arith.constant 2 : i32
        %swap3A_1175 = arith.constant 1 : i32
        %swap3A_1176 = arith.index_cast %swap3A_1174 : i32 to index
        %swap3A_1177 = arith.index_cast %swap3A_1175 : i32 to index
        %swap3A_1178 = arith.index_cast %select_n3A_1122 : i32 to index
        %swap3A_1179 = arith.index_cast %mul3A_1140 : i32 to index
        %swap3A_1180 = tpu.vector_load %arg5[%swap3A_1176, %swap3A_1177, %swap3A_1178, %swap3A_1179] {strides = array<i32>} : memref<3x4x8x1024xf32, #tpu.memory_space<vmem>>, vector<1x1x1x16xf32>,
        %swap3A_1181 = vector.shape_cast %swap3A_1180 : vector<1x1x1x16xf32> to vector<16xf32>
        %swap3A_1182 = vector.shape_cast %add3A_1173 : vector<16xf32> to vector<1x1x1x16xf32>
        tpu.vector_store %arg5[%swap3A_1176, %swap3A_1177, %swap3A_1178, %swap3A_1179], %swap3A_1182 {strides = array<i32>} : memref<3x4x8x1024xf32, #tpu.memory_space<vmem>>, vector<1x1x1x16xf32>,
        %get3A_1183 = arith.constant 2 : i32
        %get3A_1184 = arith.constant 2 : i32
        %get3A_1185 = arith.index_cast %get3A_1183 : i32 to index
        %get3A_1186 = arith.index_cast %get3A_1184 : i32 to index
        %get3A_1187 = arith.index_cast %select_n3A_1122 : i32 to index
        %get3A_1188 = arith.index_cast %mul3A_1140 : i32 to index
        %get3A_1189 = tpu.vector_load %arg5[%get3A_1185, %get3A_1186, %get3A_1187, %get3A_1188] {strides = array<i32>} : memref<3x4x8x1024xf32, #tpu.memory_space<vmem>>, vector<1x1x1x16xf32>,
        %get3A_1190 = vector.shape_cast %get3A_1189 : vector<1x1x1x16xf32> to vector<16xf32>
        %add3A_1191 = arith.addf %get3A_1190, %get3A_1146 : vector<16xf32>
        %swap3A_1192 = arith.constant 2 : i32
        %swap3A_1193 = arith.constant 2 : i32
        %swap3A_1194 = arith.index_cast %swap3A_1192 : i32 to index
        %swap3A_1195 = arith.index_cast %swap3A_1193 : i32 to index
        %swap3A_1196 = arith.index_cast %select_n3A_1122 : i32 to index
        %swap3A_1197 = arith.index_cast %mul3A_1140 : i32 to index
        %swap3A_1198 = tpu.vector_load %arg5[%swap3A_1194, %swap3A_1195, %swap3A_1196, %swap3A_1197] {strides = array<i32>} : memref<3x4x8x1024xf32, #tpu.memory_space<vmem>>, vector<1x1x1x16xf32>,
        %swap3A_1199 = vector.shape_cast %swap3A_1198 : vector<1x1x1x16xf32> to vector<16xf32>
        %swap3A_1200 = vector.shape_cast %add3A_1191 : vector<16xf32> to vector<1x1x1x16xf32>
        tpu.vector_store %arg5[%swap3A_1194, %swap3A_1195, %swap3A_1196, %swap3A_1197], %swap3A_1200 {strides = array<i32>} : memref<3x4x8x1024xf32, #tpu.memory_space<vmem>>, vector<1x1x1x16xf32>,
        %get3A_1201 = arith.constant 2 : i32
        %get3A_1202 = arith.constant 3 : i32
        %get3A_1203 = arith.index_cast %get3A_1201 : i32 to index
        %get3A_1204 = arith.index_cast %get3A_1202 : i32 to index
        %get3A_1205 = arith.index_cast %select_n3A_1122 : i32 to index
        %get3A_1206 = arith.index_cast %mul3A_1140 : i32 to index
        %get3A_1207 = tpu.vector_load %arg5[%get3A_1203, %get3A_1204, %get3A_1205, %get3A_1206] {strides = array<i32>} : memref<3x4x8x1024xf32, #tpu.memory_space<vmem>>, vector<1x1x1x16xf32>,
        %get3A_1208 = vector.shape_cast %get3A_1207 : vector<1x1x1x16xf32> to vector<16xf32>
        %add3A_1209 = arith.addf %get3A_1208, %get3A_1146 : vector<16xf32>
        %swap3A_1210 = arith.constant 2 : i32
        %swap3A_1211 = arith.constant 3 : i32
        %swap3A_1212 = arith.index_cast %swap3A_1210 : i32 to index
        %swap3A_1213 = arith.index_cast %swap3A_1211 : i32 to index
        %swap3A_1214 = arith.index_cast %select_n3A_1122 : i32 to index
        %swap3A_1215 = arith.index_cast %mul3A_1140 : i32 to index
        %swap3A_1216 = tpu.vector_load %arg5[%swap3A_1212, %swap3A_1213, %swap3A_1214, %swap3A_1215] {strides = array<i32>} : memref<3x4x8x1024xf32, #tpu.memory_space<vmem>>, vector<1x1x1x16xf32>,
        %swap3A_1217 = vector.shape_cast %swap3A_1216 : vector<1x1x1x16xf32> to vector<16xf32>
        %swap3A_1218 = vector.shape_cast %add3A_1209 : vector<16xf32> to vector<1x1x1x16xf32>
        tpu.vector_store %arg5[%swap3A_1212, %swap3A_1213, %swap3A_1214, %swap3A_1215], %swap3A_1218 {strides = array<i32>} : memref<3x4x8x1024xf32, #tpu.memory_space<vmem>>, vector<1x1x1x16xf32>,
        %mul3A_1219 = arith.constant 8 : i32
        %mul3A_1220 = arith.muli %scan3A_609, %mul3A_1219 : i32
        %add3A_1221 = arith.constant 5 : i32
        %add3A_1222 = arith.addi %mul3A_1220, %add3A_1221 : i32
        %jit3A_1223 = arith.constant 64 : i32
        %div3A_1224 = arith.divsi %add3A_1222, %jit3A_1223 : i32
        %sign3A_1225 = arith.constant 0 : i32
        %sign3A_1226 = arith.cmpi sgt, %add3A_1222, %sign3A_1225 : i32
        %sign3A_1227 = arith.extui %sign3A_1226 : i1 to i32
        %sign3A_1228 = arith.constant 0 : i32
        %sign3A_1229 = arith.cmpi slt, %add3A_1222, %sign3A_1228 : i32
        %sign3A_1230 = arith.extui %sign3A_1229 : i1 to i32
        %sign3A_1231 = arith.subi %sign3A_1227, %sign3A_1230 : i32
        %sign3A_1232 = arith.constant 0 : i32
        %sign3A_1233 = arith.cmpi sgt, %jit3A_1223, %sign3A_1232 : i32
        %sign3A_1234 = arith.extui %sign3A_1233 : i1 to i32
        %sign3A_1235 = arith.constant 0 : i32
        %sign3A_1236 = arith.cmpi slt, %jit3A_1223, %sign3A_1235 : i32
        %sign3A_1237 = arith.extui %sign3A_1236 : i1 to i32
        %sign3A_1238 = arith.subi %sign3A_1234, %sign3A_1237 : i32
        %ne3A_1239 = arith.cmpi ne, %sign3A_1231, %sign3A_1238 : i32
        %rem3A_1240 = arith.remsi %add3A_1222, %jit3A_1223 : i32
        %ne3A_1241 = arith.constant 0 : i32
        %ne3A_1242 = arith.cmpi ne, %rem3A_1240, %ne3A_1241 : i32
        %and3A_1243 = arith.andi %ne3A_1239, %ne3A_1242 : i1
        %sub3A_1244 = arith.constant 1 : i32
        %sub3A_1245 = arith.subi %div3A_1224, %sub3A_1244 : i32
        %select_n3A_1246 = arith.select %and3A_1243, %sub3A_1245, %div3A_1224 : i32
        %jit3A_1247 = arith.constant 64 : i32
        %eq3A_1248 = arith.constant 0 : i32
        %eq3A_1249 = arith.cmpi eq, %jit3A_1247, %eq3A_1248 : i32
        %jit3A_1250 = arith.constant 1 : i32
        %select_n3A_1251 = arith.select %eq3A_1249, %jit3A_1250, %jit3A_1247 : i32
        %rem3A_1252 = arith.remsi %add3A_1222, %select_n3A_1251 : i32
        %ne3A_1253 = arith.constant 0 : i32
        %ne3A_1254 = arith.cmpi ne, %rem3A_1252, %ne3A_1253 : i32
        %lt3A_1255 = arith.constant 0 : i32
        %lt3A_1256 = arith.cmpi slt, %rem3A_1252, %lt3A_1255 : i32
        %lt3A_1257 = arith.constant 0 : i32
        %lt3A_1258 = arith.cmpi slt, %select_n3A_1251, %lt3A_1257 : i32
        %ne3A_1259 = arith.xori %lt3A_1256, %lt3A_1258 : i1
        %and3A_1260 = arith.andi %ne3A_1259, %ne3A_1254 : i1
        %add3A_1261 = arith.addi %rem3A_1252, %select_n3A_1251 : i32
        %select_n3A_1262 = arith.select %and3A_1260, %add3A_1261, %rem3A_1252 : i32
        %mul3A_1263 = arith.constant 16 : i32
        %mul3A_1264 = arith.muli %select_n3A_1262, %mul3A_1263 : i32
        %get3A_1265 = arith.constant 2 : i32
        %get3A_1266 = arith.index_cast %get3A_1265 : i32 to index
        %get3A_1267 = arith.index_cast %select_n3A_1246 : i32 to index
        %get3A_1268 = arith.index_cast %mul3A_1264 : i32 to index
        %get3A_1269 = tpu.vector_load %arg6[%get3A_1266, %get3A_1267, %get3A_1268] {strides = array<i32>} : memref<3x8x1024xf32, #tpu.memory_space<vmem>>, vector<1x1x16xf32>,
        %get3A_1270 = vector.shape_cast %get3A_1269 : vector<1x1x16xf32> to vector<16xf32>
        %get3A_1271 = arith.constant 2 : i32
        %get3A_1272 = arith.constant 0 : i32
        %get3A_1273 = arith.index_cast %get3A_1271 : i32 to index
        %get3A_1274 = arith.index_cast %get3A_1272 : i32 to index
        %get3A_1275 = arith.index_cast %select_n3A_1246 : i32 to index
        %get3A_1276 = arith.index_cast %mul3A_1264 : i32 to index
        %get3A_1277 = tpu.vector_load %arg5[%get3A_1273, %get3A_1274, %get3A_1275, %get3A_1276] {strides = array<i32>} : memref<3x4x8x1024xf32, #tpu.memory_space<vmem>>, vector<1x1x1x16xf32>,
        %get3A_1278 = vector.shape_cast %get3A_1277 : vector<1x1x1x16xf32> to vector<16xf32>
        %add3A_1279 = arith.addf %get3A_1278, %get3A_1270 : vector<16xf32>
        %swap3A_1280 = arith.constant 2 : i32
        %swap3A_1281 = arith.constant 0 : i32
        %swap3A_1282 = arith.index_cast %swap3A_1280 : i32 to index
        %swap3A_1283 = arith.index_cast %swap3A_1281 : i32 to index
        %swap3A_1284 = arith.index_cast %select_n3A_1246 : i32 to index
        %swap3A_1285 = arith.index_cast %mul3A_1264 : i32 to index
        %swap3A_1286 = tpu.vector_load %arg5[%swap3A_1282, %swap3A_1283, %swap3A_1284, %swap3A_1285] {strides = array<i32>} : memref<3x4x8x1024xf32, #tpu.memory_space<vmem>>, vector<1x1x1x16xf32>,
        %swap3A_1287 = vector.shape_cast %swap3A_1286 : vector<1x1x1x16xf32> to vector<16xf32>
        %swap3A_1288 = vector.shape_cast %add3A_1279 : vector<16xf32> to vector<1x1x1x16xf32>
        tpu.vector_store %arg5[%swap3A_1282, %swap3A_1283, %swap3A_1284, %swap3A_1285], %swap3A_1288 {strides = array<i32>} : memref<3x4x8x1024xf32, #tpu.memory_space<vmem>>, vector<1x1x1x16xf32>,
        %get3A_1289 = arith.constant 2 : i32
        %get3A_1290 = arith.constant 1 : i32
        %get3A_1291 = arith.index_cast %get3A_1289 : i32 to index
        %get3A_1292 = arith.index_cast %get3A_1290 : i32 to index
        %get3A_1293 = arith.index_cast %select_n3A_1246 : i32 to index
        %get3A_1294 = arith.index_cast %mul3A_1264 : i32 to index
        %get3A_1295 = tpu.vector_load %arg5[%get3A_1291, %get3A_1292, %get3A_1293, %get3A_1294] {strides = array<i32>} : memref<3x4x8x1024xf32, #tpu.memory_space<vmem>>, vector<1x1x1x16xf32>,
        %get3A_1296 = vector.shape_cast %get3A_1295 : vector<1x1x1x16xf32> to vector<16xf32>
        %add3A_1297 = arith.addf %get3A_1296, %get3A_1270 : vector<16xf32>
        %swap3A_1298 = arith.constant 2 : i32
        %swap3A_1299 = arith.constant 1 : i32
        %swap3A_1300 = arith.index_cast %swap3A_1298 : i32 to index
        %swap3A_1301 = arith.index_cast %swap3A_1299 : i32 to index
        %swap3A_1302 = arith.index_cast %select_n3A_1246 : i32 to index
        %swap3A_1303 = arith.index_cast %mul3A_1264 : i32 to index
        %swap3A_1304 = tpu.vector_load %arg5[%swap3A_1300, %swap3A_1301, %swap3A_1302, %swap3A_1303] {strides = array<i32>} : memref<3x4x8x1024xf32, #tpu.memory_space<vmem>>, vector<1x1x1x16xf32>,
        %swap3A_1305 = vector.shape_cast %swap3A_1304 : vector<1x1x1x16xf32> to vector<16xf32>
        %swap3A_1306 = vector.shape_cast %add3A_1297 : vector<16xf32> to vector<1x1x1x16xf32>
        tpu.vector_store %arg5[%swap3A_1300, %swap3A_1301, %swap3A_1302, %swap3A_1303], %swap3A_1306 {strides = array<i32>} : memref<3x4x8x1024xf32, #tpu.memory_space<vmem>>, vector<1x1x1x16xf32>,
        %get3A_1307 = arith.constant 2 : i32
        %get3A_1308 = arith.constant 2 : i32
        %get3A_1309 = arith.index_cast %get3A_1307 : i32 to index
        %get3A_1310 = arith.index_cast %get3A_1308 : i32 to index
        %get3A_1311 = arith.index_cast %select_n3A_1246 : i32 to index
        %get3A_1312 = arith.index_cast %mul3A_1264 : i32 to index
        %get3A_1313 = tpu.vector_load %arg5[%get3A_1309, %get3A_1310, %get3A_1311, %get3A_1312] {strides = array<i32>} : memref<3x4x8x1024xf32, #tpu.memory_space<vmem>>, vector<1x1x1x16xf32>,
        %get3A_1314 = vector.shape_cast %get3A_1313 : vector<1x1x1x16xf32> to vector<16xf32>
        %add3A_1315 = arith.addf %get3A_1314, %get3A_1270 : vector<16xf32>
        %swap3A_1316 = arith.constant 2 : i32
        %swap3A_1317 = arith.constant 2 : i32
        %swap3A_1318 = arith.index_cast %swap3A_1316 : i32 to index
        %swap3A_1319 = arith.index_cast %swap3A_1317 : i32 to index
        %swap3A_1320 = arith.index_cast %select_n3A_1246 : i32 to index
        %swap3A_1321 = arith.index_cast %mul3A_1264 : i32 to index
        %swap3A_1322 = tpu.vector_load %arg5[%swap3A_1318, %swap3A_1319, %swap3A_1320, %swap3A_1321] {strides = array<i32>} : memref<3x4x8x1024xf32, #tpu.memory_space<vmem>>, vector<1x1x1x16xf32>,
        %swap3A_1323 = vector.shape_cast %swap3A_1322 : vector<1x1x1x16xf32> to vector<16xf32>
        %swap3A_1324 = vector.shape_cast %add3A_1315 : vector<16xf32> to vector<1x1x1x16xf32>
        tpu.vector_store %arg5[%swap3A_1318, %swap3A_1319, %swap3A_1320, %swap3A_1321], %swap3A_1324 {strides = array<i32>} : memref<3x4x8x1024xf32, #tpu.memory_space<vmem>>, vector<1x1x1x16xf32>,
        %get3A_1325 = arith.constant 2 : i32
        %get3A_1326 = arith.constant 3 : i32
        %get3A_1327 = arith.index_cast %get3A_1325 : i32 to index
        %get3A_1328 = arith.index_cast %get3A_1326 : i32 to index
        %get3A_1329 = arith.index_cast %select_n3A_1246 : i32 to index
        %get3A_1330 = arith.index_cast %mul3A_1264 : i32 to index
        %get3A_1331 = tpu.vector_load %arg5[%get3A_1327, %get3A_1328, %get3A_1329, %get3A_1330] {strides = array<i32>} : memref<3x4x8x1024xf32, #tpu.memory_space<vmem>>, vector<1x1x1x16xf32>,
        %get3A_1332 = vector.shape_cast %get3A_1331 : vector<1x1x1x16xf32> to vector<16xf32>
        %add3A_1333 = arith.addf %get3A_1332, %get3A_1270 : vector<16xf32>
        %swap3A_1334 = arith.constant 2 : i32
        %swap3A_1335 = arith.constant 3 : i32
        %swap3A_1336 = arith.index_cast %swap3A_1334 : i32 to index
        %swap3A_1337 = arith.index_cast %swap3A_1335 : i32 to index
        %swap3A_1338 = arith.index_cast %select_n3A_1246 : i32 to index
        %swap3A_1339 = arith.index_cast %mul3A_1264 : i32 to index
        %swap3A_1340 = tpu.vector_load %arg5[%swap3A_1336, %swap3A_1337, %swap3A_1338, %swap3A_1339] {strides = array<i32>} : memref<3x4x8x1024xf32, #tpu.memory_space<vmem>>, vector<1x1x1x16xf32>,
        %swap3A_1341 = vector.shape_cast %swap3A_1340 : vector<1x1x1x16xf32> to vector<16xf32>
        %swap3A_1342 = vector.shape_cast %add3A_1333 : vector<16xf32> to vector<1x1x1x16xf32>
        tpu.vector_store %arg5[%swap3A_1336, %swap3A_1337, %swap3A_1338, %swap3A_1339], %swap3A_1342 {strides = array<i32>} : memref<3x4x8x1024xf32, #tpu.memory_space<vmem>>, vector<1x1x1x16xf32>,
        %mul3A_1343 = arith.constant 8 : i32
        %mul3A_1344 = arith.muli %scan3A_609, %mul3A_1343 : i32
        %add3A_1345 = arith.constant 6 : i32
        %add3A_1346 = arith.addi %mul3A_1344, %add3A_1345 : i32
        %jit3A_1347 = arith.constant 64 : i32
        %div3A_1348 = arith.divsi %add3A_1346, %jit3A_1347 : i32
        %sign3A_1349 = arith.constant 0 : i32
        %sign3A_1350 = arith.cmpi sgt, %add3A_1346, %sign3A_1349 : i32
        %sign3A_1351 = arith.extui %sign3A_1350 : i1 to i32
        %sign3A_1352 = arith.constant 0 : i32
        %sign3A_1353 = arith.cmpi slt, %add3A_1346, %sign3A_1352 : i32
        %sign3A_1354 = arith.extui %sign3A_1353 : i1 to i32
        %sign3A_1355 = arith.subi %sign3A_1351, %sign3A_1354 : i32
        %sign3A_1356 = arith.constant 0 : i32
        %sign3A_1357 = arith.cmpi sgt, %jit3A_1347, %sign3A_1356 : i32
        %sign3A_1358 = arith.extui %sign3A_1357 : i1 to i32
        %sign3A_1359 = arith.constant 0 : i32
        %sign3A_1360 = arith.cmpi slt, %jit3A_1347, %sign3A_1359 : i32
        %sign3A_1361 = arith.extui %sign3A_1360 : i1 to i32
        %sign3A_1362 = arith.subi %sign3A_1358, %sign3A_1361 : i32
        %ne3A_1363 = arith.cmpi ne, %sign3A_1355, %sign3A_1362 : i32
        %rem3A_1364 = arith.remsi %add3A_1346, %jit3A_1347 : i32
        %ne3A_1365 = arith.constant 0 : i32
        %ne3A_1366 = arith.cmpi ne, %rem3A_1364, %ne3A_1365 : i32
        %and3A_1367 = arith.andi %ne3A_1363, %ne3A_1366 : i1
        %sub3A_1368 = arith.constant 1 : i32
        %sub3A_1369 = arith.subi %div3A_1348, %sub3A_1368 : i32
        %select_n3A_1370 = arith.select %and3A_1367, %sub3A_1369, %div3A_1348 : i32
        %jit3A_1371 = arith.constant 64 : i32
        %eq3A_1372 = arith.constant 0 : i32
        %eq3A_1373 = arith.cmpi eq, %jit3A_1371, %eq3A_1372 : i32
        %jit3A_1374 = arith.constant 1 : i32
        %select_n3A_1375 = arith.select %eq3A_1373, %jit3A_1374, %jit3A_1371 : i32
        %rem3A_1376 = arith.remsi %add3A_1346, %select_n3A_1375 : i32
        %ne3A_1377 = arith.constant 0 : i32
        %ne3A_1378 = arith.cmpi ne, %rem3A_1376, %ne3A_1377 : i32
        %lt3A_1379 = arith.constant 0 : i32
        %lt3A_1380 = arith.cmpi slt, %rem3A_1376, %lt3A_1379 : i32
        %lt3A_1381 = arith.constant 0 : i32
        %lt3A_1382 = arith.cmpi slt, %select_n3A_1375, %lt3A_1381 : i32
        %ne3A_1383 = arith.xori %lt3A_1380, %lt3A_1382 : i1
        %and3A_1384 = arith.andi %ne3A_1383, %ne3A_1378 : i1
        %add3A_1385 = arith.addi %rem3A_1376, %select_n3A_1375 : i32
        %select_n3A_1386 = arith.select %and3A_1384, %add3A_1385, %rem3A_1376 : i32
        %mul3A_1387 = arith.constant 16 : i32
        %mul3A_1388 = arith.muli %select_n3A_1386, %mul3A_1387 : i32
        %get3A_1389 = arith.constant 2 : i32
        %get3A_1390 = arith.index_cast %get3A_1389 : i32 to index
        %get3A_1391 = arith.index_cast %select_n3A_1370 : i32 to index
        %get3A_1392 = arith.index_cast %mul3A_1388 : i32 to index
        %get3A_1393 = tpu.vector_load %arg6[%get3A_1390, %get3A_1391, %get3A_1392] {strides = array<i32>} : memref<3x8x1024xf32, #tpu.memory_space<vmem>>, vector<1x1x16xf32>,
        %get3A_1394 = vector.shape_cast %get3A_1393 : vector<1x1x16xf32> to vector<16xf32>
        %get3A_1395 = arith.constant 2 : i32
        %get3A_1396 = arith.constant 0 : i32
        %get3A_1397 = arith.index_cast %get3A_1395 : i32 to index
        %get3A_1398 = arith.index_cast %get3A_1396 : i32 to index
        %get3A_1399 = arith.index_cast %select_n3A_1370 : i32 to index
        %get3A_1400 = arith.index_cast %mul3A_1388 : i32 to index
        %get3A_1401 = tpu.vector_load %arg5[%get3A_1397, %get3A_1398, %get3A_1399, %get3A_1400] {strides = array<i32>} : memref<3x4x8x1024xf32, #tpu.memory_space<vmem>>, vector<1x1x1x16xf32>,
        %get3A_1402 = vector.shape_cast %get3A_1401 : vector<1x1x1x16xf32> to vector<16xf32>
        %add3A_1403 = arith.addf %get3A_1402, %get3A_1394 : vector<16xf32>
        %swap3A_1404 = arith.constant 2 : i32
        %swap3A_1405 = arith.constant 0 : i32
        %swap3A_1406 = arith.index_cast %swap3A_1404 : i32 to index
        %swap3A_1407 = arith.index_cast %swap3A_1405 : i32 to index
        %swap3A_1408 = arith.index_cast %select_n3A_1370 : i32 to index
        %swap3A_1409 = arith.index_cast %mul3A_1388 : i32 to index
        %swap3A_1410 = tpu.vector_load %arg5[%swap3A_1406, %swap3A_1407, %swap3A_1408, %swap3A_1409] {strides = array<i32>} : memref<3x4x8x1024xf32, #tpu.memory_space<vmem>>, vector<1x1x1x16xf32>,
        %swap3A_1411 = vector.shape_cast %swap3A_1410 : vector<1x1x1x16xf32> to vector<16xf32>
        %swap3A_1412 = vector.shape_cast %add3A_1403 : vector<16xf32> to vector<1x1x1x16xf32>
        tpu.vector_store %arg5[%swap3A_1406, %swap3A_1407, %swap3A_1408, %swap3A_1409], %swap3A_1412 {strides = array<i32>} : memref<3x4x8x1024xf32, #tpu.memory_space<vmem>>, vector<1x1x1x16xf32>,
        %get3A_1413 = arith.constant 2 : i32
        %get3A_1414 = arith.constant 1 : i32
        %get3A_1415 = arith.index_cast %get3A_1413 : i32 to index
        %get3A_1416 = arith.index_cast %get3A_1414 : i32 to index
        %get3A_1417 = arith.index_cast %select_n3A_1370 : i32 to index
        %get3A_1418 = arith.index_cast %mul3A_1388 : i32 to index
        %get3A_1419 = tpu.vector_load %arg5[%get3A_1415, %get3A_1416, %get3A_1417, %get3A_1418] {strides = array<i32>} : memref<3x4x8x1024xf32, #tpu.memory_space<vmem>>, vector<1x1x1x16xf32>,
        %get3A_1420 = vector.shape_cast %get3A_1419 : vector<1x1x1x16xf32> to vector<16xf32>
        %add3A_1421 = arith.addf %get3A_1420, %get3A_1394 : vector<16xf32>
        %swap3A_1422 = arith.constant 2 : i32
        %swap3A_1423 = arith.constant 1 : i32
        %swap3A_1424 = arith.index_cast %swap3A_1422 : i32 to index
        %swap3A_1425 = arith.index_cast %swap3A_1423 : i32 to index
        %swap3A_1426 = arith.index_cast %select_n3A_1370 : i32 to index
        %swap3A_1427 = arith.index_cast %mul3A_1388 : i32 to index
        %swap3A_1428 = tpu.vector_load %arg5[%swap3A_1424, %swap3A_1425, %swap3A_1426, %swap3A_1427] {strides = array<i32>} : memref<3x4x8x1024xf32, #tpu.memory_space<vmem>>, vector<1x1x1x16xf32>,
        %swap3A_1429 = vector.shape_cast %swap3A_1428 : vector<1x1x1x16xf32> to vector<16xf32>
        %swap3A_1430 = vector.shape_cast %add3A_1421 : vector<16xf32> to vector<1x1x1x16xf32>
        tpu.vector_store %arg5[%swap3A_1424, %swap3A_1425, %swap3A_1426, %swap3A_1427], %swap3A_1430 {strides = array<i32>} : memref<3x4x8x1024xf32, #tpu.memory_space<vmem>>, vector<1x1x1x16xf32>,
        %get3A_1431 = arith.constant 2 : i32
        %get3A_1432 = arith.constant 2 : i32
        %get3A_1433 = arith.index_cast %get3A_1431 : i32 to index
        %get3A_1434 = arith.index_cast %get3A_1432 : i32 to index
        %get3A_1435 = arith.index_cast %select_n3A_1370 : i32 to index
        %get3A_1436 = arith.index_cast %mul3A_1388 : i32 to index
        %get3A_1437 = tpu.vector_load %arg5[%get3A_1433, %get3A_1434, %get3A_1435, %get3A_1436] {strides = array<i32>} : memref<3x4x8x1024xf32, #tpu.memory_space<vmem>>, vector<1x1x1x16xf32>,
        %get3A_1438 = vector.shape_cast %get3A_1437 : vector<1x1x1x16xf32> to vector<16xf32>
        %add3A_1439 = arith.addf %get3A_1438, %get3A_1394 : vector<16xf32>
        %swap3A_1440 = arith.constant 2 : i32
        %swap3A_1441 = arith.constant 2 : i32
        %swap3A_1442 = arith.index_cast %swap3A_1440 : i32 to index
        %swap3A_1443 = arith.index_cast %swap3A_1441 : i32 to index
        %swap3A_1444 = arith.index_cast %select_n3A_1370 : i32 to index
        %swap3A_1445 = arith.index_cast %mul3A_1388 : i32 to index
        %swap3A_1446 = tpu.vector_load %arg5[%swap3A_1442, %swap3A_1443, %swap3A_1444, %swap3A_1445] {strides = array<i32>} : memref<3x4x8x1024xf32, #tpu.memory_space<vmem>>, vector<1x1x1x16xf32>,
        %swap3A_1447 = vector.shape_cast %swap3A_1446 : vector<1x1x1x16xf32> to vector<16xf32>
        %swap3A_1448 = vector.shape_cast %add3A_1439 : vector<16xf32> to vector<1x1x1x16xf32>
        tpu.vector_store %arg5[%swap3A_1442, %swap3A_1443, %swap3A_1444, %swap3A_1445], %swap3A_1448 {strides = array<i32>} : memref<3x4x8x1024xf32, #tpu.memory_space<vmem>>, vector<1x1x1x16xf32>,
        %get3A_1449 = arith.constant 2 : i32
        %get3A_1450 = arith.constant 3 : i32
        %get3A_1451 = arith.index_cast %get3A_1449 : i32 to index
        %get3A_1452 = arith.index_cast %get3A_1450 : i32 to index
        %get3A_1453 = arith.index_cast %select_n3A_1370 : i32 to index
        %get3A_1454 = arith.index_cast %mul3A_1388 : i32 to index
        %get3A_1455 = tpu.vector_load %arg5[%get3A_1451, %get3A_1452, %get3A_1453, %get3A_1454] {strides = array<i32>} : memref<3x4x8x1024xf32, #tpu.memory_space<vmem>>, vector<1x1x1x16xf32>,
        %get3A_1456 = vector.shape_cast %get3A_1455 : vector<1x1x1x16xf32> to vector<16xf32>
        %add3A_1457 = arith.addf %get3A_1456, %get3A_1394 : vector<16xf32>
        %swap3A_1458 = arith.constant 2 : i32
        %swap3A_1459 = arith.constant 3 : i32
        %swap3A_1460 = arith.index_cast %swap3A_1458 : i32 to index
        %swap3A_1461 = arith.index_cast %swap3A_1459 : i32 to index
        %swap3A_1462 = arith.index_cast %select_n3A_1370 : i32 to index
        %swap3A_1463 = arith.index_cast %mul3A_1388 : i32 to index
        %swap3A_1464 = tpu.vector_load %arg5[%swap3A_1460, %swap3A_1461, %swap3A_1462, %swap3A_1463] {strides = array<i32>} : memref<3x4x8x1024xf32, #tpu.memory_space<vmem>>, vector<1x1x1x16xf32>,
        %swap3A_1465 = vector.shape_cast %swap3A_1464 : vector<1x1x1x16xf32> to vector<16xf32>
        %swap3A_1466 = vector.shape_cast %add3A_1457 : vector<16xf32> to vector<1x1x1x16xf32>
        tpu.vector_store %arg5[%swap3A_1460, %swap3A_1461, %swap3A_1462, %swap3A_1463], %swap3A_1466 {strides = array<i32>} : memref<3x4x8x1024xf32, #tpu.memory_space<vmem>>, vector<1x1x1x16xf32>,
        %mul3A_1467 = arith.constant 8 : i32
        %mul3A_1468 = arith.muli %scan3A_609, %mul3A_1467 : i32
        %add3A_1469 = arith.constant 7 : i32
        %add3A_1470 = arith.addi %mul3A_1468, %add3A_1469 : i32
        %jit3A_1471 = arith.constant 64 : i32
        %div3A_1472 = arith.divsi %add3A_1470, %jit3A_1471 : i32
        %sign3A_1473 = arith.constant 0 : i32
        %sign3A_1474 = arith.cmpi sgt, %add3A_1470, %sign3A_1473 : i32
        %sign3A_1475 = arith.extui %sign3A_1474 : i1 to i32
        %sign3A_1476 = arith.constant 0 : i32
        %sign3A_1477 = arith.cmpi slt, %add3A_1470, %sign3A_1476 : i32
        %sign3A_1478 = arith.extui %sign3A_1477 : i1 to i32
        %sign3A_1479 = arith.subi %sign3A_1475, %sign3A_1478 : i32
        %sign3A_1480 = arith.constant 0 : i32
        %sign3A_1481 = arith.cmpi sgt, %jit3A_1471, %sign3A_1480 : i32
        %sign3A_1482 = arith.extui %sign3A_1481 : i1 to i32
        %sign3A_1483 = arith.constant 0 : i32
        %sign3A_1484 = arith.cmpi slt, %jit3A_1471, %sign3A_1483 : i32
        %sign3A_1485 = arith.extui %sign3A_1484 : i1 to i32
        %sign3A_1486 = arith.subi %sign3A_1482, %sign3A_1485 : i32
        %ne3A_1487 = arith.cmpi ne, %sign3A_1479, %sign3A_1486 : i32
        %rem3A_1488 = arith.remsi %add3A_1470, %jit3A_1471 : i32
        %ne3A_1489 = arith.constant 0 : i32
        %ne3A_1490 = arith.cmpi ne, %rem3A_1488, %ne3A_1489 : i32
        %and3A_1491 = arith.andi %ne3A_1487, %ne3A_1490 : i1
        %sub3A_1492 = arith.constant 1 : i32
        %sub3A_1493 = arith.subi %div3A_1472, %sub3A_1492 : i32
        %select_n3A_1494 = arith.select %and3A_1491, %sub3A_1493, %div3A_1472 : i32
        %jit3A_1495 = arith.constant 64 : i32
        %eq3A_1496 = arith.constant 0 : i32
        %eq3A_1497 = arith.cmpi eq, %jit3A_1495, %eq3A_1496 : i32
        %jit3A_1498 = arith.constant 1 : i32
        %select_n3A_1499 = arith.select %eq3A_1497, %jit3A_1498, %jit3A_1495 : i32
        %rem3A_1500 = arith.remsi %add3A_1470, %select_n3A_1499 : i32
        %ne3A_1501 = arith.constant 0 : i32
        %ne3A_1502 = arith.cmpi ne, %rem3A_1500, %ne3A_1501 : i32
        %lt3A_1503 = arith.constant 0 : i32
        %lt3A_1504 = arith.cmpi slt, %rem3A_1500, %lt3A_1503 : i32
        %lt3A_1505 = arith.constant 0 : i32
        %lt3A_1506 = arith.cmpi slt, %select_n3A_1499, %lt3A_1505 : i32
        %ne3A_1507 = arith.xori %lt3A_1504, %lt3A_1506 : i1
        %and3A_1508 = arith.andi %ne3A_1507, %ne3A_1502 : i1
        %add3A_1509 = arith.addi %rem3A_1500, %select_n3A_1499 : i32
        %select_n3A_1510 = arith.select %and3A_1508, %add3A_1509, %rem3A_1500 : i32
        %mul3A_1511 = arith.constant 16 : i32
        %mul3A_1512 = arith.muli %select_n3A_1510, %mul3A_1511 : i32
        %get3A_1513 = arith.constant 2 : i32
        %get3A_1514 = arith.index_cast %get3A_1513 : i32 to index
        %get3A_1515 = arith.index_cast %select_n3A_1494 : i32 to index
        %get3A_1516 = arith.index_cast %mul3A_1512 : i32 to index
        %get3A_1517 = tpu.vector_load %arg6[%get3A_1514, %get3A_1515, %get3A_1516] {strides = array<i32>} : memref<3x8x1024xf32, #tpu.memory_space<vmem>>, vector<1x1x16xf32>,
        %get3A_1518 = vector.shape_cast %get3A_1517 : vector<1x1x16xf32> to vector<16xf32>
        %get3A_1519 = arith.constant 2 : i32
        %get3A_1520 = arith.constant 0 : i32
        %get3A_1521 = arith.index_cast %get3A_1519 : i32 to index
        %get3A_1522 = arith.index_cast %get3A_1520 : i32 to index
        %get3A_1523 = arith.index_cast %select_n3A_1494 : i32 to index
        %get3A_1524 = arith.index_cast %mul3A_1512 : i32 to index
        %get3A_1525 = tpu.vector_load %arg5[%get3A_1521, %get3A_1522, %get3A_1523, %get3A_1524] {strides = array<i32>} : memref<3x4x8x1024xf32, #tpu.memory_space<vmem>>, vector<1x1x1x16xf32>,
        %get3A_1526 = vector.shape_cast %get3A_1525 : vector<1x1x1x16xf32> to vector<16xf32>
        %add3A_1527 = arith.addf %get3A_1526, %get3A_1518 : vector<16xf32>
        %swap3A_1528 = arith.constant 2 : i32
        %swap3A_1529 = arith.constant 0 : i32
        %swap3A_1530 = arith.index_cast %swap3A_1528 : i32 to index
        %swap3A_1531 = arith.index_cast %swap3A_1529 : i32 to index
        %swap3A_1532 = arith.index_cast %select_n3A_1494 : i32 to index
        %swap3A_1533 = arith.index_cast %mul3A_1512 : i32 to index
        %swap3A_1534 = tpu.vector_load %arg5[%swap3A_1530, %swap3A_1531, %swap3A_1532, %swap3A_1533] {strides = array<i32>} : memref<3x4x8x1024xf32, #tpu.memory_space<vmem>>, vector<1x1x1x16xf32>,
        %swap3A_1535 = vector.shape_cast %swap3A_1534 : vector<1x1x1x16xf32> to vector<16xf32>
        %swap3A_1536 = vector.shape_cast %add3A_1527 : vector<16xf32> to vector<1x1x1x16xf32>
        tpu.vector_store %arg5[%swap3A_1530, %swap3A_1531, %swap3A_1532, %swap3A_1533], %swap3A_1536 {strides = array<i32>} : memref<3x4x8x1024xf32, #tpu.memory_space<vmem>>, vector<1x1x1x16xf32>,
        %get3A_1537 = arith.constant 2 : i32
        %get3A_1538 = arith.constant 1 : i32
        %get3A_1539 = arith.index_cast %get3A_1537 : i32 to index
        %get3A_1540 = arith.index_cast %get3A_1538 : i32 to index
        %get3A_1541 = arith.index_cast %select_n3A_1494 : i32 to index
        %get3A_1542 = arith.index_cast %mul3A_1512 : i32 to index
        %get3A_1543 = tpu.vector_load %arg5[%get3A_1539, %get3A_1540, %get3A_1541, %get3A_1542] {strides = array<i32>} : memref<3x4x8x1024xf32, #tpu.memory_space<vmem>>, vector<1x1x1x16xf32>,
        %get3A_1544 = vector.shape_cast %get3A_1543 : vector<1x1x1x16xf32> to vector<16xf32>
        %add3A_1545 = arith.addf %get3A_1544, %get3A_1518 : vector<16xf32>
        %swap3A_1546 = arith.constant 2 : i32
        %swap3A_1547 = arith.constant 1 : i32
        %swap3A_1548 = arith.index_cast %swap3A_1546 : i32 to index
        %swap3A_1549 = arith.index_cast %swap3A_1547 : i32 to index
        %swap3A_1550 = arith.index_cast %select_n3A_1494 : i32 to index
        %swap3A_1551 = arith.index_cast %mul3A_1512 : i32 to index
        %swap3A_1552 = tpu.vector_load %arg5[%swap3A_1548, %swap3A_1549, %swap3A_1550, %swap3A_1551] {strides = array<i32>} : memref<3x4x8x1024xf32, #tpu.memory_space<vmem>>, vector<1x1x1x16xf32>,
        %swap3A_1553 = vector.shape_cast %swap3A_1552 : vector<1x1x1x16xf32> to vector<16xf32>
        %swap3A_1554 = vector.shape_cast %add3A_1545 : vector<16xf32> to vector<1x1x1x16xf32>
        tpu.vector_store %arg5[%swap3A_1548, %swap3A_1549, %swap3A_1550, %swap3A_1551], %swap3A_1554 {strides = array<i32>} : memref<3x4x8x1024xf32, #tpu.memory_space<vmem>>, vector<1x1x1x16xf32>,
        %get3A_1555 = arith.constant 2 : i32
        %get3A_1556 = arith.constant 2 : i32
        %get3A_1557 = arith.index_cast %get3A_1555 : i32 to index
        %get3A_1558 = arith.index_cast %get3A_1556 : i32 to index
        %get3A_1559 = arith.index_cast %select_n3A_1494 : i32 to index
        %get3A_1560 = arith.index_cast %mul3A_1512 : i32 to index
        %get3A_1561 = tpu.vector_load %arg5[%get3A_1557, %get3A_1558, %get3A_1559, %get3A_1560] {strides = array<i32>} : memref<3x4x8x1024xf32, #tpu.memory_space<vmem>>, vector<1x1x1x16xf32>,
        %get3A_1562 = vector.shape_cast %get3A_1561 : vector<1x1x1x16xf32> to vector<16xf32>
        %add3A_1563 = arith.addf %get3A_1562, %get3A_1518 : vector<16xf32>
        %swap3A_1564 = arith.constant 2 : i32
        %swap3A_1565 = arith.constant 2 : i32
        %swap3A_1566 = arith.index_cast %swap3A_1564 : i32 to index
        %swap3A_1567 = arith.index_cast %swap3A_1565 : i32 to index
        %swap3A_1568 = arith.index_cast %select_n3A_1494 : i32 to index
        %swap3A_1569 = arith.index_cast %mul3A_1512 : i32 to index
        %swap3A_1570 = tpu.vector_load %arg5[%swap3A_1566, %swap3A_1567, %swap3A_1568, %swap3A_1569] {strides = array<i32>} : memref<3x4x8x1024xf32, #tpu.memory_space<vmem>>, vector<1x1x1x16xf32>,
        %swap3A_1571 = vector.shape_cast %swap3A_1570 : vector<1x1x1x16xf32> to vector<16xf32>
        %swap3A_1572 = vector.shape_cast %add3A_1563 : vector<16xf32> to vector<1x1x1x16xf32>
        tpu.vector_store %arg5[%swap3A_1566, %swap3A_1567, %swap3A_1568, %swap3A_1569], %swap3A_1572 {strides = array<i32>} : memref<3x4x8x1024xf32, #tpu.memory_space<vmem>>, vector<1x1x1x16xf32>,
        %get3A_1573 = arith.constant 2 : i32
        %get3A_1574 = arith.constant 3 : i32
        %get3A_1575 = arith.index_cast %get3A_1573 : i32 to index
        %get3A_1576 = arith.index_cast %get3A_1574 : i32 to index
        %get3A_1577 = arith.index_cast %select_n3A_1494 : i32 to index
        %get3A_1578 = arith.index_cast %mul3A_1512 : i32 to index
        %get3A_1579 = tpu.vector_load %arg5[%get3A_1575, %get3A_1576, %get3A_1577, %get3A_1578] {strides = array<i32>} : memref<3x4x8x1024xf32, #tpu.memory_space<vmem>>, vector<1x1x1x16xf32>,
        %get3A_1580 = vector.shape_cast %get3A_1579 : vector<1x1x1x16xf32> to vector<16xf32>
        %add3A_1581 = arith.addf %get3A_1580, %get3A_1518 : vector<16xf32>
        %swap3A_1582 = arith.constant 2 : i32
        %swap3A_1583 = arith.constant 3 : i32
        %swap3A_1584 = arith.index_cast %swap3A_1582 : i32 to index
        %swap3A_1585 = arith.index_cast %swap3A_1583 : i32 to index
        %swap3A_1586 = arith.index_cast %select_n3A_1494 : i32 to index
        %swap3A_1587 = arith.index_cast %mul3A_1512 : i32 to index
        %swap3A_1588 = tpu.vector_load %arg5[%swap3A_1584, %swap3A_1585, %swap3A_1586, %swap3A_1587] {strides = array<i32>} : memref<3x4x8x1024xf32, #tpu.memory_space<vmem>>, vector<1x1x1x16xf32>,
        %swap3A_1589 = vector.shape_cast %swap3A_1588 : vector<1x1x1x16xf32> to vector<16xf32>
        %swap3A_1590 = vector.shape_cast %add3A_1581 : vector<16xf32> to vector<1x1x1x16xf32>
        tpu.vector_store %arg5[%swap3A_1584, %swap3A_1585, %swap3A_1586, %swap3A_1587], %swap3A_1590 {strides = array<i32>} : memref<3x4x8x1024xf32, #tpu.memory_space<vmem>>, vector<1x1x1x16xf32>,
        %scan3A_1591 = arith.constant 0 : i32
        scf.yield %scan3A_1591 : i32
      }
      %scan3A_587 = arith.constant 64 : i32
      %mul3A_588 = arith.constant 8 : i32
      %mul3A_589 = arith.muli %add3A_487, %mul3A_588 : i32
      %add3A_590 = arith.addi %mul3A_2, %mul3A_589 : i32
      %dma_start3A_591 = arith.constant 2 : i32
      %dma_start3A_592 = arith.constant 0 : i32
      %dma_start3A_593 = arith.constant 0 : i32
      %dma_start3A_594 = arith.constant 0 : i32
      %dma_start3A_595 = tpu.memref_slice %arg5[%dma_start3A_591, %dma_start3A_592, %dma_start3A_593, %dma_start3A_594] : memref<3x4x8x1024xf32, #tpu.memory_space<vmem>> -> memref<1x4x8x1024xf32, #tpu.memory_space<vmem>>
      %dma_start3A_596 = tpu.memref_squeeze %dma_start3A_595 : memref<1x4x8x1024xf32, #tpu.memory_space<vmem>> -> memref<4x8x1024xf32, #tpu.memory_space<vmem>>
      %dma_start3A_597 = arith.constant 0 : i32
      %dma_start3A_598 = arith.constant 0 : i32
      %dma_start3A_599 = tpu.memref_slice %arg4[%dma_start3A_597, %add3A_590, %dma_start3A_598] : memref<4x8192x1024xf32, #tpu.memory_space<hbm>> -> memref<4x8x1024xf32, #tpu.memory_space<hbm>>
      %dma_start3A_600 = arith.constant 0 : i32
      %dma_start3A_601 = arith.constant 0 : i32
      %dma_start3A_602 = tpu.memref_slice %arg4[%dma_start3A_600, %add3A_590, %dma_start3A_601] : memref<4x8192x1024xf32, #tpu.memory_space<hbm>> -> memref<4x8x1024xf32, #tpu.memory_space<hbm>>
      %dma_start3A_603 = arith.constant 0 : i32
      %dma_start3A_604 = arith.constant 0 : i32
      %dma_start3A_605 = arith.constant 0 : i32
      %dma_start3A_606 = tpu.memref_slice %arg5[%dma_start3A_591, %dma_start3A_603, %dma_start3A_604, %dma_start3A_605] : memref<3x4x8x1024xf32, #tpu.memory_space<vmem>> -> memref<1x4x8x1024xf32, #tpu.memory_space<vmem>>
      %dma_start3A_607 = tpu.memref_squeeze %dma_start3A_606 : memref<1x4x8x1024xf32, #tpu.memory_space<vmem>> -> memref<4x8x1024xf32, #tpu.memory_space<vmem>>
      tpu.enqueue_dma source(%dma_start3A_607 : memref<4x8x1024xf32, #tpu.memory_space<vmem>>) target(%dma_start3A_602 : memref<4x8x1024xf32, #tpu.memory_space<hbm>>) target_semaphore(%arg8 : memref<!tpu.dma_semaphore, #tpu.memory_space<semaphore_mem>>)
      %scan3A_608 = arith.constant 0 : i32
      scf.yield %scan3A_608 : i32
    }
    %scan3A_41 = arith.constant 10 : i32
    %dma_wait3A = arith.constant 0 : i32
    %dma_wait3A_42 = arith.constant 0 : i32
    %dma_wait3A_43 = arith.constant 0 : i32
    %dma_wait3A_44 = arith.constant 0 : i32
    %dma_wait3A_45 = tpu.memref_slice %arg5[%dma_wait3A, %dma_wait3A_42, %dma_wait3A_43, %dma_wait3A_44] : memref<3x4x8x1024xf32, #tpu.memory_space<vmem>> -> memref<1x4x8x1024xf32, #tpu.memory_space<vmem>>
    %dma_wait3A_46 = tpu.memref_squeeze %dma_wait3A_45 : memref<1x4x8x1024xf32, #tpu.memory_space<vmem>> -> memref<4x8x1024xf32, #tpu.memory_space<vmem>>
    %dma_wait3A_47 = arith.constant 0 : i32
    %dma_wait3A_48 = arith.constant 0 : i32
    %dma_wait3A_49 = arith.constant 0 : i32
    %dma_wait3A_50 = tpu.memref_slice %arg2[%dma_wait3A_47, %dma_wait3A_48, %dma_wait3A_49] : memref<4x8192x1024xf32, #tpu.memory_space<hbm>> -> memref<4x8x1024xf32, #tpu.memory_space<hbm>>
    %dma_wait3A_51 = arith.constant 0 : i32
    %dma_wait3A_52 = arith.constant 0 : i32
    %dma_wait3A_53 = arith.constant 0 : i32
    %dma_wait3A_54 = tpu.memref_slice %arg5[%dma_wait3A, %dma_wait3A_51, %dma_wait3A_52, %dma_wait3A_53] : memref<3x4x8x1024xf32, #tpu.memory_space<vmem>> -> memref<1x4x8x1024xf32, #tpu.memory_space<vmem>>
    %dma_wait3A_55 = tpu.memref_squeeze %dma_wait3A_54 : memref<1x4x8x1024xf32, #tpu.memory_space<vmem>> -> memref<4x8x1024xf32, #tpu.memory_space<vmem>>
    %dma_wait3A_56 = arith.constant 0 : i32
    %dma_wait3A_57 = arith.constant 0 : i32
    %dma_wait3A_58 = arith.constant 0 : i32
    %dma_wait3A_59 = tpu.memref_slice %arg2[%dma_wait3A_56, %dma_wait3A_57, %dma_wait3A_58] : memref<4x8192x1024xf32, #tpu.memory_space<hbm>> -> memref<4x8x1024xf32, #tpu.memory_space<hbm>>
    tpu.wait_dma2 semaphore(%arg7 : memref<!tpu.dma_semaphore, #tpu.memory_space<semaphore_mem>>) src(%dma_wait3A_59 : memref<4x8x1024xf32, #tpu.memory_space<hbm>>) dst(%dma_wait3A_55 : memref<4x8x1024xf32, #tpu.memory_space<vmem>>)
    %dma_wait3A_60 = arith.constant 0 : i32
    %dma_wait3A_61 = arith.constant 0 : i32
    %dma_wait3A_62 = arith.constant 0 : i32
    %dma_wait3A_63 = tpu.memref_slice %arg6[%dma_wait3A_60, %dma_wait3A_61, %dma_wait3A_62] : memref<3x8x1024xf32, #tpu.memory_space<vmem>> -> memref<1x8x1024xf32, #tpu.memory_space<vmem>>
    %dma_wait3A_64 = tpu.memref_squeeze %dma_wait3A_63 : memref<1x8x1024xf32, #tpu.memory_space<vmem>> -> memref<8x1024xf32, #tpu.memory_space<vmem>>
    %dma_wait3A_65 = arith.constant 0 : i32
    %dma_wait3A_66 = arith.constant 0 : i32
    %dma_wait3A_67 = tpu.memref_slice %arg3[%dma_wait3A_65, %dma_wait3A_66] : memref<8192x1024xf32, #tpu.memory_space<hbm>> -> memref<8x1024xf32, #tpu.memory_space<hbm>>
    %dma_wait3A_68 = arith.constant 0 : i32
    %dma_wait3A_69 = arith.constant 0 : i32
    %dma_wait3A_70 = tpu.memref_slice %arg6[%dma_wait3A_60, %dma_wait3A_68, %dma_wait3A_69] : memref<3x8x1024xf32, #tpu.memory_space<vmem>> -> memref<1x8x1024xf32, #tpu.memory_space<vmem>>
    %dma_wait3A_71 = tpu.memref_squeeze %dma_wait3A_70 : memref<1x8x1024xf32, #tpu.memory_space<vmem>> -> memref<8x1024xf32, #tpu.memory_space<vmem>>
    %dma_wait3A_72 = arith.constant 0 : i32
    %dma_wait3A_73 = arith.constant 0 : i32
    %dma_wait3A_74 = tpu.memref_slice %arg3[%dma_wait3A_72, %dma_wait3A_73] : memref<8192x1024xf32, #tpu.memory_space<hbm>> -> memref<8x1024xf32, #tpu.memory_space<hbm>>
    tpu.wait_dma2 semaphore(%arg9 : memref<!tpu.dma_semaphore, #tpu.memory_space<semaphore_mem>>) src(%dma_wait3A_74 : memref<8x1024xf32, #tpu.memory_space<hbm>>) dst(%dma_wait3A_71 : memref<8x1024xf32, #tpu.memory_space<vmem>>)
    %dma_wait3A_75 = arith.constant 1 : i32
    %dma_wait3A_76 = arith.constant 0 : i32
    %dma_wait3A_77 = arith.constant 0 : i32
    %dma_wait3A_78 = arith.constant 0 : i32
    %dma_wait3A_79 = tpu.memref_slice %arg5[%dma_wait3A_75, %dma_wait3A_76, %dma_wait3A_77, %dma_wait3A_78] : memref<3x4x8x1024xf32, #tpu.memory_space<vmem>> -> memref<1x4x8x1024xf32, #tpu.memory_space<vmem>>
    %dma_wait3A_80 = tpu.memref_squeeze %dma_wait3A_79 : memref<1x4x8x1024xf32, #tpu.memory_space<vmem>> -> memref<4x8x1024xf32, #tpu.memory_space<vmem>>
    %dma_wait3A_81 = arith.constant 0 : i32
    %dma_wait3A_82 = arith.constant 0 : i32
    %dma_wait3A_83 = arith.constant 0 : i32
    %dma_wait3A_84 = tpu.memref_slice %arg4[%dma_wait3A_81, %dma_wait3A_82, %dma_wait3A_83] : memref<4x8192x1024xf32, #tpu.memory_space<hbm>> -> memref<4x8x1024xf32, #tpu.memory_space<hbm>>
    %dma_wait3A_85 = arith.constant 0 : i32
    %dma_wait3A_86 = arith.constant 0 : i32
    %dma_wait3A_87 = arith.constant 0 : i32
    %dma_wait3A_88 = tpu.memref_slice %arg4[%dma_wait3A_85, %dma_wait3A_86, %dma_wait3A_87] : memref<4x8192x1024xf32, #tpu.memory_space<hbm>> -> memref<4x8x1024xf32, #tpu.memory_space<hbm>>
    %dma_wait3A_89 = arith.constant 0 : i32
    %dma_wait3A_90 = arith.constant 0 : i32
    %dma_wait3A_91 = arith.constant 0 : i32
    %dma_wait3A_92 = tpu.memref_slice %arg5[%dma_wait3A_75, %dma_wait3A_89, %dma_wait3A_90, %dma_wait3A_91] : memref<3x4x8x1024xf32, #tpu.memory_space<vmem>> -> memref<1x4x8x1024xf32, #tpu.memory_space<vmem>>
    %dma_wait3A_93 = tpu.memref_squeeze %dma_wait3A_92 : memref<1x4x8x1024xf32, #tpu.memory_space<vmem>> -> memref<4x8x1024xf32, #tpu.memory_space<vmem>>
    tpu.wait_dma2 semaphore(%arg8 : memref<!tpu.dma_semaphore, #tpu.memory_space<semaphore_mem>>) src(%dma_wait3A_93 : memref<4x8x1024xf32, #tpu.memory_space<vmem>>) dst(%dma_wait3A_88 : memref<4x8x1024xf32, #tpu.memory_space<hbm>>)
    %add3A_94 = arith.constant 248 : i32
    %add3A_95 = arith.addi %mul3A_2, %add3A_94 : i32
    %dma_start3A_96 = arith.constant 1 : i32
    %dma_start3A_97 = arith.constant 0 : i32
    %dma_start3A_98 = arith.constant 0 : i32
    %dma_start3A_99 = arith.constant 0 : i32
    %dma_start3A_100 = tpu.memref_slice %arg5[%dma_start3A_96, %dma_start3A_97, %dma_start3A_98, %dma_start3A_99] : memref<3x4x8x1024xf32, #tpu.memory_space<vmem>> -> memref<1x4x8x1024xf32, #tpu.memory_space<vmem>>
    %dma_start3A_101 = tpu.memref_squeeze %dma_start3A_100 : memref<1x4x8x1024xf32, #tpu.memory_space<vmem>> -> memref<4x8x1024xf32, #tpu.memory_space<vmem>>
    %dma_start3A_102 = arith.constant 0 : i32
    %dma_start3A_103 = arith.constant 0 : i32
    %dma_start3A_104 = tpu.memref_slice %arg2[%dma_start3A_102, %add3A_95, %dma_start3A_103] : memref<4x8192x1024xf32, #tpu.memory_space<hbm>> -> memref<4x8x1024xf32, #tpu.memory_space<hbm>>
    %dma_start3A_105 = arith.constant 0 : i32
    %dma_start3A_106 = arith.constant 0 : i32
    %dma_start3A_107 = arith.constant 0 : i32
    %dma_start3A_108 = tpu.memref_slice %arg5[%dma_start3A_96, %dma_start3A_105, %dma_start3A_106, %dma_start3A_107] : memref<3x4x8x1024xf32, #tpu.memory_space<vmem>> -> memref<1x4x8x1024xf32, #tpu.memory_space<vmem>>
    %dma_start3A_109 = tpu.memref_squeeze %dma_start3A_108 : memref<1x4x8x1024xf32, #tpu.memory_space<vmem>> -> memref<4x8x1024xf32, #tpu.memory_space<vmem>>
    %dma_start3A_110 = arith.constant 0 : i32
    %dma_start3A_111 = arith.constant 0 : i32
    %dma_start3A_112 = tpu.memref_slice %arg2[%dma_start3A_110, %add3A_95, %dma_start3A_111] : memref<4x8192x1024xf32, #tpu.memory_space<hbm>> -> memref<4x8x1024xf32, #tpu.memory_space<hbm>>
    tpu.enqueue_dma source(%dma_start3A_112 : memref<4x8x1024xf32, #tpu.memory_space<hbm>>) target(%dma_start3A_109 : memref<4x8x1024xf32, #tpu.memory_space<vmem>>) target_semaphore(%arg7 : memref<!tpu.dma_semaphore, #tpu.memory_space<semaphore_mem>>)
    %add3A_113 = arith.constant 248 : i32
    %add3A_114 = arith.addi %mul3A_2, %add3A_113 : i32
    %dma_start3A_115 = arith.constant 1 : i32
    %dma_start3A_116 = arith.constant 0 : i32
    %dma_start3A_117 = arith.constant 0 : i32
    %dma_start3A_118 = tpu.memref_slice %arg6[%dma_start3A_115, %dma_start3A_116, %dma_start3A_117] : memref<3x8x1024xf32, #tpu.memory_space<vmem>> -> memref<1x8x1024xf32, #tpu.memory_space<vmem>>
    %dma_start3A_119 = tpu.memref_squeeze %dma_start3A_118 : memref<1x8x1024xf32, #tpu.memory_space<vmem>> -> memref<8x1024xf32, #tpu.memory_space<vmem>>
    %dma_start3A_120 = arith.constant 0 : i32
    %dma_start3A_121 = tpu.memref_slice %arg3[%add3A_114, %dma_start3A_120] : memref<8192x1024xf32, #tpu.memory_space<hbm>> -> memref<8x1024xf32, #tpu.memory_space<hbm>>
    %dma_start3A_122 = arith.constant 0 : i32
    %dma_start3A_123 = arith.constant 0 : i32
    %dma_start3A_124 = tpu.memref_slice %arg6[%dma_start3A_115, %dma_start3A_122, %dma_start3A_123] : memref<3x8x1024xf32, #tpu.memory_space<vmem>> -> memref<1x8x1024xf32, #tpu.memory_space<vmem>>
    %dma_start3A_125 = tpu.memref_squeeze %dma_start3A_124 : memref<1x8x1024xf32, #tpu.memory_space<vmem>> -> memref<8x1024xf32, #tpu.memory_space<vmem>>
    %dma_start3A_126 = arith.constant 0 : i32
    %dma_start3A_127 = tpu.memref_slice %arg3[%add3A_114, %dma_start3A_126] : memref<8192x1024xf32, #tpu.memory_space<hbm>> -> memref<8x1024xf32, #tpu.memory_space<hbm>>
    tpu.enqueue_dma source(%dma_start3A_127 : memref<8x1024xf32, #tpu.memory_space<hbm>>) target(%dma_start3A_125 : memref<8x1024xf32, #tpu.memory_space<vmem>>) target_semaphore(%arg9 : memref<!tpu.dma_semaphore, #tpu.memory_space<semaphore_mem>>)
    %scan3A_128 = arith.constant 0 : i32
    %scan3A_129 = arith.constant 0 : i32
    %scan3A_130 = arith.constant 64 : i32
    %scan3A_131 = arith.addi %scan3A_129, %scan3A_130 : i32
    %scan3A_132 = arith.constant 1 : i32
    %scan3A_133 = scf.for %scan3A_271 = %scan3A_129 to %scan3A_131 step %scan3A_132 iter_args(%scan3A_272 = %scan3A_128) -> (i32)  : i32 {
      %mul3A_273 = arith.constant 8 : i32
      %mul3A_274 = arith.muli %scan3A_271, %mul3A_273 : i32
      %add3A_275 = arith.constant 0 : i32
      %add3A_276 = arith.addi %mul3A_274, %add3A_275 : i32
      %jit3A = arith.constant 64 : i32
      %div3A = arith.divsi %add3A_276, %jit3A : i32
      %sign3A = arith.constant 0 : i32
      %sign3A_277 = arith.cmpi sgt, %add3A_276, %sign3A : i32
      %sign3A_278 = arith.extui %sign3A_277 : i1 to i32
      %sign3A_279 = arith.constant 0 : i32
      %sign3A_280 = arith.cmpi slt, %add3A_276, %sign3A_279 : i32
      %sign3A_281 = arith.extui %sign3A_280 : i1 to i32
      %sign3A_282 = arith.subi %sign3A_278, %sign3A_281 : i32
      %sign3A_283 = arith.constant 0 : i32
      %sign3A_284 = arith.cmpi sgt, %jit3A, %sign3A_283 : i32
      %sign3A_285 = arith.extui %sign3A_284 : i1 to i32
      %sign3A_286 = arith.constant 0 : i32
      %sign3A_287 = arith.cmpi slt, %jit3A, %sign3A_286 : i32
      %sign3A_288 = arith.extui %sign3A_287 : i1 to i32
      %sign3A_289 = arith.subi %sign3A_285, %sign3A_288 : i32
      %ne3A = arith.cmpi ne, %sign3A_282, %sign3A_289 : i32
      %rem3A = arith.remsi %add3A_276, %jit3A : i32
      %ne3A_290 = arith.constant 0 : i32
      %ne3A_291 = arith.cmpi ne, %rem3A, %ne3A_290 : i32
      %and3A = arith.andi %ne3A, %ne3A_291 : i1
      %sub3A = arith.constant 1 : i32
      %sub3A_292 = arith.subi %div3A, %sub3A : i32
      %select_n3A = arith.select %and3A, %sub3A_292, %div3A : i32
      %jit3A_293 = arith.constant 64 : i32
      %eq3A = arith.constant 0 : i32
      %eq3A_294 = arith.cmpi eq, %jit3A_293, %eq3A : i32
      %jit3A_295 = arith.constant 1 : i32
      %select_n3A_296 = arith.select %eq3A_294, %jit3A_295, %jit3A_293 : i32
      %rem3A_297 = arith.remsi %add3A_276, %select_n3A_296 : i32
      %ne3A_298 = arith.constant 0 : i32
      %ne3A_299 = arith.cmpi ne, %rem3A_297, %ne3A_298 : i32
      %lt3A = arith.constant 0 : i32
      %lt3A_300 = arith.cmpi slt, %rem3A_297, %lt3A : i32
      %lt3A_301 = arith.constant 0 : i32
      %lt3A_302 = arith.cmpi slt, %select_n3A_296, %lt3A_301 : i32
      %ne3A_303 = arith.xori %lt3A_300, %lt3A_302 : i1
      %and3A_304 = arith.andi %ne3A_303, %ne3A_299 : i1
      %add3A_305 = arith.addi %rem3A_297, %select_n3A_296 : i32
      %select_n3A_306 = arith.select %and3A_304, %add3A_305, %rem3A_297 : i32
      %mul3A_307 = arith.constant 16 : i32
      %mul3A_308 = arith.muli %select_n3A_306, %mul3A_307 : i32
      %get3A = arith.constant 0 : i32
      %get3A_309 = arith.index_cast %get3A : i32 to index
      %get3A_310 = arith.index_cast %select_n3A : i32 to index
      %get3A_311 = arith.index_cast %mul3A_308 : i32 to index
      %get3A_312 = tpu.vector_load %arg6[%get3A_309, %get3A_310, %get3A_311] {strides = array<i32>} : memref<3x8x1024xf32, #tpu.memory_space<vmem>>, vector<1x1x16xf32>,
      %get3A_313 = vector.shape_cast %get3A_312 : vector<1x1x16xf32> to vector<16xf32>
      %get3A_314 = arith.constant 0 : i32
      %get3A_315 = arith.constant 0 : i32
      %get3A_316 = arith.index_cast %get3A_314 : i32 to index
      %get3A_317 = arith.index_cast %get3A_315 : i32 to index
      %get3A_318 = arith.index_cast %select_n3A : i32 to index
      %get3A_319 = arith.index_cast %mul3A_308 : i32 to index
      %get3A_320 = tpu.vector_load %arg5[%get3A_316, %get3A_317, %get3A_318, %get3A_319] {strides = array<i32>} : memref<3x4x8x1024xf32, #tpu.memory_space<vmem>>, vector<1x1x1x16xf32>,
      %get3A_321 = vector.shape_cast %get3A_320 : vector<1x1x1x16xf32> to vector<16xf32>
      %add3A_322 = arith.addf %get3A_321, %get3A_313 : vector<16xf32>
      %swap3A = arith.constant 0 : i32
      %swap3A_323 = arith.constant 0 : i32
      %swap3A_324 = arith.index_cast %swap3A : i32 to index
      %swap3A_325 = arith.index_cast %swap3A_323 : i32 to index
      %swap3A_326 = arith.index_cast %select_n3A : i32 to index
      %swap3A_327 = arith.index_cast %mul3A_308 : i32 to index
      %swap3A_328 = tpu.vector_load %arg5[%swap3A_324, %swap3A_325, %swap3A_326, %swap3A_327] {strides = array<i32>} : memref<3x4x8x1024xf32, #tpu.memory_space<vmem>>, vector<1x1x1x16xf32>,
      %swap3A_329 = vector.shape_cast %swap3A_328 : vector<1x1x1x16xf32> to vector<16xf32>
      %swap3A_330 = vector.shape_cast %add3A_322 : vector<16xf32> to vector<1x1x1x16xf32>
      tpu.vector_store %arg5[%swap3A_324, %swap3A_325, %swap3A_326, %swap3A_327], %swap3A_330 {strides = array<i32>} : memref<3x4x8x1024xf32, #tpu.memory_space<vmem>>, vector<1x1x1x16xf32>,
      %get3A_331 = arith.constant 0 : i32
      %get3A_332 = arith.constant 1 : i32
      %get3A_333 = arith.index_cast %get3A_331 : i32 to index
      %get3A_334 = arith.index_cast %get3A_332 : i32 to index
      %get3A_335 = arith.index_cast %select_n3A : i32 to index
      %get3A_336 = arith.index_cast %mul3A_308 : i32 to index
      %get3A_337 = tpu.vector_load %arg5[%get3A_333, %get3A_334, %get3A_335, %get3A_336] {strides = array<i32>} : memref<3x4x8x1024xf32, #tpu.memory_space<vmem>>, vector<1x1x1x16xf32>,
      %get3A_338 = vector.shape_cast %get3A_337 : vector<1x1x1x16xf32> to vector<16xf32>
      %add3A_339 = arith.addf %get3A_338, %get3A_313 : vector<16xf32>
      %swap3A_340 = arith.constant 0 : i32
      %swap3A_341 = arith.constant 1 : i32
      %swap3A_342 = arith.index_cast %swap3A_340 : i32 to index
      %swap3A_343 = arith.index_cast %swap3A_341 : i32 to index
      %swap3A_344 = arith.index_cast %select_n3A : i32 to index
      %swap3A_345 = arith.index_cast %mul3A_308 : i32 to index
      %swap3A_346 = tpu.vector_load %arg5[%swap3A_342, %swap3A_343, %swap3A_344, %swap3A_345] {strides = array<i32>} : memref<3x4x8x1024xf32, #tpu.memory_space<vmem>>, vector<1x1x1x16xf32>,
      %swap3A_347 = vector.shape_cast %swap3A_346 : vector<1x1x1x16xf32> to vector<16xf32>
      %swap3A_348 = vector.shape_cast %add3A_339 : vector<16xf32> to vector<1x1x1x16xf32>
      tpu.vector_store %arg5[%swap3A_342, %swap3A_343, %swap3A_344, %swap3A_345], %swap3A_348 {strides = array<i32>} : memref<3x4x8x1024xf32, #tpu.memory_space<vmem>>, vector<1x1x1x16xf32>,
      %get3A_349 = arith.constant 0 : i32
      %get3A_350 = arith.constant 2 : i32
      %get3A_351 = arith.index_cast %get3A_349 : i32 to index
      %get3A_352 = arith.index_cast %get3A_350 : i32 to index
      %get3A_353 = arith.index_cast %select_n3A : i32 to index
      %get3A_354 = arith.index_cast %mul3A_308 : i32 to index
      %get3A_355 = tpu.vector_load %arg5[%get3A_351, %get3A_352, %get3A_353, %get3A_354] {strides = array<i32>} : memref<3x4x8x1024xf32, #tpu.memory_space<vmem>>, vector<1x1x1x16xf32>,
      %get3A_356 = vector.shape_cast %get3A_355 : vector<1x1x1x16xf32> to vector<16xf32>
      %add3A_357 = arith.addf %get3A_356, %get3A_313 : vector<16xf32>
      %swap3A_358 = arith.constant 0 : i32
      %swap3A_359 = arith.constant 2 : i32
      %swap3A_360 = arith.index_cast %swap3A_358 : i32 to index
      %swap3A_361 = arith.index_cast %swap3A_359 : i32 to index
      %swap3A_362 = arith.index_cast %select_n3A : i32 to index
      %swap3A_363 = arith.index_cast %mul3A_308 : i32 to index
      %swap3A_364 = tpu.vector_load %arg5[%swap3A_360, %swap3A_361, %swap3A_362, %swap3A_363] {strides = array<i32>} : memref<3x4x8x1024xf32, #tpu.memory_space<vmem>>, vector<1x1x1x16xf32>,
      %swap3A_365 = vector.shape_cast %swap3A_364 : vector<1x1x1x16xf32> to vector<16xf32>
      %swap3A_366 = vector.shape_cast %add3A_357 : vector<16xf32> to vector<1x1x1x16xf32>
      tpu.vector_store %arg5[%swap3A_360, %swap3A_361, %swap3A_362, %swap3A_363], %swap3A_366 {strides = array<i32>} : memref<3x4x8x1024xf32, #tpu.memory_space<vmem>>, vector<1x1x1x16xf32>,
      %get3A_367 = arith.constant 0 : i32
      %get3A_368 = arith.constant 3 : i32
      %get3A_369 = arith.index_cast %get3A_367 : i32 to index
      %get3A_370 = arith.index_cast %get3A_368 : i32 to index
      %get3A_371 = arith.index_cast %select_n3A : i32 to index
      %get3A_372 = arith.index_cast %mul3A_308 : i32 to index
      %get3A_373 = tpu.vector_load %arg5[%get3A_369, %get3A_370, %get3A_371, %get3A_372] {strides = array<i32>} : memref<3x4x8x1024xf32, #tpu.memory_space<vmem>>, vector<1x1x1x16xf32>,
      %get3A_374 = vector.shape_cast %get3A_373 : vector<1x1x1x16xf32> to vector<16xf32>
      %add3A_375 = arith.addf %get3A_374, %get3A_313 : vector<16xf32>
      %swap3A_376 = arith.constant 0 : i32
      %swap3A_377 = arith.constant 3 : i32
      %swap3A_378 = arith.index_cast %swap3A_376 : i32 to index
      %swap3A_379 = arith.index_cast %swap3A_377 : i32 to index
      %swap3A_380 = arith.index_cast %select_n3A : i32 to index
      %swap3A_381 = arith.index_cast %mul3A_308 : i32 to index
      %swap3A_382 = tpu.vector_load %arg5[%swap3A_378, %swap3A_379, %swap3A_380, %swap3A_381] {strides = array<i32>} : memref<3x4x8x1024xf32, #tpu.memory_space<vmem>>, vector<1x1x1x16xf32>,
      %swap3A_383 = vector.shape_cast %swap3A_382 : vector<1x1x1x16xf32> to vector<16xf32>
      %swap3A_384 = vector.shape_cast %add3A_375 : vector<16xf32> to vector<1x1x1x16xf32>
      tpu.vector_store %arg5[%swap3A_378, %swap3A_379, %swap3A_380, %swap3A_381], %swap3A_384 {strides = array<i32>} : memref<3x4x8x1024xf32, #tpu.memory_space<vmem>>, vector<1x1x1x16xf32>,
      %mul3A_385 = arith.constant 8 : i32
      %mul3A_386 = arith.muli %scan3A_271, %mul3A_385 : i32
      %add3A_387 = arith.constant 1 : i32
      %add3A_388 = arith.addi %mul3A_386, %add3A_387 : i32
      %jit3A_389 = arith.constant 64 : i32
      %div3A_390 = arith.divsi %add3A_388, %jit3A_389 : i32
      %sign3A_391 = arith.constant 0 : i32
      %sign3A_392 = arith.cmpi sgt, %add3A_388, %sign3A_391 : i32
      %sign3A_393 = arith.extui %sign3A_392 : i1 to i32
      %sign3A_394 = arith.constant 0 : i32
      %sign3A_395 = arith.cmpi slt, %add3A_388, %sign3A_394 : i32
      %sign3A_396 = arith.extui %sign3A_395 : i1 to i32
      %sign3A_397 = arith.subi %sign3A_393, %sign3A_396 : i32
      %sign3A_398 = arith.constant 0 : i32
      %sign3A_399 = arith.cmpi sgt, %jit3A_389, %sign3A_398 : i32
      %sign3A_400 = arith.extui %sign3A_399 : i1 to i32
      %sign3A_401 = arith.constant 0 : i32
      %sign3A_402 = arith.cmpi slt, %jit3A_389, %sign3A_401 : i32
      %sign3A_403 = arith.extui %sign3A_402 : i1 to i32
      %sign3A_404 = arith.subi %sign3A_400, %sign3A_403 : i32
      %ne3A_405 = arith.cmpi ne, %sign3A_397, %sign3A_404 : i32
      %rem3A_406 = arith.remsi %add3A_388, %jit3A_389 : i32
      %ne3A_407 = arith.constant 0 : i32
      %ne3A_408 = arith.cmpi ne, %rem3A_406, %ne3A_407 : i32
      %and3A_409 = arith.andi %ne3A_405, %ne3A_408 : i1
      %sub3A_410 = arith.constant 1 : i32
      %sub3A_411 = arith.subi %div3A_390, %sub3A_410 : i32
      %select_n3A_412 = arith.select %and3A_409, %sub3A_411, %div3A_390 : i32
      %jit3A_413 = arith.constant 64 : i32
      %eq3A_414 = arith.constant 0 : i32
      %eq3A_415 = arith.cmpi eq, %jit3A_413, %eq3A_414 : i32
      %jit3A_416 = arith.constant 1 : i32
      %select_n3A_417 = arith.select %eq3A_415, %jit3A_416, %jit3A_413 : i32
      %rem3A_418 = arith.remsi %add3A_388, %select_n3A_417 : i32
      %ne3A_419 = arith.constant 0 : i32
      %ne3A_420 = arith.cmpi ne, %rem3A_418, %ne3A_419 : i32
      %lt3A_421 = arith.constant 0 : i32
      %lt3A_422 = arith.cmpi slt, %rem3A_418, %lt3A_421 : i32
      %lt3A_423 = arith.constant 0 : i32
      %lt3A_424 = arith.cmpi slt, %select_n3A_417, %lt3A_423 : i32
      %ne3A_425 = arith.xori %lt3A_422, %lt3A_424 : i1
      %and3A_426 = arith.andi %ne3A_425, %ne3A_420 : i1
      %add3A_427 = arith.addi %rem3A_418, %select_n3A_417 : i32
      %select_n3A_428 = arith.select %and3A_426, %add3A_427, %rem3A_418 : i32
      %mul3A_429 = arith.constant 16 : i32
      %mul3A_430 = arith.muli %select_n3A_428, %mul3A_429 : i32
      %get3A_431 = arith.constant 0 : i32
      %get3A_432 = arith.index_cast %get3A_431 : i32 to index
      %get3A_433 = arith.index_cast %select_n3A_412 : i32 to index
      %get3A_434 = arith.index_cast %mul3A_430 : i32 to index
      %get3A_435 = tpu.vector_load %arg6[%get3A_432, %get3A_433, %get3A_434] {strides = array<i32>} : memref<3x8x1024xf32, #tpu.memory_space<vmem>>, vector<1x1x16xf32>,
      %get3A_436 = vector.shape_cast %get3A_435 : vector<1x1x16xf32> to vector<16xf32>
      %get3A_437 = arith.constant 0 : i32
      %get3A_438 = arith.constant 0 : i32
      %get3A_439 = arith.index_cast %get3A_437 : i32 to index
      %get3A_440 = arith.index_cast %get3A_438 : i32 to index
      %get3A_441 = arith.index_cast %select_n3A_412 : i32 to index
      %get3A_442 = arith.index_cast %mul3A_430 : i32 to index
      %get3A_443 = tpu.vector_load %arg5[%get3A_439, %get3A_440, %get3A_441, %get3A_442] {strides = array<i32>} : memref<3x4x8x1024xf32, #tpu.memory_space<vmem>>, vector<1x1x1x16xf32>,
      %get3A_444 = vector.shape_cast %get3A_443 : vector<1x1x1x16xf32> to vector<16xf32>
      %add3A_445 = arith.addf %get3A_444, %get3A_436 : vector<16xf32>
      %swap3A_446 = arith.constant 0 : i32
      %swap3A_447 = arith.constant 0 : i32
      %swap3A_448 = arith.index_cast %swap3A_446 : i32 to index
      %swap3A_449 = arith.index_cast %swap3A_447 : i32 to index
      %swap3A_450 = arith.index_cast %select_n3A_412 : i32 to index
      %swap3A_451 = arith.index_cast %mul3A_430 : i32 to index
      %swap3A_452 = tpu.vector_load %arg5[%swap3A_448, %swap3A_449, %swap3A_450, %swap3A_451] {strides = array<i32>} : memref<3x4x8x1024xf32, #tpu.memory_space<vmem>>, vector<1x1x1x16xf32>,
      %swap3A_453 = vector.shape_cast %swap3A_452 : vector<1x1x1x16xf32> to vector<16xf32>
      %swap3A_454 = vector.shape_cast %add3A_445 : vector<16xf32> to vector<1x1x1x16xf32>
      tpu.vector_store %arg5[%swap3A_448, %swap3A_449, %swap3A_450, %swap3A_451], %swap3A_454 {strides = array<i32>} : memref<3x4x8x1024xf32, #tpu.memory_space<vmem>>, vector<1x1x1x16xf32>,
      %get3A_455 = arith.constant 0 : i32
      %get3A_456 = arith.constant 1 : i32
      %get3A_457 = arith.index_cast %get3A_455 : i32 to index
      %get3A_458 = arith.index_cast %get3A_456 : i32 to index
      %get3A_459 = arith.index_cast %select_n3A_412 : i32 to index
      %get3A_460 = arith.index_cast %mul3A_430 : i32 to index
      %get3A_461 = tpu.vector_load %arg5[%get3A_457, %get3A_458, %get3A_459, %get3A_460] {strides = array<i32>} : memref<3x4x8x1024xf32, #tpu.memory_space<vmem>>, vector<1x1x1x16xf32>,
      %get3A_462 = vector.shape_cast %get3A_461 : vector<1x1x1x16xf32> to vector<16xf32>
      %add3A_463 = arith.addf %get3A_462, %get3A_436 : vector<16xf32>
      %swap3A_464 = arith.constant 0 : i32
      %swap3A_465 = arith.constant 1 : i32
      %swap3A_466 = arith.index_cast %swap3A_464 : i32 to index
      %swap3A_467 = arith.index_cast %swap3A_465 : i32 to index
      %swap3A_468 = arith.index_cast %select_n3A_412 : i32 to index
      %swap3A_469 = arith.index_cast %mul3A_430 : i32 to index
      %swap3A_470 = tpu.vector_load %arg5[%swap3A_466, %swap3A_467, %swap3A_468, %swap3A_469] {strides = array<i32>} : memref<3x4x8x1024xf32, #tpu.memory_space<vmem>>, vector<1x1x1x16xf32>,
      %swap3A_471 = vector.shape_cast %swap3A_470 : vector<1x1x1x16xf32> to vector<16xf32>
      %swap3A_472 = vector.shape_cast %add3A_463 : vector<16xf32> to vector<1x1x1x16xf32>
      tpu.vector_store %arg5[%swap3A_466, %swap3A_467, %swap3A_468, %swap3A_469], %swap3A_472 {strides = array<i32>} : memref<3x4x8x1024xf32, #tpu.memory_space<vmem>>, vector<1x1x1x16xf32>,
      %get3A_473 = arith.constant 0 : i32
      %get3A_474 = arith.constant 2 : i32
      %get3A_475 = arith.index_cast %get3A_473 : i32 to index
      %get3A_476 = arith.index_cast %get3A_474 : i32 to index
      %get3A_477 = arith.index_cast %select_n3A_412 : i32 to index
      %get3A_478 = arith.index_cast %mul3A_430 : i32 to index
      %get3A_479 = tpu.vector_load %arg5[%get3A_475, %get3A_476, %get3A_477, %get3A_478] {strides = array<i32>} : memref<3x4x8x1024xf32, #tpu.memory_space<vmem>>, vector<1x1x1x16xf32>,
      %get3A_480 = vector.shape_cast %get3A_479 : vector<1x1x1x16xf32> to vector<16xf32>
      %add3A_481 = arith.addf %get3A_480, %get3A_436 : vector<16xf32>
      %swap3A_482 = arith.constant 0 : i32
      %swap3A_483 = arith.constant 2 : i32
      %swap3A_484 = arith.index_cast %swap3A_482 : i32 to index
      %swap3A_485 = arith.index_cast %swap3A_483 : i32 to index
      %swap3A_486 = arith.index_cast %select_n3A_412 : i32 to index
      %swap3A_487 = arith.index_cast %mul3A_430 : i32 to index
      %swap3A_488 = tpu.vector_load %arg5[%swap3A_484, %swap3A_485, %swap3A_486, %swap3A_487] {strides = array<i32>} : memref<3x4x8x1024xf32, #tpu.memory_space<vmem>>, vector<1x1x1x16xf32>,
      %swap3A_489 = vector.shape_cast %swap3A_488 : vector<1x1x1x16xf32> to vector<16xf32>
      %swap3A_490 = vector.shape_cast %add3A_481 : vector<16xf32> to vector<1x1x1x16xf32>
      tpu.vector_store %arg5[%swap3A_484, %swap3A_485, %swap3A_486, %swap3A_487], %swap3A_490 {strides = array<i32>} : memref<3x4x8x1024xf32, #tpu.memory_space<vmem>>, vector<1x1x1x16xf32>,
      %get3A_491 = arith.constant 0 : i32
      %get3A_492 = arith.constant 3 : i32
      %get3A_493 = arith.index_cast %get3A_491 : i32 to index
      %get3A_494 = arith.index_cast %get3A_492 : i32 to index
      %get3A_495 = arith.index_cast %select_n3A_412 : i32 to index
      %get3A_496 = arith.index_cast %mul3A_430 : i32 to index
      %get3A_497 = tpu.vector_load %arg5[%get3A_493, %get3A_494, %get3A_495, %get3A_496] {strides = array<i32>} : memref<3x4x8x1024xf32, #tpu.memory_space<vmem>>, vector<1x1x1x16xf32>,
      %get3A_498 = vector.shape_cast %get3A_497 : vector<1x1x1x16xf32> to vector<16xf32>
      %add3A_499 = arith.addf %get3A_498, %get3A_436 : vector<16xf32>
      %swap3A_500 = arith.constant 0 : i32
      %swap3A_501 = arith.constant 3 : i32
      %swap3A_502 = arith.index_cast %swap3A_500 : i32 to index
      %swap3A_503 = arith.index_cast %swap3A_501 : i32 to index
      %swap3A_504 = arith.index_cast %select_n3A_412 : i32 to index
      %swap3A_505 = arith.index_cast %mul3A_430 : i32 to index
      %swap3A_506 = tpu.vector_load %arg5[%swap3A_502, %swap3A_503, %swap3A_504, %swap3A_505] {strides = array<i32>} : memref<3x4x8x1024xf32, #tpu.memory_space<vmem>>, vector<1x1x1x16xf32>,
      %swap3A_507 = vector.shape_cast %swap3A_506 : vector<1x1x1x16xf32> to vector<16xf32>
      %swap3A_508 = vector.shape_cast %add3A_499 : vector<16xf32> to vector<1x1x1x16xf32>
      tpu.vector_store %arg5[%swap3A_502, %swap3A_503, %swap3A_504, %swap3A_505], %swap3A_508 {strides = array<i32>} : memref<3x4x8x1024xf32, #tpu.memory_space<vmem>>, vector<1x1x1x16xf32>,
      %mul3A_509 = arith.constant 8 : i32
      %mul3A_510 = arith.muli %scan3A_271, %mul3A_509 : i32
      %add3A_511 = arith.constant 2 : i32
      %add3A_512 = arith.addi %mul3A_510, %add3A_511 : i32
      %jit3A_513 = arith.constant 64 : i32
      %div3A_514 = arith.divsi %add3A_512, %jit3A_513 : i32
      %sign3A_515 = arith.constant 0 : i32
      %sign3A_516 = arith.cmpi sgt, %add3A_512, %sign3A_515 : i32
      %sign3A_517 = arith.extui %sign3A_516 : i1 to i32
      %sign3A_518 = arith.constant 0 : i32
      %sign3A_519 = arith.cmpi slt, %add3A_512, %sign3A_518 : i32
      %sign3A_520 = arith.extui %sign3A_519 : i1 to i32
      %sign3A_521 = arith.subi %sign3A_517, %sign3A_520 : i32
      %sign3A_522 = arith.constant 0 : i32
      %sign3A_523 = arith.cmpi sgt, %jit3A_513, %sign3A_522 : i32
      %sign3A_524 = arith.extui %sign3A_523 : i1 to i32
      %sign3A_525 = arith.constant 0 : i32
      %sign3A_526 = arith.cmpi slt, %jit3A_513, %sign3A_525 : i32
      %sign3A_527 = arith.extui %sign3A_526 : i1 to i32
      %sign3A_528 = arith.subi %sign3A_524, %sign3A_527 : i32
      %ne3A_529 = arith.cmpi ne, %sign3A_521, %sign3A_528 : i32
      %rem3A_530 = arith.remsi %add3A_512, %jit3A_513 : i32
      %ne3A_531 = arith.constant 0 : i32
      %ne3A_532 = arith.cmpi ne, %rem3A_530, %ne3A_531 : i32
      %and3A_533 = arith.andi %ne3A_529, %ne3A_532 : i1
      %sub3A_534 = arith.constant 1 : i32
      %sub3A_535 = arith.subi %div3A_514, %sub3A_534 : i32
      %select_n3A_536 = arith.select %and3A_533, %sub3A_535, %div3A_514 : i32
      %jit3A_537 = arith.constant 64 : i32
      %eq3A_538 = arith.constant 0 : i32
      %eq3A_539 = arith.cmpi eq, %jit3A_537, %eq3A_538 : i32
      %jit3A_540 = arith.constant 1 : i32
      %select_n3A_541 = arith.select %eq3A_539, %jit3A_540, %jit3A_537 : i32
      %rem3A_542 = arith.remsi %add3A_512, %select_n3A_541 : i32
      %ne3A_543 = arith.constant 0 : i32
      %ne3A_544 = arith.cmpi ne, %rem3A_542, %ne3A_543 : i32
      %lt3A_545 = arith.constant 0 : i32
      %lt3A_546 = arith.cmpi slt, %rem3A_542, %lt3A_545 : i32
      %lt3A_547 = arith.constant 0 : i32
      %lt3A_548 = arith.cmpi slt, %select_n3A_541, %lt3A_547 : i32
      %ne3A_549 = arith.xori %lt3A_546, %lt3A_548 : i1
      %and3A_550 = arith.andi %ne3A_549, %ne3A_544 : i1
      %add3A_551 = arith.addi %rem3A_542, %select_n3A_541 : i32
      %select_n3A_552 = arith.select %and3A_550, %add3A_551, %rem3A_542 : i32
      %mul3A_553 = arith.constant 16 : i32
      %mul3A_554 = arith.muli %select_n3A_552, %mul3A_553 : i32
      %get3A_555 = arith.constant 0 : i32
      %get3A_556 = arith.index_cast %get3A_555 : i32 to index
      %get3A_557 = arith.index_cast %select_n3A_536 : i32 to index
      %get3A_558 = arith.index_cast %mul3A_554 : i32 to index
      %get3A_559 = tpu.vector_load %arg6[%get3A_556, %get3A_557, %get3A_558] {strides = array<i32>} : memref<3x8x1024xf32, #tpu.memory_space<vmem>>, vector<1x1x16xf32>,
      %get3A_560 = vector.shape_cast %get3A_559 : vector<1x1x16xf32> to vector<16xf32>
      %get3A_561 = arith.constant 0 : i32
      %get3A_562 = arith.constant 0 : i32
      %get3A_563 = arith.index_cast %get3A_561 : i32 to index
      %get3A_564 = arith.index_cast %get3A_562 : i32 to index
      %get3A_565 = arith.index_cast %select_n3A_536 : i32 to index
      %get3A_566 = arith.index_cast %mul3A_554 : i32 to index
      %get3A_567 = tpu.vector_load %arg5[%get3A_563, %get3A_564, %get3A_565, %get3A_566] {strides = array<i32>} : memref<3x4x8x1024xf32, #tpu.memory_space<vmem>>, vector<1x1x1x16xf32>,
      %get3A_568 = vector.shape_cast %get3A_567 : vector<1x1x1x16xf32> to vector<16xf32>
      %add3A_569 = arith.addf %get3A_568, %get3A_560 : vector<16xf32>
      %swap3A_570 = arith.constant 0 : i32
      %swap3A_571 = arith.constant 0 : i32
      %swap3A_572 = arith.index_cast %swap3A_570 : i32 to index
      %swap3A_573 = arith.index_cast %swap3A_571 : i32 to index
      %swap3A_574 = arith.index_cast %select_n3A_536 : i32 to index
      %swap3A_575 = arith.index_cast %mul3A_554 : i32 to index
      %swap3A_576 = tpu.vector_load %arg5[%swap3A_572, %swap3A_573, %swap3A_574, %swap3A_575] {strides = array<i32>} : memref<3x4x8x1024xf32, #tpu.memory_space<vmem>>, vector<1x1x1x16xf32>,
      %swap3A_577 = vector.shape_cast %swap3A_576 : vector<1x1x1x16xf32> to vector<16xf32>
      %swap3A_578 = vector.shape_cast %add3A_569 : vector<16xf32> to vector<1x1x1x16xf32>
      tpu.vector_store %arg5[%swap3A_572, %swap3A_573, %swap3A_574, %swap3A_575], %swap3A_578 {strides = array<i32>} : memref<3x4x8x1024xf32, #tpu.memory_space<vmem>>, vector<1x1x1x16xf32>,
      %get3A_579 = arith.constant 0 : i32
      %get3A_580 = arith.constant 1 : i32
      %get3A_581 = arith.index_cast %get3A_579 : i32 to index
      %get3A_582 = arith.index_cast %get3A_580 : i32 to index
      %get3A_583 = arith.index_cast %select_n3A_536 : i32 to index
      %get3A_584 = arith.index_cast %mul3A_554 : i32 to index
      %get3A_585 = tpu.vector_load %arg5[%get3A_581, %get3A_582, %get3A_583, %get3A_584] {strides = array<i32>} : memref<3x4x8x1024xf32, #tpu.memory_space<vmem>>, vector<1x1x1x16xf32>,
      %get3A_586 = vector.shape_cast %get3A_585 : vector<1x1x1x16xf32> to vector<16xf32>
      %add3A_587 = arith.addf %get3A_586, %get3A_560 : vector<16xf32>
      %swap3A_588 = arith.constant 0 : i32
      %swap3A_589 = arith.constant 1 : i32
      %swap3A_590 = arith.index_cast %swap3A_588 : i32 to index
      %swap3A_591 = arith.index_cast %swap3A_589 : i32 to index
      %swap3A_592 = arith.index_cast %select_n3A_536 : i32 to index
      %swap3A_593 = arith.index_cast %mul3A_554 : i32 to index
      %swap3A_594 = tpu.vector_load %arg5[%swap3A_590, %swap3A_591, %swap3A_592, %swap3A_593] {strides = array<i32>} : memref<3x4x8x1024xf32, #tpu.memory_space<vmem>>, vector<1x1x1x16xf32>,
      %swap3A_595 = vector.shape_cast %swap3A_594 : vector<1x1x1x16xf32> to vector<16xf32>
      %swap3A_596 = vector.shape_cast %add3A_587 : vector<16xf32> to vector<1x1x1x16xf32>
      tpu.vector_store %arg5[%swap3A_590, %swap3A_591, %swap3A_592, %swap3A_593], %swap3A_596 {strides = array<i32>} : memref<3x4x8x1024xf32, #tpu.memory_space<vmem>>, vector<1x1x1x16xf32>,
      %get3A_597 = arith.constant 0 : i32
      %get3A_598 = arith.constant 2 : i32
      %get3A_599 = arith.index_cast %get3A_597 : i32 to index
      %get3A_600 = arith.index_cast %get3A_598 : i32 to index
      %get3A_601 = arith.index_cast %select_n3A_536 : i32 to index
      %get3A_602 = arith.index_cast %mul3A_554 : i32 to index
      %get3A_603 = tpu.vector_load %arg5[%get3A_599, %get3A_600, %get3A_601, %get3A_602] {strides = array<i32>} : memref<3x4x8x1024xf32, #tpu.memory_space<vmem>>, vector<1x1x1x16xf32>,
      %get3A_604 = vector.shape_cast %get3A_603 : vector<1x1x1x16xf32> to vector<16xf32>
      %add3A_605 = arith.addf %get3A_604, %get3A_560 : vector<16xf32>
      %swap3A_606 = arith.constant 0 : i32
      %swap3A_607 = arith.constant 2 : i32
      %swap3A_608 = arith.index_cast %swap3A_606 : i32 to index
      %swap3A_609 = arith.index_cast %swap3A_607 : i32 to index
      %swap3A_610 = arith.index_cast %select_n3A_536 : i32 to index
      %swap3A_611 = arith.index_cast %mul3A_554 : i32 to index
      %swap3A_612 = tpu.vector_load %arg5[%swap3A_608, %swap3A_609, %swap3A_610, %swap3A_611] {strides = array<i32>} : memref<3x4x8x1024xf32, #tpu.memory_space<vmem>>, vector<1x1x1x16xf32>,
      %swap3A_613 = vector.shape_cast %swap3A_612 : vector<1x1x1x16xf32> to vector<16xf32>
      %swap3A_614 = vector.shape_cast %add3A_605 : vector<16xf32> to vector<1x1x1x16xf32>
      tpu.vector_store %arg5[%swap3A_608, %swap3A_609, %swap3A_610, %swap3A_611], %swap3A_614 {strides = array<i32>} : memref<3x4x8x1024xf32, #tpu.memory_space<vmem>>, vector<1x1x1x16xf32>,
      %get3A_615 = arith.constant 0 : i32
      %get3A_616 = arith.constant 3 : i32
      %get3A_617 = arith.index_cast %get3A_615 : i32 to index
      %get3A_618 = arith.index_cast %get3A_616 : i32 to index
      %get3A_619 = arith.index_cast %select_n3A_536 : i32 to index
      %get3A_620 = arith.index_cast %mul3A_554 : i32 to index
      %get3A_621 = tpu.vector_load %arg5[%get3A_617, %get3A_618, %get3A_619, %get3A_620] {strides = array<i32>} : memref<3x4x8x1024xf32, #tpu.memory_space<vmem>>, vector<1x1x1x16xf32>,
      %get3A_622 = vector.shape_cast %get3A_621 : vector<1x1x1x16xf32> to vector<16xf32>
      %add3A_623 = arith.addf %get3A_622, %get3A_560 : vector<16xf32>
      %swap3A_624 = arith.constant 0 : i32
      %swap3A_625 = arith.constant 3 : i32
      %swap3A_626 = arith.index_cast %swap3A_624 : i32 to index
      %swap3A_627 = arith.index_cast %swap3A_625 : i32 to index
      %swap3A_628 = arith.index_cast %select_n3A_536 : i32 to index
      %swap3A_629 = arith.index_cast %mul3A_554 : i32 to index
      %swap3A_630 = tpu.vector_load %arg5[%swap3A_626, %swap3A_627, %swap3A_628, %swap3A_629] {strides = array<i32>} : memref<3x4x8x1024xf32, #tpu.memory_space<vmem>>, vector<1x1x1x16xf32>,
      %swap3A_631 = vector.shape_cast %swap3A_630 : vector<1x1x1x16xf32> to vector<16xf32>
      %swap3A_632 = vector.shape_cast %add3A_623 : vector<16xf32> to vector<1x1x1x16xf32>
      tpu.vector_store %arg5[%swap3A_626, %swap3A_627, %swap3A_628, %swap3A_629], %swap3A_632 {strides = array<i32>} : memref<3x4x8x1024xf32, #tpu.memory_space<vmem>>, vector<1x1x1x16xf32>,
      %mul3A_633 = arith.constant 8 : i32
      %mul3A_634 = arith.muli %scan3A_271, %mul3A_633 : i32
      %add3A_635 = arith.constant 3 : i32
      %add3A_636 = arith.addi %mul3A_634, %add3A_635 : i32
      %jit3A_637 = arith.constant 64 : i32
      %div3A_638 = arith.divsi %add3A_636, %jit3A_637 : i32
      %sign3A_639 = arith.constant 0 : i32
      %sign3A_640 = arith.cmpi sgt, %add3A_636, %sign3A_639 : i32
      %sign3A_641 = arith.extui %sign3A_640 : i1 to i32
      %sign3A_642 = arith.constant 0 : i32
      %sign3A_643 = arith.cmpi slt, %add3A_636, %sign3A_642 : i32
      %sign3A_644 = arith.extui %sign3A_643 : i1 to i32
      %sign3A_645 = arith.subi %sign3A_641, %sign3A_644 : i32
      %sign3A_646 = arith.constant 0 : i32
      %sign3A_647 = arith.cmpi sgt, %jit3A_637, %sign3A_646 : i32
      %sign3A_648 = arith.extui %sign3A_647 : i1 to i32
      %sign3A_649 = arith.constant 0 : i32
      %sign3A_650 = arith.cmpi slt, %jit3A_637, %sign3A_649 : i32
      %sign3A_651 = arith.extui %sign3A_650 : i1 to i32
      %sign3A_652 = arith.subi %sign3A_648, %sign3A_651 : i32
      %ne3A_653 = arith.cmpi ne, %sign3A_645, %sign3A_652 : i32
      %rem3A_654 = arith.remsi %add3A_636, %jit3A_637 : i32
      %ne3A_655 = arith.constant 0 : i32
      %ne3A_656 = arith.cmpi ne, %rem3A_654, %ne3A_655 : i32
      %and3A_657 = arith.andi %ne3A_653, %ne3A_656 : i1
      %sub3A_658 = arith.constant 1 : i32
      %sub3A_659 = arith.subi %div3A_638, %sub3A_658 : i32
      %select_n3A_660 = arith.select %and3A_657, %sub3A_659, %div3A_638 : i32
      %jit3A_661 = arith.constant 64 : i32
      %eq3A_662 = arith.constant 0 : i32
      %eq3A_663 = arith.cmpi eq, %jit3A_661, %eq3A_662 : i32
      %jit3A_664 = arith.constant 1 : i32
      %select_n3A_665 = arith.select %eq3A_663, %jit3A_664, %jit3A_661 : i32
      %rem3A_666 = arith.remsi %add3A_636, %select_n3A_665 : i32
      %ne3A_667 = arith.constant 0 : i32
      %ne3A_668 = arith.cmpi ne, %rem3A_666, %ne3A_667 : i32
      %lt3A_669 = arith.constant 0 : i32
      %lt3A_670 = arith.cmpi slt, %rem3A_666, %lt3A_669 : i32
      %lt3A_671 = arith.constant 0 : i32
      %lt3A_672 = arith.cmpi slt, %select_n3A_665, %lt3A_671 : i32
      %ne3A_673 = arith.xori %lt3A_670, %lt3A_672 : i1
      %and3A_674 = arith.andi %ne3A_673, %ne3A_668 : i1
      %add3A_675 = arith.addi %rem3A_666, %select_n3A_665 : i32
      %select_n3A_676 = arith.select %and3A_674, %add3A_675, %rem3A_666 : i32
      %mul3A_677 = arith.constant 16 : i32
      %mul3A_678 = arith.muli %select_n3A_676, %mul3A_677 : i32
      %get3A_679 = arith.constant 0 : i32
      %get3A_680 = arith.index_cast %get3A_679 : i32 to index
      %get3A_681 = arith.index_cast %select_n3A_660 : i32 to index
      %get3A_682 = arith.index_cast %mul3A_678 : i32 to index
      %get3A_683 = tpu.vector_load %arg6[%get3A_680, %get3A_681, %get3A_682] {strides = array<i32>} : memref<3x8x1024xf32, #tpu.memory_space<vmem>>, vector<1x1x16xf32>,
      %get3A_684 = vector.shape_cast %get3A_683 : vector<1x1x16xf32> to vector<16xf32>
      %get3A_685 = arith.constant 0 : i32
      %get3A_686 = arith.constant 0 : i32
      %get3A_687 = arith.index_cast %get3A_685 : i32 to index
      %get3A_688 = arith.index_cast %get3A_686 : i32 to index
      %get3A_689 = arith.index_cast %select_n3A_660 : i32 to index
      %get3A_690 = arith.index_cast %mul3A_678 : i32 to index
      %get3A_691 = tpu.vector_load %arg5[%get3A_687, %get3A_688, %get3A_689, %get3A_690] {strides = array<i32>} : memref<3x4x8x1024xf32, #tpu.memory_space<vmem>>, vector<1x1x1x16xf32>,
      %get3A_692 = vector.shape_cast %get3A_691 : vector<1x1x1x16xf32> to vector<16xf32>
      %add3A_693 = arith.addf %get3A_692, %get3A_684 : vector<16xf32>
      %swap3A_694 = arith.constant 0 : i32
      %swap3A_695 = arith.constant 0 : i32
      %swap3A_696 = arith.index_cast %swap3A_694 : i32 to index
      %swap3A_697 = arith.index_cast %swap3A_695 : i32 to index
      %swap3A_698 = arith.index_cast %select_n3A_660 : i32 to index
      %swap3A_699 = arith.index_cast %mul3A_678 : i32 to index
      %swap3A_700 = tpu.vector_load %arg5[%swap3A_696, %swap3A_697, %swap3A_698, %swap3A_699] {strides = array<i32>} : memref<3x4x8x1024xf32, #tpu.memory_space<vmem>>, vector<1x1x1x16xf32>,
      %swap3A_701 = vector.shape_cast %swap3A_700 : vector<1x1x1x16xf32> to vector<16xf32>
      %swap3A_702 = vector.shape_cast %add3A_693 : vector<16xf32> to vector<1x1x1x16xf32>
      tpu.vector_store %arg5[%swap3A_696, %swap3A_697, %swap3A_698, %swap3A_699], %swap3A_702 {strides = array<i32>} : memref<3x4x8x1024xf32, #tpu.memory_space<vmem>>, vector<1x1x1x16xf32>,
      %get3A_703 = arith.constant 0 : i32
      %get3A_704 = arith.constant 1 : i32
      %get3A_705 = arith.index_cast %get3A_703 : i32 to index
      %get3A_706 = arith.index_cast %get3A_704 : i32 to index
      %get3A_707 = arith.index_cast %select_n3A_660 : i32 to index
      %get3A_708 = arith.index_cast %mul3A_678 : i32 to index
      %get3A_709 = tpu.vector_load %arg5[%get3A_705, %get3A_706, %get3A_707, %get3A_708] {strides = array<i32>} : memref<3x4x8x1024xf32, #tpu.memory_space<vmem>>, vector<1x1x1x16xf32>,
      %get3A_710 = vector.shape_cast %get3A_709 : vector<1x1x1x16xf32> to vector<16xf32>
      %add3A_711 = arith.addf %get3A_710, %get3A_684 : vector<16xf32>
      %swap3A_712 = arith.constant 0 : i32
      %swap3A_713 = arith.constant 1 : i32
      %swap3A_714 = arith.index_cast %swap3A_712 : i32 to index
      %swap3A_715 = arith.index_cast %swap3A_713 : i32 to index
      %swap3A_716 = arith.index_cast %select_n3A_660 : i32 to index
      %swap3A_717 = arith.index_cast %mul3A_678 : i32 to index
      %swap3A_718 = tpu.vector_load %arg5[%swap3A_714, %swap3A_715, %swap3A_716, %swap3A_717] {strides = array<i32>} : memref<3x4x8x1024xf32, #tpu.memory_space<vmem>>, vector<1x1x1x16xf32>,
      %swap3A_719 = vector.shape_cast %swap3A_718 : vector<1x1x1x16xf32> to vector<16xf32>
      %swap3A_720 = vector.shape_cast %add3A_711 : vector<16xf32> to vector<1x1x1x16xf32>
      tpu.vector_store %arg5[%swap3A_714, %swap3A_715, %swap3A_716, %swap3A_717], %swap3A_720 {strides = array<i32>} : memref<3x4x8x1024xf32, #tpu.memory_space<vmem>>, vector<1x1x1x16xf32>,
      %get3A_721 = arith.constant 0 : i32
      %get3A_722 = arith.constant 2 : i32
      %get3A_723 = arith.index_cast %get3A_721 : i32 to index
      %get3A_724 = arith.index_cast %get3A_722 : i32 to index
      %get3A_725 = arith.index_cast %select_n3A_660 : i32 to index
      %get3A_726 = arith.index_cast %mul3A_678 : i32 to index
      %get3A_727 = tpu.vector_load %arg5[%get3A_723, %get3A_724, %get3A_725, %get3A_726] {strides = array<i32>} : memref<3x4x8x1024xf32, #tpu.memory_space<vmem>>, vector<1x1x1x16xf32>,
      %get3A_728 = vector.shape_cast %get3A_727 : vector<1x1x1x16xf32> to vector<16xf32>
      %add3A_729 = arith.addf %get3A_728, %get3A_684 : vector<16xf32>
      %swap3A_730 = arith.constant 0 : i32
      %swap3A_731 = arith.constant 2 : i32
      %swap3A_732 = arith.index_cast %swap3A_730 : i32 to index
      %swap3A_733 = arith.index_cast %swap3A_731 : i32 to index
      %swap3A_734 = arith.index_cast %select_n3A_660 : i32 to index
      %swap3A_735 = arith.index_cast %mul3A_678 : i32 to index
      %swap3A_736 = tpu.vector_load %arg5[%swap3A_732, %swap3A_733, %swap3A_734, %swap3A_735] {strides = array<i32>} : memref<3x4x8x1024xf32, #tpu.memory_space<vmem>>, vector<1x1x1x16xf32>,
      %swap3A_737 = vector.shape_cast %swap3A_736 : vector<1x1x1x16xf32> to vector<16xf32>
      %swap3A_738 = vector.shape_cast %add3A_729 : vector<16xf32> to vector<1x1x1x16xf32>
      tpu.vector_store %arg5[%swap3A_732, %swap3A_733, %swap3A_734, %swap3A_735], %swap3A_738 {strides = array<i32>} : memref<3x4x8x1024xf32, #tpu.memory_space<vmem>>, vector<1x1x1x16xf32>,
      %get3A_739 = arith.constant 0 : i32
      %get3A_740 = arith.constant 3 : i32
      %get3A_741 = arith.index_cast %get3A_739 : i32 to index
      %get3A_742 = arith.index_cast %get3A_740 : i32 to index
      %get3A_743 = arith.index_cast %select_n3A_660 : i32 to index
      %get3A_744 = arith.index_cast %mul3A_678 : i32 to index
      %get3A_745 = tpu.vector_load %arg5[%get3A_741, %get3A_742, %get3A_743, %get3A_744] {strides = array<i32>} : memref<3x4x8x1024xf32, #tpu.memory_space<vmem>>, vector<1x1x1x16xf32>,
      %get3A_746 = vector.shape_cast %get3A_745 : vector<1x1x1x16xf32> to vector<16xf32>
      %add3A_747 = arith.addf %get3A_746, %get3A_684 : vector<16xf32>
      %swap3A_748 = arith.constant 0 : i32
      %swap3A_749 = arith.constant 3 : i32
      %swap3A_750 = arith.index_cast %swap3A_748 : i32 to index
      %swap3A_751 = arith.index_cast %swap3A_749 : i32 to index
      %swap3A_752 = arith.index_cast %select_n3A_660 : i32 to index
      %swap3A_753 = arith.index_cast %mul3A_678 : i32 to index
      %swap3A_754 = tpu.vector_load %arg5[%swap3A_750, %swap3A_751, %swap3A_752, %swap3A_753] {strides = array<i32>} : memref<3x4x8x1024xf32, #tpu.memory_space<vmem>>, vector<1x1x1x16xf32>,
      %swap3A_755 = vector.shape_cast %swap3A_754 : vector<1x1x1x16xf32> to vector<16xf32>
      %swap3A_756 = vector.shape_cast %add3A_747 : vector<16xf32> to vector<1x1x1x16xf32>
      tpu.vector_store %arg5[%swap3A_750, %swap3A_751, %swap3A_752, %swap3A_753], %swap3A_756 {strides = array<i32>} : memref<3x4x8x1024xf32, #tpu.memory_space<vmem>>, vector<1x1x1x16xf32>,
      %mul3A_757 = arith.constant 8 : i32
      %mul3A_758 = arith.muli %scan3A_271, %mul3A_757 : i32
      %add3A_759 = arith.constant 4 : i32
      %add3A_760 = arith.addi %mul3A_758, %add3A_759 : i32
      %jit3A_761 = arith.constant 64 : i32
      %div3A_762 = arith.divsi %add3A_760, %jit3A_761 : i32
      %sign3A_763 = arith.constant 0 : i32
      %sign3A_764 = arith.cmpi sgt, %add3A_760, %sign3A_763 : i32
      %sign3A_765 = arith.extui %sign3A_764 : i1 to i32
      %sign3A_766 = arith.constant 0 : i32
      %sign3A_767 = arith.cmpi slt, %add3A_760, %sign3A_766 : i32
      %sign3A_768 = arith.extui %sign3A_767 : i1 to i32
      %sign3A_769 = arith.subi %sign3A_765, %sign3A_768 : i32
      %sign3A_770 = arith.constant 0 : i32
      %sign3A_771 = arith.cmpi sgt, %jit3A_761, %sign3A_770 : i32
      %sign3A_772 = arith.extui %sign3A_771 : i1 to i32
      %sign3A_773 = arith.constant 0 : i32
      %sign3A_774 = arith.cmpi slt, %jit3A_761, %sign3A_773 : i32
      %sign3A_775 = arith.extui %sign3A_774 : i1 to i32
      %sign3A_776 = arith.subi %sign3A_772, %sign3A_775 : i32
      %ne3A_777 = arith.cmpi ne, %sign3A_769, %sign3A_776 : i32
      %rem3A_778 = arith.remsi %add3A_760, %jit3A_761 : i32
      %ne3A_779 = arith.constant 0 : i32
      %ne3A_780 = arith.cmpi ne, %rem3A_778, %ne3A_779 : i32
      %and3A_781 = arith.andi %ne3A_777, %ne3A_780 : i1
      %sub3A_782 = arith.constant 1 : i32
      %sub3A_783 = arith.subi %div3A_762, %sub3A_782 : i32
      %select_n3A_784 = arith.select %and3A_781, %sub3A_783, %div3A_762 : i32
      %jit3A_785 = arith.constant 64 : i32
      %eq3A_786 = arith.constant 0 : i32
      %eq3A_787 = arith.cmpi eq, %jit3A_785, %eq3A_786 : i32
      %jit3A_788 = arith.constant 1 : i32
      %select_n3A_789 = arith.select %eq3A_787, %jit3A_788, %jit3A_785 : i32
      %rem3A_790 = arith.remsi %add3A_760, %select_n3A_789 : i32
      %ne3A_791 = arith.constant 0 : i32
      %ne3A_792 = arith.cmpi ne, %rem3A_790, %ne3A_791 : i32
      %lt3A_793 = arith.constant 0 : i32
      %lt3A_794 = arith.cmpi slt, %rem3A_790, %lt3A_793 : i32
      %lt3A_795 = arith.constant 0 : i32
      %lt3A_796 = arith.cmpi slt, %select_n3A_789, %lt3A_795 : i32
      %ne3A_797 = arith.xori %lt3A_794, %lt3A_796 : i1
      %and3A_798 = arith.andi %ne3A_797, %ne3A_792 : i1
      %add3A_799 = arith.addi %rem3A_790, %select_n3A_789 : i32
      %select_n3A_800 = arith.select %and3A_798, %add3A_799, %rem3A_790 : i32
      %mul3A_801 = arith.constant 16 : i32
      %mul3A_802 = arith.muli %select_n3A_800, %mul3A_801 : i32
      %get3A_803 = arith.constant 0 : i32
      %get3A_804 = arith.index_cast %get3A_803 : i32 to index
      %get3A_805 = arith.index_cast %select_n3A_784 : i32 to index
      %get3A_806 = arith.index_cast %mul3A_802 : i32 to index
      %get3A_807 = tpu.vector_load %arg6[%get3A_804, %get3A_805, %get3A_806] {strides = array<i32>} : memref<3x8x1024xf32, #tpu.memory_space<vmem>>, vector<1x1x16xf32>,
      %get3A_808 = vector.shape_cast %get3A_807 : vector<1x1x16xf32> to vector<16xf32>
      %get3A_809 = arith.constant 0 : i32
      %get3A_810 = arith.constant 0 : i32
      %get3A_811 = arith.index_cast %get3A_809 : i32 to index
      %get3A_812 = arith.index_cast %get3A_810 : i32 to index
      %get3A_813 = arith.index_cast %select_n3A_784 : i32 to index
      %get3A_814 = arith.index_cast %mul3A_802 : i32 to index
      %get3A_815 = tpu.vector_load %arg5[%get3A_811, %get3A_812, %get3A_813, %get3A_814] {strides = array<i32>} : memref<3x4x8x1024xf32, #tpu.memory_space<vmem>>, vector<1x1x1x16xf32>,
      %get3A_816 = vector.shape_cast %get3A_815 : vector<1x1x1x16xf32> to vector<16xf32>
      %add3A_817 = arith.addf %get3A_816, %get3A_808 : vector<16xf32>
      %swap3A_818 = arith.constant 0 : i32
      %swap3A_819 = arith.constant 0 : i32
      %swap3A_820 = arith.index_cast %swap3A_818 : i32 to index
      %swap3A_821 = arith.index_cast %swap3A_819 : i32 to index
      %swap3A_822 = arith.index_cast %select_n3A_784 : i32 to index
      %swap3A_823 = arith.index_cast %mul3A_802 : i32 to index
      %swap3A_824 = tpu.vector_load %arg5[%swap3A_820, %swap3A_821, %swap3A_822, %swap3A_823] {strides = array<i32>} : memref<3x4x8x1024xf32, #tpu.memory_space<vmem>>, vector<1x1x1x16xf32>,
      %swap3A_825 = vector.shape_cast %swap3A_824 : vector<1x1x1x16xf32> to vector<16xf32>
      %swap3A_826 = vector.shape_cast %add3A_817 : vector<16xf32> to vector<1x1x1x16xf32>
      tpu.vector_store %arg5[%swap3A_820, %swap3A_821, %swap3A_822, %swap3A_823], %swap3A_826 {strides = array<i32>} : memref<3x4x8x1024xf32, #tpu.memory_space<vmem>>, vector<1x1x1x16xf32>,
      %get3A_827 = arith.constant 0 : i32
      %get3A_828 = arith.constant 1 : i32
      %get3A_829 = arith.index_cast %get3A_827 : i32 to index
      %get3A_830 = arith.index_cast %get3A_828 : i32 to index
      %get3A_831 = arith.index_cast %select_n3A_784 : i32 to index
      %get3A_832 = arith.index_cast %mul3A_802 : i32 to index
      %get3A_833 = tpu.vector_load %arg5[%get3A_829, %get3A_830, %get3A_831, %get3A_832] {strides = array<i32>} : memref<3x4x8x1024xf32, #tpu.memory_space<vmem>>, vector<1x1x1x16xf32>,
      %get3A_834 = vector.shape_cast %get3A_833 : vector<1x1x1x16xf32> to vector<16xf32>
      %add3A_835 = arith.addf %get3A_834, %get3A_808 : vector<16xf32>
      %swap3A_836 = arith.constant 0 : i32
      %swap3A_837 = arith.constant 1 : i32
      %swap3A_838 = arith.index_cast %swap3A_836 : i32 to index
      %swap3A_839 = arith.index_cast %swap3A_837 : i32 to index
      %swap3A_840 = arith.index_cast %select_n3A_784 : i32 to index
      %swap3A_841 = arith.index_cast %mul3A_802 : i32 to index
      %swap3A_842 = tpu.vector_load %arg5[%swap3A_838, %swap3A_839, %swap3A_840, %swap3A_841] {strides = array<i32>} : memref<3x4x8x1024xf32, #tpu.memory_space<vmem>>, vector<1x1x1x16xf32>,
      %swap3A_843 = vector.shape_cast %swap3A_842 : vector<1x1x1x16xf32> to vector<16xf32>
      %swap3A_844 = vector.shape_cast %add3A_835 : vector<16xf32> to vector<1x1x1x16xf32>
      tpu.vector_store %arg5[%swap3A_838, %swap3A_839, %swap3A_840, %swap3A_841], %swap3A_844 {strides = array<i32>} : memref<3x4x8x1024xf32, #tpu.memory_space<vmem>>, vector<1x1x1x16xf32>,
      %get3A_845 = arith.constant 0 : i32
      %get3A_846 = arith.constant 2 : i32
      %get3A_847 = arith.index_cast %get3A_845 : i32 to index
      %get3A_848 = arith.index_cast %get3A_846 : i32 to index
      %get3A_849 = arith.index_cast %select_n3A_784 : i32 to index
      %get3A_850 = arith.index_cast %mul3A_802 : i32 to index
      %get3A_851 = tpu.vector_load %arg5[%get3A_847, %get3A_848, %get3A_849, %get3A_850] {strides = array<i32>} : memref<3x4x8x1024xf32, #tpu.memory_space<vmem>>, vector<1x1x1x16xf32>,
      %get3A_852 = vector.shape_cast %get3A_851 : vector<1x1x1x16xf32> to vector<16xf32>
      %add3A_853 = arith.addf %get3A_852, %get3A_808 : vector<16xf32>
      %swap3A_854 = arith.constant 0 : i32
      %swap3A_855 = arith.constant 2 : i32
      %swap3A_856 = arith.index_cast %swap3A_854 : i32 to index
      %swap3A_857 = arith.index_cast %swap3A_855 : i32 to index
      %swap3A_858 = arith.index_cast %select_n3A_784 : i32 to index
      %swap3A_859 = arith.index_cast %mul3A_802 : i32 to index
      %swap3A_860 = tpu.vector_load %arg5[%swap3A_856, %swap3A_857, %swap3A_858, %swap3A_859] {strides = array<i32>} : memref<3x4x8x1024xf32, #tpu.memory_space<vmem>>, vector<1x1x1x16xf32>,
      %swap3A_861 = vector.shape_cast %swap3A_860 : vector<1x1x1x16xf32> to vector<16xf32>
      %swap3A_862 = vector.shape_cast %add3A_853 : vector<16xf32> to vector<1x1x1x16xf32>
      tpu.vector_store %arg5[%swap3A_856, %swap3A_857, %swap3A_858, %swap3A_859], %swap3A_862 {strides = array<i32>} : memref<3x4x8x1024xf32, #tpu.memory_space<vmem>>, vector<1x1x1x16xf32>,
      %get3A_863 = arith.constant 0 : i32
      %get3A_864 = arith.constant 3 : i32
      %get3A_865 = arith.index_cast %get3A_863 : i32 to index
      %get3A_866 = arith.index_cast %get3A_864 : i32 to index
      %get3A_867 = arith.index_cast %select_n3A_784 : i32 to index
      %get3A_868 = arith.index_cast %mul3A_802 : i32 to index
      %get3A_869 = tpu.vector_load %arg5[%get3A_865, %get3A_866, %get3A_867, %get3A_868] {strides = array<i32>} : memref<3x4x8x1024xf32, #tpu.memory_space<vmem>>, vector<1x1x1x16xf32>,
      %get3A_870 = vector.shape_cast %get3A_869 : vector<1x1x1x16xf32> to vector<16xf32>
      %add3A_871 = arith.addf %get3A_870, %get3A_808 : vector<16xf32>
      %swap3A_872 = arith.constant 0 : i32
      %swap3A_873 = arith.constant 3 : i32
      %swap3A_874 = arith.index_cast %swap3A_872 : i32 to index
      %swap3A_875 = arith.index_cast %swap3A_873 : i32 to index
      %swap3A_876 = arith.index_cast %select_n3A_784 : i32 to index
      %swap3A_877 = arith.index_cast %mul3A_802 : i32 to index
      %swap3A_878 = tpu.vector_load %arg5[%swap3A_874, %swap3A_875, %swap3A_876, %swap3A_877] {strides = array<i32>} : memref<3x4x8x1024xf32, #tpu.memory_space<vmem>>, vector<1x1x1x16xf32>,
      %swap3A_879 = vector.shape_cast %swap3A_878 : vector<1x1x1x16xf32> to vector<16xf32>
      %swap3A_880 = vector.shape_cast %add3A_871 : vector<16xf32> to vector<1x1x1x16xf32>
      tpu.vector_store %arg5[%swap3A_874, %swap3A_875, %swap3A_876, %swap3A_877], %swap3A_880 {strides = array<i32>} : memref<3x4x8x1024xf32, #tpu.memory_space<vmem>>, vector<1x1x1x16xf32>,
      %mul3A_881 = arith.constant 8 : i32
      %mul3A_882 = arith.muli %scan3A_271, %mul3A_881 : i32
      %add3A_883 = arith.constant 5 : i32
      %add3A_884 = arith.addi %mul3A_882, %add3A_883 : i32
      %jit3A_885 = arith.constant 64 : i32
      %div3A_886 = arith.divsi %add3A_884, %jit3A_885 : i32
      %sign3A_887 = arith.constant 0 : i32
      %sign3A_888 = arith.cmpi sgt, %add3A_884, %sign3A_887 : i32
      %sign3A_889 = arith.extui %sign3A_888 : i1 to i32
      %sign3A_890 = arith.constant 0 : i32
      %sign3A_891 = arith.cmpi slt, %add3A_884, %sign3A_890 : i32
      %sign3A_892 = arith.extui %sign3A_891 : i1 to i32
      %sign3A_893 = arith.subi %sign3A_889, %sign3A_892 : i32
      %sign3A_894 = arith.constant 0 : i32
      %sign3A_895 = arith.cmpi sgt, %jit3A_885, %sign3A_894 : i32
      %sign3A_896 = arith.extui %sign3A_895 : i1 to i32
      %sign3A_897 = arith.constant 0 : i32
      %sign3A_898 = arith.cmpi slt, %jit3A_885, %sign3A_897 : i32
      %sign3A_899 = arith.extui %sign3A_898 : i1 to i32
      %sign3A_900 = arith.subi %sign3A_896, %sign3A_899 : i32
      %ne3A_901 = arith.cmpi ne, %sign3A_893, %sign3A_900 : i32
      %rem3A_902 = arith.remsi %add3A_884, %jit3A_885 : i32
      %ne3A_903 = arith.constant 0 : i32
      %ne3A_904 = arith.cmpi ne, %rem3A_902, %ne3A_903 : i32
      %and3A_905 = arith.andi %ne3A_901, %ne3A_904 : i1
      %sub3A_906 = arith.constant 1 : i32
      %sub3A_907 = arith.subi %div3A_886, %sub3A_906 : i32
      %select_n3A_908 = arith.select %and3A_905, %sub3A_907, %div3A_886 : i32
      %jit3A_909 = arith.constant 64 : i32
      %eq3A_910 = arith.constant 0 : i32
      %eq3A_911 = arith.cmpi eq, %jit3A_909, %eq3A_910 : i32
      %jit3A_912 = arith.constant 1 : i32
      %select_n3A_913 = arith.select %eq3A_911, %jit3A_912, %jit3A_909 : i32
      %rem3A_914 = arith.remsi %add3A_884, %select_n3A_913 : i32
      %ne3A_915 = arith.constant 0 : i32
      %ne3A_916 = arith.cmpi ne, %rem3A_914, %ne3A_915 : i32
      %lt3A_917 = arith.constant 0 : i32
      %lt3A_918 = arith.cmpi slt, %rem3A_914, %lt3A_917 : i32
      %lt3A_919 = arith.constant 0 : i32
      %lt3A_920 = arith.cmpi slt, %select_n3A_913, %lt3A_919 : i32
      %ne3A_921 = arith.xori %lt3A_918, %lt3A_920 : i1
      %and3A_922 = arith.andi %ne3A_921, %ne3A_916 : i1
      %add3A_923 = arith.addi %rem3A_914, %select_n3A_913 : i32
      %select_n3A_924 = arith.select %and3A_922, %add3A_923, %rem3A_914 : i32
      %mul3A_925 = arith.constant 16 : i32
      %mul3A_926 = arith.muli %select_n3A_924, %mul3A_925 : i32
      %get3A_927 = arith.constant 0 : i32
      %get3A_928 = arith.index_cast %get3A_927 : i32 to index
      %get3A_929 = arith.index_cast %select_n3A_908 : i32 to index
      %get3A_930 = arith.index_cast %mul3A_926 : i32 to index
      %get3A_931 = tpu.vector_load %arg6[%get3A_928, %get3A_929, %get3A_930] {strides = array<i32>} : memref<3x8x1024xf32, #tpu.memory_space<vmem>>, vector<1x1x16xf32>,
      %get3A_932 = vector.shape_cast %get3A_931 : vector<1x1x16xf32> to vector<16xf32>
      %get3A_933 = arith.constant 0 : i32
      %get3A_934 = arith.constant 0 : i32
      %get3A_935 = arith.index_cast %get3A_933 : i32 to index
      %get3A_936 = arith.index_cast %get3A_934 : i32 to index
      %get3A_937 = arith.index_cast %select_n3A_908 : i32 to index
      %get3A_938 = arith.index_cast %mul3A_926 : i32 to index
      %get3A_939 = tpu.vector_load %arg5[%get3A_935, %get3A_936, %get3A_937, %get3A_938] {strides = array<i32>} : memref<3x4x8x1024xf32, #tpu.memory_space<vmem>>, vector<1x1x1x16xf32>,
      %get3A_940 = vector.shape_cast %get3A_939 : vector<1x1x1x16xf32> to vector<16xf32>
      %add3A_941 = arith.addf %get3A_940, %get3A_932 : vector<16xf32>
      %swap3A_942 = arith.constant 0 : i32
      %swap3A_943 = arith.constant 0 : i32
      %swap3A_944 = arith.index_cast %swap3A_942 : i32 to index
      %swap3A_945 = arith.index_cast %swap3A_943 : i32 to index
      %swap3A_946 = arith.index_cast %select_n3A_908 : i32 to index
      %swap3A_947 = arith.index_cast %mul3A_926 : i32 to index
      %swap3A_948 = tpu.vector_load %arg5[%swap3A_944, %swap3A_945, %swap3A_946, %swap3A_947] {strides = array<i32>} : memref<3x4x8x1024xf32, #tpu.memory_space<vmem>>, vector<1x1x1x16xf32>,
      %swap3A_949 = vector.shape_cast %swap3A_948 : vector<1x1x1x16xf32> to vector<16xf32>
      %swap3A_950 = vector.shape_cast %add3A_941 : vector<16xf32> to vector<1x1x1x16xf32>
      tpu.vector_store %arg5[%swap3A_944, %swap3A_945, %swap3A_946, %swap3A_947], %swap3A_950 {strides = array<i32>} : memref<3x4x8x1024xf32, #tpu.memory_space<vmem>>, vector<1x1x1x16xf32>,
      %get3A_951 = arith.constant 0 : i32
      %get3A_952 = arith.constant 1 : i32
      %get3A_953 = arith.index_cast %get3A_951 : i32 to index
      %get3A_954 = arith.index_cast %get3A_952 : i32 to index
      %get3A_955 = arith.index_cast %select_n3A_908 : i32 to index
      %get3A_956 = arith.index_cast %mul3A_926 : i32 to index
      %get3A_957 = tpu.vector_load %arg5[%get3A_953, %get3A_954, %get3A_955, %get3A_956] {strides = array<i32>} : memref<3x4x8x1024xf32, #tpu.memory_space<vmem>>, vector<1x1x1x16xf32>,
      %get3A_958 = vector.shape_cast %get3A_957 : vector<1x1x1x16xf32> to vector<16xf32>
      %add3A_959 = arith.addf %get3A_958, %get3A_932 : vector<16xf32>
      %swap3A_960 = arith.constant 0 : i32
      %swap3A_961 = arith.constant 1 : i32
      %swap3A_962 = arith.index_cast %swap3A_960 : i32 to index
      %swap3A_963 = arith.index_cast %swap3A_961 : i32 to index
      %swap3A_964 = arith.index_cast %select_n3A_908 : i32 to index
      %swap3A_965 = arith.index_cast %mul3A_926 : i32 to index
      %swap3A_966 = tpu.vector_load %arg5[%swap3A_962, %swap3A_963, %swap3A_964, %swap3A_965] {strides = array<i32>} : memref<3x4x8x1024xf32, #tpu.memory_space<vmem>>, vector<1x1x1x16xf32>,
      %swap3A_967 = vector.shape_cast %swap3A_966 : vector<1x1x1x16xf32> to vector<16xf32>
      %swap3A_968 = vector.shape_cast %add3A_959 : vector<16xf32> to vector<1x1x1x16xf32>
      tpu.vector_store %arg5[%swap3A_962, %swap3A_963, %swap3A_964, %swap3A_965], %swap3A_968 {strides = array<i32>} : memref<3x4x8x1024xf32, #tpu.memory_space<vmem>>, vector<1x1x1x16xf32>,
      %get3A_969 = arith.constant 0 : i32
      %get3A_970 = arith.constant 2 : i32
      %get3A_971 = arith.index_cast %get3A_969 : i32 to index
      %get3A_972 = arith.index_cast %get3A_970 : i32 to index
      %get3A_973 = arith.index_cast %select_n3A_908 : i32 to index
      %get3A_974 = arith.index_cast %mul3A_926 : i32 to index
      %get3A_975 = tpu.vector_load %arg5[%get3A_971, %get3A_972, %get3A_973, %get3A_974] {strides = array<i32>} : memref<3x4x8x1024xf32, #tpu.memory_space<vmem>>, vector<1x1x1x16xf32>,
      %get3A_976 = vector.shape_cast %get3A_975 : vector<1x1x1x16xf32> to vector<16xf32>
      %add3A_977 = arith.addf %get3A_976, %get3A_932 : vector<16xf32>
      %swap3A_978 = arith.constant 0 : i32
      %swap3A_979 = arith.constant 2 : i32
      %swap3A_980 = arith.index_cast %swap3A_978 : i32 to index
      %swap3A_981 = arith.index_cast %swap3A_979 : i32 to index
      %swap3A_982 = arith.index_cast %select_n3A_908 : i32 to index
      %swap3A_983 = arith.index_cast %mul3A_926 : i32 to index
      %swap3A_984 = tpu.vector_load %arg5[%swap3A_980, %swap3A_981, %swap3A_982, %swap3A_983] {strides = array<i32>} : memref<3x4x8x1024xf32, #tpu.memory_space<vmem>>, vector<1x1x1x16xf32>,
      %swap3A_985 = vector.shape_cast %swap3A_984 : vector<1x1x1x16xf32> to vector<16xf32>
      %swap3A_986 = vector.shape_cast %add3A_977 : vector<16xf32> to vector<1x1x1x16xf32>
      tpu.vector_store %arg5[%swap3A_980, %swap3A_981, %swap3A_982, %swap3A_983], %swap3A_986 {strides = array<i32>} : memref<3x4x8x1024xf32, #tpu.memory_space<vmem>>, vector<1x1x1x16xf32>,
      %get3A_987 = arith.constant 0 : i32
      %get3A_988 = arith.constant 3 : i32
      %get3A_989 = arith.index_cast %get3A_987 : i32 to index
      %get3A_990 = arith.index_cast %get3A_988 : i32 to index
      %get3A_991 = arith.index_cast %select_n3A_908 : i32 to index
      %get3A_992 = arith.index_cast %mul3A_926 : i32 to index
      %get3A_993 = tpu.vector_load %arg5[%get3A_989, %get3A_990, %get3A_991, %get3A_992] {strides = array<i32>} : memref<3x4x8x1024xf32, #tpu.memory_space<vmem>>, vector<1x1x1x16xf32>,
      %get3A_994 = vector.shape_cast %get3A_993 : vector<1x1x1x16xf32> to vector<16xf32>
      %add3A_995 = arith.addf %get3A_994, %get3A_932 : vector<16xf32>
      %swap3A_996 = arith.constant 0 : i32
      %swap3A_997 = arith.constant 3 : i32
      %swap3A_998 = arith.index_cast %swap3A_996 : i32 to index
      %swap3A_999 = arith.index_cast %swap3A_997 : i32 to index
      %swap3A_1000 = arith.index_cast %select_n3A_908 : i32 to index
      %swap3A_1001 = arith.index_cast %mul3A_926 : i32 to index
      %swap3A_1002 = tpu.vector_load %arg5[%swap3A_998, %swap3A_999, %swap3A_1000, %swap3A_1001] {strides = array<i32>} : memref<3x4x8x1024xf32, #tpu.memory_space<vmem>>, vector<1x1x1x16xf32>,
      %swap3A_1003 = vector.shape_cast %swap3A_1002 : vector<1x1x1x16xf32> to vector<16xf32>
      %swap3A_1004 = vector.shape_cast %add3A_995 : vector<16xf32> to vector<1x1x1x16xf32>
      tpu.vector_store %arg5[%swap3A_998, %swap3A_999, %swap3A_1000, %swap3A_1001], %swap3A_1004 {strides = array<i32>} : memref<3x4x8x1024xf32, #tpu.memory_space<vmem>>, vector<1x1x1x16xf32>,
      %mul3A_1005 = arith.constant 8 : i32
      %mul3A_1006 = arith.muli %scan3A_271, %mul3A_1005 : i32
      %add3A_1007 = arith.constant 6 : i32
      %add3A_1008 = arith.addi %mul3A_1006, %add3A_1007 : i32
      %jit3A_1009 = arith.constant 64 : i32
      %div3A_1010 = arith.divsi %add3A_1008, %jit3A_1009 : i32
      %sign3A_1011 = arith.constant 0 : i32
      %sign3A_1012 = arith.cmpi sgt, %add3A_1008, %sign3A_1011 : i32
      %sign3A_1013 = arith.extui %sign3A_1012 : i1 to i32
      %sign3A_1014 = arith.constant 0 : i32
      %sign3A_1015 = arith.cmpi slt, %add3A_1008, %sign3A_1014 : i32
      %sign3A_1016 = arith.extui %sign3A_1015 : i1 to i32
      %sign3A_1017 = arith.subi %sign3A_1013, %sign3A_1016 : i32
      %sign3A_1018 = arith.constant 0 : i32
      %sign3A_1019 = arith.cmpi sgt, %jit3A_1009, %sign3A_1018 : i32
      %sign3A_1020 = arith.extui %sign3A_1019 : i1 to i32
      %sign3A_1021 = arith.constant 0 : i32
      %sign3A_1022 = arith.cmpi slt, %jit3A_1009, %sign3A_1021 : i32
      %sign3A_1023 = arith.extui %sign3A_1022 : i1 to i32
      %sign3A_1024 = arith.subi %sign3A_1020, %sign3A_1023 : i32
      %ne3A_1025 = arith.cmpi ne, %sign3A_1017, %sign3A_1024 : i32
      %rem3A_1026 = arith.remsi %add3A_1008, %jit3A_1009 : i32
      %ne3A_1027 = arith.constant 0 : i32
      %ne3A_1028 = arith.cmpi ne, %rem3A_1026, %ne3A_1027 : i32
      %and3A_1029 = arith.andi %ne3A_1025, %ne3A_1028 : i1
      %sub3A_1030 = arith.constant 1 : i32
      %sub3A_1031 = arith.subi %div3A_1010, %sub3A_1030 : i32
      %select_n3A_1032 = arith.select %and3A_1029, %sub3A_1031, %div3A_1010 : i32
      %jit3A_1033 = arith.constant 64 : i32
      %eq3A_1034 = arith.constant 0 : i32
      %eq3A_1035 = arith.cmpi eq, %jit3A_1033, %eq3A_1034 : i32
      %jit3A_1036 = arith.constant 1 : i32
      %select_n3A_1037 = arith.select %eq3A_1035, %jit3A_1036, %jit3A_1033 : i32
      %rem3A_1038 = arith.remsi %add3A_1008, %select_n3A_1037 : i32
      %ne3A_1039 = arith.constant 0 : i32
      %ne3A_1040 = arith.cmpi ne, %rem3A_1038, %ne3A_1039 : i32
      %lt3A_1041 = arith.constant 0 : i32
      %lt3A_1042 = arith.cmpi slt, %rem3A_1038, %lt3A_1041 : i32
      %lt3A_1043 = arith.constant 0 : i32
      %lt3A_1044 = arith.cmpi slt, %select_n3A_1037, %lt3A_1043 : i32
      %ne3A_1045 = arith.xori %lt3A_1042, %lt3A_1044 : i1
      %and3A_1046 = arith.andi %ne3A_1045, %ne3A_1040 : i1
      %add3A_1047 = arith.addi %rem3A_1038, %select_n3A_1037 : i32
      %select_n3A_1048 = arith.select %and3A_1046, %add3A_1047, %rem3A_1038 : i32
      %mul3A_1049 = arith.constant 16 : i32
      %mul3A_1050 = arith.muli %select_n3A_1048, %mul3A_1049 : i32
      %get3A_1051 = arith.constant 0 : i32
      %get3A_1052 = arith.index_cast %get3A_1051 : i32 to index
      %get3A_1053 = arith.index_cast %select_n3A_1032 : i32 to index
      %get3A_1054 = arith.index_cast %mul3A_1050 : i32 to index
      %get3A_1055 = tpu.vector_load %arg6[%get3A_1052, %get3A_1053, %get3A_1054] {strides = array<i32>} : memref<3x8x1024xf32, #tpu.memory_space<vmem>>, vector<1x1x16xf32>,
      %get3A_1056 = vector.shape_cast %get3A_1055 : vector<1x1x16xf32> to vector<16xf32>
      %get3A_1057 = arith.constant 0 : i32
      %get3A_1058 = arith.constant 0 : i32
      %get3A_1059 = arith.index_cast %get3A_1057 : i32 to index
      %get3A_1060 = arith.index_cast %get3A_1058 : i32 to index
      %get3A_1061 = arith.index_cast %select_n3A_1032 : i32 to index
      %get3A_1062 = arith.index_cast %mul3A_1050 : i32 to index
      %get3A_1063 = tpu.vector_load %arg5[%get3A_1059, %get3A_1060, %get3A_1061, %get3A_1062] {strides = array<i32>} : memref<3x4x8x1024xf32, #tpu.memory_space<vmem>>, vector<1x1x1x16xf32>,
      %get3A_1064 = vector.shape_cast %get3A_1063 : vector<1x1x1x16xf32> to vector<16xf32>
      %add3A_1065 = arith.addf %get3A_1064, %get3A_1056 : vector<16xf32>
      %swap3A_1066 = arith.constant 0 : i32
      %swap3A_1067 = arith.constant 0 : i32
      %swap3A_1068 = arith.index_cast %swap3A_1066 : i32 to index
      %swap3A_1069 = arith.index_cast %swap3A_1067 : i32 to index
      %swap3A_1070 = arith.index_cast %select_n3A_1032 : i32 to index
      %swap3A_1071 = arith.index_cast %mul3A_1050 : i32 to index
      %swap3A_1072 = tpu.vector_load %arg5[%swap3A_1068, %swap3A_1069, %swap3A_1070, %swap3A_1071] {strides = array<i32>} : memref<3x4x8x1024xf32, #tpu.memory_space<vmem>>, vector<1x1x1x16xf32>,
      %swap3A_1073 = vector.shape_cast %swap3A_1072 : vector<1x1x1x16xf32> to vector<16xf32>
      %swap3A_1074 = vector.shape_cast %add3A_1065 : vector<16xf32> to vector<1x1x1x16xf32>
      tpu.vector_store %arg5[%swap3A_1068, %swap3A_1069, %swap3A_1070, %swap3A_1071], %swap3A_1074 {strides = array<i32>} : memref<3x4x8x1024xf32, #tpu.memory_space<vmem>>, vector<1x1x1x16xf32>,
      %get3A_1075 = arith.constant 0 : i32
      %get3A_1076 = arith.constant 1 : i32
      %get3A_1077 = arith.index_cast %get3A_1075 : i32 to index
      %get3A_1078 = arith.index_cast %get3A_1076 : i32 to index
      %get3A_1079 = arith.index_cast %select_n3A_1032 : i32 to index
      %get3A_1080 = arith.index_cast %mul3A_1050 : i32 to index
      %get3A_1081 = tpu.vector_load %arg5[%get3A_1077, %get3A_1078, %get3A_1079, %get3A_1080] {strides = array<i32>} : memref<3x4x8x1024xf32, #tpu.memory_space<vmem>>, vector<1x1x1x16xf32>,
      %get3A_1082 = vector.shape_cast %get3A_1081 : vector<1x1x1x16xf32> to vector<16xf32>
      %add3A_1083 = arith.addf %get3A_1082, %get3A_1056 : vector<16xf32>
      %swap3A_1084 = arith.constant 0 : i32
      %swap3A_1085 = arith.constant 1 : i32
      %swap3A_1086 = arith.index_cast %swap3A_1084 : i32 to index
      %swap3A_1087 = arith.index_cast %swap3A_1085 : i32 to index
      %swap3A_1088 = arith.index_cast %select_n3A_1032 : i32 to index
      %swap3A_1089 = arith.index_cast %mul3A_1050 : i32 to index
      %swap3A_1090 = tpu.vector_load %arg5[%swap3A_1086, %swap3A_1087, %swap3A_1088, %swap3A_1089] {strides = array<i32>} : memref<3x4x8x1024xf32, #tpu.memory_space<vmem>>, vector<1x1x1x16xf32>,
      %swap3A_1091 = vector.shape_cast %swap3A_1090 : vector<1x1x1x16xf32> to vector<16xf32>
      %swap3A_1092 = vector.shape_cast %add3A_1083 : vector<16xf32> to vector<1x1x1x16xf32>
      tpu.vector_store %arg5[%swap3A_1086, %swap3A_1087, %swap3A_1088, %swap3A_1089], %swap3A_1092 {strides = array<i32>} : memref<3x4x8x1024xf32, #tpu.memory_space<vmem>>, vector<1x1x1x16xf32>,
      %get3A_1093 = arith.constant 0 : i32
      %get3A_1094 = arith.constant 2 : i32
      %get3A_1095 = arith.index_cast %get3A_1093 : i32 to index
      %get3A_1096 = arith.index_cast %get3A_1094 : i32 to index
      %get3A_1097 = arith.index_cast %select_n3A_1032 : i32 to index
      %get3A_1098 = arith.index_cast %mul3A_1050 : i32 to index
      %get3A_1099 = tpu.vector_load %arg5[%get3A_1095, %get3A_1096, %get3A_1097, %get3A_1098] {strides = array<i32>} : memref<3x4x8x1024xf32, #tpu.memory_space<vmem>>, vector<1x1x1x16xf32>,
      %get3A_1100 = vector.shape_cast %get3A_1099 : vector<1x1x1x16xf32> to vector<16xf32>
      %add3A_1101 = arith.addf %get3A_1100, %get3A_1056 : vector<16xf32>
      %swap3A_1102 = arith.constant 0 : i32
      %swap3A_1103 = arith.constant 2 : i32
      %swap3A_1104 = arith.index_cast %swap3A_1102 : i32 to index
      %swap3A_1105 = arith.index_cast %swap3A_1103 : i32 to index
      %swap3A_1106 = arith.index_cast %select_n3A_1032 : i32 to index
      %swap3A_1107 = arith.index_cast %mul3A_1050 : i32 to index
      %swap3A_1108 = tpu.vector_load %arg5[%swap3A_1104, %swap3A_1105, %swap3A_1106, %swap3A_1107] {strides = array<i32>} : memref<3x4x8x1024xf32, #tpu.memory_space<vmem>>, vector<1x1x1x16xf32>,
      %swap3A_1109 = vector.shape_cast %swap3A_1108 : vector<1x1x1x16xf32> to vector<16xf32>
      %swap3A_1110 = vector.shape_cast %add3A_1101 : vector<16xf32> to vector<1x1x1x16xf32>
      tpu.vector_store %arg5[%swap3A_1104, %swap3A_1105, %swap3A_1106, %swap3A_1107], %swap3A_1110 {strides = array<i32>} : memref<3x4x8x1024xf32, #tpu.memory_space<vmem>>, vector<1x1x1x16xf32>,
      %get3A_1111 = arith.constant 0 : i32
      %get3A_1112 = arith.constant 3 : i32
      %get3A_1113 = arith.index_cast %get3A_1111 : i32 to index
      %get3A_1114 = arith.index_cast %get3A_1112 : i32 to index
      %get3A_1115 = arith.index_cast %select_n3A_1032 : i32 to index
      %get3A_1116 = arith.index_cast %mul3A_1050 : i32 to index
      %get3A_1117 = tpu.vector_load %arg5[%get3A_1113, %get3A_1114, %get3A_1115, %get3A_1116] {strides = array<i32>} : memref<3x4x8x1024xf32, #tpu.memory_space<vmem>>, vector<1x1x1x16xf32>,
      %get3A_1118 = vector.shape_cast %get3A_1117 : vector<1x1x1x16xf32> to vector<16xf32>
      %add3A_1119 = arith.addf %get3A_1118, %get3A_1056 : vector<16xf32>
      %swap3A_1120 = arith.constant 0 : i32
      %swap3A_1121 = arith.constant 3 : i32
      %swap3A_1122 = arith.index_cast %swap3A_1120 : i32 to index
      %swap3A_1123 = arith.index_cast %swap3A_1121 : i32 to index
      %swap3A_1124 = arith.index_cast %select_n3A_1032 : i32 to index
      %swap3A_1125 = arith.index_cast %mul3A_1050 : i32 to index
      %swap3A_1126 = tpu.vector_load %arg5[%swap3A_1122, %swap3A_1123, %swap3A_1124, %swap3A_1125] {strides = array<i32>} : memref<3x4x8x1024xf32, #tpu.memory_space<vmem>>, vector<1x1x1x16xf32>,
      %swap3A_1127 = vector.shape_cast %swap3A_1126 : vector<1x1x1x16xf32> to vector<16xf32>
      %swap3A_1128 = vector.shape_cast %add3A_1119 : vector<16xf32> to vector<1x1x1x16xf32>
      tpu.vector_store %arg5[%swap3A_1122, %swap3A_1123, %swap3A_1124, %swap3A_1125], %swap3A_1128 {strides = array<i32>} : memref<3x4x8x1024xf32, #tpu.memory_space<vmem>>, vector<1x1x1x16xf32>,
      %mul3A_1129 = arith.constant 8 : i32
      %mul3A_1130 = arith.muli %scan3A_271, %mul3A_1129 : i32
      %add3A_1131 = arith.constant 7 : i32
      %add3A_1132 = arith.addi %mul3A_1130, %add3A_1131 : i32
      %jit3A_1133 = arith.constant 64 : i32
      %div3A_1134 = arith.divsi %add3A_1132, %jit3A_1133 : i32
      %sign3A_1135 = arith.constant 0 : i32
      %sign3A_1136 = arith.cmpi sgt, %add3A_1132, %sign3A_1135 : i32
      %sign3A_1137 = arith.extui %sign3A_1136 : i1 to i32
      %sign3A_1138 = arith.constant 0 : i32
      %sign3A_1139 = arith.cmpi slt, %add3A_1132, %sign3A_1138 : i32
      %sign3A_1140 = arith.extui %sign3A_1139 : i1 to i32
      %sign3A_1141 = arith.subi %sign3A_1137, %sign3A_1140 : i32
      %sign3A_1142 = arith.constant 0 : i32
      %sign3A_1143 = arith.cmpi sgt, %jit3A_1133, %sign3A_1142 : i32
      %sign3A_1144 = arith.extui %sign3A_1143 : i1 to i32
      %sign3A_1145 = arith.constant 0 : i32
      %sign3A_1146 = arith.cmpi slt, %jit3A_1133, %sign3A_1145 : i32
      %sign3A_1147 = arith.extui %sign3A_1146 : i1 to i32
      %sign3A_1148 = arith.subi %sign3A_1144, %sign3A_1147 : i32
      %ne3A_1149 = arith.cmpi ne, %sign3A_1141, %sign3A_1148 : i32
      %rem3A_1150 = arith.remsi %add3A_1132, %jit3A_1133 : i32
      %ne3A_1151 = arith.constant 0 : i32
      %ne3A_1152 = arith.cmpi ne, %rem3A_1150, %ne3A_1151 : i32
      %and3A_1153 = arith.andi %ne3A_1149, %ne3A_1152 : i1
      %sub3A_1154 = arith.constant 1 : i32
      %sub3A_1155 = arith.subi %div3A_1134, %sub3A_1154 : i32
      %select_n3A_1156 = arith.select %and3A_1153, %sub3A_1155, %div3A_1134 : i32
      %jit3A_1157 = arith.constant 64 : i32
      %eq3A_1158 = arith.constant 0 : i32
      %eq3A_1159 = arith.cmpi eq, %jit3A_1157, %eq3A_1158 : i32
      %jit3A_1160 = arith.constant 1 : i32
      %select_n3A_1161 = arith.select %eq3A_1159, %jit3A_1160, %jit3A_1157 : i32
      %rem3A_1162 = arith.remsi %add3A_1132, %select_n3A_1161 : i32
      %ne3A_1163 = arith.constant 0 : i32
      %ne3A_1164 = arith.cmpi ne, %rem3A_1162, %ne3A_1163 : i32
      %lt3A_1165 = arith.constant 0 : i32
      %lt3A_1166 = arith.cmpi slt, %rem3A_1162, %lt3A_1165 : i32
      %lt3A_1167 = arith.constant 0 : i32
      %lt3A_1168 = arith.cmpi slt, %select_n3A_1161, %lt3A_1167 : i32
      %ne3A_1169 = arith.xori %lt3A_1166, %lt3A_1168 : i1
      %and3A_1170 = arith.andi %ne3A_1169, %ne3A_1164 : i1
      %add3A_1171 = arith.addi %rem3A_1162, %select_n3A_1161 : i32
      %select_n3A_1172 = arith.select %and3A_1170, %add3A_1171, %rem3A_1162 : i32
      %mul3A_1173 = arith.constant 16 : i32
      %mul3A_1174 = arith.muli %select_n3A_1172, %mul3A_1173 : i32
      %get3A_1175 = arith.constant 0 : i32
      %get3A_1176 = arith.index_cast %get3A_1175 : i32 to index
      %get3A_1177 = arith.index_cast %select_n3A_1156 : i32 to index
      %get3A_1178 = arith.index_cast %mul3A_1174 : i32 to index
      %get3A_1179 = tpu.vector_load %arg6[%get3A_1176, %get3A_1177, %get3A_1178] {strides = array<i32>} : memref<3x8x1024xf32, #tpu.memory_space<vmem>>, vector<1x1x16xf32>,
      %get3A_1180 = vector.shape_cast %get3A_1179 : vector<1x1x16xf32> to vector<16xf32>
      %get3A_1181 = arith.constant 0 : i32
      %get3A_1182 = arith.constant 0 : i32
      %get3A_1183 = arith.index_cast %get3A_1181 : i32 to index
      %get3A_1184 = arith.index_cast %get3A_1182 : i32 to index
      %get3A_1185 = arith.index_cast %select_n3A_1156 : i32 to index
      %get3A_1186 = arith.index_cast %mul3A_1174 : i32 to index
      %get3A_1187 = tpu.vector_load %arg5[%get3A_1183, %get3A_1184, %get3A_1185, %get3A_1186] {strides = array<i32>} : memref<3x4x8x1024xf32, #tpu.memory_space<vmem>>, vector<1x1x1x16xf32>,
      %get3A_1188 = vector.shape_cast %get3A_1187 : vector<1x1x1x16xf32> to vector<16xf32>
      %add3A_1189 = arith.addf %get3A_1188, %get3A_1180 : vector<16xf32>
      %swap3A_1190 = arith.constant 0 : i32
      %swap3A_1191 = arith.constant 0 : i32
      %swap3A_1192 = arith.index_cast %swap3A_1190 : i32 to index
      %swap3A_1193 = arith.index_cast %swap3A_1191 : i32 to index
      %swap3A_1194 = arith.index_cast %select_n3A_1156 : i32 to index
      %swap3A_1195 = arith.index_cast %mul3A_1174 : i32 to index
      %swap3A_1196 = tpu.vector_load %arg5[%swap3A_1192, %swap3A_1193, %swap3A_1194, %swap3A_1195] {strides = array<i32>} : memref<3x4x8x1024xf32, #tpu.memory_space<vmem>>, vector<1x1x1x16xf32>,
      %swap3A_1197 = vector.shape_cast %swap3A_1196 : vector<1x1x1x16xf32> to vector<16xf32>
      %swap3A_1198 = vector.shape_cast %add3A_1189 : vector<16xf32> to vector<1x1x1x16xf32>
      tpu.vector_store %arg5[%swap3A_1192, %swap3A_1193, %swap3A_1194, %swap3A_1195], %swap3A_1198 {strides = array<i32>} : memref<3x4x8x1024xf32, #tpu.memory_space<vmem>>, vector<1x1x1x16xf32>,
      %get3A_1199 = arith.constant 0 : i32
      %get3A_1200 = arith.constant 1 : i32
      %get3A_1201 = arith.index_cast %get3A_1199 : i32 to index
      %get3A_1202 = arith.index_cast %get3A_1200 : i32 to index
      %get3A_1203 = arith.index_cast %select_n3A_1156 : i32 to index
      %get3A_1204 = arith.index_cast %mul3A_1174 : i32 to index
      %get3A_1205 = tpu.vector_load %arg5[%get3A_1201, %get3A_1202, %get3A_1203, %get3A_1204] {strides = array<i32>} : memref<3x4x8x1024xf32, #tpu.memory_space<vmem>>, vector<1x1x1x16xf32>,
      %get3A_1206 = vector.shape_cast %get3A_1205 : vector<1x1x1x16xf32> to vector<16xf32>
      %add3A_1207 = arith.addf %get3A_1206, %get3A_1180 : vector<16xf32>
      %swap3A_1208 = arith.constant 0 : i32
      %swap3A_1209 = arith.constant 1 : i32
      %swap3A_1210 = arith.index_cast %swap3A_1208 : i32 to index
      %swap3A_1211 = arith.index_cast %swap3A_1209 : i32 to index
      %swap3A_1212 = arith.index_cast %select_n3A_1156 : i32 to index
      %swap3A_1213 = arith.index_cast %mul3A_1174 : i32 to index
      %swap3A_1214 = tpu.vector_load %arg5[%swap3A_1210, %swap3A_1211, %swap3A_1212, %swap3A_1213] {strides = array<i32>} : memref<3x4x8x1024xf32, #tpu.memory_space<vmem>>, vector<1x1x1x16xf32>,
      %swap3A_1215 = vector.shape_cast %swap3A_1214 : vector<1x1x1x16xf32> to vector<16xf32>
      %swap3A_1216 = vector.shape_cast %add3A_1207 : vector<16xf32> to vector<1x1x1x16xf32>
      tpu.vector_store %arg5[%swap3A_1210, %swap3A_1211, %swap3A_1212, %swap3A_1213], %swap3A_1216 {strides = array<i32>} : memref<3x4x8x1024xf32, #tpu.memory_space<vmem>>, vector<1x1x1x16xf32>,
      %get3A_1217 = arith.constant 0 : i32
      %get3A_1218 = arith.constant 2 : i32
      %get3A_1219 = arith.index_cast %get3A_1217 : i32 to index
      %get3A_1220 = arith.index_cast %get3A_1218 : i32 to index
      %get3A_1221 = arith.index_cast %select_n3A_1156 : i32 to index
      %get3A_1222 = arith.index_cast %mul3A_1174 : i32 to index
      %get3A_1223 = tpu.vector_load %arg5[%get3A_1219, %get3A_1220, %get3A_1221, %get3A_1222] {strides = array<i32>} : memref<3x4x8x1024xf32, #tpu.memory_space<vmem>>, vector<1x1x1x16xf32>,
      %get3A_1224 = vector.shape_cast %get3A_1223 : vector<1x1x1x16xf32> to vector<16xf32>
      %add3A_1225 = arith.addf %get3A_1224, %get3A_1180 : vector<16xf32>
      %swap3A_1226 = arith.constant 0 : i32
      %swap3A_1227 = arith.constant 2 : i32
      %swap3A_1228 = arith.index_cast %swap3A_1226 : i32 to index
      %swap3A_1229 = arith.index_cast %swap3A_1227 : i32 to index
      %swap3A_1230 = arith.index_cast %select_n3A_1156 : i32 to index
      %swap3A_1231 = arith.index_cast %mul3A_1174 : i32 to index
      %swap3A_1232 = tpu.vector_load %arg5[%swap3A_1228, %swap3A_1229, %swap3A_1230, %swap3A_1231] {strides = array<i32>} : memref<3x4x8x1024xf32, #tpu.memory_space<vmem>>, vector<1x1x1x16xf32>,
      %swap3A_1233 = vector.shape_cast %swap3A_1232 : vector<1x1x1x16xf32> to vector<16xf32>
      %swap3A_1234 = vector.shape_cast %add3A_1225 : vector<16xf32> to vector<1x1x1x16xf32>
      tpu.vector_store %arg5[%swap3A_1228, %swap3A_1229, %swap3A_1230, %swap3A_1231], %swap3A_1234 {strides = array<i32>} : memref<3x4x8x1024xf32, #tpu.memory_space<vmem>>, vector<1x1x1x16xf32>,
      %get3A_1235 = arith.constant 0 : i32
      %get3A_1236 = arith.constant 3 : i32
      %get3A_1237 = arith.index_cast %get3A_1235 : i32 to index
      %get3A_1238 = arith.index_cast %get3A_1236 : i32 to index
      %get3A_1239 = arith.index_cast %select_n3A_1156 : i32 to index
      %get3A_1240 = arith.index_cast %mul3A_1174 : i32 to index
      %get3A_1241 = tpu.vector_load %arg5[%get3A_1237, %get3A_1238, %get3A_1239, %get3A_1240] {strides = array<i32>} : memref<3x4x8x1024xf32, #tpu.memory_space<vmem>>, vector<1x1x1x16xf32>,
      %get3A_1242 = vector.shape_cast %get3A_1241 : vector<1x1x1x16xf32> to vector<16xf32>
      %add3A_1243 = arith.addf %get3A_1242, %get3A_1180 : vector<16xf32>
      %swap3A_1244 = arith.constant 0 : i32
      %swap3A_1245 = arith.constant 3 : i32
      %swap3A_1246 = arith.index_cast %swap3A_1244 : i32 to index
      %swap3A_1247 = arith.index_cast %swap3A_1245 : i32 to index
      %swap3A_1248 = arith.index_cast %select_n3A_1156 : i32 to index
      %swap3A_1249 = arith.index_cast %mul3A_1174 : i32 to index
      %swap3A_1250 = tpu.vector_load %arg5[%swap3A_1246, %swap3A_1247, %swap3A_1248, %swap3A_1249] {strides = array<i32>} : memref<3x4x8x1024xf32, #tpu.memory_space<vmem>>, vector<1x1x1x16xf32>,
      %swap3A_1251 = vector.shape_cast %swap3A_1250 : vector<1x1x1x16xf32> to vector<16xf32>
      %swap3A_1252 = vector.shape_cast %add3A_1243 : vector<16xf32> to vector<1x1x1x16xf32>
      tpu.vector_store %arg5[%swap3A_1246, %swap3A_1247, %swap3A_1248, %swap3A_1249], %swap3A_1252 {strides = array<i32>} : memref<3x4x8x1024xf32, #tpu.memory_space<vmem>>, vector<1x1x1x16xf32>,
      %scan3A_1253 = arith.constant 0 : i32
      scf.yield %scan3A_1253 : i32
    }
    %scan3A_134 = arith.constant 64 : i32
    %add3A_135 = arith.constant 240 : i32
    %add3A_136 = arith.addi %mul3A_2, %add3A_135 : i32
    %dma_start3A_137 = arith.constant 0 : i32
    %dma_start3A_138 = arith.constant 0 : i32
    %dma_start3A_139 = arith.constant 0 : i32
    %dma_start3A_140 = arith.constant 0 : i32
    %dma_start3A_141 = tpu.memref_slice %arg5[%dma_start3A_137, %dma_start3A_138, %dma_start3A_139, %dma_start3A_140] : memref<3x4x8x1024xf32, #tpu.memory_space<vmem>> -> memref<1x4x8x1024xf32, #tpu.memory_space<vmem>>
    %dma_start3A_142 = tpu.memref_squeeze %dma_start3A_141 : memref<1x4x8x1024xf32, #tpu.memory_space<vmem>> -> memref<4x8x1024xf32, #tpu.memory_space<vmem>>
    %dma_start3A_143 = arith.constant 0 : i32
    %dma_start3A_144 = arith.constant 0 : i32
    %dma_start3A_145 = tpu.memref_slice %arg4[%dma_start3A_143, %add3A_136, %dma_start3A_144] : memref<4x8192x1024xf32, #tpu.memory_space<hbm>> -> memref<4x8x1024xf32, #tpu.memory_space<hbm>>
    %dma_start3A_146 = arith.constant 0 : i32
    %dma_start3A_147 = arith.constant 0 : i32
    %dma_start3A_148 = tpu.memref_slice %arg4[%dma_start3A_146, %add3A_136, %dma_start3A_147] : memref<4x8192x1024xf32, #tpu.memory_space<hbm>> -> memref<4x8x1024xf32, #tpu.memory_space<hbm>>
    %dma_start3A_149 = arith.constant 0 : i32
    %dma_start3A_150 = arith.constant 0 : i32
    %dma_start3A_151 = arith.constant 0 : i32
    %dma_start3A_152 = tpu.memref_slice %arg5[%dma_start3A_137, %dma_start3A_149, %dma_start3A_150, %dma_start3A_151] : memref<3x4x8x1024xf32, #tpu.memory_space<vmem>> -> memref<1x4x8x1024xf32, #tpu.memory_space<vmem>>
    %dma_start3A_153 = tpu.memref_squeeze %dma_start3A_152 : memref<1x4x8x1024xf32, #tpu.memory_space<vmem>> -> memref<4x8x1024xf32, #tpu.memory_space<vmem>>
    tpu.enqueue_dma source(%dma_start3A_153 : memref<4x8x1024xf32, #tpu.memory_space<vmem>>) target(%dma_start3A_148 : memref<4x8x1024xf32, #tpu.memory_space<hbm>>) target_semaphore(%arg8 : memref<!tpu.dma_semaphore, #tpu.memory_space<semaphore_mem>>)
    %dma_wait3A_154 = arith.constant 1 : i32
    %dma_wait3A_155 = arith.constant 0 : i32
    %dma_wait3A_156 = arith.constant 0 : i32
    %dma_wait3A_157 = arith.constant 0 : i32
    %dma_wait3A_158 = tpu.memref_slice %arg5[%dma_wait3A_154, %dma_wait3A_155, %dma_wait3A_156, %dma_wait3A_157] : memref<3x4x8x1024xf32, #tpu.memory_space<vmem>> -> memref<1x4x8x1024xf32, #tpu.memory_space<vmem>>
    %dma_wait3A_159 = tpu.memref_squeeze %dma_wait3A_158 : memref<1x4x8x1024xf32, #tpu.memory_space<vmem>> -> memref<4x8x1024xf32, #tpu.memory_space<vmem>>
    %dma_wait3A_160 = arith.constant 0 : i32
    %dma_wait3A_161 = arith.constant 0 : i32
    %dma_wait3A_162 = arith.constant 0 : i32
    %dma_wait3A_163 = tpu.memref_slice %arg2[%dma_wait3A_160, %dma_wait3A_161, %dma_wait3A_162] : memref<4x8192x1024xf32, #tpu.memory_space<hbm>> -> memref<4x8x1024xf32, #tpu.memory_space<hbm>>
    %dma_wait3A_164 = arith.constant 0 : i32
    %dma_wait3A_165 = arith.constant 0 : i32
    %dma_wait3A_166 = arith.constant 0 : i32
    %dma_wait3A_167 = tpu.memref_slice %arg5[%dma_wait3A_154, %dma_wait3A_164, %dma_wait3A_165, %dma_wait3A_166] : memref<3x4x8x1024xf32, #tpu.memory_space<vmem>> -> memref<1x4x8x1024xf32, #tpu.memory_space<vmem>>
    %dma_wait3A_168 = tpu.memref_squeeze %dma_wait3A_167 : memref<1x4x8x1024xf32, #tpu.memory_space<vmem>> -> memref<4x8x1024xf32, #tpu.memory_space<vmem>>
    %dma_wait3A_169 = arith.constant 0 : i32
    %dma_wait3A_170 = arith.constant 0 : i32
    %dma_wait3A_171 = arith.constant 0 : i32
    %dma_wait3A_172 = tpu.memref_slice %arg2[%dma_wait3A_169, %dma_wait3A_170, %dma_wait3A_171] : memref<4x8192x1024xf32, #tpu.memory_space<hbm>> -> memref<4x8x1024xf32, #tpu.memory_space<hbm>>
    tpu.wait_dma2 semaphore(%arg7 : memref<!tpu.dma_semaphore, #tpu.memory_space<semaphore_mem>>) src(%dma_wait3A_172 : memref<4x8x1024xf32, #tpu.memory_space<hbm>>) dst(%dma_wait3A_168 : memref<4x8x1024xf32, #tpu.memory_space<vmem>>)
    %dma_wait3A_173 = arith.constant 1 : i32
    %dma_wait3A_174 = arith.constant 0 : i32
    %dma_wait3A_175 = arith.constant 0 : i32
    %dma_wait3A_176 = tpu.memref_slice %arg6[%dma_wait3A_173, %dma_wait3A_174, %dma_wait3A_175] : memref<3x8x1024xf32, #tpu.memory_space<vmem>> -> memref<1x8x1024xf32, #tpu.memory_space<vmem>>
    %dma_wait3A_177 = tpu.memref_squeeze %dma_wait3A_176 : memref<1x8x1024xf32, #tpu.memory_space<vmem>> -> memref<8x1024xf32, #tpu.memory_space<vmem>>
    %dma_wait3A_178 = arith.constant 0 : i32
    %dma_wait3A_179 = arith.constant 0 : i32
    %dma_wait3A_180 = tpu.memref_slice %arg3[%dma_wait3A_178, %dma_wait3A_179] : memref<8192x1024xf32, #tpu.memory_space<hbm>> -> memref<8x1024xf32, #tpu.memory_space<hbm>>
    %dma_wait3A_181 = arith.constant 0 : i32
    %dma_wait3A_182 = arith.constant 0 : i32
    %dma_wait3A_183 = tpu.memref_slice %arg6[%dma_wait3A_173, %dma_wait3A_181, %dma_wait3A_182] : memref<3x8x1024xf32, #tpu.memory_space<vmem>> -> memref<1x8x1024xf32, #tpu.memory_space<vmem>>
    %dma_wait3A_184 = tpu.memref_squeeze %dma_wait3A_183 : memref<1x8x1024xf32, #tpu.memory_space<vmem>> -> memref<8x1024xf32, #tpu.memory_space<vmem>>
    %dma_wait3A_185 = arith.constant 0 : i32
    %dma_wait3A_186 = arith.constant 0 : i32
    %dma_wait3A_187 = tpu.memref_slice %arg3[%dma_wait3A_185, %dma_wait3A_186] : memref<8192x1024xf32, #tpu.memory_space<hbm>> -> memref<8x1024xf32, #tpu.memory_space<hbm>>
    tpu.wait_dma2 semaphore(%arg9 : memref<!tpu.dma_semaphore, #tpu.memory_space<semaphore_mem>>) src(%dma_wait3A_187 : memref<8x1024xf32, #tpu.memory_space<hbm>>) dst(%dma_wait3A_184 : memref<8x1024xf32, #tpu.memory_space<vmem>>)
    %dma_wait3A_188 = arith.constant 2 : i32
    %dma_wait3A_189 = arith.constant 0 : i32
    %dma_wait3A_190 = arith.constant 0 : i32
    %dma_wait3A_191 = arith.constant 0 : i32
    %dma_wait3A_192 = tpu.memref_slice %arg5[%dma_wait3A_188, %dma_wait3A_189, %dma_wait3A_190, %dma_wait3A_191] : memref<3x4x8x1024xf32, #tpu.memory_space<vmem>> -> memref<1x4x8x1024xf32, #tpu.memory_space<vmem>>
    %dma_wait3A_193 = tpu.memref_squeeze %dma_wait3A_192 : memref<1x4x8x1024xf32, #tpu.memory_space<vmem>> -> memref<4x8x1024xf32, #tpu.memory_space<vmem>>
    %dma_wait3A_194 = arith.constant 0 : i32
    %dma_wait3A_195 = arith.constant 0 : i32
    %dma_wait3A_196 = arith.constant 0 : i32
    %dma_wait3A_197 = tpu.memref_slice %arg4[%dma_wait3A_194, %dma_wait3A_195, %dma_wait3A_196] : memref<4x8192x1024xf32, #tpu.memory_space<hbm>> -> memref<4x8x1024xf32, #tpu.memory_space<hbm>>
    %dma_wait3A_198 = arith.constant 0 : i32
    %dma_wait3A_199 = arith.constant 0 : i32
    %dma_wait3A_200 = arith.constant 0 : i32
    %dma_wait3A_201 = tpu.memref_slice %arg4[%dma_wait3A_198, %dma_wait3A_199, %dma_wait3A_200] : memref<4x8192x1024xf32, #tpu.memory_space<hbm>> -> memref<4x8x1024xf32, #tpu.memory_space<hbm>>
    %dma_wait3A_202 = arith.constant 0 : i32
    %dma_wait3A_203 = arith.constant 0 : i32
    %dma_wait3A_204 = arith.constant 0 : i32
    %dma_wait3A_205 = tpu.memref_slice %arg5[%dma_wait3A_188, %dma_wait3A_202, %dma_wait3A_203, %dma_wait3A_204] : memref<3x4x8x1024xf32, #tpu.memory_space<vmem>> -> memref<1x4x8x1024xf32, #tpu.memory_space<vmem>>
    %dma_wait3A_206 = tpu.memref_squeeze %dma_wait3A_205 : memref<1x4x8x1024xf32, #tpu.memory_space<vmem>> -> memref<4x8x1024xf32, #tpu.memory_space<vmem>>
    tpu.wait_dma2 semaphore(%arg8 : memref<!tpu.dma_semaphore, #tpu.memory_space<semaphore_mem>>) src(%dma_wait3A_206 : memref<4x8x1024xf32, #tpu.memory_space<vmem>>) dst(%dma_wait3A_201 : memref<4x8x1024xf32, #tpu.memory_space<hbm>>)
    %scan3A_207 = arith.constant 0 : i32
    %scan3A_208 = arith.constant 0 : i32
    %scan3A_209 = arith.constant 64 : i32
    %scan3A_210 = arith.addi %scan3A_208, %scan3A_209 : i32
    %scan3A_211 = arith.constant 1 : i32
    %scan3A_212 = scf.for %scan3A_271 = %scan3A_208 to %scan3A_210 step %scan3A_211 iter_args(%scan3A_272 = %scan3A_207) -> (i32)  : i32 {
      %mul3A_273 = arith.constant 8 : i32
      %mul3A_274 = arith.muli %scan3A_271, %mul3A_273 : i32
      %add3A_275 = arith.constant 0 : i32
      %add3A_276 = arith.addi %mul3A_274, %add3A_275 : i32
      %jit3A = arith.constant 64 : i32
      %div3A = arith.divsi %add3A_276, %jit3A : i32
      %sign3A = arith.constant 0 : i32
      %sign3A_277 = arith.cmpi sgt, %add3A_276, %sign3A : i32
      %sign3A_278 = arith.extui %sign3A_277 : i1 to i32
      %sign3A_279 = arith.constant 0 : i32
      %sign3A_280 = arith.cmpi slt, %add3A_276, %sign3A_279 : i32
      %sign3A_281 = arith.extui %sign3A_280 : i1 to i32
      %sign3A_282 = arith.subi %sign3A_278, %sign3A_281 : i32
      %sign3A_283 = arith.constant 0 : i32
      %sign3A_284 = arith.cmpi sgt, %jit3A, %sign3A_283 : i32
      %sign3A_285 = arith.extui %sign3A_284 : i1 to i32
      %sign3A_286 = arith.constant 0 : i32
      %sign3A_287 = arith.cmpi slt, %jit3A, %sign3A_286 : i32
      %sign3A_288 = arith.extui %sign3A_287 : i1 to i32
      %sign3A_289 = arith.subi %sign3A_285, %sign3A_288 : i32
      %ne3A = arith.cmpi ne, %sign3A_282, %sign3A_289 : i32
      %rem3A = arith.remsi %add3A_276, %jit3A : i32
      %ne3A_290 = arith.constant 0 : i32
      %ne3A_291 = arith.cmpi ne, %rem3A, %ne3A_290 : i32
      %and3A = arith.andi %ne3A, %ne3A_291 : i1
      %sub3A = arith.constant 1 : i32
      %sub3A_292 = arith.subi %div3A, %sub3A : i32
      %select_n3A = arith.select %and3A, %sub3A_292, %div3A : i32
      %jit3A_293 = arith.constant 64 : i32
      %eq3A = arith.constant 0 : i32
      %eq3A_294 = arith.cmpi eq, %jit3A_293, %eq3A : i32
      %jit3A_295 = arith.constant 1 : i32
      %select_n3A_296 = arith.select %eq3A_294, %jit3A_295, %jit3A_293 : i32
      %rem3A_297 = arith.remsi %add3A_276, %select_n3A_296 : i32
      %ne3A_298 = arith.constant 0 : i32
      %ne3A_299 = arith.cmpi ne, %rem3A_297, %ne3A_298 : i32
      %lt3A = arith.constant 0 : i32
      %lt3A_300 = arith.cmpi slt, %rem3A_297, %lt3A : i32
      %lt3A_301 = arith.constant 0 : i32
      %lt3A_302 = arith.cmpi slt, %select_n3A_296, %lt3A_301 : i32
      %ne3A_303 = arith.xori %lt3A_300, %lt3A_302 : i1
      %and3A_304 = arith.andi %ne3A_303, %ne3A_299 : i1
      %add3A_305 = arith.addi %rem3A_297, %select_n3A_296 : i32
      %select_n3A_306 = arith.select %and3A_304, %add3A_305, %rem3A_297 : i32
      %mul3A_307 = arith.constant 16 : i32
      %mul3A_308 = arith.muli %select_n3A_306, %mul3A_307 : i32
      %get3A = arith.constant 1 : i32
      %get3A_309 = arith.index_cast %get3A : i32 to index
      %get3A_310 = arith.index_cast %select_n3A : i32 to index
      %get3A_311 = arith.index_cast %mul3A_308 : i32 to index
      %get3A_312 = tpu.vector_load %arg6[%get3A_309, %get3A_310, %get3A_311] {strides = array<i32>} : memref<3x8x1024xf32, #tpu.memory_space<vmem>>, vector<1x1x16xf32>,
      %get3A_313 = vector.shape_cast %get3A_312 : vector<1x1x16xf32> to vector<16xf32>
      %get3A_314 = arith.constant 1 : i32
      %get3A_315 = arith.constant 0 : i32
      %get3A_316 = arith.index_cast %get3A_314 : i32 to index
      %get3A_317 = arith.index_cast %get3A_315 : i32 to index
      %get3A_318 = arith.index_cast %select_n3A : i32 to index
      %get3A_319 = arith.index_cast %mul3A_308 : i32 to index
      %get3A_320 = tpu.vector_load %arg5[%get3A_316, %get3A_317, %get3A_318, %get3A_319] {strides = array<i32>} : memref<3x4x8x1024xf32, #tpu.memory_space<vmem>>, vector<1x1x1x16xf32>,
      %get3A_321 = vector.shape_cast %get3A_320 : vector<1x1x1x16xf32> to vector<16xf32>
      %add3A_322 = arith.addf %get3A_321, %get3A_313 : vector<16xf32>
      %swap3A = arith.constant 1 : i32
      %swap3A_323 = arith.constant 0 : i32
      %swap3A_324 = arith.index_cast %swap3A : i32 to index
      %swap3A_325 = arith.index_cast %swap3A_323 : i32 to index
      %swap3A_326 = arith.index_cast %select_n3A : i32 to index
      %swap3A_327 = arith.index_cast %mul3A_308 : i32 to index
      %swap3A_328 = tpu.vector_load %arg5[%swap3A_324, %swap3A_325, %swap3A_326, %swap3A_327] {strides = array<i32>} : memref<3x4x8x1024xf32, #tpu.memory_space<vmem>>, vector<1x1x1x16xf32>,
      %swap3A_329 = vector.shape_cast %swap3A_328 : vector<1x1x1x16xf32> to vector<16xf32>
      %swap3A_330 = vector.shape_cast %add3A_322 : vector<16xf32> to vector<1x1x1x16xf32>
      tpu.vector_store %arg5[%swap3A_324, %swap3A_325, %swap3A_326, %swap3A_327], %swap3A_330 {strides = array<i32>} : memref<3x4x8x1024xf32, #tpu.memory_space<vmem>>, vector<1x1x1x16xf32>,
      %get3A_331 = arith.constant 1 : i32
      %get3A_332 = arith.constant 1 : i32
      %get3A_333 = arith.index_cast %get3A_331 : i32 to index
      %get3A_334 = arith.index_cast %get3A_332 : i32 to index
      %get3A_335 = arith.index_cast %select_n3A : i32 to index
      %get3A_336 = arith.index_cast %mul3A_308 : i32 to index
      %get3A_337 = tpu.vector_load %arg5[%get3A_333, %get3A_334, %get3A_335, %get3A_336] {strides = array<i32>} : memref<3x4x8x1024xf32, #tpu.memory_space<vmem>>, vector<1x1x1x16xf32>,
      %get3A_338 = vector.shape_cast %get3A_337 : vector<1x1x1x16xf32> to vector<16xf32>
      %add3A_339 = arith.addf %get3A_338, %get3A_313 : vector<16xf32>
      %swap3A_340 = arith.constant 1 : i32
      %swap3A_341 = arith.constant 1 : i32
      %swap3A_342 = arith.index_cast %swap3A_340 : i32 to index
      %swap3A_343 = arith.index_cast %swap3A_341 : i32 to index
      %swap3A_344 = arith.index_cast %select_n3A : i32 to index
      %swap3A_345 = arith.index_cast %mul3A_308 : i32 to index
      %swap3A_346 = tpu.vector_load %arg5[%swap3A_342, %swap3A_343, %swap3A_344, %swap3A_345] {strides = array<i32>} : memref<3x4x8x1024xf32, #tpu.memory_space<vmem>>, vector<1x1x1x16xf32>,
      %swap3A_347 = vector.shape_cast %swap3A_346 : vector<1x1x1x16xf32> to vector<16xf32>
      %swap3A_348 = vector.shape_cast %add3A_339 : vector<16xf32> to vector<1x1x1x16xf32>
      tpu.vector_store %arg5[%swap3A_342, %swap3A_343, %swap3A_344, %swap3A_345], %swap3A_348 {strides = array<i32>} : memref<3x4x8x1024xf32, #tpu.memory_space<vmem>>, vector<1x1x1x16xf32>,
      %get3A_349 = arith.constant 1 : i32
      %get3A_350 = arith.constant 2 : i32
      %get3A_351 = arith.index_cast %get3A_349 : i32 to index
      %get3A_352 = arith.index_cast %get3A_350 : i32 to index
      %get3A_353 = arith.index_cast %select_n3A : i32 to index
      %get3A_354 = arith.index_cast %mul3A_308 : i32 to index
      %get3A_355 = tpu.vector_load %arg5[%get3A_351, %get3A_352, %get3A_353, %get3A_354] {strides = array<i32>} : memref<3x4x8x1024xf32, #tpu.memory_space<vmem>>, vector<1x1x1x16xf32>,
      %get3A_356 = vector.shape_cast %get3A_355 : vector<1x1x1x16xf32> to vector<16xf32>
      %add3A_357 = arith.addf %get3A_356, %get3A_313 : vector<16xf32>
      %swap3A_358 = arith.constant 1 : i32
      %swap3A_359 = arith.constant 2 : i32
      %swap3A_360 = arith.index_cast %swap3A_358 : i32 to index
      %swap3A_361 = arith.index_cast %swap3A_359 : i32 to index
      %swap3A_362 = arith.index_cast %select_n3A : i32 to index
      %swap3A_363 = arith.index_cast %mul3A_308 : i32 to index
      %swap3A_364 = tpu.vector_load %arg5[%swap3A_360, %swap3A_361, %swap3A_362, %swap3A_363] {strides = array<i32>} : memref<3x4x8x1024xf32, #tpu.memory_space<vmem>>, vector<1x1x1x16xf32>,
      %swap3A_365 = vector.shape_cast %swap3A_364 : vector<1x1x1x16xf32> to vector<16xf32>
      %swap3A_366 = vector.shape_cast %add3A_357 : vector<16xf32> to vector<1x1x1x16xf32>
      tpu.vector_store %arg5[%swap3A_360, %swap3A_361, %swap3A_362, %swap3A_363], %swap3A_366 {strides = array<i32>} : memref<3x4x8x1024xf32, #tpu.memory_space<vmem>>, vector<1x1x1x16xf32>,
      %get3A_367 = arith.constant 1 : i32
      %get3A_368 = arith.constant 3 : i32
      %get3A_369 = arith.index_cast %get3A_367 : i32 to index
      %get3A_370 = arith.index_cast %get3A_368 : i32 to index
      %get3A_371 = arith.index_cast %select_n3A : i32 to index
      %get3A_372 = arith.index_cast %mul3A_308 : i32 to index
      %get3A_373 = tpu.vector_load %arg5[%get3A_369, %get3A_370, %get3A_371, %get3A_372] {strides = array<i32>} : memref<3x4x8x1024xf32, #tpu.memory_space<vmem>>, vector<1x1x1x16xf32>,
      %get3A_374 = vector.shape_cast %get3A_373 : vector<1x1x1x16xf32> to vector<16xf32>
      %add3A_375 = arith.addf %get3A_374, %get3A_313 : vector<16xf32>
      %swap3A_376 = arith.constant 1 : i32
      %swap3A_377 = arith.constant 3 : i32
      %swap3A_378 = arith.index_cast %swap3A_376 : i32 to index
      %swap3A_379 = arith.index_cast %swap3A_377 : i32 to index
      %swap3A_380 = arith.index_cast %select_n3A : i32 to index
      %swap3A_381 = arith.index_cast %mul3A_308 : i32 to index
      %swap3A_382 = tpu.vector_load %arg5[%swap3A_378, %swap3A_379, %swap3A_380, %swap3A_381] {strides = array<i32>} : memref<3x4x8x1024xf32, #tpu.memory_space<vmem>>, vector<1x1x1x16xf32>,
      %swap3A_383 = vector.shape_cast %swap3A_382 : vector<1x1x1x16xf32> to vector<16xf32>
      %swap3A_384 = vector.shape_cast %add3A_375 : vector<16xf32> to vector<1x1x1x16xf32>
      tpu.vector_store %arg5[%swap3A_378, %swap3A_379, %swap3A_380, %swap3A_381], %swap3A_384 {strides = array<i32>} : memref<3x4x8x1024xf32, #tpu.memory_space<vmem>>, vector<1x1x1x16xf32>,
      %mul3A_385 = arith.constant 8 : i32
      %mul3A_386 = arith.muli %scan3A_271, %mul3A_385 : i32
      %add3A_387 = arith.constant 1 : i32
      %add3A_388 = arith.addi %mul3A_386, %add3A_387 : i32
      %jit3A_389 = arith.constant 64 : i32
      %div3A_390 = arith.divsi %add3A_388, %jit3A_389 : i32
      %sign3A_391 = arith.constant 0 : i32
      %sign3A_392 = arith.cmpi sgt, %add3A_388, %sign3A_391 : i32
      %sign3A_393 = arith.extui %sign3A_392 : i1 to i32
      %sign3A_394 = arith.constant 0 : i32
      %sign3A_395 = arith.cmpi slt, %add3A_388, %sign3A_394 : i32
      %sign3A_396 = arith.extui %sign3A_395 : i1 to i32
      %sign3A_397 = arith.subi %sign3A_393, %sign3A_396 : i32
      %sign3A_398 = arith.constant 0 : i32
      %sign3A_399 = arith.cmpi sgt, %jit3A_389, %sign3A_398 : i32
      %sign3A_400 = arith.extui %sign3A_399 : i1 to i32
      %sign3A_401 = arith.constant 0 : i32
      %sign3A_402 = arith.cmpi slt, %jit3A_389, %sign3A_401 : i32
      %sign3A_403 = arith.extui %sign3A_402 : i1 to i32
      %sign3A_404 = arith.subi %sign3A_400, %sign3A_403 : i32
      %ne3A_405 = arith.cmpi ne, %sign3A_397, %sign3A_404 : i32
      %rem3A_406 = arith.remsi %add3A_388, %jit3A_389 : i32
      %ne3A_407 = arith.constant 0 : i32
      %ne3A_408 = arith.cmpi ne, %rem3A_406, %ne3A_407 : i32
      %and3A_409 = arith.andi %ne3A_405, %ne3A_408 : i1
      %sub3A_410 = arith.constant 1 : i32
      %sub3A_411 = arith.subi %div3A_390, %sub3A_410 : i32
      %select_n3A_412 = arith.select %and3A_409, %sub3A_411, %div3A_390 : i32
      %jit3A_413 = arith.constant 64 : i32
      %eq3A_414 = arith.constant 0 : i32
      %eq3A_415 = arith.cmpi eq, %jit3A_413, %eq3A_414 : i32
      %jit3A_416 = arith.constant 1 : i32
      %select_n3A_417 = arith.select %eq3A_415, %jit3A_416, %jit3A_413 : i32
      %rem3A_418 = arith.remsi %add3A_388, %select_n3A_417 : i32
      %ne3A_419 = arith.constant 0 : i32
      %ne3A_420 = arith.cmpi ne, %rem3A_418, %ne3A_419 : i32
      %lt3A_421 = arith.constant 0 : i32
      %lt3A_422 = arith.cmpi slt, %rem3A_418, %lt3A_421 : i32
      %lt3A_423 = arith.constant 0 : i32
      %lt3A_424 = arith.cmpi slt, %select_n3A_417, %lt3A_423 : i32
      %ne3A_425 = arith.xori %lt3A_422, %lt3A_424 : i1
      %and3A_426 = arith.andi %ne3A_425, %ne3A_420 : i1
      %add3A_427 = arith.addi %rem3A_418, %select_n3A_417 : i32
      %select_n3A_428 = arith.select %and3A_426, %add3A_427, %rem3A_418 : i32
      %mul3A_429 = arith.constant 16 : i32
      %mul3A_430 = arith.muli %select_n3A_428, %mul3A_429 : i32
      %get3A_431 = arith.constant 1 : i32
      %get3A_432 = arith.index_cast %get3A_431 : i32 to index
      %get3A_433 = arith.index_cast %select_n3A_412 : i32 to index
      %get3A_434 = arith.index_cast %mul3A_430 : i32 to index
      %get3A_435 = tpu.vector_load %arg6[%get3A_432, %get3A_433, %get3A_434] {strides = array<i32>} : memref<3x8x1024xf32, #tpu.memory_space<vmem>>, vector<1x1x16xf32>,
      %get3A_436 = vector.shape_cast %get3A_435 : vector<1x1x16xf32> to vector<16xf32>
      %get3A_437 = arith.constant 1 : i32
      %get3A_438 = arith.constant 0 : i32
      %get3A_439 = arith.index_cast %get3A_437 : i32 to index
      %get3A_440 = arith.index_cast %get3A_438 : i32 to index
      %get3A_441 = arith.index_cast %select_n3A_412 : i32 to index
      %get3A_442 = arith.index_cast %mul3A_430 : i32 to index
      %get3A_443 = tpu.vector_load %arg5[%get3A_439, %get3A_440, %get3A_441, %get3A_442] {strides = array<i32>} : memref<3x4x8x1024xf32, #tpu.memory_space<vmem>>, vector<1x1x1x16xf32>,
      %get3A_444 = vector.shape_cast %get3A_443 : vector<1x1x1x16xf32> to vector<16xf32>
      %add3A_445 = arith.addf %get3A_444, %get3A_436 : vector<16xf32>
      %swap3A_446 = arith.constant 1 : i32
      %swap3A_447 = arith.constant 0 : i32
      %swap3A_448 = arith.index_cast %swap3A_446 : i32 to index
      %swap3A_449 = arith.index_cast %swap3A_447 : i32 to index
      %swap3A_450 = arith.index_cast %select_n3A_412 : i32 to index
      %swap3A_451 = arith.index_cast %mul3A_430 : i32 to index
      %swap3A_452 = tpu.vector_load %arg5[%swap3A_448, %swap3A_449, %swap3A_450, %swap3A_451] {strides = array<i32>} : memref<3x4x8x1024xf32, #tpu.memory_space<vmem>>, vector<1x1x1x16xf32>,
      %swap3A_453 = vector.shape_cast %swap3A_452 : vector<1x1x1x16xf32> to vector<16xf32>
      %swap3A_454 = vector.shape_cast %add3A_445 : vector<16xf32> to vector<1x1x1x16xf32>
      tpu.vector_store %arg5[%swap3A_448, %swap3A_449, %swap3A_450, %swap3A_451], %swap3A_454 {strides = array<i32>} : memref<3x4x8x1024xf32, #tpu.memory_space<vmem>>, vector<1x1x1x16xf32>,
      %get3A_455 = arith.constant 1 : i32
      %get3A_456 = arith.constant 1 : i32
      %get3A_457 = arith.index_cast %get3A_455 : i32 to index
      %get3A_458 = arith.index_cast %get3A_456 : i32 to index
      %get3A_459 = arith.index_cast %select_n3A_412 : i32 to index
      %get3A_460 = arith.index_cast %mul3A_430 : i32 to index
      %get3A_461 = tpu.vector_load %arg5[%get3A_457, %get3A_458, %get3A_459, %get3A_460] {strides = array<i32>} : memref<3x4x8x1024xf32, #tpu.memory_space<vmem>>, vector<1x1x1x16xf32>,
      %get3A_462 = vector.shape_cast %get3A_461 : vector<1x1x1x16xf32> to vector<16xf32>
      %add3A_463 = arith.addf %get3A_462, %get3A_436 : vector<16xf32>
      %swap3A_464 = arith.constant 1 : i32
      %swap3A_465 = arith.constant 1 : i32
      %swap3A_466 = arith.index_cast %swap3A_464 : i32 to index
      %swap3A_467 = arith.index_cast %swap3A_465 : i32 to index
      %swap3A_468 = arith.index_cast %select_n3A_412 : i32 to index
      %swap3A_469 = arith.index_cast %mul3A_430 : i32 to index
      %swap3A_470 = tpu.vector_load %arg5[%swap3A_466, %swap3A_467, %swap3A_468, %swap3A_469] {strides = array<i32>} : memref<3x4x8x1024xf32, #tpu.memory_space<vmem>>, vector<1x1x1x16xf32>,
      %swap3A_471 = vector.shape_cast %swap3A_470 : vector<1x1x1x16xf32> to vector<16xf32>
      %swap3A_472 = vector.shape_cast %add3A_463 : vector<16xf32> to vector<1x1x1x16xf32>
      tpu.vector_store %arg5[%swap3A_466, %swap3A_467, %swap3A_468, %swap3A_469], %swap3A_472 {strides = array<i32>} : memref<3x4x8x1024xf32, #tpu.memory_space<vmem>>, vector<1x1x1x16xf32>,
      %get3A_473 = arith.constant 1 : i32
      %get3A_474 = arith.constant 2 : i32
      %get3A_475 = arith.index_cast %get3A_473 : i32 to index
      %get3A_476 = arith.index_cast %get3A_474 : i32 to index
      %get3A_477 = arith.index_cast %select_n3A_412 : i32 to index
      %get3A_478 = arith.index_cast %mul3A_430 : i32 to index
      %get3A_479 = tpu.vector_load %arg5[%get3A_475, %get3A_476, %get3A_477, %get3A_478] {strides = array<i32>} : memref<3x4x8x1024xf32, #tpu.memory_space<vmem>>, vector<1x1x1x16xf32>,
      %get3A_480 = vector.shape_cast %get3A_479 : vector<1x1x1x16xf32> to vector<16xf32>
      %add3A_481 = arith.addf %get3A_480, %get3A_436 : vector<16xf32>
      %swap3A_482 = arith.constant 1 : i32
      %swap3A_483 = arith.constant 2 : i32
      %swap3A_484 = arith.index_cast %swap3A_482 : i32 to index
      %swap3A_485 = arith.index_cast %swap3A_483 : i32 to index
      %swap3A_486 = arith.index_cast %select_n3A_412 : i32 to index
      %swap3A_487 = arith.index_cast %mul3A_430 : i32 to index
      %swap3A_488 = tpu.vector_load %arg5[%swap3A_484, %swap3A_485, %swap3A_486, %swap3A_487] {strides = array<i32>} : memref<3x4x8x1024xf32, #tpu.memory_space<vmem>>, vector<1x1x1x16xf32>,
      %swap3A_489 = vector.shape_cast %swap3A_488 : vector<1x1x1x16xf32> to vector<16xf32>
      %swap3A_490 = vector.shape_cast %add3A_481 : vector<16xf32> to vector<1x1x1x16xf32>
      tpu.vector_store %arg5[%swap3A_484, %swap3A_485, %swap3A_486, %swap3A_487], %swap3A_490 {strides = array<i32>} : memref<3x4x8x1024xf32, #tpu.memory_space<vmem>>, vector<1x1x1x16xf32>,
      %get3A_491 = arith.constant 1 : i32
      %get3A_492 = arith.constant 3 : i32
      %get3A_493 = arith.index_cast %get3A_491 : i32 to index
      %get3A_494 = arith.index_cast %get3A_492 : i32 to index
      %get3A_495 = arith.index_cast %select_n3A_412 : i32 to index
      %get3A_496 = arith.index_cast %mul3A_430 : i32 to index
      %get3A_497 = tpu.vector_load %arg5[%get3A_493, %get3A_494, %get3A_495, %get3A_496] {strides = array<i32>} : memref<3x4x8x1024xf32, #tpu.memory_space<vmem>>, vector<1x1x1x16xf32>,
      %get3A_498 = vector.shape_cast %get3A_497 : vector<1x1x1x16xf32> to vector<16xf32>
      %add3A_499 = arith.addf %get3A_498, %get3A_436 : vector<16xf32>
      %swap3A_500 = arith.constant 1 : i32
      %swap3A_501 = arith.constant 3 : i32
      %swap3A_502 = arith.index_cast %swap3A_500 : i32 to index
      %swap3A_503 = arith.index_cast %swap3A_501 : i32 to index
      %swap3A_504 = arith.index_cast %select_n3A_412 : i32 to index
      %swap3A_505 = arith.index_cast %mul3A_430 : i32 to index
      %swap3A_506 = tpu.vector_load %arg5[%swap3A_502, %swap3A_503, %swap3A_504, %swap3A_505] {strides = array<i32>} : memref<3x4x8x1024xf32, #tpu.memory_space<vmem>>, vector<1x1x1x16xf32>,
      %swap3A_507 = vector.shape_cast %swap3A_506 : vector<1x1x1x16xf32> to vector<16xf32>
      %swap3A_508 = vector.shape_cast %add3A_499 : vector<16xf32> to vector<1x1x1x16xf32>
      tpu.vector_store %arg5[%swap3A_502, %swap3A_503, %swap3A_504, %swap3A_505], %swap3A_508 {strides = array<i32>} : memref<3x4x8x1024xf32, #tpu.memory_space<vmem>>, vector<1x1x1x16xf32>,
      %mul3A_509 = arith.constant 8 : i32
      %mul3A_510 = arith.muli %scan3A_271, %mul3A_509 : i32
      %add3A_511 = arith.constant 2 : i32
      %add3A_512 = arith.addi %mul3A_510, %add3A_511 : i32
      %jit3A_513 = arith.constant 64 : i32
      %div3A_514 = arith.divsi %add3A_512, %jit3A_513 : i32
      %sign3A_515 = arith.constant 0 : i32
      %sign3A_516 = arith.cmpi sgt, %add3A_512, %sign3A_515 : i32
      %sign3A_517 = arith.extui %sign3A_516 : i1 to i32
      %sign3A_518 = arith.constant 0 : i32
      %sign3A_519 = arith.cmpi slt, %add3A_512, %sign3A_518 : i32
      %sign3A_520 = arith.extui %sign3A_519 : i1 to i32
      %sign3A_521 = arith.subi %sign3A_517, %sign3A_520 : i32
      %sign3A_522 = arith.constant 0 : i32
      %sign3A_523 = arith.cmpi sgt, %jit3A_513, %sign3A_522 : i32
      %sign3A_524 = arith.extui %sign3A_523 : i1 to i32
      %sign3A_525 = arith.constant 0 : i32
      %sign3A_526 = arith.cmpi slt, %jit3A_513, %sign3A_525 : i32
      %sign3A_527 = arith.extui %sign3A_526 : i1 to i32
      %sign3A_528 = arith.subi %sign3A_524, %sign3A_527 : i32
      %ne3A_529 = arith.cmpi ne, %sign3A_521, %sign3A_528 : i32
      %rem3A_530 = arith.remsi %add3A_512, %jit3A_513 : i32
      %ne3A_531 = arith.constant 0 : i32
      %ne3A_532 = arith.cmpi ne, %rem3A_530, %ne3A_531 : i32
      %and3A_533 = arith.andi %ne3A_529, %ne3A_532 : i1
      %sub3A_534 = arith.constant 1 : i32
      %sub3A_535 = arith.subi %div3A_514, %sub3A_534 : i32
      %select_n3A_536 = arith.select %and3A_533, %sub3A_535, %div3A_514 : i32
      %jit3A_537 = arith.constant 64 : i32
      %eq3A_538 = arith.constant 0 : i32
      %eq3A_539 = arith.cmpi eq, %jit3A_537, %eq3A_538 : i32
      %jit3A_540 = arith.constant 1 : i32
      %select_n3A_541 = arith.select %eq3A_539, %jit3A_540, %jit3A_537 : i32
      %rem3A_542 = arith.remsi %add3A_512, %select_n3A_541 : i32
      %ne3A_543 = arith.constant 0 : i32
      %ne3A_544 = arith.cmpi ne, %rem3A_542, %ne3A_543 : i32
      %lt3A_545 = arith.constant 0 : i32
      %lt3A_546 = arith.cmpi slt, %rem3A_542, %lt3A_545 : i32
      %lt3A_547 = arith.constant 0 : i32
      %lt3A_548 = arith.cmpi slt, %select_n3A_541, %lt3A_547 : i32
      %ne3A_549 = arith.xori %lt3A_546, %lt3A_548 : i1
      %and3A_550 = arith.andi %ne3A_549, %ne3A_544 : i1
      %add3A_551 = arith.addi %rem3A_542, %select_n3A_541 : i32
      %select_n3A_552 = arith.select %and3A_550, %add3A_551, %rem3A_542 : i32
      %mul3A_553 = arith.constant 16 : i32
      %mul3A_554 = arith.muli %select_n3A_552, %mul3A_553 : i32
      %get3A_555 = arith.constant 1 : i32
      %get3A_556 = arith.index_cast %get3A_555 : i32 to index
      %get3A_557 = arith.index_cast %select_n3A_536 : i32 to index
      %get3A_558 = arith.index_cast %mul3A_554 : i32 to index
      %get3A_559 = tpu.vector_load %arg6[%get3A_556, %get3A_557, %get3A_558] {strides = array<i32>} : memref<3x8x1024xf32, #tpu.memory_space<vmem>>, vector<1x1x16xf32>,
      %get3A_560 = vector.shape_cast %get3A_559 : vector<1x1x16xf32> to vector<16xf32>
      %get3A_561 = arith.constant 1 : i32
      %get3A_562 = arith.constant 0 : i32
      %get3A_563 = arith.index_cast %get3A_561 : i32 to index
      %get3A_564 = arith.index_cast %get3A_562 : i32 to index
      %get3A_565 = arith.index_cast %select_n3A_536 : i32 to index
      %get3A_566 = arith.index_cast %mul3A_554 : i32 to index
      %get3A_567 = tpu.vector_load %arg5[%get3A_563, %get3A_564, %get3A_565, %get3A_566] {strides = array<i32>} : memref<3x4x8x1024xf32, #tpu.memory_space<vmem>>, vector<1x1x1x16xf32>,
      %get3A_568 = vector.shape_cast %get3A_567 : vector<1x1x1x16xf32> to vector<16xf32>
      %add3A_569 = arith.addf %get3A_568, %get3A_560 : vector<16xf32>
      %swap3A_570 = arith.constant 1 : i32
      %swap3A_571 = arith.constant 0 : i32
      %swap3A_572 = arith.index_cast %swap3A_570 : i32 to index
      %swap3A_573 = arith.index_cast %swap3A_571 : i32 to index
      %swap3A_574 = arith.index_cast %select_n3A_536 : i32 to index
      %swap3A_575 = arith.index_cast %mul3A_554 : i32 to index
      %swap3A_576 = tpu.vector_load %arg5[%swap3A_572, %swap3A_573, %swap3A_574, %swap3A_575] {strides = array<i32>} : memref<3x4x8x1024xf32, #tpu.memory_space<vmem>>, vector<1x1x1x16xf32>,
      %swap3A_577 = vector.shape_cast %swap3A_576 : vector<1x1x1x16xf32> to vector<16xf32>
      %swap3A_578 = vector.shape_cast %add3A_569 : vector<16xf32> to vector<1x1x1x16xf32>
      tpu.vector_store %arg5[%swap3A_572, %swap3A_573, %swap3A_574, %swap3A_575], %swap3A_578 {strides = array<i32>} : memref<3x4x8x1024xf32, #tpu.memory_space<vmem>>, vector<1x1x1x16xf32>,
      %get3A_579 = arith.constant 1 : i32
      %get3A_580 = arith.constant 1 : i32
      %get3A_581 = arith.index_cast %get3A_579 : i32 to index
      %get3A_582 = arith.index_cast %get3A_580 : i32 to index
      %get3A_583 = arith.index_cast %select_n3A_536 : i32 to index
      %get3A_584 = arith.index_cast %mul3A_554 : i32 to index
      %get3A_585 = tpu.vector_load %arg5[%get3A_581, %get3A_582, %get3A_583, %get3A_584] {strides = array<i32>} : memref<3x4x8x1024xf32, #tpu.memory_space<vmem>>, vector<1x1x1x16xf32>,
      %get3A_586 = vector.shape_cast %get3A_585 : vector<1x1x1x16xf32> to vector<16xf32>
      %add3A_587 = arith.addf %get3A_586, %get3A_560 : vector<16xf32>
      %swap3A_588 = arith.constant 1 : i32
      %swap3A_589 = arith.constant 1 : i32
      %swap3A_590 = arith.index_cast %swap3A_588 : i32 to index
      %swap3A_591 = arith.index_cast %swap3A_589 : i32 to index
      %swap3A_592 = arith.index_cast %select_n3A_536 : i32 to index
      %swap3A_593 = arith.index_cast %mul3A_554 : i32 to index
      %swap3A_594 = tpu.vector_load %arg5[%swap3A_590, %swap3A_591, %swap3A_592, %swap3A_593] {strides = array<i32>} : memref<3x4x8x1024xf32, #tpu.memory_space<vmem>>, vector<1x1x1x16xf32>,
      %swap3A_595 = vector.shape_cast %swap3A_594 : vector<1x1x1x16xf32> to vector<16xf32>
      %swap3A_596 = vector.shape_cast %add3A_587 : vector<16xf32> to vector<1x1x1x16xf32>
      tpu.vector_store %arg5[%swap3A_590, %swap3A_591, %swap3A_592, %swap3A_593], %swap3A_596 {strides = array<i32>} : memref<3x4x8x1024xf32, #tpu.memory_space<vmem>>, vector<1x1x1x16xf32>,
      %get3A_597 = arith.constant 1 : i32
      %get3A_598 = arith.constant 2 : i32
      %get3A_599 = arith.index_cast %get3A_597 : i32 to index
      %get3A_600 = arith.index_cast %get3A_598 : i32 to index
      %get3A_601 = arith.index_cast %select_n3A_536 : i32 to index
      %get3A_602 = arith.index_cast %mul3A_554 : i32 to index
      %get3A_603 = tpu.vector_load %arg5[%get3A_599, %get3A_600, %get3A_601, %get3A_602] {strides = array<i32>} : memref<3x4x8x1024xf32, #tpu.memory_space<vmem>>, vector<1x1x1x16xf32>,
      %get3A_604 = vector.shape_cast %get3A_603 : vector<1x1x1x16xf32> to vector<16xf32>
      %add3A_605 = arith.addf %get3A_604, %get3A_560 : vector<16xf32>
      %swap3A_606 = arith.constant 1 : i32
      %swap3A_607 = arith.constant 2 : i32
      %swap3A_608 = arith.index_cast %swap3A_606 : i32 to index
      %swap3A_609 = arith.index_cast %swap3A_607 : i32 to index
      %swap3A_610 = arith.index_cast %select_n3A_536 : i32 to index
      %swap3A_611 = arith.index_cast %mul3A_554 : i32 to index
      %swap3A_612 = tpu.vector_load %arg5[%swap3A_608, %swap3A_609, %swap3A_610, %swap3A_611] {strides = array<i32>} : memref<3x4x8x1024xf32, #tpu.memory_space<vmem>>, vector<1x1x1x16xf32>,
      %swap3A_613 = vector.shape_cast %swap3A_612 : vector<1x1x1x16xf32> to vector<16xf32>
      %swap3A_614 = vector.shape_cast %add3A_605 : vector<16xf32> to vector<1x1x1x16xf32>
      tpu.vector_store %arg5[%swap3A_608, %swap3A_609, %swap3A_610, %swap3A_611], %swap3A_614 {strides = array<i32>} : memref<3x4x8x1024xf32, #tpu.memory_space<vmem>>, vector<1x1x1x16xf32>,
      %get3A_615 = arith.constant 1 : i32
      %get3A_616 = arith.constant 3 : i32
      %get3A_617 = arith.index_cast %get3A_615 : i32 to index
      %get3A_618 = arith.index_cast %get3A_616 : i32 to index
      %get3A_619 = arith.index_cast %select_n3A_536 : i32 to index
      %get3A_620 = arith.index_cast %mul3A_554 : i32 to index
      %get3A_621 = tpu.vector_load %arg5[%get3A_617, %get3A_618, %get3A_619, %get3A_620] {strides = array<i32>} : memref<3x4x8x1024xf32, #tpu.memory_space<vmem>>, vector<1x1x1x16xf32>,
      %get3A_622 = vector.shape_cast %get3A_621 : vector<1x1x1x16xf32> to vector<16xf32>
      %add3A_623 = arith.addf %get3A_622, %get3A_560 : vector<16xf32>
      %swap3A_624 = arith.constant 1 : i32
      %swap3A_625 = arith.constant 3 : i32
      %swap3A_626 = arith.index_cast %swap3A_624 : i32 to index
      %swap3A_627 = arith.index_cast %swap3A_625 : i32 to index
      %swap3A_628 = arith.index_cast %select_n3A_536 : i32 to index
      %swap3A_629 = arith.index_cast %mul3A_554 : i32 to index
      %swap3A_630 = tpu.vector_load %arg5[%swap3A_626, %swap3A_627, %swap3A_628, %swap3A_629] {strides = array<i32>} : memref<3x4x8x1024xf32, #tpu.memory_space<vmem>>, vector<1x1x1x16xf32>,
      %swap3A_631 = vector.shape_cast %swap3A_630 : vector<1x1x1x16xf32> to vector<16xf32>
      %swap3A_632 = vector.shape_cast %add3A_623 : vector<16xf32> to vector<1x1x1x16xf32>
      tpu.vector_store %arg5[%swap3A_626, %swap3A_627, %swap3A_628, %swap3A_629], %swap3A_632 {strides = array<i32>} : memref<3x4x8x1024xf32, #tpu.memory_space<vmem>>, vector<1x1x1x16xf32>,
      %mul3A_633 = arith.constant 8 : i32
      %mul3A_634 = arith.muli %scan3A_271, %mul3A_633 : i32
      %add3A_635 = arith.constant 3 : i32
      %add3A_636 = arith.addi %mul3A_634, %add3A_635 : i32
      %jit3A_637 = arith.constant 64 : i32
      %div3A_638 = arith.divsi %add3A_636, %jit3A_637 : i32
      %sign3A_639 = arith.constant 0 : i32
      %sign3A_640 = arith.cmpi sgt, %add3A_636, %sign3A_639 : i32
      %sign3A_641 = arith.extui %sign3A_640 : i1 to i32
      %sign3A_642 = arith.constant 0 : i32
      %sign3A_643 = arith.cmpi slt, %add3A_636, %sign3A_642 : i32
      %sign3A_644 = arith.extui %sign3A_643 : i1 to i32
      %sign3A_645 = arith.subi %sign3A_641, %sign3A_644 : i32
      %sign3A_646 = arith.constant 0 : i32
      %sign3A_647 = arith.cmpi sgt, %jit3A_637, %sign3A_646 : i32
      %sign3A_648 = arith.extui %sign3A_647 : i1 to i32
      %sign3A_649 = arith.constant 0 : i32
      %sign3A_650 = arith.cmpi slt, %jit3A_637, %sign3A_649 : i32
      %sign3A_651 = arith.extui %sign3A_650 : i1 to i32
      %sign3A_652 = arith.subi %sign3A_648, %sign3A_651 : i32
      %ne3A_653 = arith.cmpi ne, %sign3A_645, %sign3A_652 : i32
      %rem3A_654 = arith.remsi %add3A_636, %jit3A_637 : i32
      %ne3A_655 = arith.constant 0 : i32
      %ne3A_656 = arith.cmpi ne, %rem3A_654, %ne3A_655 : i32
      %and3A_657 = arith.andi %ne3A_653, %ne3A_656 : i1
      %sub3A_658 = arith.constant 1 : i32
      %sub3A_659 = arith.subi %div3A_638, %sub3A_658 : i32
      %select_n3A_660 = arith.select %and3A_657, %sub3A_659, %div3A_638 : i32
      %jit3A_661 = arith.constant 64 : i32
      %eq3A_662 = arith.constant 0 : i32
      %eq3A_663 = arith.cmpi eq, %jit3A_661, %eq3A_662 : i32
      %jit3A_664 = arith.constant 1 : i32
      %select_n3A_665 = arith.select %eq3A_663, %jit3A_664, %jit3A_661 : i32
      %rem3A_666 = arith.remsi %add3A_636, %select_n3A_665 : i32
      %ne3A_667 = arith.constant 0 : i32
      %ne3A_668 = arith.cmpi ne, %rem3A_666, %ne3A_667 : i32
      %lt3A_669 = arith.constant 0 : i32
      %lt3A_670 = arith.cmpi slt, %rem3A_666, %lt3A_669 : i32
      %lt3A_671 = arith.constant 0 : i32
      %lt3A_672 = arith.cmpi slt, %select_n3A_665, %lt3A_671 : i32
      %ne3A_673 = arith.xori %lt3A_670, %lt3A_672 : i1
      %and3A_674 = arith.andi %ne3A_673, %ne3A_668 : i1
      %add3A_675 = arith.addi %rem3A_666, %select_n3A_665 : i32
      %select_n3A_676 = arith.select %and3A_674, %add3A_675, %rem3A_666 : i32
      %mul3A_677 = arith.constant 16 : i32
      %mul3A_678 = arith.muli %select_n3A_676, %mul3A_677 : i32
      %get3A_679 = arith.constant 1 : i32
      %get3A_680 = arith.index_cast %get3A_679 : i32 to index
      %get3A_681 = arith.index_cast %select_n3A_660 : i32 to index
      %get3A_682 = arith.index_cast %mul3A_678 : i32 to index
      %get3A_683 = tpu.vector_load %arg6[%get3A_680, %get3A_681, %get3A_682] {strides = array<i32>} : memref<3x8x1024xf32, #tpu.memory_space<vmem>>, vector<1x1x16xf32>,
      %get3A_684 = vector.shape_cast %get3A_683 : vector<1x1x16xf32> to vector<16xf32>
      %get3A_685 = arith.constant 1 : i32
      %get3A_686 = arith.constant 0 : i32
      %get3A_687 = arith.index_cast %get3A_685 : i32 to index
      %get3A_688 = arith.index_cast %get3A_686 : i32 to index
      %get3A_689 = arith.index_cast %select_n3A_660 : i32 to index
      %get3A_690 = arith.index_cast %mul3A_678 : i32 to index
      %get3A_691 = tpu.vector_load %arg5[%get3A_687, %get3A_688, %get3A_689, %get3A_690] {strides = array<i32>} : memref<3x4x8x1024xf32, #tpu.memory_space<vmem>>, vector<1x1x1x16xf32>,
      %get3A_692 = vector.shape_cast %get3A_691 : vector<1x1x1x16xf32> to vector<16xf32>
      %add3A_693 = arith.addf %get3A_692, %get3A_684 : vector<16xf32>
      %swap3A_694 = arith.constant 1 : i32
      %swap3A_695 = arith.constant 0 : i32
      %swap3A_696 = arith.index_cast %swap3A_694 : i32 to index
      %swap3A_697 = arith.index_cast %swap3A_695 : i32 to index
      %swap3A_698 = arith.index_cast %select_n3A_660 : i32 to index
      %swap3A_699 = arith.index_cast %mul3A_678 : i32 to index
      %swap3A_700 = tpu.vector_load %arg5[%swap3A_696, %swap3A_697, %swap3A_698, %swap3A_699] {strides = array<i32>} : memref<3x4x8x1024xf32, #tpu.memory_space<vmem>>, vector<1x1x1x16xf32>,
      %swap3A_701 = vector.shape_cast %swap3A_700 : vector<1x1x1x16xf32> to vector<16xf32>
      %swap3A_702 = vector.shape_cast %add3A_693 : vector<16xf32> to vector<1x1x1x16xf32>
      tpu.vector_store %arg5[%swap3A_696, %swap3A_697, %swap3A_698, %swap3A_699], %swap3A_702 {strides = array<i32>} : memref<3x4x8x1024xf32, #tpu.memory_space<vmem>>, vector<1x1x1x16xf32>,
      %get3A_703 = arith.constant 1 : i32
      %get3A_704 = arith.constant 1 : i32
      %get3A_705 = arith.index_cast %get3A_703 : i32 to index
      %get3A_706 = arith.index_cast %get3A_704 : i32 to index
      %get3A_707 = arith.index_cast %select_n3A_660 : i32 to index
      %get3A_708 = arith.index_cast %mul3A_678 : i32 to index
      %get3A_709 = tpu.vector_load %arg5[%get3A_705, %get3A_706, %get3A_707, %get3A_708] {strides = array<i32>} : memref<3x4x8x1024xf32, #tpu.memory_space<vmem>>, vector<1x1x1x16xf32>,
      %get3A_710 = vector.shape_cast %get3A_709 : vector<1x1x1x16xf32> to vector<16xf32>
      %add3A_711 = arith.addf %get3A_710, %get3A_684 : vector<16xf32>
      %swap3A_712 = arith.constant 1 : i32
      %swap3A_713 = arith.constant 1 : i32
      %swap3A_714 = arith.index_cast %swap3A_712 : i32 to index
      %swap3A_715 = arith.index_cast %swap3A_713 : i32 to index
      %swap3A_716 = arith.index_cast %select_n3A_660 : i32 to index
      %swap3A_717 = arith.index_cast %mul3A_678 : i32 to index
      %swap3A_718 = tpu.vector_load %arg5[%swap3A_714, %swap3A_715, %swap3A_716, %swap3A_717] {strides = array<i32>} : memref<3x4x8x1024xf32, #tpu.memory_space<vmem>>, vector<1x1x1x16xf32>,
      %swap3A_719 = vector.shape_cast %swap3A_718 : vector<1x1x1x16xf32> to vector<16xf32>
      %swap3A_720 = vector.shape_cast %add3A_711 : vector<16xf32> to vector<1x1x1x16xf32>
      tpu.vector_store %arg5[%swap3A_714, %swap3A_715, %swap3A_716, %swap3A_717], %swap3A_720 {strides = array<i32>} : memref<3x4x8x1024xf32, #tpu.memory_space<vmem>>, vector<1x1x1x16xf32>,
      %get3A_721 = arith.constant 1 : i32
      %get3A_722 = arith.constant 2 : i32
      %get3A_723 = arith.index_cast %get3A_721 : i32 to index
      %get3A_724 = arith.index_cast %get3A_722 : i32 to index
      %get3A_725 = arith.index_cast %select_n3A_660 : i32 to index
      %get3A_726 = arith.index_cast %mul3A_678 : i32 to index
      %get3A_727 = tpu.vector_load %arg5[%get3A_723, %get3A_724, %get3A_725, %get3A_726] {strides = array<i32>} : memref<3x4x8x1024xf32, #tpu.memory_space<vmem>>, vector<1x1x1x16xf32>,
      %get3A_728 = vector.shape_cast %get3A_727 : vector<1x1x1x16xf32> to vector<16xf32>
      %add3A_729 = arith.addf %get3A_728, %get3A_684 : vector<16xf32>
      %swap3A_730 = arith.constant 1 : i32
      %swap3A_731 = arith.constant 2 : i32
      %swap3A_732 = arith.index_cast %swap3A_730 : i32 to index
      %swap3A_733 = arith.index_cast %swap3A_731 : i32 to index
      %swap3A_734 = arith.index_cast %select_n3A_660 : i32 to index
      %swap3A_735 = arith.index_cast %mul3A_678 : i32 to index
      %swap3A_736 = tpu.vector_load %arg5[%swap3A_732, %swap3A_733, %swap3A_734, %swap3A_735] {strides = array<i32>} : memref<3x4x8x1024xf32, #tpu.memory_space<vmem>>, vector<1x1x1x16xf32>,
      %swap3A_737 = vector.shape_cast %swap3A_736 : vector<1x1x1x16xf32> to vector<16xf32>
      %swap3A_738 = vector.shape_cast %add3A_729 : vector<16xf32> to vector<1x1x1x16xf32>
      tpu.vector_store %arg5[%swap3A_732, %swap3A_733, %swap3A_734, %swap3A_735], %swap3A_738 {strides = array<i32>} : memref<3x4x8x1024xf32, #tpu.memory_space<vmem>>, vector<1x1x1x16xf32>,
      %get3A_739 = arith.constant 1 : i32
      %get3A_740 = arith.constant 3 : i32
      %get3A_741 = arith.index_cast %get3A_739 : i32 to index
      %get3A_742 = arith.index_cast %get3A_740 : i32 to index
      %get3A_743 = arith.index_cast %select_n3A_660 : i32 to index
      %get3A_744 = arith.index_cast %mul3A_678 : i32 to index
      %get3A_745 = tpu.vector_load %arg5[%get3A_741, %get3A_742, %get3A_743, %get3A_744] {strides = array<i32>} : memref<3x4x8x1024xf32, #tpu.memory_space<vmem>>, vector<1x1x1x16xf32>,
      %get3A_746 = vector.shape_cast %get3A_745 : vector<1x1x1x16xf32> to vector<16xf32>
      %add3A_747 = arith.addf %get3A_746, %get3A_684 : vector<16xf32>
      %swap3A_748 = arith.constant 1 : i32
      %swap3A_749 = arith.constant 3 : i32
      %swap3A_750 = arith.index_cast %swap3A_748 : i32 to index
      %swap3A_751 = arith.index_cast %swap3A_749 : i32 to index
      %swap3A_752 = arith.index_cast %select_n3A_660 : i32 to index
      %swap3A_753 = arith.index_cast %mul3A_678 : i32 to index
      %swap3A_754 = tpu.vector_load %arg5[%swap3A_750, %swap3A_751, %swap3A_752, %swap3A_753] {strides = array<i32>} : memref<3x4x8x1024xf32, #tpu.memory_space<vmem>>, vector<1x1x1x16xf32>,
      %swap3A_755 = vector.shape_cast %swap3A_754 : vector<1x1x1x16xf32> to vector<16xf32>
      %swap3A_756 = vector.shape_cast %add3A_747 : vector<16xf32> to vector<1x1x1x16xf32>
      tpu.vector_store %arg5[%swap3A_750, %swap3A_751, %swap3A_752, %swap3A_753], %swap3A_756 {strides = array<i32>} : memref<3x4x8x1024xf32, #tpu.memory_space<vmem>>, vector<1x1x1x16xf32>,
      %mul3A_757 = arith.constant 8 : i32
      %mul3A_758 = arith.muli %scan3A_271, %mul3A_757 : i32
      %add3A_759 = arith.constant 4 : i32
      %add3A_760 = arith.addi %mul3A_758, %add3A_759 : i32
      %jit3A_761 = arith.constant 64 : i32
      %div3A_762 = arith.divsi %add3A_760, %jit3A_761 : i32
      %sign3A_763 = arith.constant 0 : i32
      %sign3A_764 = arith.cmpi sgt, %add3A_760, %sign3A_763 : i32
      %sign3A_765 = arith.extui %sign3A_764 : i1 to i32
      %sign3A_766 = arith.constant 0 : i32
      %sign3A_767 = arith.cmpi slt, %add3A_760, %sign3A_766 : i32
      %sign3A_768 = arith.extui %sign3A_767 : i1 to i32
      %sign3A_769 = arith.subi %sign3A_765, %sign3A_768 : i32
      %sign3A_770 = arith.constant 0 : i32
      %sign3A_771 = arith.cmpi sgt, %jit3A_761, %sign3A_770 : i32
      %sign3A_772 = arith.extui %sign3A_771 : i1 to i32
      %sign3A_773 = arith.constant 0 : i32
      %sign3A_774 = arith.cmpi slt, %jit3A_761, %sign3A_773 : i32
      %sign3A_775 = arith.extui %sign3A_774 : i1 to i32
      %sign3A_776 = arith.subi %sign3A_772, %sign3A_775 : i32
      %ne3A_777 = arith.cmpi ne, %sign3A_769, %sign3A_776 : i32
      %rem3A_778 = arith.remsi %add3A_760, %jit3A_761 : i32
      %ne3A_779 = arith.constant 0 : i32
      %ne3A_780 = arith.cmpi ne, %rem3A_778, %ne3A_779 : i32
      %and3A_781 = arith.andi %ne3A_777, %ne3A_780 : i1
      %sub3A_782 = arith.constant 1 : i32
      %sub3A_783 = arith.subi %div3A_762, %sub3A_782 : i32
      %select_n3A_784 = arith.select %and3A_781, %sub3A_783, %div3A_762 : i32
      %jit3A_785 = arith.constant 64 : i32
      %eq3A_786 = arith.constant 0 : i32
      %eq3A_787 = arith.cmpi eq, %jit3A_785, %eq3A_786 : i32
      %jit3A_788 = arith.constant 1 : i32
      %select_n3A_789 = arith.select %eq3A_787, %jit3A_788, %jit3A_785 : i32
      %rem3A_790 = arith.remsi %add3A_760, %select_n3A_789 : i32
      %ne3A_791 = arith.constant 0 : i32
      %ne3A_792 = arith.cmpi ne, %rem3A_790, %ne3A_791 : i32
      %lt3A_793 = arith.constant 0 : i32
      %lt3A_794 = arith.cmpi slt, %rem3A_790, %lt3A_793 : i32
      %lt3A_795 = arith.constant 0 : i32
      %lt3A_796 = arith.cmpi slt, %select_n3A_789, %lt3A_795 : i32
      %ne3A_797 = arith.xori %lt3A_794, %lt3A_796 : i1
      %and3A_798 = arith.andi %ne3A_797, %ne3A_792 : i1
      %add3A_799 = arith.addi %rem3A_790, %select_n3A_789 : i32
      %select_n3A_800 = arith.select %and3A_798, %add3A_799, %rem3A_790 : i32
      %mul3A_801 = arith.constant 16 : i32
      %mul3A_802 = arith.muli %select_n3A_800, %mul3A_801 : i32
      %get3A_803 = arith.constant 1 : i32
      %get3A_804 = arith.index_cast %get3A_803 : i32 to index
      %get3A_805 = arith.index_cast %select_n3A_784 : i32 to index
      %get3A_806 = arith.index_cast %mul3A_802 : i32 to index
      %get3A_807 = tpu.vector_load %arg6[%get3A_804, %get3A_805, %get3A_806] {strides = array<i32>} : memref<3x8x1024xf32, #tpu.memory_space<vmem>>, vector<1x1x16xf32>,
      %get3A_808 = vector.shape_cast %get3A_807 : vector<1x1x16xf32> to vector<16xf32>
      %get3A_809 = arith.constant 1 : i32
      %get3A_810 = arith.constant 0 : i32
      %get3A_811 = arith.index_cast %get3A_809 : i32 to index
      %get3A_812 = arith.index_cast %get3A_810 : i32 to index
      %get3A_813 = arith.index_cast %select_n3A_784 : i32 to index
      %get3A_814 = arith.index_cast %mul3A_802 : i32 to index
      %get3A_815 = tpu.vector_load %arg5[%get3A_811, %get3A_812, %get3A_813, %get3A_814] {strides = array<i32>} : memref<3x4x8x1024xf32, #tpu.memory_space<vmem>>, vector<1x1x1x16xf32>,
      %get3A_816 = vector.shape_cast %get3A_815 : vector<1x1x1x16xf32> to vector<16xf32>
      %add3A_817 = arith.addf %get3A_816, %get3A_808 : vector<16xf32>
      %swap3A_818 = arith.constant 1 : i32
      %swap3A_819 = arith.constant 0 : i32
      %swap3A_820 = arith.index_cast %swap3A_818 : i32 to index
      %swap3A_821 = arith.index_cast %swap3A_819 : i32 to index
      %swap3A_822 = arith.index_cast %select_n3A_784 : i32 to index
      %swap3A_823 = arith.index_cast %mul3A_802 : i32 to index
      %swap3A_824 = tpu.vector_load %arg5[%swap3A_820, %swap3A_821, %swap3A_822, %swap3A_823] {strides = array<i32>} : memref<3x4x8x1024xf32, #tpu.memory_space<vmem>>, vector<1x1x1x16xf32>,
      %swap3A_825 = vector.shape_cast %swap3A_824 : vector<1x1x1x16xf32> to vector<16xf32>
      %swap3A_826 = vector.shape_cast %add3A_817 : vector<16xf32> to vector<1x1x1x16xf32>
      tpu.vector_store %arg5[%swap3A_820, %swap3A_821, %swap3A_822, %swap3A_823], %swap3A_826 {strides = array<i32>} : memref<3x4x8x1024xf32, #tpu.memory_space<vmem>>, vector<1x1x1x16xf32>,
      %get3A_827 = arith.constant 1 : i32
      %get3A_828 = arith.constant 1 : i32
      %get3A_829 = arith.index_cast %get3A_827 : i32 to index
      %get3A_830 = arith.index_cast %get3A_828 : i32 to index
      %get3A_831 = arith.index_cast %select_n3A_784 : i32 to index
      %get3A_832 = arith.index_cast %mul3A_802 : i32 to index
      %get3A_833 = tpu.vector_load %arg5[%get3A_829, %get3A_830, %get3A_831, %get3A_832] {strides = array<i32>} : memref<3x4x8x1024xf32, #tpu.memory_space<vmem>>, vector<1x1x1x16xf32>,
      %get3A_834 = vector.shape_cast %get3A_833 : vector<1x1x1x16xf32> to vector<16xf32>
      %add3A_835 = arith.addf %get3A_834, %get3A_808 : vector<16xf32>
      %swap3A_836 = arith.constant 1 : i32
      %swap3A_837 = arith.constant 1 : i32
      %swap3A_838 = arith.index_cast %swap3A_836 : i32 to index
      %swap3A_839 = arith.index_cast %swap3A_837 : i32 to index
      %swap3A_840 = arith.index_cast %select_n3A_784 : i32 to index
      %swap3A_841 = arith.index_cast %mul3A_802 : i32 to index
      %swap3A_842 = tpu.vector_load %arg5[%swap3A_838, %swap3A_839, %swap3A_840, %swap3A_841] {strides = array<i32>} : memref<3x4x8x1024xf32, #tpu.memory_space<vmem>>, vector<1x1x1x16xf32>,
      %swap3A_843 = vector.shape_cast %swap3A_842 : vector<1x1x1x16xf32> to vector<16xf32>
      %swap3A_844 = vector.shape_cast %add3A_835 : vector<16xf32> to vector<1x1x1x16xf32>
      tpu.vector_store %arg5[%swap3A_838, %swap3A_839, %swap3A_840, %swap3A_841], %swap3A_844 {strides = array<i32>} : memref<3x4x8x1024xf32, #tpu.memory_space<vmem>>, vector<1x1x1x16xf32>,
      %get3A_845 = arith.constant 1 : i32
      %get3A_846 = arith.constant 2 : i32
      %get3A_847 = arith.index_cast %get3A_845 : i32 to index
      %get3A_848 = arith.index_cast %get3A_846 : i32 to index
      %get3A_849 = arith.index_cast %select_n3A_784 : i32 to index
      %get3A_850 = arith.index_cast %mul3A_802 : i32 to index
      %get3A_851 = tpu.vector_load %arg5[%get3A_847, %get3A_848, %get3A_849, %get3A_850] {strides = array<i32>} : memref<3x4x8x1024xf32, #tpu.memory_space<vmem>>, vector<1x1x1x16xf32>,
      %get3A_852 = vector.shape_cast %get3A_851 : vector<1x1x1x16xf32> to vector<16xf32>
      %add3A_853 = arith.addf %get3A_852, %get3A_808 : vector<16xf32>
      %swap3A_854 = arith.constant 1 : i32
      %swap3A_855 = arith.constant 2 : i32
      %swap3A_856 = arith.index_cast %swap3A_854 : i32 to index
      %swap3A_857 = arith.index_cast %swap3A_855 : i32 to index
      %swap3A_858 = arith.index_cast %select_n3A_784 : i32 to index
      %swap3A_859 = arith.index_cast %mul3A_802 : i32 to index
      %swap3A_860 = tpu.vector_load %arg5[%swap3A_856, %swap3A_857, %swap3A_858, %swap3A_859] {strides = array<i32>} : memref<3x4x8x1024xf32, #tpu.memory_space<vmem>>, vector<1x1x1x16xf32>,
      %swap3A_861 = vector.shape_cast %swap3A_860 : vector<1x1x1x16xf32> to vector<16xf32>
      %swap3A_862 = vector.shape_cast %add3A_853 : vector<16xf32> to vector<1x1x1x16xf32>
      tpu.vector_store %arg5[%swap3A_856, %swap3A_857, %swap3A_858, %swap3A_859], %swap3A_862 {strides = array<i32>} : memref<3x4x8x1024xf32, #tpu.memory_space<vmem>>, vector<1x1x1x16xf32>,
      %get3A_863 = arith.constant 1 : i32
      %get3A_864 = arith.constant 3 : i32
      %get3A_865 = arith.index_cast %get3A_863 : i32 to index
      %get3A_866 = arith.index_cast %get3A_864 : i32 to index
      %get3A_867 = arith.index_cast %select_n3A_784 : i32 to index
      %get3A_868 = arith.index_cast %mul3A_802 : i32 to index
      %get3A_869 = tpu.vector_load %arg5[%get3A_865, %get3A_866, %get3A_867, %get3A_868] {strides = array<i32>} : memref<3x4x8x1024xf32, #tpu.memory_space<vmem>>, vector<1x1x1x16xf32>,
      %get3A_870 = vector.shape_cast %get3A_869 : vector<1x1x1x16xf32> to vector<16xf32>
      %add3A_871 = arith.addf %get3A_870, %get3A_808 : vector<16xf32>
      %swap3A_872 = arith.constant 1 : i32
      %swap3A_873 = arith.constant 3 : i32
      %swap3A_874 = arith.index_cast %swap3A_872 : i32 to index
      %swap3A_875 = arith.index_cast %swap3A_873 : i32 to index
      %swap3A_876 = arith.index_cast %select_n3A_784 : i32 to index
      %swap3A_877 = arith.index_cast %mul3A_802 : i32 to index
      %swap3A_878 = tpu.vector_load %arg5[%swap3A_874, %swap3A_875, %swap3A_876, %swap3A_877] {strides = array<i32>} : memref<3x4x8x1024xf32, #tpu.memory_space<vmem>>, vector<1x1x1x16xf32>,
      %swap3A_879 = vector.shape_cast %swap3A_878 : vector<1x1x1x16xf32> to vector<16xf32>
      %swap3A_880 = vector.shape_cast %add3A_871 : vector<16xf32> to vector<1x1x1x16xf32>
      tpu.vector_store %arg5[%swap3A_874, %swap3A_875, %swap3A_876, %swap3A_877], %swap3A_880 {strides = array<i32>} : memref<3x4x8x1024xf32, #tpu.memory_space<vmem>>, vector<1x1x1x16xf32>,
      %mul3A_881 = arith.constant 8 : i32
      %mul3A_882 = arith.muli %scan3A_271, %mul3A_881 : i32
      %add3A_883 = arith.constant 5 : i32
      %add3A_884 = arith.addi %mul3A_882, %add3A_883 : i32
      %jit3A_885 = arith.constant 64 : i32
      %div3A_886 = arith.divsi %add3A_884, %jit3A_885 : i32
      %sign3A_887 = arith.constant 0 : i32
      %sign3A_888 = arith.cmpi sgt, %add3A_884, %sign3A_887 : i32
      %sign3A_889 = arith.extui %sign3A_888 : i1 to i32
      %sign3A_890 = arith.constant 0 : i32
      %sign3A_891 = arith.cmpi slt, %add3A_884, %sign3A_890 : i32
      %sign3A_892 = arith.extui %sign3A_891 : i1 to i32
      %sign3A_893 = arith.subi %sign3A_889, %sign3A_892 : i32
      %sign3A_894 = arith.constant 0 : i32
      %sign3A_895 = arith.cmpi sgt, %jit3A_885, %sign3A_894 : i32
      %sign3A_896 = arith.extui %sign3A_895 : i1 to i32
      %sign3A_897 = arith.constant 0 : i32
      %sign3A_898 = arith.cmpi slt, %jit3A_885, %sign3A_897 : i32
      %sign3A_899 = arith.extui %sign3A_898 : i1 to i32
      %sign3A_900 = arith.subi %sign3A_896, %sign3A_899 : i32
      %ne3A_901 = arith.cmpi ne, %sign3A_893, %sign3A_900 : i32
      %rem3A_902 = arith.remsi %add3A_884, %jit3A_885 : i32
      %ne3A_903 = arith.constant 0 : i32
      %ne3A_904 = arith.cmpi ne, %rem3A_902, %ne3A_903 : i32
      %and3A_905 = arith.andi %ne3A_901, %ne3A_904 : i1
      %sub3A_906 = arith.constant 1 : i32
      %sub3A_907 = arith.subi %div3A_886, %sub3A_906 : i32
      %select_n3A_908 = arith.select %and3A_905, %sub3A_907, %div3A_886 : i32
      %jit3A_909 = arith.constant 64 : i32
      %eq3A_910 = arith.constant 0 : i32
      %eq3A_911 = arith.cmpi eq, %jit3A_909, %eq3A_910 : i32
      %jit3A_912 = arith.constant 1 : i32
      %select_n3A_913 = arith.select %eq3A_911, %jit3A_912, %jit3A_909 : i32
      %rem3A_914 = arith.remsi %add3A_884, %select_n3A_913 : i32
      %ne3A_915 = arith.constant 0 : i32
      %ne3A_916 = arith.cmpi ne, %rem3A_914, %ne3A_915 : i32
      %lt3A_917 = arith.constant 0 : i32
      %lt3A_918 = arith.cmpi slt, %rem3A_914, %lt3A_917 : i32
      %lt3A_919 = arith.constant 0 : i32
      %lt3A_920 = arith.cmpi slt, %select_n3A_913, %lt3A_919 : i32
      %ne3A_921 = arith.xori %lt3A_918, %lt3A_920 : i1
      %and3A_922 = arith.andi %ne3A_921, %ne3A_916 : i1
      %add3A_923 = arith.addi %rem3A_914, %select_n3A_913 : i32
      %select_n3A_924 = arith.select %and3A_922, %add3A_923, %rem3A_914 : i32
      %mul3A_925 = arith.constant 16 : i32
      %mul3A_926 = arith.muli %select_n3A_924, %mul3A_925 : i32
      %get3A_927 = arith.constant 1 : i32
      %get3A_928 = arith.index_cast %get3A_927 : i32 to index
      %get3A_929 = arith.index_cast %select_n3A_908 : i32 to index
      %get3A_930 = arith.index_cast %mul3A_926 : i32 to index
      %get3A_931 = tpu.vector_load %arg6[%get3A_928, %get3A_929, %get3A_930] {strides = array<i32>} : memref<3x8x1024xf32, #tpu.memory_space<vmem>>, vector<1x1x16xf32>,
      %get3A_932 = vector.shape_cast %get3A_931 : vector<1x1x16xf32> to vector<16xf32>
      %get3A_933 = arith.constant 1 : i32
      %get3A_934 = arith.constant 0 : i32
      %get3A_935 = arith.index_cast %get3A_933 : i32 to index
      %get3A_936 = arith.index_cast %get3A_934 : i32 to index
      %get3A_937 = arith.index_cast %select_n3A_908 : i32 to index
      %get3A_938 = arith.index_cast %mul3A_926 : i32 to index
      %get3A_939 = tpu.vector_load %arg5[%get3A_935, %get3A_936, %get3A_937, %get3A_938] {strides = array<i32>} : memref<3x4x8x1024xf32, #tpu.memory_space<vmem>>, vector<1x1x1x16xf32>,
      %get3A_940 = vector.shape_cast %get3A_939 : vector<1x1x1x16xf32> to vector<16xf32>
      %add3A_941 = arith.addf %get3A_940, %get3A_932 : vector<16xf32>
      %swap3A_942 = arith.constant 1 : i32
      %swap3A_943 = arith.constant 0 : i32
      %swap3A_944 = arith.index_cast %swap3A_942 : i32 to index
      %swap3A_945 = arith.index_cast %swap3A_943 : i32 to index
      %swap3A_946 = arith.index_cast %select_n3A_908 : i32 to index
      %swap3A_947 = arith.index_cast %mul3A_926 : i32 to index
      %swap3A_948 = tpu.vector_load %arg5[%swap3A_944, %swap3A_945, %swap3A_946, %swap3A_947] {strides = array<i32>} : memref<3x4x8x1024xf32, #tpu.memory_space<vmem>>, vector<1x1x1x16xf32>,
      %swap3A_949 = vector.shape_cast %swap3A_948 : vector<1x1x1x16xf32> to vector<16xf32>
      %swap3A_950 = vector.shape_cast %add3A_941 : vector<16xf32> to vector<1x1x1x16xf32>
      tpu.vector_store %arg5[%swap3A_944, %swap3A_945, %swap3A_946, %swap3A_947], %swap3A_950 {strides = array<i32>} : memref<3x4x8x1024xf32, #tpu.memory_space<vmem>>, vector<1x1x1x16xf32>,
      %get3A_951 = arith.constant 1 : i32
      %get3A_952 = arith.constant 1 : i32
      %get3A_953 = arith.index_cast %get3A_951 : i32 to index
      %get3A_954 = arith.index_cast %get3A_952 : i32 to index
      %get3A_955 = arith.index_cast %select_n3A_908 : i32 to index
      %get3A_956 = arith.index_cast %mul3A_926 : i32 to index
      %get3A_957 = tpu.vector_load %arg5[%get3A_953, %get3A_954, %get3A_955, %get3A_956] {strides = array<i32>} : memref<3x4x8x1024xf32, #tpu.memory_space<vmem>>, vector<1x1x1x16xf32>,
      %get3A_958 = vector.shape_cast %get3A_957 : vector<1x1x1x16xf32> to vector<16xf32>
      %add3A_959 = arith.addf %get3A_958, %get3A_932 : vector<16xf32>
      %swap3A_960 = arith.constant 1 : i32
      %swap3A_961 = arith.constant 1 : i32
      %swap3A_962 = arith.index_cast %swap3A_960 : i32 to index
      %swap3A_963 = arith.index_cast %swap3A_961 : i32 to index
      %swap3A_964 = arith.index_cast %select_n3A_908 : i32 to index
      %swap3A_965 = arith.index_cast %mul3A_926 : i32 to index
      %swap3A_966 = tpu.vector_load %arg5[%swap3A_962, %swap3A_963, %swap3A_964, %swap3A_965] {strides = array<i32>} : memref<3x4x8x1024xf32, #tpu.memory_space<vmem>>, vector<1x1x1x16xf32>,
      %swap3A_967 = vector.shape_cast %swap3A_966 : vector<1x1x1x16xf32> to vector<16xf32>
      %swap3A_968 = vector.shape_cast %add3A_959 : vector<16xf32> to vector<1x1x1x16xf32>
      tpu.vector_store %arg5[%swap3A_962, %swap3A_963, %swap3A_964, %swap3A_965], %swap3A_968 {strides = array<i32>} : memref<3x4x8x1024xf32, #tpu.memory_space<vmem>>, vector<1x1x1x16xf32>,
      %get3A_969 = arith.constant 1 : i32
      %get3A_970 = arith.constant 2 : i32
      %get3A_971 = arith.index_cast %get3A_969 : i32 to index
      %get3A_972 = arith.index_cast %get3A_970 : i32 to index
      %get3A_973 = arith.index_cast %select_n3A_908 : i32 to index
      %get3A_974 = arith.index_cast %mul3A_926 : i32 to index
      %get3A_975 = tpu.vector_load %arg5[%get3A_971, %get3A_972, %get3A_973, %get3A_974] {strides = array<i32>} : memref<3x4x8x1024xf32, #tpu.memory_space<vmem>>, vector<1x1x1x16xf32>,
      %get3A_976 = vector.shape_cast %get3A_975 : vector<1x1x1x16xf32> to vector<16xf32>
      %add3A_977 = arith.addf %get3A_976, %get3A_932 : vector<16xf32>
      %swap3A_978 = arith.constant 1 : i32
      %swap3A_979 = arith.constant 2 : i32
      %swap3A_980 = arith.index_cast %swap3A_978 : i32 to index
      %swap3A_981 = arith.index_cast %swap3A_979 : i32 to index
      %swap3A_982 = arith.index_cast %select_n3A_908 : i32 to index
      %swap3A_983 = arith.index_cast %mul3A_926 : i32 to index
      %swap3A_984 = tpu.vector_load %arg5[%swap3A_980, %swap3A_981, %swap3A_982, %swap3A_983] {strides = array<i32>} : memref<3x4x8x1024xf32, #tpu.memory_space<vmem>>, vector<1x1x1x16xf32>,
      %swap3A_985 = vector.shape_cast %swap3A_984 : vector<1x1x1x16xf32> to vector<16xf32>
      %swap3A_986 = vector.shape_cast %add3A_977 : vector<16xf32> to vector<1x1x1x16xf32>
      tpu.vector_store %arg5[%swap3A_980, %swap3A_981, %swap3A_982, %swap3A_983], %swap3A_986 {strides = array<i32>} : memref<3x4x8x1024xf32, #tpu.memory_space<vmem>>, vector<1x1x1x16xf32>,
      %get3A_987 = arith.constant 1 : i32
      %get3A_988 = arith.constant 3 : i32
      %get3A_989 = arith.index_cast %get3A_987 : i32 to index
      %get3A_990 = arith.index_cast %get3A_988 : i32 to index
      %get3A_991 = arith.index_cast %select_n3A_908 : i32 to index
      %get3A_992 = arith.index_cast %mul3A_926 : i32 to index
      %get3A_993 = tpu.vector_load %arg5[%get3A_989, %get3A_990, %get3A_991, %get3A_992] {strides = array<i32>} : memref<3x4x8x1024xf32, #tpu.memory_space<vmem>>, vector<1x1x1x16xf32>,
      %get3A_994 = vector.shape_cast %get3A_993 : vector<1x1x1x16xf32> to vector<16xf32>
      %add3A_995 = arith.addf %get3A_994, %get3A_932 : vector<16xf32>
      %swap3A_996 = arith.constant 1 : i32
      %swap3A_997 = arith.constant 3 : i32
      %swap3A_998 = arith.index_cast %swap3A_996 : i32 to index
      %swap3A_999 = arith.index_cast %swap3A_997 : i32 to index
      %swap3A_1000 = arith.index_cast %select_n3A_908 : i32 to index
      %swap3A_1001 = arith.index_cast %mul3A_926 : i32 to index
      %swap3A_1002 = tpu.vector_load %arg5[%swap3A_998, %swap3A_999, %swap3A_1000, %swap3A_1001] {strides = array<i32>} : memref<3x4x8x1024xf32, #tpu.memory_space<vmem>>, vector<1x1x1x16xf32>,
      %swap3A_1003 = vector.shape_cast %swap3A_1002 : vector<1x1x1x16xf32> to vector<16xf32>
      %swap3A_1004 = vector.shape_cast %add3A_995 : vector<16xf32> to vector<1x1x1x16xf32>
      tpu.vector_store %arg5[%swap3A_998, %swap3A_999, %swap3A_1000, %swap3A_1001], %swap3A_1004 {strides = array<i32>} : memref<3x4x8x1024xf32, #tpu.memory_space<vmem>>, vector<1x1x1x16xf32>,
      %mul3A_1005 = arith.constant 8 : i32
      %mul3A_1006 = arith.muli %scan3A_271, %mul3A_1005 : i32
      %add3A_1007 = arith.constant 6 : i32
      %add3A_1008 = arith.addi %mul3A_1006, %add3A_1007 : i32
      %jit3A_1009 = arith.constant 64 : i32
      %div3A_1010 = arith.divsi %add3A_1008, %jit3A_1009 : i32
      %sign3A_1011 = arith.constant 0 : i32
      %sign3A_1012 = arith.cmpi sgt, %add3A_1008, %sign3A_1011 : i32
      %sign3A_1013 = arith.extui %sign3A_1012 : i1 to i32
      %sign3A_1014 = arith.constant 0 : i32
      %sign3A_1015 = arith.cmpi slt, %add3A_1008, %sign3A_1014 : i32
      %sign3A_1016 = arith.extui %sign3A_1015 : i1 to i32
      %sign3A_1017 = arith.subi %sign3A_1013, %sign3A_1016 : i32
      %sign3A_1018 = arith.constant 0 : i32
      %sign3A_1019 = arith.cmpi sgt, %jit3A_1009, %sign3A_1018 : i32
      %sign3A_1020 = arith.extui %sign3A_1019 : i1 to i32
      %sign3A_1021 = arith.constant 0 : i32
      %sign3A_1022 = arith.cmpi slt, %jit3A_1009, %sign3A_1021 : i32
      %sign3A_1023 = arith.extui %sign3A_1022 : i1 to i32
      %sign3A_1024 = arith.subi %sign3A_1020, %sign3A_1023 : i32
      %ne3A_1025 = arith.cmpi ne, %sign3A_1017, %sign3A_1024 : i32
      %rem3A_1026 = arith.remsi %add3A_1008, %jit3A_1009 : i32
      %ne3A_1027 = arith.constant 0 : i32
      %ne3A_1028 = arith.cmpi ne, %rem3A_1026, %ne3A_1027 : i32
      %and3A_1029 = arith.andi %ne3A_1025, %ne3A_1028 : i1
      %sub3A_1030 = arith.constant 1 : i32
      %sub3A_1031 = arith.subi %div3A_1010, %sub3A_1030 : i32
      %select_n3A_1032 = arith.select %and3A_1029, %sub3A_1031, %div3A_1010 : i32
      %jit3A_1033 = arith.constant 64 : i32
      %eq3A_1034 = arith.constant 0 : i32
      %eq3A_1035 = arith.cmpi eq, %jit3A_1033, %eq3A_1034 : i32
      %jit3A_1036 = arith.constant 1 : i32
      %select_n3A_1037 = arith.select %eq3A_1035, %jit3A_1036, %jit3A_1033 : i32
      %rem3A_1038 = arith.remsi %add3A_1008, %select_n3A_1037 : i32
      %ne3A_1039 = arith.constant 0 : i32
      %ne3A_1040 = arith.cmpi ne, %rem3A_1038, %ne3A_1039 : i32
      %lt3A_1041 = arith.constant 0 : i32
      %lt3A_1042 = arith.cmpi slt, %rem3A_1038, %lt3A_1041 : i32
      %lt3A_1043 = arith.constant 0 : i32
      %lt3A_1044 = arith.cmpi slt, %select_n3A_1037, %lt3A_1043 : i32
      %ne3A_1045 = arith.xori %lt3A_1042, %lt3A_1044 : i1
      %and3A_1046 = arith.andi %ne3A_1045, %ne3A_1040 : i1
      %add3A_1047 = arith.addi %rem3A_1038, %select_n3A_1037 : i32
      %select_n3A_1048 = arith.select %and3A_1046, %add3A_1047, %rem3A_1038 : i32
      %mul3A_1049 = arith.constant 16 : i32
      %mul3A_1050 = arith.muli %select_n3A_1048, %mul3A_1049 : i32
      %get3A_1051 = arith.constant 1 : i32
      %get3A_1052 = arith.index_cast %get3A_1051 : i32 to index
      %get3A_1053 = arith.index_cast %select_n3A_1032 : i32 to index
      %get3A_1054 = arith.index_cast %mul3A_1050 : i32 to index
      %get3A_1055 = tpu.vector_load %arg6[%get3A_1052, %get3A_1053, %get3A_1054] {strides = array<i32>} : memref<3x8x1024xf32, #tpu.memory_space<vmem>>, vector<1x1x16xf32>,
      %get3A_1056 = vector.shape_cast %get3A_1055 : vector<1x1x16xf32> to vector<16xf32>
      %get3A_1057 = arith.constant 1 : i32
      %get3A_1058 = arith.constant 0 : i32
      %get3A_1059 = arith.index_cast %get3A_1057 : i32 to index
      %get3A_1060 = arith.index_cast %get3A_1058 : i32 to index
      %get3A_1061 = arith.index_cast %select_n3A_1032 : i32 to index
      %get3A_1062 = arith.index_cast %mul3A_1050 : i32 to index
      %get3A_1063 = tpu.vector_load %arg5[%get3A_1059, %get3A_1060, %get3A_1061, %get3A_1062] {strides = array<i32>} : memref<3x4x8x1024xf32, #tpu.memory_space<vmem>>, vector<1x1x1x16xf32>,
      %get3A_1064 = vector.shape_cast %get3A_1063 : vector<1x1x1x16xf32> to vector<16xf32>
      %add3A_1065 = arith.addf %get3A_1064, %get3A_1056 : vector<16xf32>
      %swap3A_1066 = arith.constant 1 : i32
      %swap3A_1067 = arith.constant 0 : i32
      %swap3A_1068 = arith.index_cast %swap3A_1066 : i32 to index
      %swap3A_1069 = arith.index_cast %swap3A_1067 : i32 to index
      %swap3A_1070 = arith.index_cast %select_n3A_1032 : i32 to index
      %swap3A_1071 = arith.index_cast %mul3A_1050 : i32 to index
      %swap3A_1072 = tpu.vector_load %arg5[%swap3A_1068, %swap3A_1069, %swap3A_1070, %swap3A_1071] {strides = array<i32>} : memref<3x4x8x1024xf32, #tpu.memory_space<vmem>>, vector<1x1x1x16xf32>,
      %swap3A_1073 = vector.shape_cast %swap3A_1072 : vector<1x1x1x16xf32> to vector<16xf32>
      %swap3A_1074 = vector.shape_cast %add3A_1065 : vector<16xf32> to vector<1x1x1x16xf32>
      tpu.vector_store %arg5[%swap3A_1068, %swap3A_1069, %swap3A_1070, %swap3A_1071], %swap3A_1074 {strides = array<i32>} : memref<3x4x8x1024xf32, #tpu.memory_space<vmem>>, vector<1x1x1x16xf32>,
      %get3A_1075 = arith.constant 1 : i32
      %get3A_1076 = arith.constant 1 : i32
      %get3A_1077 = arith.index_cast %get3A_1075 : i32 to index
      %get3A_1078 = arith.index_cast %get3A_1076 : i32 to index
      %get3A_1079 = arith.index_cast %select_n3A_1032 : i32 to index
      %get3A_1080 = arith.index_cast %mul3A_1050 : i32 to index
      %get3A_1081 = tpu.vector_load %arg5[%get3A_1077, %get3A_1078, %get3A_1079, %get3A_1080] {strides = array<i32>} : memref<3x4x8x1024xf32, #tpu.memory_space<vmem>>, vector<1x1x1x16xf32>,
      %get3A_1082 = vector.shape_cast %get3A_1081 : vector<1x1x1x16xf32> to vector<16xf32>
      %add3A_1083 = arith.addf %get3A_1082, %get3A_1056 : vector<16xf32>
      %swap3A_1084 = arith.constant 1 : i32
      %swap3A_1085 = arith.constant 1 : i32
      %swap3A_1086 = arith.index_cast %swap3A_1084 : i32 to index
      %swap3A_1087 = arith.index_cast %swap3A_1085 : i32 to index
      %swap3A_1088 = arith.index_cast %select_n3A_1032 : i32 to index
      %swap3A_1089 = arith.index_cast %mul3A_1050 : i32 to index
      %swap3A_1090 = tpu.vector_load %arg5[%swap3A_1086, %swap3A_1087, %swap3A_1088, %swap3A_1089] {strides = array<i32>} : memref<3x4x8x1024xf32, #tpu.memory_space<vmem>>, vector<1x1x1x16xf32>,
      %swap3A_1091 = vector.shape_cast %swap3A_1090 : vector<1x1x1x16xf32> to vector<16xf32>
      %swap3A_1092 = vector.shape_cast %add3A_1083 : vector<16xf32> to vector<1x1x1x16xf32>
      tpu.vector_store %arg5[%swap3A_1086, %swap3A_1087, %swap3A_1088, %swap3A_1089], %swap3A_1092 {strides = array<i32>} : memref<3x4x8x1024xf32, #tpu.memory_space<vmem>>, vector<1x1x1x16xf32>,
      %get3A_1093 = arith.constant 1 : i32
      %get3A_1094 = arith.constant 2 : i32
      %get3A_1095 = arith.index_cast %get3A_1093 : i32 to index
      %get3A_1096 = arith.index_cast %get3A_1094 : i32 to index
      %get3A_1097 = arith.index_cast %select_n3A_1032 : i32 to index
      %get3A_1098 = arith.index_cast %mul3A_1050 : i32 to index
      %get3A_1099 = tpu.vector_load %arg5[%get3A_1095, %get3A_1096, %get3A_1097, %get3A_1098] {strides = array<i32>} : memref<3x4x8x1024xf32, #tpu.memory_space<vmem>>, vector<1x1x1x16xf32>,
      %get3A_1100 = vector.shape_cast %get3A_1099 : vector<1x1x1x16xf32> to vector<16xf32>
      %add3A_1101 = arith.addf %get3A_1100, %get3A_1056 : vector<16xf32>
      %swap3A_1102 = arith.constant 1 : i32
      %swap3A_1103 = arith.constant 2 : i32
      %swap3A_1104 = arith.index_cast %swap3A_1102 : i32 to index
      %swap3A_1105 = arith.index_cast %swap3A_1103 : i32 to index
      %swap3A_1106 = arith.index_cast %select_n3A_1032 : i32 to index
      %swap3A_1107 = arith.index_cast %mul3A_1050 : i32 to index
      %swap3A_1108 = tpu.vector_load %arg5[%swap3A_1104, %swap3A_1105, %swap3A_1106, %swap3A_1107] {strides = array<i32>} : memref<3x4x8x1024xf32, #tpu.memory_space<vmem>>, vector<1x1x1x16xf32>,
      %swap3A_1109 = vector.shape_cast %swap3A_1108 : vector<1x1x1x16xf32> to vector<16xf32>
      %swap3A_1110 = vector.shape_cast %add3A_1101 : vector<16xf32> to vector<1x1x1x16xf32>
      tpu.vector_store %arg5[%swap3A_1104, %swap3A_1105, %swap3A_1106, %swap3A_1107], %swap3A_1110 {strides = array<i32>} : memref<3x4x8x1024xf32, #tpu.memory_space<vmem>>, vector<1x1x1x16xf32>,
      %get3A_1111 = arith.constant 1 : i32
      %get3A_1112 = arith.constant 3 : i32
      %get3A_1113 = arith.index_cast %get3A_1111 : i32 to index
      %get3A_1114 = arith.index_cast %get3A_1112 : i32 to index
      %get3A_1115 = arith.index_cast %select_n3A_1032 : i32 to index
      %get3A_1116 = arith.index_cast %mul3A_1050 : i32 to index
      %get3A_1117 = tpu.vector_load %arg5[%get3A_1113, %get3A_1114, %get3A_1115, %get3A_1116] {strides = array<i32>} : memref<3x4x8x1024xf32, #tpu.memory_space<vmem>>, vector<1x1x1x16xf32>,
      %get3A_1118 = vector.shape_cast %get3A_1117 : vector<1x1x1x16xf32> to vector<16xf32>
      %add3A_1119 = arith.addf %get3A_1118, %get3A_1056 : vector<16xf32>
      %swap3A_1120 = arith.constant 1 : i32
      %swap3A_1121 = arith.constant 3 : i32
      %swap3A_1122 = arith.index_cast %swap3A_1120 : i32 to index
      %swap3A_1123 = arith.index_cast %swap3A_1121 : i32 to index
      %swap3A_1124 = arith.index_cast %select_n3A_1032 : i32 to index
      %swap3A_1125 = arith.index_cast %mul3A_1050 : i32 to index
      %swap3A_1126 = tpu.vector_load %arg5[%swap3A_1122, %swap3A_1123, %swap3A_1124, %swap3A_1125] {strides = array<i32>} : memref<3x4x8x1024xf32, #tpu.memory_space<vmem>>, vector<1x1x1x16xf32>,
      %swap3A_1127 = vector.shape_cast %swap3A_1126 : vector<1x1x1x16xf32> to vector<16xf32>
      %swap3A_1128 = vector.shape_cast %add3A_1119 : vector<16xf32> to vector<1x1x1x16xf32>
      tpu.vector_store %arg5[%swap3A_1122, %swap3A_1123, %swap3A_1124, %swap3A_1125], %swap3A_1128 {strides = array<i32>} : memref<3x4x8x1024xf32, #tpu.memory_space<vmem>>, vector<1x1x1x16xf32>,
      %mul3A_1129 = arith.constant 8 : i32
      %mul3A_1130 = arith.muli %scan3A_271, %mul3A_1129 : i32
      %add3A_1131 = arith.constant 7 : i32
      %add3A_1132 = arith.addi %mul3A_1130, %add3A_1131 : i32
      %jit3A_1133 = arith.constant 64 : i32
      %div3A_1134 = arith.divsi %add3A_1132, %jit3A_1133 : i32
      %sign3A_1135 = arith.constant 0 : i32
      %sign3A_1136 = arith.cmpi sgt, %add3A_1132, %sign3A_1135 : i32
      %sign3A_1137 = arith.extui %sign3A_1136 : i1 to i32
      %sign3A_1138 = arith.constant 0 : i32
      %sign3A_1139 = arith.cmpi slt, %add3A_1132, %sign3A_1138 : i32
      %sign3A_1140 = arith.extui %sign3A_1139 : i1 to i32
      %sign3A_1141 = arith.subi %sign3A_1137, %sign3A_1140 : i32
      %sign3A_1142 = arith.constant 0 : i32
      %sign3A_1143 = arith.cmpi sgt, %jit3A_1133, %sign3A_1142 : i32
      %sign3A_1144 = arith.extui %sign3A_1143 : i1 to i32
      %sign3A_1145 = arith.constant 0 : i32
      %sign3A_1146 = arith.cmpi slt, %jit3A_1133, %sign3A_1145 : i32
      %sign3A_1147 = arith.extui %sign3A_1146 : i1 to i32
      %sign3A_1148 = arith.subi %sign3A_1144, %sign3A_1147 : i32
      %ne3A_1149 = arith.cmpi ne, %sign3A_1141, %sign3A_1148 : i32
      %rem3A_1150 = arith.remsi %add3A_1132, %jit3A_1133 : i32
      %ne3A_1151 = arith.constant 0 : i32
      %ne3A_1152 = arith.cmpi ne, %rem3A_1150, %ne3A_1151 : i32
      %and3A_1153 = arith.andi %ne3A_1149, %ne3A_1152 : i1
      %sub3A_1154 = arith.constant 1 : i32
      %sub3A_1155 = arith.subi %div3A_1134, %sub3A_1154 : i32
      %select_n3A_1156 = arith.select %and3A_1153, %sub3A_1155, %div3A_1134 : i32
      %jit3A_1157 = arith.constant 64 : i32
      %eq3A_1158 = arith.constant 0 : i32
      %eq3A_1159 = arith.cmpi eq, %jit3A_1157, %eq3A_1158 : i32
      %jit3A_1160 = arith.constant 1 : i32
      %select_n3A_1161 = arith.select %eq3A_1159, %jit3A_1160, %jit3A_1157 : i32
      %rem3A_1162 = arith.remsi %add3A_1132, %select_n3A_1161 : i32
      %ne3A_1163 = arith.constant 0 : i32
      %ne3A_1164 = arith.cmpi ne, %rem3A_1162, %ne3A_1163 : i32
      %lt3A_1165 = arith.constant 0 : i32
      %lt3A_1166 = arith.cmpi slt, %rem3A_1162, %lt3A_1165 : i32
      %lt3A_1167 = arith.constant 0 : i32
      %lt3A_1168 = arith.cmpi slt, %select_n3A_1161, %lt3A_1167 : i32
      %ne3A_1169 = arith.xori %lt3A_1166, %lt3A_1168 : i1
      %and3A_1170 = arith.andi %ne3A_1169, %ne3A_1164 : i1
      %add3A_1171 = arith.addi %rem3A_1162, %select_n3A_1161 : i32
      %select_n3A_1172 = arith.select %and3A_1170, %add3A_1171, %rem3A_1162 : i32
      %mul3A_1173 = arith.constant 16 : i32
      %mul3A_1174 = arith.muli %select_n3A_1172, %mul3A_1173 : i32
      %get3A_1175 = arith.constant 1 : i32
      %get3A_1176 = arith.index_cast %get3A_1175 : i32 to index
      %get3A_1177 = arith.index_cast %select_n3A_1156 : i32 to index
      %get3A_1178 = arith.index_cast %mul3A_1174 : i32 to index
      %get3A_1179 = tpu.vector_load %arg6[%get3A_1176, %get3A_1177, %get3A_1178] {strides = array<i32>} : memref<3x8x1024xf32, #tpu.memory_space<vmem>>, vector<1x1x16xf32>,
      %get3A_1180 = vector.shape_cast %get3A_1179 : vector<1x1x16xf32> to vector<16xf32>
      %get3A_1181 = arith.constant 1 : i32
      %get3A_1182 = arith.constant 0 : i32
      %get3A_1183 = arith.index_cast %get3A_1181 : i32 to index
      %get3A_1184 = arith.index_cast %get3A_1182 : i32 to index
      %get3A_1185 = arith.index_cast %select_n3A_1156 : i32 to index
      %get3A_1186 = arith.index_cast %mul3A_1174 : i32 to index
      %get3A_1187 = tpu.vector_load %arg5[%get3A_1183, %get3A_1184, %get3A_1185, %get3A_1186] {strides = array<i32>} : memref<3x4x8x1024xf32, #tpu.memory_space<vmem>>, vector<1x1x1x16xf32>,
      %get3A_1188 = vector.shape_cast %get3A_1187 : vector<1x1x1x16xf32> to vector<16xf32>
      %add3A_1189 = arith.addf %get3A_1188, %get3A_1180 : vector<16xf32>
      %swap3A_1190 = arith.constant 1 : i32
      %swap3A_1191 = arith.constant 0 : i32
      %swap3A_1192 = arith.index_cast %swap3A_1190 : i32 to index
      %swap3A_1193 = arith.index_cast %swap3A_1191 : i32 to index
      %swap3A_1194 = arith.index_cast %select_n3A_1156 : i32 to index
      %swap3A_1195 = arith.index_cast %mul3A_1174 : i32 to index
      %swap3A_1196 = tpu.vector_load %arg5[%swap3A_1192, %swap3A_1193, %swap3A_1194, %swap3A_1195] {strides = array<i32>} : memref<3x4x8x1024xf32, #tpu.memory_space<vmem>>, vector<1x1x1x16xf32>,
      %swap3A_1197 = vector.shape_cast %swap3A_1196 : vector<1x1x1x16xf32> to vector<16xf32>
      %swap3A_1198 = vector.shape_cast %add3A_1189 : vector<16xf32> to vector<1x1x1x16xf32>
      tpu.vector_store %arg5[%swap3A_1192, %swap3A_1193, %swap3A_1194, %swap3A_1195], %swap3A_1198 {strides = array<i32>} : memref<3x4x8x1024xf32, #tpu.memory_space<vmem>>, vector<1x1x1x16xf32>,
      %get3A_1199 = arith.constant 1 : i32
      %get3A_1200 = arith.constant 1 : i32
      %get3A_1201 = arith.index_cast %get3A_1199 : i32 to index
      %get3A_1202 = arith.index_cast %get3A_1200 : i32 to index
      %get3A_1203 = arith.index_cast %select_n3A_1156 : i32 to index
      %get3A_1204 = arith.index_cast %mul3A_1174 : i32 to index
      %get3A_1205 = tpu.vector_load %arg5[%get3A_1201, %get3A_1202, %get3A_1203, %get3A_1204] {strides = array<i32>} : memref<3x4x8x1024xf32, #tpu.memory_space<vmem>>, vector<1x1x1x16xf32>,
      %get3A_1206 = vector.shape_cast %get3A_1205 : vector<1x1x1x16xf32> to vector<16xf32>
      %add3A_1207 = arith.addf %get3A_1206, %get3A_1180 : vector<16xf32>
      %swap3A_1208 = arith.constant 1 : i32
      %swap3A_1209 = arith.constant 1 : i32
      %swap3A_1210 = arith.index_cast %swap3A_1208 : i32 to index
      %swap3A_1211 = arith.index_cast %swap3A_1209 : i32 to index
      %swap3A_1212 = arith.index_cast %select_n3A_1156 : i32 to index
      %swap3A_1213 = arith.index_cast %mul3A_1174 : i32 to index
      %swap3A_1214 = tpu.vector_load %arg5[%swap3A_1210, %swap3A_1211, %swap3A_1212, %swap3A_1213] {strides = array<i32>} : memref<3x4x8x1024xf32, #tpu.memory_space<vmem>>, vector<1x1x1x16xf32>,
      %swap3A_1215 = vector.shape_cast %swap3A_1214 : vector<1x1x1x16xf32> to vector<16xf32>
      %swap3A_1216 = vector.shape_cast %add3A_1207 : vector<16xf32> to vector<1x1x1x16xf32>
      tpu.vector_store %arg5[%swap3A_1210, %swap3A_1211, %swap3A_1212, %swap3A_1213], %swap3A_1216 {strides = array<i32>} : memref<3x4x8x1024xf32, #tpu.memory_space<vmem>>, vector<1x1x1x16xf32>,
      %get3A_1217 = arith.constant 1 : i32
      %get3A_1218 = arith.constant 2 : i32
      %get3A_1219 = arith.index_cast %get3A_1217 : i32 to index
      %get3A_1220 = arith.index_cast %get3A_1218 : i32 to index
      %get3A_1221 = arith.index_cast %select_n3A_1156 : i32 to index
      %get3A_1222 = arith.index_cast %mul3A_1174 : i32 to index
      %get3A_1223 = tpu.vector_load %arg5[%get3A_1219, %get3A_1220, %get3A_1221, %get3A_1222] {strides = array<i32>} : memref<3x4x8x1024xf32, #tpu.memory_space<vmem>>, vector<1x1x1x16xf32>,
      %get3A_1224 = vector.shape_cast %get3A_1223 : vector<1x1x1x16xf32> to vector<16xf32>
      %add3A_1225 = arith.addf %get3A_1224, %get3A_1180 : vector<16xf32>
      %swap3A_1226 = arith.constant 1 : i32
      %swap3A_1227 = arith.constant 2 : i32
      %swap3A_1228 = arith.index_cast %swap3A_1226 : i32 to index
      %swap3A_1229 = arith.index_cast %swap3A_1227 : i32 to index
      %swap3A_1230 = arith.index_cast %select_n3A_1156 : i32 to index
      %swap3A_1231 = arith.index_cast %mul3A_1174 : i32 to index
      %swap3A_1232 = tpu.vector_load %arg5[%swap3A_1228, %swap3A_1229, %swap3A_1230, %swap3A_1231] {strides = array<i32>} : memref<3x4x8x1024xf32, #tpu.memory_space<vmem>>, vector<1x1x1x16xf32>,
      %swap3A_1233 = vector.shape_cast %swap3A_1232 : vector<1x1x1x16xf32> to vector<16xf32>
      %swap3A_1234 = vector.shape_cast %add3A_1225 : vector<16xf32> to vector<1x1x1x16xf32>
      tpu.vector_store %arg5[%swap3A_1228, %swap3A_1229, %swap3A_1230, %swap3A_1231], %swap3A_1234 {strides = array<i32>} : memref<3x4x8x1024xf32, #tpu.memory_space<vmem>>, vector<1x1x1x16xf32>,
      %get3A_1235 = arith.constant 1 : i32
      %get3A_1236 = arith.constant 3 : i32
      %get3A_1237 = arith.index_cast %get3A_1235 : i32 to index
      %get3A_1238 = arith.index_cast %get3A_1236 : i32 to index
      %get3A_1239 = arith.index_cast %select_n3A_1156 : i32 to index
      %get3A_1240 = arith.index_cast %mul3A_1174 : i32 to index
      %get3A_1241 = tpu.vector_load %arg5[%get3A_1237, %get3A_1238, %get3A_1239, %get3A_1240] {strides = array<i32>} : memref<3x4x8x1024xf32, #tpu.memory_space<vmem>>, vector<1x1x1x16xf32>,
      %get3A_1242 = vector.shape_cast %get3A_1241 : vector<1x1x1x16xf32> to vector<16xf32>
      %add3A_1243 = arith.addf %get3A_1242, %get3A_1180 : vector<16xf32>
      %swap3A_1244 = arith.constant 1 : i32
      %swap3A_1245 = arith.constant 3 : i32
      %swap3A_1246 = arith.index_cast %swap3A_1244 : i32 to index
      %swap3A_1247 = arith.index_cast %swap3A_1245 : i32 to index
      %swap3A_1248 = arith.index_cast %select_n3A_1156 : i32 to index
      %swap3A_1249 = arith.index_cast %mul3A_1174 : i32 to index
      %swap3A_1250 = tpu.vector_load %arg5[%swap3A_1246, %swap3A_1247, %swap3A_1248, %swap3A_1249] {strides = array<i32>} : memref<3x4x8x1024xf32, #tpu.memory_space<vmem>>, vector<1x1x1x16xf32>,
      %swap3A_1251 = vector.shape_cast %swap3A_1250 : vector<1x1x1x16xf32> to vector<16xf32>
      %swap3A_1252 = vector.shape_cast %add3A_1243 : vector<16xf32> to vector<1x1x1x16xf32>
      tpu.vector_store %arg5[%swap3A_1246, %swap3A_1247, %swap3A_1248, %swap3A_1249], %swap3A_1252 {strides = array<i32>} : memref<3x4x8x1024xf32, #tpu.memory_space<vmem>>, vector<1x1x1x16xf32>,
      %scan3A_1253 = arith.constant 0 : i32
      scf.yield %scan3A_1253 : i32
    }
    %scan3A_213 = arith.constant 64 : i32
    %add3A_214 = arith.constant 248 : i32
    %add3A_215 = arith.addi %mul3A_2, %add3A_214 : i32
    %dma_start3A_216 = arith.constant 1 : i32
    %dma_start3A_217 = arith.constant 0 : i32
    %dma_start3A_218 = arith.constant 0 : i32
    %dma_start3A_219 = arith.constant 0 : i32
    %dma_start3A_220 = tpu.memref_slice %arg5[%dma_start3A_216, %dma_start3A_217, %dma_start3A_218, %dma_start3A_219] : memref<3x4x8x1024xf32, #tpu.memory_space<vmem>> -> memref<1x4x8x1024xf32, #tpu.memory_space<vmem>>
    %dma_start3A_221 = tpu.memref_squeeze %dma_start3A_220 : memref<1x4x8x1024xf32, #tpu.memory_space<vmem>> -> memref<4x8x1024xf32, #tpu.memory_space<vmem>>
    %dma_start3A_222 = arith.constant 0 : i32
    %dma_start3A_223 = arith.constant 0 : i32
    %dma_start3A_224 = tpu.memref_slice %arg4[%dma_start3A_222, %add3A_215, %dma_start3A_223] : memref<4x8192x1024xf32, #tpu.memory_space<hbm>> -> memref<4x8x1024xf32, #tpu.memory_space<hbm>>
    %dma_start3A_225 = arith.constant 0 : i32
    %dma_start3A_226 = arith.constant 0 : i32
    %dma_start3A_227 = tpu.memref_slice %arg4[%dma_start3A_225, %add3A_215, %dma_start3A_226] : memref<4x8192x1024xf32, #tpu.memory_space<hbm>> -> memref<4x8x1024xf32, #tpu.memory_space<hbm>>
    %dma_start3A_228 = arith.constant 0 : i32
    %dma_start3A_229 = arith.constant 0 : i32
    %dma_start3A_230 = arith.constant 0 : i32
    %dma_start3A_231 = tpu.memref_slice %arg5[%dma_start3A_216, %dma_start3A_228, %dma_start3A_229, %dma_start3A_230] : memref<3x4x8x1024xf32, #tpu.memory_space<vmem>> -> memref<1x4x8x1024xf32, #tpu.memory_space<vmem>>
    %dma_start3A_232 = tpu.memref_squeeze %dma_start3A_231 : memref<1x4x8x1024xf32, #tpu.memory_space<vmem>> -> memref<4x8x1024xf32, #tpu.memory_space<vmem>>
    tpu.enqueue_dma source(%dma_start3A_232 : memref<4x8x1024xf32, #tpu.memory_space<vmem>>) target(%dma_start3A_227 : memref<4x8x1024xf32, #tpu.memory_space<hbm>>) target_semaphore(%arg8 : memref<!tpu.dma_semaphore, #tpu.memory_space<semaphore_mem>>)
    %dma_wait3A_233 = arith.constant 0 : i32
    %dma_wait3A_234 = arith.constant 0 : i32
    %dma_wait3A_235 = arith.constant 0 : i32
    %dma_wait3A_236 = arith.constant 0 : i32
    %dma_wait3A_237 = tpu.memref_slice %arg5[%dma_wait3A_233, %dma_wait3A_234, %dma_wait3A_235, %dma_wait3A_236] : memref<3x4x8x1024xf32, #tpu.memory_space<vmem>> -> memref<1x4x8x1024xf32, #tpu.memory_space<vmem>>
    %dma_wait3A_238 = tpu.memref_squeeze %dma_wait3A_237 : memref<1x4x8x1024xf32, #tpu.memory_space<vmem>> -> memref<4x8x1024xf32, #tpu.memory_space<vmem>>
    %dma_wait3A_239 = arith.constant 0 : i32
    %dma_wait3A_240 = arith.constant 0 : i32
    %dma_wait3A_241 = arith.constant 0 : i32
    %dma_wait3A_242 = tpu.memref_slice %arg4[%dma_wait3A_239, %dma_wait3A_240, %dma_wait3A_241] : memref<4x8192x1024xf32, #tpu.memory_space<hbm>> -> memref<4x8x1024xf32, #tpu.memory_space<hbm>>
    %dma_wait3A_243 = arith.constant 0 : i32
    %dma_wait3A_244 = arith.constant 0 : i32
    %dma_wait3A_245 = arith.constant 0 : i32
    %dma_wait3A_246 = tpu.memref_slice %arg4[%dma_wait3A_243, %dma_wait3A_244, %dma_wait3A_245] : memref<4x8192x1024xf32, #tpu.memory_space<hbm>> -> memref<4x8x1024xf32, #tpu.memory_space<hbm>>
    %dma_wait3A_247 = arith.constant 0 : i32
    %dma_wait3A_248 = arith.constant 0 : i32
    %dma_wait3A_249 = arith.constant 0 : i32
    %dma_wait3A_250 = tpu.memref_slice %arg5[%dma_wait3A_233, %dma_wait3A_247, %dma_wait3A_248, %dma_wait3A_249] : memref<3x4x8x1024xf32, #tpu.memory_space<vmem>> -> memref<1x4x8x1024xf32, #tpu.memory_space<vmem>>
    %dma_wait3A_251 = tpu.memref_squeeze %dma_wait3A_250 : memref<1x4x8x1024xf32, #tpu.memory_space<vmem>> -> memref<4x8x1024xf32, #tpu.memory_space<vmem>>
    tpu.wait_dma2 semaphore(%arg8 : memref<!tpu.dma_semaphore, #tpu.memory_space<semaphore_mem>>) src(%dma_wait3A_251 : memref<4x8x1024xf32, #tpu.memory_space<vmem>>) dst(%dma_wait3A_246 : memref<4x8x1024xf32, #tpu.memory_space<hbm>>)
    %dma_wait3A_252 = arith.constant 1 : i32
    %dma_wait3A_253 = arith.constant 0 : i32
    %dma_wait3A_254 = arith.constant 0 : i32
    %dma_wait3A_255 = arith.constant 0 : i32
    %dma_wait3A_256 = tpu.memref_slice %arg5[%dma_wait3A_252, %dma_wait3A_253, %dma_wait3A_254, %dma_wait3A_255] : memref<3x4x8x1024xf32, #tpu.memory_space<vmem>> -> memref<1x4x8x1024xf32, #tpu.memory_space<vmem>>
    %dma_wait3A_257 = tpu.memref_squeeze %dma_wait3A_256 : memref<1x4x8x1024xf32, #tpu.memory_space<vmem>> -> memref<4x8x1024xf32, #tpu.memory_space<vmem>>
    %dma_wait3A_258 = arith.constant 0 : i32
    %dma_wait3A_259 = arith.constant 0 : i32
    %dma_wait3A_260 = arith.constant 0 : i32
    %dma_wait3A_261 = tpu.memref_slice %arg4[%dma_wait3A_258, %dma_wait3A_259, %dma_wait3A_260] : memref<4x8192x1024xf32, #tpu.memory_space<hbm>> -> memref<4x8x1024xf32, #tpu.memory_space<hbm>>
    %dma_wait3A_262 = arith.constant 0 : i32
    %dma_wait3A_263 = arith.constant 0 : i32
    %dma_wait3A_264 = arith.constant 0 : i32
    %dma_wait3A_265 = tpu.memref_slice %arg4[%dma_wait3A_262, %dma_wait3A_263, %dma_wait3A_264] : memref<4x8192x1024xf32, #tpu.memory_space<hbm>> -> memref<4x8x1024xf32, #tpu.memory_space<hbm>>
    %dma_wait3A_266 = arith.constant 0 : i32
    %dma_wait3A_267 = arith.constant 0 : i32
    %dma_wait3A_268 = arith.constant 0 : i32
    %dma_wait3A_269 = tpu.memref_slice %arg5[%dma_wait3A_252, %dma_wait3A_266, %dma_wait3A_267, %dma_wait3A_268] : memref<3x4x8x1024xf32, #tpu.memory_space<vmem>> -> memref<1x4x8x1024xf32, #tpu.memory_space<vmem>>
    %dma_wait3A_270 = tpu.memref_squeeze %dma_wait3A_269 : memref<1x4x8x1024xf32, #tpu.memory_space<vmem>> -> memref<4x8x1024xf32, #tpu.memory_space<vmem>>
    tpu.wait_dma2 semaphore(%arg8 : memref<!tpu.dma_semaphore, #tpu.memory_space<semaphore_mem>>) src(%dma_wait3A_270 : memref<4x8x1024xf32, #tpu.memory_space<vmem>>) dst(%dma_wait3A_265 : memref<4x8x1024xf32, #tpu.memory_space<hbm>>)
    return
  }
}

</mosaic_0001>

<sc_bundles>
// kernel: kernel.3.cloned.1.call-start
scs
__scs_entry_jumppad:
0x0: {  	(pc) =	sbr.rel $0x88, $3  }
0x1: {  	(tag) =	ssettag $0x0;
	lr =	simm.s32 $0x1  }
0x2: {  	[smem:$0x3F9F] =	sst lr;
	_ =	strace $0xD0000000  }
0x3: {  	_ = 	snop  }
0x4: {  	_ = 	snop  }
0x5: {  	_ = 	snop  }
0x6: {  	_ = 	snop  }
0x7: {  	_ = 	snop  }
__scs_overlays_trampoline_lowered:
0x8: {  	[smem:$0x3FAE] =	sst s0  }
0x9: {  	[smem:$0x3FAF] =	sst s1  }
0xa: {  	[smem:$0x3FB0] =	sst s2  }
0xb: {  	[smem:$0x3FB1] =	sst s3  }
0xc: {  	[smem:$0x3FB2] =	sst s4  }
0xd: {  	[smem:$0x3FB3] =	sst s5  }
0xe: {  	[smem:$0x3FB4] =	sst s6  }
0xf: {  	[smem:$0x3FB5] =	sst s7  }
0x10: {  	[smem:$0x3FB6] =	sst s8  }
0x11: {  	[smem:$0x3FB7] =	sst s9;
	s0 =	simm.s32 @!p0 $0x0  }
0x12: {  	s1 =	sld [smem:$0x3F9D];
	s0 =	simm.s32 @p0 $0x1  }
0x13: {  	[smem:$0x3FB8] =	sst s0;
	s0 =	simm.s32 @!p1 $0x0  }
0x14: {  	s2 =	sld [smem:$0x3F9C];
	s0 =	simm.s32 @p1 $0x1  }
0x15: {  	[smem:$0x3FB9] =	sst s0;
	s0 =	simm.s32 @!p2 $0x0  }
0x16: {  	s3 =	sld [smem:$0x3FDB];
	s0 =	simm.s32 @p2 $0x1  }
0x17: {  	s4 =	simm.s32 $0x1BF5;
	[smem:$0x3FBB] =	sst s0  }
0x18: {  	s0 =	sld [smem:$0x3F9E];
	_ =	swait.ge [sflag:s4], $0x0  }
0x19: {  	s7 =	sld [smem:$0x3F9F]  }
0x1a: {  	s8 =	sadd.s32 $0xFFFFE003, lr  }
0x1b: {  	s9 =	sadd.s32 $0xFFFFFEF7, lr;
	s5 =	simm.s32 $0xFFFFFFFF;
	p2 =	slt.u32 s8, $0xFFFFF086  }
0x1c: {  	p1 =	slt.u32 s9, $0xF7A;
	s5 =	simm.s32 @!p2 $0x0  }
0x1d: {  	s5 =	simm.s32 @p1 $0x1;
	p0 =	seq.s32 s7, s2  }
0x1e: {  	s7 =	smul.u32 @!p0 $0xF7A, s2;
	p2 =	seq.s32 @!p0 s5, $0x0  }
0x1f: {  	s9 =	smul.u32 $0xF7A, s1;
	s8 =	simm.s32 @!p0 $0x1BF5;
	p2 =	por !p2, p0  }
0x20: {  	[sflag:s8] =	ssyncset.s32 @!p0 $0xFFFFF086;
	s6 =	sadd.s32 @!p0 s3, s7;
	s7 =	simm.s32 @!p0 $0x108  }
0x21: {  	s3 =	sadd.s32 s3, s9;
	s6 =	sadd.s32 @!p0 $0x88, s6;
	s7 =	simm.s32 @p2 $0x1082  }
0x22: {  	[simem:s7], [sflag:s8] =	dma.local @!p0 [hbm:s6], $0xF7A  }
0x23: {  	s9 =	sor.u32 $0xD0000000, s2;
	s6 =	simm.s32 $0x108;
	_ =	swait.ge @!p0 [sflag:s8], $0x0  }
0x24: {  	s3 =	sadd.s32 $0x88, s3;
	s6 =	simm.s32 @!p1 $0x1082;
	[sflag:s4] =	ssyncset.s32 $0xFFFFF086  }
0x25: {  	[simem:s6], [sflag:s4] =	dma.local [hbm:s3], $0xF7A  }
0x26: {  	[smem:$0x3F9F] =	sst s1;
	(tag) =	ssettag s2;
	_ =	strace s9  }
0x27: {  	s1 =	sld [smem:$0x3FAF]  }
0x28: {  	s2 =	sld [smem:$0x3FB0]  }
0x29: {  	s4 =	sld [smem:$0x3FB2]  }
0x2a: {  	p0 =	seq.s32 s5, $0x0;
	s5 =	sld [smem:$0x3FB3]  }
0x2b: {  	s6 =	sld [smem:$0x3FB4]  }
0x2c: {  	s7 =	sld [smem:$0x3FB5]  }
0x2d: {  	s3 =	simm.s32 $0x108;
	s8 =	sld [smem:$0x3FB6]  }
0x2e: {  	s3 =	simm.s32 @!p0 $0x1082;
	s9 =	sld [smem:$0x3FB7]  }
0x2f: {  	lr =	sadd.s32 s0, s3;
	s0 =	sld [smem:$0x3FAE]  }
0x30: {  	s3 =	sld [smem:$0x3FB1]  }
0x31: {  	[smem:$0x3FBA] =	sst s10  }
0x32: {  	s10 =	sld [smem:$0x3FB8];
	_ =	sdelay $0x3  }
0x33: {  	p0 =	seq.s32 s10, $0x1;
	s10 =	sld [smem:$0x3FBA];
	_ =	sdelay $0x3  }
0x34: {  	[smem:$0x3FBA] =	sst s10  }
0x35: {  	s10 =	sld [smem:$0x3FB9];
	_ =	sdelay $0x3  }
0x36: {  	p1 =	seq.s32 s10, $0x1;
	s10 =	sld [smem:$0x3FBA];
	_ =	sdelay $0x3  }
0x37: {  	[smem:$0x3FBA] =	sst s10  }
0x38: {  	s10 =	sld [smem:$0x3FBB]  }
0x39: {  	_ = 	snop;
	(pc) =	sbr.ind lr, $3  }
0x3a: {  	_ = 	snop  }
0x3b: {  	_ = 	snop  }
0x3c: {  	p2 =	seq.s32 s10, $0x1;
	s10 =	sld [smem:$0x3FBA]  }
0x3d: {  	_ =	shalt  }
0x3e: {  	_ =	shalt  }
0x3f: {  	_ =	shalt  }
0x40: {  	_ =	shalt  }
0x41: {  	_ =	shalt  }
0x42: {  	_ =	shalt  }
0x43: {  	_ =	shalt  }
0x44: {  	_ =	shalt  }
0x45: {  	_ =	shalt  }
0x46: {  	_ =	shalt  }
0x47: {  	_ =	shalt  }
0x48: {  	_ =	shalt  }
0x49: {  	_ =	shalt  }
0x4a: {  	_ =	shalt  }
0x4b: {  	_ =	shalt  }
0x4c: {  	_ =	shalt  }
0x4d: {  	_ =	shalt  }
0x4e: {  	_ =	shalt  }
0x4f: {  	_ =	shalt  }
0x50: {  	_ =	shalt  }
0x51: {  	_ =	shalt  }
0x52: {  	_ =	shalt  }
0x53: {  	_ =	shalt  }
0x54: {  	_ =	shalt  }
0x55: {  	_ =	shalt  }
0x56: {  	_ =	shalt  }
0x57: {  	_ =	shalt  }
0x58: {  	_ =	shalt  }
0x59: {  	_ =	shalt  }
0x5a: {  	_ =	shalt  }
0x5b: {  	_ =	shalt  }
0x5c: {  	_ =	shalt  }
0x5d: {  	_ =	shalt  }
0x5e: {  	_ =	shalt  }
0x5f: {  	_ =	shalt  }
0x60: {  	_ =	shalt  }
0x61: {  	_ =	shalt  }
0x62: {  	_ =	shalt  }
0x63: {  	_ =	shalt  }
0x64: {  	_ =	shalt  }
0x65: {  	_ =	shalt  }
0x66: {  	_ =	shalt  }
0x67: {  	_ =	shalt  }
0x68: {  	_ =	shalt  }
0x69: {  	_ =	shalt  }
0x6a: {  	_ =	shalt  }
0x6b: {  	_ =	shalt  }
0x6c: {  	_ =	shalt  }
0x6d: {  	_ =	shalt  }
0x6e: {  	_ =	shalt  }
0x6f: {  	_ =	shalt  }
0x70: {  	_ =	shalt  }
0x71: {  	_ =	shalt  }
0x72: {  	_ =	shalt  }
0x73: {  	_ =	shalt  }
0x74: {  	_ =	shalt  }
0x75: {  	_ =	shalt  }
0x76: {  	_ =	shalt  }
0x77: {  	_ =	shalt  }
0x78: {  	_ =	shalt  }
0x79: {  	_ =	shalt  }
0x7a: {  	_ =	shalt  }
0x7b: {  	_ =	shalt  }
0x7c: {  	_ =	shalt  }
0x7d: {  	_ =	shalt  }
0x7e: {  	_ =	shalt  }
0x7f: {  	_ =	shalt  }
0x80: {  	_ =	shalt  }
0x81: {  	_ =	shalt  }
0x82: {  	_ =	shalt  }
0x83: {  	_ =	shalt  }
0x84: {  	_ =	shalt  }
0x85: {  	_ =	shalt  }
0x86: {  	_ =	shalt  }
0x87: {  	_ =	shalt  }
.Lfunc_end0:
.L_simem_size_0:
called_computation_lowered:
.L_overlay_start_0:
0x88: {  	s2 =	sld [smem:$0x3FD9]  }
0x89: {  	s3 =	sld [smem:$0x3FFE];
	_ =	sdelay $0x1  }
0x8a: {  	s1 =	srdreg.scid  }
0x8b: {  	s0 =	sand.u32 $0x1, s1  }
0x8c: {  	s18 =	sshll.u32 s0, $0xA;
	s2 =	sadd.s32 s3, s2  }
0x8d: {  	s2 =	sadd.s32 s2, s18  }
0x8e: {  	[smem:$0x3FC6] =	sst s2  }
0x8f: {  	_ = 	snop  }
0x90: {  	s2 =	sld [smem:$0x3FC9]  }
0x91: {  	s19 =	sld [smem:$0x3FC8]  }
0x92: {  	s4 =	sld [smem:$0x3FD0];
	(tm) =	ssettm $0x1  }
0x93: {  	s5 =	sld [smem:$0x3FFB];
	_ =	sdelay $0x3  }
0x94: {  	_ =	strace s5  }
0x95: {  	s5 =	sld [smem:$0x3FFC];
	_ =	sdelay $0x3  }
0x96: {  	_ =	strace s5  }
0x97: {  	s5 =	sld [smem:$0x3FFD];
	_ =	sdelay $0x3  }
0x98: {  	_ =	strace s5  }
0x99: {  	_ =	strace $0x8FFFFFFF  }
0x9a: {  	s20 =	sld [smem:$0x3FDB];
	_ =	sdelay $0x1  }
0x9b: {  	s6 =	simm.s32 $_scs_section_size  }
0x9c: {  	s7 =	simm.s32 $_size__tile_overlayer_lowered;
	s8 =	simm.s32 $_tile_overlayer_lowered  }
0x9d: {  	s23 =	simm.s32 $0x1BFF;
	s22 =	sshll.u32 s8, $0x1;
	s5 =	sadd.s32 s6, s20  }
0x9e: {  	s9 =	simm.s32 $0x0;
	s21 =	sshll.u32 s7, $0x1;
	s7 =	sadd.s32 s22, s5  }
0x9f: {  	[timem:s9], [sflag:s23] =	dma.local [hbm:s7], s21  }
0xa0: {  	_ =	swait.ge [sflag:s23], s21  }
0xa1: {  	s6 =	ssub.s32 $0x0, s21;
	[sflag:s23] =	ssyncset.done $0x0  }
0xa2: {  	[sflag:s23] =	ssyncadd.s32 s6;
	_ =	sdelay $0x1  }
0xa3: {  	s24 =	simm.s32 $0x1B8B  }
0xa4: {  	_ =	swait.ge [sflag:s24], $0x1  }
0xa5: {  	[sflag:s24] =	ssyncset.done $0x0  }
0xa6: {  	s25 =	simm.s32 $0x1B8E;
	[sflag:s24] =	ssyncadd.s32 $0xFFFFFFFF  }
0xa7: {  	s26 =	simm.s32 $execute0_lowered;
	[smem:$0x3FD2] =	sst s25  }
0xa8: {  	s6 =	sshll.u32 s26, $0x1;
	_ =	strace $0x80000046;
	[dreg:$0x1] =	wrdreg $0xFFFFFFFF  }
0xa9: {  	s28 =	simm.s32 $_size_execute0_lowered;
	s5 =	sadd.s32 s5, s6;
	[dreg:$0x0] =	wrdreg $0x0  }
0xaa: {  	s6 =	sshll.u32 s28, $0x1;
	[dreg:$0x2] =	wrdreg s5  }
0xab: {  	[dreg:$0x3] =	wrdreg s6  }
0xac: {  	[dreg:$0x4] =	wrdreg $0xC0  }
0xad: {  	_ =	task [dreg:s9], $0x5FFFF  }
0xae: {  	[dreg:$0x1] =	wrdreg $0xFFFFFFFF  }
0xaf: {  	[dreg:$0x0] =	wrdreg $0x60  }
0xb0: {  	[dreg:$0x2] =	wrdreg s2  }
0xb1: {  	[dreg:$0x3] =	wrdreg s19  }
0xb2: {  	[dreg:$0x4] =	wrdreg s4  }
0xb3: {  	[dreg:$0x5] =	wrdreg $0x9  }
0xb4: {  	_ =	task.clear_ibuf [dreg:s9], $0x6FFFF;
	_ =	strace $0x90000046  }
0xb5: {  	s29 =	simm.s32 $0x9;
	_ =	strace $0x80000048  }
0xb6: {  	_ =	swait.ge [sflag:s29], $0x1  }
0xb7: {  	[sflag:s29] =	ssyncadd.s32 $0xFFFFFFFF  }
0xb8: {  	_ =	strace $0x90000048  }
0xb9: {  	_ =	sfence  }
0xba: {  	s30 =	sld [smem:$0x0];
	_ =	sdelay $0x2  }
0xbb: {  	s31 =	sshll.u32 s1, $0xD;
	s1 =	sshrl.u32 s1, $0x2  }
0xbc: {  	s3 =	sand.u32 $0x4000, s31;
	s1 =	sadd.s32 s1, s30  }
0xbd: {  	s0 =	sor.u32 s3, s0;
	s1 =	sshll.u32 s1, $0x11  }
0xbe: {  	s0 =	sor.u32 s1, s0  }
0xbf: {  	s0 =	sadd.s32 $0x8F2B, s0  }
0xc0: {  	[sflag:s0] =	ssyncadd.remote.s32 $0x1  }
0xc1: {  	_ =	sfence.sel $0xFFFF  }
0xc2: {  	[dreg:$0x0] =	wrdreg $0xFFFFFFFF;
	(pc) =	sbr.abs _section_cstart, $3  }
0xc3: {  	[dreg:$0x1] =	wrdreg $0xFFFFFFFF  }
0xc4: {  	_ =	task.clear_ibuf [dreg:s9], $0x2FFFF;
	_ =	strace $0x9FFFFFFF  }
0xc5: {  	(tm) =	ssettm $0x7FFFFFFF  }
tec
execute0_lowered:
.L_overlay_start_1:
0x0: {  	(tag) =	ssettag $0x1  }
0x1: {  	s1 =	rddreg [dreg:$0x0]  }
0x2: {  	s3 =	rddreg [dreg:$0x1]  }
0x3: {  	s4 =	rddreg [dreg:$0x2]  }
0x4: {  	s0 =	srdreg.scid;
	s2 =	stileid.u32  }
0x5: {  	s5 =	simm.s32 $0x0;
	s17 =	simm.s32 $0x2000;
	s18 =	simm.s32 $0x800000  }
0x6: {  	s19 =	simm.s32 $0x18000;
	s20 =	simm.s32 $0x1;
	s21 =	simm.s32 $0x3  }
0x7: {  	s22 =	simm.s32 $0x8000;
	s23 =	simm.s32 $0x1A000;
	s24 =	simm.s32 $0x10000  }
0x8: {  	s28 =	simm.s32 $0x0;
	s0 =	sand.u32 $0x1, s0;
	s2 =	sshll.u32 s2, $0x9  }
0x9: {  	[smem:$0x7FF] =	sst s5;
	s6 =	sshll.u32 s0, $0x8;
	s0 =	ssub.s32 $0x2, s0  }
0xa: {  	_ =	strace $0x80000047;
	s6 =	sor.u32 s6, s2;
	s25 =	sshrl.u32 s0, $0x1  }
0xb: {  	s7 =	sshll.u32 s6, $0x7;
	s0 =	ssub.s32 s0, s25;
	s9 =	sor.u32 $0x8, s6  }
0xc: {  	s10 =	sor.u32 $0x10, s6;
	s11 =	sor.u32 $0x18, s6;
	s26 =	sadd.s32 s1, s7  }
0xd: {  	s29 =	sadd.s32 s3, s7;
	s30 =	sor.u32 $0x7C00, s7;
	[dreg:$0x4] =	wrdreg s26  }
0xe: {  	s25 =	simm.s32 $0x1C000;
	[dreg:$0x5] =	wrdreg s29;
	s8 =	sadd.s32 s1, s30  }
0xf: {  	s7 =	sadd.s32 s7, s4;
	s31 =	sadd.s32 s3, s30;
	[dreg:$0x6] =	wrdreg s8  }
0x10: {  	s16 =	smax.u32 s0, $0x1;
	s7 =	sadd.s32 $0x7800, s7;
	[dreg:$0x7] =	wrdreg s31  }
0x11: {  	s15 =	sadd.s32 s4, s30;
	s26 =	simm.s32 $0x2;
	[dreg:$0x8] =	wrdreg s7  }
.LBB2_1:
0x12: {  	s0 =	rddreg [dreg:$0x4]  }
0x13: {  	[tilespmem:s5], [sflag:$0x1] =	stream.strided.gather [hbm4b:s0+s17], $0x8000, s18, s17, $0x38;
	[tilespmem:$0x1E000] =	vst v63  }
0x14: {  	s31 =	rddreg [dreg:$0x5];
	s29 =	simm.s32 $0x0  }
0x15: {  	[tilespmem:s19], [sflag:$0x3] =	stream.linear.gather [hbm4b:s31+s5], $0x2000, $0x38;
	[tilespmem:$0x1E000] =	vst v63  }
.LBB2_2:
0x16: {  	_ =	swait.ge [sflag:s20], $0x8000  }
0x17: {  	[sflag:s20] =	ssyncset.done $0x0  }
0x18: {  	[sflag:s20] =	ssyncadd.s32 $0xFFFF8000  }
0x19: {  	_ =	swait.ge [sflag:s21], $0x2000  }
0x1a: {  	p0 =	seq.s32 s29, $0x0;
	s30 =	smul.u32 $0x18, s29;
	[sflag:s21] =	ssyncset.done $0x0  }
0x1b: {  	s0 =	simm.s32 @!p0 $0x2;
	[sflag:s21] =	ssyncadd.s32 $0xFFFFE000  }
0x1c: {  	s13 =	simm.s32 $0x0;
	s2 =	sadd.s32 s30, s9;
	_ =	swait.ge @!p0 [sflag:s0], $0x8000  }
0x1d: {  	s7 =	sand.u32 $0x1C00, s13;
	s31 =	sshll.u32 s2, $0x7;
	[sflag:s0] =	ssyncset.done @!p0 $0x0  }
0x1e: {  	s14 =	sand.u32 $0x380, s13;
	s8 =	sadd.s32 s1, s31;
	[sflag:s0] =	ssyncadd.s32 @!p0 $0xFFFF8000  }
0x1f: {  	[tilespmem:s22], [sflag:$0x1] =	stream.strided.gather [hbm4b:s8+s17], $0x8000, s18, s17, $0x38;
	[tilespmem:$0x1E000] =	vst v63  }
0x20: {  	s12 =	sadd.s32 s3, s31;
	s0 =	sor.u32 s14, s7  }
0x21: {  	[tilespmem:s23], [sflag:$0x3] =	stream.linear.gather [hbm4b:s12+s13], $0x2000, $0x38;
	[tilespmem:$0x1E000] =	vst v63  }
0x22: {  	v0 =	vld [tilespmem:s0+$0x30]  }
0x23: {  	v1 =	vld [tilespmem:s0+$0x18030]  }
0x24: {  	v2 =	vld [tilespmem:s0+$0x6060]  }
0x25: {  	v3 =	vld [tilespmem:s0+$0x2030]  }
0x26: {  	v4 =	vld [tilespmem:s0+$0x6030]  }
0x27: {  	v5 =	vld [tilespmem:s0+$0x60]  }
0x28: {  	v6 =	vld [tilespmem:s0+$0x18060]  }
0x29: {  	v7 =	vld [tilespmem:s0+$0x50]  }
0x2a: {  	v8 =	vld [tilespmem:s0+$0x2050]  }
0x2b: {  	v9 =	vld [tilespmem:s0+$0x4030]  }
0x2c: {  	v10 =	vld [tilespmem:s0+$0x6050];
	v0 =	vadd.f32 v0, v1  }
0x2d: {  	v11 =	vld [tilespmem:s0+$0x4050]  }
0x2e: {  	[tilespmem:s0+$0x30] =	vst v0;
	v0 =	vld [tilespmem:s0+$0x18050]  }
0x2f: {  	v12 =	vld [tilespmem:s0+$0x2040];
	v4 =	vadd.f32 v4, v1  }
0x30: {  	v13 =	vld [tilespmem:s0+$0x18040];
	v3 =	vadd.f32 v3, v1;
	v1 =	vadd.f32 v9, v1  }
0x31: {  	v14 =	vld [tilespmem:s0+$0x6040];
	[tilespmem:s0+$0x6030] =	vst v4  }
0x32: {  	v4 =	vld [tilespmem:s0+$0x2060];
	[tilespmem:s0+$0x4030] =	vst v1;
	v1 =	vadd.f32 v2, v6  }
0x33: {  	[tilespmem:s0+$0x2030] =	vst v3;
	v3 =	vld [tilespmem:s0+$0x4040];
	v8 =	vadd.f32 v8, v0  }
0x34: {  	v9 =	vld [tilespmem:s0+$0x4000];
	[tilespmem:s0+$0x6060] =	vst v1;
	v7 =	vadd.f32 v7, v0  }
0x35: {  	v2 =	vld [tilespmem:s0+$0x18000];
	v10 =	vadd.f32 v10, v0;
	v0 =	vadd.f32 v11, v0;
	[tilespmem:s0+$0x2050] =	vst v8  }
0x36: {  	[tilespmem:s0+$0x50] =	vst v7;
	v7 =	vld [tilespmem:s0+$0x4060]  }
0x37: {  	v1 =	vld [tilespmem:s0+$0x6010];
	[tilespmem:s0+$0x4050] =	vst v0;
	v0 =	vadd.f32 v4, v6  }
0x38: {  	v3 =	vadd.f32 v3, v13;
	v8 =	vld [tilespmem:s0+$0x40];
	[tilespmem:s0+$0x6050] =	vst v10  }
0x39: {  	v4 =	vadd.f32 v5, v6;
	[tilespmem:s0+$0x2060] =	vst v0;
	v0 =	vld [tilespmem:s0+$0x2000]  }
0x3a: {  	v11 =	vld [tilespmem:s0+$0x0];
	v10 =	vadd.f32 v12, v13;
	[tilespmem:s0+$0x4040] =	vst v3  }
0x3b: {  	[tilespmem:s0+$0x60] =	vst v4;
	v4 =	vadd.f32 v7, v6;
	v6 =	vld [tilespmem:s0+$0x6000]  }
0x3c: {  	[tilespmem:s0+$0x2040] =	vst v10;
	v10 =	vld [tilespmem:s0+$0x18010];
	v7 =	vadd.f32 v14, v13  }
0x3d: {  	v8 =	vadd.f32 v8, v13;
	[tilespmem:s0+$0x4060] =	vst v4;
	v4 =	vld [tilespmem:s0+$0x10]  }
0x3e: {  	v5 =	vld [tilespmem:s0+$0x2010];
	v0 =	vadd.f32 v0, v2;
	[tilespmem:s0+$0x6040] =	vst v7  }
0x3f: {  	v9 =	vadd.f32 v9, v2;
	v7 =	vld [tilespmem:s0+$0x4010];
	[tilespmem:s0+$0x40] =	vst v8  }
0x40: {  	v8 =	vld [tilespmem:s0+$0x4020];
	[tilespmem:s0+$0x2000] =	vst v0;
	v0 =	vadd.f32 v6, v2  }
0x41: {  	[tilespmem:s0+$0x4000] =	vst v9;
	v1 =	vadd.f32 v1, v10;
	v6 =	vld [tilespmem:s0+$0x18020]  }
0x42: {  	[tilespmem:s0+$0x6000] =	vst v0;
	v0 =	vadd.f32 v4, v10;
	v4 =	vld [tilespmem:s0+$0x2020]  }
0x43: {  	v3 =	vld [tilespmem:s0+$0x20];
	[tilespmem:s0+$0x6010] =	vst v1;
	v2 =	vadd.f32 v11, v2  }
0x44: {  	v5 =	vadd.f32 v5, v10;
	[tilespmem:s0+$0x10] =	vst v0;
	v0 =	vld [tilespmem:s0+$0x6020]  }
0x45: {  	[tilespmem:s0+$0x0] =	vst v2;
	v2 =	vadd.f32 v7, v10  }
0x46: {  	[tilespmem:s0+$0x2010] =	vst v5;
	v1 =	vadd.f32 v8, v6  }
0x47: {  	[tilespmem:s0+$0x4010] =	vst v2;
	v4 =	vadd.f32 v4, v6  }
0x48: {  	[tilespmem:s0+$0x4020] =	vst v1;
	v1 =	vadd.f32 v3, v6  }
0x49: {  	v0 =	vadd.f32 v0, v6;
	[tilespmem:s0+$0x2020] =	vst v4  }
0x4a: {  	s2 =	sor.u32 s7, s13;
	[tilespmem:s0+$0x20] =	vst v1  }
0x4b: {  	s2 =	sor.u32 $0x70, s2;
	[tilespmem:s0+$0x6020] =	vst v0  }
0x4c: {  	v3 =	vld [tilespmem:s2+$0x18000]  }
0x4d: {  	v0 =	vld [tilespmem:s2+$0x0];
	_ =	sdelay $0x4  }
0x4e: {  	s7 =	simm.s32 $0x400;
	s13 =	simm.s32 $0x10;
	v0 =	vadd.f32 v0, v3  }
0x4f: {  	s14 =	sand.u32 $0x1C00, s7;
	s8 =	sand.u32 $0x380, s13  }
0x50: {  	s8 =	sor.u32 s8, s14;
	[tilespmem:s2+$0x0] =	vst v0  }
0x51: {  	v0 =	vld [tilespmem:s8+$0x6060]  }
0x52: {  	v2 =	vld [tilespmem:s8+$0x2030]  }
0x53: {  	v4 =	vld [tilespmem:s0+$0x4070]  }
0x54: {  	v6 =	vld [tilespmem:s0+$0x2070]  }
0x55: {  	v5 =	vld [tilespmem:s8+$0x6030]  }
0x56: {  	v8 =	vld [tilespmem:s0+$0x6070]  }
0x57: {  	v1 =	vld [tilespmem:s8+$0x60]  }
0x58: {  	v7 =	vld [tilespmem:s8+$0x30];
	v10 =	vadd.f32 v4, v3  }
0x59: {  	v4 =	vld [tilespmem:s8+$0x18030]  }
0x5a: {  	s12 =	simm.s32 $0x20;
	s2 =	sor.u32 s14, s13;
	v9 =	vadd.f32 v6, v3;
	v6 =	vld [tilespmem:s8+$0x4030];
	[tilespmem:s0+$0x4070] =	vst v10  }
.LBB2_3:
0x5b: {  	p1 =	sne.s32 s12, $0x3F0  }
0x5c: {  	v10 =	vld [tilespmem:s8+$0x18060];
	s7 =	sadd.s32 $0x400, s7;
	[tilespmem:s0+$0x2070] =	vst v9;
	v3 =	vadd.f32 v8, v3;
	s13 =	smov.u32 s12;
	s12 =	sadd.s32 $0x10, s12  }
0x5d: {  	v8 =	vld [tilespmem:s8+$0x6050]  }
0x5e: {  	v9 =	vld [tilespmem:s8+$0x4050];
	[tilespmem:s0+$0x6070] =	vst v3;
	s0 =	smov.u32 s8  }
0x5f: {  	v3 =	vadd.f32 v7, v4;
	v2 =	vadd.f32 v2, v4;
	v7 =	vld [tilespmem:s0+$0x2050]  }
0x60: {  	v6 =	vadd.f32 v6, v4;
	v4 =	vadd.f32 v5, v4;
	v5 =	vld [tilespmem:s0+$0x50]  }
0x61: {  	[tilespmem:s0+$0x30] =	vst v3;
	v3 =	vld [tilespmem:s0+$0x18050]  }
0x62: {  	[tilespmem:s0+$0x6030] =	vst v4;
	v4 =	vld [tilespmem:s0+$0x6040]  }
0x63: {  	v11 =	vld [tilespmem:s0+$0x4040]  }
0x64: {  	v12 =	vld [tilespmem:s0+$0x2040]  }
0x65: {  	v13 =	vld [tilespmem:s0+$0x2060]  }
0x66: {  	v5 =	vadd.f32 v5, v3;
	v7 =	vadd.f32 v7, v3;
	v14 =	vld [tilespmem:s0+$0x4060]  }
0x67: {  	v9 =	vadd.f32 v9, v3;
	v3 =	vadd.f32 v8, v3;
	v15 =	vld [tilespmem:s0+$0x40]  }
0x68: {  	v8 =	vld [tilespmem:s0+$0x18040];
	[tilespmem:s0+$0x2050] =	vst v7  }
0x69: {  	[tilespmem:s0+$0x2030] =	vst v2  }
0x6a: {  	v1 =	vadd.f32 v1, v10;
	v2 =	vld [tilespmem:s0+$0x6010];
	[tilespmem:s0+$0x50] =	vst v5;
	v5 =	vadd.f32 v13, v10  }
0x6b: {  	v0 =	vadd.f32 v0, v10;
	v7 =	vld [tilespmem:s0+$0x2010];
	[tilespmem:s0+$0x6050] =	vst v3;
	v3 =	vadd.f32 v14, v10  }
0x6c: {  	v10 =	vld [tilespmem:s0+$0x4000];
	[tilespmem:s0+$0x4050] =	vst v9  }
0x6d: {  	v9 =	vld [tilespmem:s0+$0x2000];
	[tilespmem:s0+$0x4030] =	vst v6;
	v6 =	vadd.f32 v12, v8;
	v4 =	vadd.f32 v4, v8  }
0x6e: {  	v13 =	vadd.f32 v15, v8;
	v8 =	vadd.f32 v11, v8;
	v12 =	vld [tilespmem:s0+$0x18000];
	[tilespmem:s0+$0x2060] =	vst v5  }
0x6f: {  	v5 =	vld [tilespmem:s0+$0x6000];
	[tilespmem:s0+$0x6060] =	vst v0  }
0x70: {  	v0 =	vld [tilespmem:s0+$0x0];
	[tilespmem:s0+$0x60] =	vst v1  }
0x71: {  	v1 =	vld [tilespmem:s0+$0x10];
	[tilespmem:s0+$0x2040] =	vst v6  }
0x72: {  	v6 =	vld [tilespmem:s0+$0x18010];
	[tilespmem:s0+$0x4060] =	vst v3  }
0x73: {  	v3 =	vadd.f32 v9, v12;
	v9 =	vadd.f32 v10, v12;
	v10 =	vld [tilespmem:s0+$0x4010];
	[tilespmem:s0+$0x6040] =	vst v4  }
0x74: {  	v4 =	vld [tilespmem:s0+$0x4020];
	[tilespmem:s0+$0x40] =	vst v13  }
0x75: {  	v0 =	vadd.f32 v0, v12;
	[tilespmem:s0+$0x2000] =	vst v3;
	v3 =	vadd.f32 v5, v12;
	v5 =	vld [tilespmem:s0+$0x20]  }
0x76: {  	v11 =	vld [tilespmem:s0+$0x18020];
	[tilespmem:s0+$0x4040] =	vst v8  }
0x77: {  	[tilespmem:s0+$0x6000] =	vst v3;
	v1 =	vadd.f32 v1, v6;
	v3 =	vadd.f32 v7, v6  }
0x78: {  	v2 =	vadd.f32 v2, v6;
	[tilespmem:s0+$0x4000] =	vst v9;
	v7 =	vadd.f32 v10, v6;
	v6 =	vld [tilespmem:s0+$0x2020]  }
0x79: {  	[tilespmem:s0+$0x10] =	vst v1;
	v1 =	vld [tilespmem:s0+$0x6020]  }
0x7a: {  	[tilespmem:s0+$0x0] =	vst v0  }
0x7b: {  	[tilespmem:s0+$0x6010] =	vst v2;
	v0 =	vadd.f32 v5, v11;
	v2 =	vadd.f32 v4, v11  }
0x7c: {  	s14 =	sand.u32 $0x1C00, s7;
	s8 =	sand.u32 $0x380, s13;
	[tilespmem:s0+$0x2010] =	vst v3  }
0x7d: {  	s13 =	sor.u32 s14, s13;
	s8 =	sor.u32 s8, s14;
	v3 =	vadd.f32 v6, v11;
	[tilespmem:s0+$0x4020] =	vst v2  }
0x7e: {  	[tilespmem:s0+$0x4010] =	vst v7;
	v1 =	vadd.f32 v1, v11  }
0x7f: {  	[tilespmem:s0+$0x2020] =	vst v3  }
0x80: {  	[tilespmem:s0+$0x6020] =	vst v1  }
0x81: {  	s14 =	sor.u32 $0x70, s2;
	s2 =	smov.u32 s13;
	[tilespmem:s0+$0x20] =	vst v0  }
0x82: {  	v3 =	vld [tilespmem:s14+$0x18000]  }
0x83: {  	v0 =	vld [tilespmem:s14+$0x0];
	_ =	sdelay $0x4  }
0x84: {  	v0 =	vadd.f32 v0, v3;
	_ =	sdelay $0x1  }
0x85: {  	[tilespmem:s14+$0x0] =	vst v0  }
0x86: {  	v0 =	vld [tilespmem:s8+$0x6060]  }
0x87: {  	v2 =	vld [tilespmem:s8+$0x2030]  }
0x88: {  	v4 =	vld [tilespmem:s0+$0x4070]  }
0x89: {  	v6 =	vld [tilespmem:s0+$0x2070]  }
0x8a: {  	v5 =	vld [tilespmem:s8+$0x6030]  }
.Ltmp0:
0x8b: {  	v8 =	vld [tilespmem:s0+$0x6070];
	(pc) =	sbr.rel @p1 .LBB2_3-.Ltmp0, $4  }
0x8c: {  	v1 =	vld [tilespmem:s8+$0x60]  }
0x8d: {  	v7 =	vld [tilespmem:s8+$0x30];
	v10 =	vadd.f32 v4, v3  }
0x8e: {  	v4 =	vld [tilespmem:s8+$0x18030];
	v9 =	vadd.f32 v6, v3  }
0x8f: {  	v6 =	vld [tilespmem:s8+$0x4030];
	[tilespmem:s0+$0x4070] =	vst v10  }
0x90: {  	v10 =	vld [tilespmem:s8+$0x18060]  }
0x91: {  	v3 =	vadd.f32 v8, v3;
	v8 =	vld [tilespmem:s8+$0x6050]  }
0x92: {  	[tilespmem:s0+$0x2070] =	vst v9;
	v11 =	vld [tilespmem:s8+$0x4050]  }
0x93: {  	v9 =	vld [tilespmem:s8+$0x2050];
	v7 =	vadd.f32 v7, v4  }
0x94: {  	[tilespmem:s0+$0x6070] =	vst v3;
	v3 =	vld [tilespmem:s8+$0x50]  }
0x95: {  	[tilespmem:s8+$0x30] =	vst v7;
	v7 =	vld [tilespmem:s8+$0x18050]  }
0x96: {  	v12 =	vld [tilespmem:s8+$0x2040];
	v5 =	vadd.f32 v5, v4  }
0x97: {  	v2 =	vadd.f32 v2, v4;
	v13 =	vld [tilespmem:s8+$0x18040]  }
0x98: {  	[tilespmem:s8+$0x6030] =	vst v5;
	v5 =	vld [tilespmem:s8+$0x2060];
	v0 =	vadd.f32 v0, v10  }
0x99: {  	v14 =	vld [tilespmem:s8+$0x6040];
	[tilespmem:s8+$0x2030] =	vst v2;
	v1 =	vadd.f32 v1, v10  }
0x9a: {  	v2 =	vld [tilespmem:s8+$0x4040];
	[tilespmem:s8+$0x6060] =	vst v0;
	v3 =	vadd.f32 v3, v7  }
0x9b: {  	v0 =	vld [tilespmem:s8+$0x6010];
	[tilespmem:s8+$0x60] =	vst v1;
	v9 =	vadd.f32 v9, v7  }
0x9c: {  	v8 =	vadd.f32 v8, v7;
	[tilespmem:s8+$0x50] =	vst v3;
	v3 =	vadd.f32 v6, v4;
	v4 =	vld [tilespmem:s8+$0x4060]  }
0x9d: {  	v5 =	vadd.f32 v5, v10;
	[tilespmem:s8+$0x2050] =	vst v9;
	v9 =	vld [tilespmem:s8+$0x40]  }
0x9e: {  	[tilespmem:s8+$0x6050] =	vst v8;
	v6 =	vld [tilespmem:s8+$0x4000]  }
0x9f: {  	v7 =	vadd.f32 v11, v7;
	[tilespmem:s8+$0x2060] =	vst v5;
	v5 =	vld [tilespmem:s8+$0x2000]  }
0xa0: {  	v8 =	vadd.f32 v12, v13;
	[tilespmem:s8+$0x4030] =	vst v3;
	v3 =	vld [tilespmem:s8+$0x18000]  }
0xa1: {  	[tilespmem:s8+$0x4050] =	vst v7;
	v1 =	vadd.f32 v4, v10;
	v4 =	vld [tilespmem:s8+$0x6000]  }
0xa2: {  	v2 =	vadd.f32 v2, v13;
	[tilespmem:s8+$0x2040] =	vst v8;
	v10 =	vld [tilespmem:s8+$0x18010]  }
0xa3: {  	v8 =	vadd.f32 v14, v13;
	[tilespmem:s8+$0x4060] =	vst v1;
	v1 =	vld [tilespmem:s8+$0x10]  }
0xa4: {  	v11 =	vld [tilespmem:s8+$0x0];
	[tilespmem:s8+$0x4040] =	vst v2;
	v9 =	vadd.f32 v9, v13  }
0xa5: {  	v7 =	vld [tilespmem:s8+$0x2010];
	[tilespmem:s8+$0x6040] =	vst v8;
	v5 =	vadd.f32 v5, v3  }
0xa6: {  	v8 =	vld [tilespmem:s8+$0x4010];
	[tilespmem:s8+$0x40] =	vst v9;
	v6 =	vadd.f32 v6, v3  }
0xa7: {  	v9 =	vld [tilespmem:s8+$0x4020];
	[tilespmem:s8+$0x2000] =	vst v5;
	v4 =	vadd.f32 v4, v3  }
0xa8: {  	v5 =	vld [tilespmem:s8+$0x18020];
	[tilespmem:s8+$0x4000] =	vst v6;
	v1 =	vadd.f32 v1, v10  }
0xa9: {  	v3 =	vadd.f32 v11, v3;
	[tilespmem:s8+$0x6000] =	vst v4;
	v4 =	vld [tilespmem:s8+$0x2020]  }
0xaa: {  	v0 =	vadd.f32 v0, v10;
	[tilespmem:s8+$0x10] =	vst v1;
	v1 =	vld [tilespmem:s8+$0x6020]  }
0xab: {  	v2 =	vld [tilespmem:s8+$0x20];
	v6 =	vadd.f32 v7, v10;
	[tilespmem:s8+$0x0] =	vst v3  }
0xac: {  	[tilespmem:s8+$0x6010] =	vst v0;
	v3 =	vadd.f32 v8, v10  }
0xad: {  	[tilespmem:s8+$0x2010] =	vst v6;
	v0 =	vadd.f32 v9, v5  }
0xae: {  	[tilespmem:s8+$0x4010] =	vst v3;
	v4 =	vadd.f32 v4, v5  }
0xaf: {  	[tilespmem:s8+$0x4020] =	vst v0;
	v0 =	vadd.f32 v1, v5  }
0xb0: {  	v1 =	vadd.f32 v2, v5;
	[tilespmem:s8+$0x2020] =	vst v4  }
0xb1: {  	[tilespmem:s8+$0x6020] =	vst v0  }
0xb2: {  	s2 =	sor.u32 $0x70, s2;
	[tilespmem:s8+$0x20] =	vst v1  }
0xb3: {  	v0 =	vld [tilespmem:s2+$0x18000]  }
0xb4: {  	v1 =	vld [tilespmem:s2+$0x0];
	_ =	sdelay $0x4  }
0xb5: {  	v1 =	vadd.f32 v1, v0;
	_ =	sdelay $0x1  }
0xb6: {  	[tilespmem:s2+$0x0] =	vst v1  }
0xb7: {  	v1 =	vld [tilespmem:s8+$0x4070]  }
0xb8: {  	v2 =	vld [tilespmem:s8+$0x2070]  }
0xb9: {  	v3 =	vld [tilespmem:s8+$0x6070];
	_ =	sdelay $0x2  }
0xba: {  	v1 =	vadd.f32 v1, v0  }
0xbb: {  	v2 =	vadd.f32 v2, v0  }
0xbc: {  	s7 =	sadd.s32 s6, s30;
	v0 =	vadd.f32 v3, v0;
	[tilespmem:s8+$0x4070] =	vst v1  }
0xbd: {  	s0 =	sshll.u32 s7, $0x7;
	[tilespmem:s8+$0x2070] =	vst v2  }
0xbe: {  	s0 =	sadd.s32 s4, s0;
	[tilespmem:s8+$0x6070] =	vst v0  }
0xbf: {  	[hbm4b:s0+s17] =	stream.strided.scatter [tilespmem:s5], [sflag:$0x2], $0x8000, s18, s17, $0x38;
	[tilespmem:$0x1E000] =	vst v63  }
0xc0: {  	_ =	swait.ge [sflag:s20], $0x8000  }
0xc1: {  	[sflag:s20] =	ssyncset.done $0x0  }
0xc2: {  	[sflag:s20] =	ssyncadd.s32 $0xFFFF8000  }
0xc3: {  	_ =	swait.ge [sflag:s21], $0x2000  }
0xc4: {  	[sflag:s21] =	ssyncset.done $0x0  }
0xc5: {  	s2 =	simm.s32 @!p0 $0x2;
	[sflag:s21] =	ssyncadd.s32 $0xFFFFE000  }
0xc6: {  	s8 =	sadd.s32 s30, s10;
	_ =	swait.ge @!p0 [sflag:s2], $0x8000  }
0xc7: {  	s0 =	sshll.u32 s8, $0x7;
	[sflag:s2] =	ssyncset.done @!p0 $0x0  }
0xc8: {  	s12 =	sadd.s32 s1, s0;
	[sflag:s2] =	ssyncadd.s32 @!p0 $0xFFFF8000  }
0xc9: {  	[tilespmem:s24], [sflag:$0x1] =	stream.strided.gather [hbm4b:s12+s17], $0x8000, s18, s17, $0x38;
	[tilespmem:$0x1E000] =	vst v63  }
0xca: {  	s7 =	simm.s32 $0x0;
	s13 =	sadd.s32 s3, s0  }
0xcb: {  	[tilespmem:s25], [sflag:$0x3] =	stream.linear.gather [hbm4b:s13+s7], $0x2000, $0x38;
	[tilespmem:$0x1E000] =	vst v63  }
0xcc: {  	s14 =	sand.u32 $0x1C00, s7;
	s7 =	sand.u32 $0x380, s7  }
0xcd: {  	s2 =	sor.u32 s7, s14  }
0xce: {  	v2 =	vld [tilespmem:s2+$0x1A000]  }
0xcf: {  	v3 =	vld [tilespmem:s2+$0x1A010]  }
0xd0: {  	v4 =	vld [tilespmem:s2+$0x1A020]  }
0xd1: {  	v5 =	vld [tilespmem:s2+$0x1A030]  }
0xd2: {  	v6 =	vld [tilespmem:s2+$0x1A040]  }
0xd3: {  	v7 =	vld [tilespmem:s2+$0x1A050]  }
0xd4: {  	v1 =	vld [tilespmem:s2+$0x1A060]  }
0xd5: {  	v0 =	vld [tilespmem:s2+$0x1A070]  }
0xd6: {  	v8 =	vld [tilespmem:s2+$0x8000]  }
0xd7: {  	v9 =	vld [tilespmem:s2+$0xA000]  }
0xd8: {  	v10 =	vld [tilespmem:s2+$0xC000]  }
0xd9: {  	v11 =	vld [tilespmem:s2+$0xE000]  }
0xda: {  	v59 =	vld [tilespmem:s2+$0x8010]  }
0xdb: {  	v60 =	vld [tilespmem:s2+$0xA010];
	v8 =	vadd.f32 v8, v2  }
0xdc: {  	v61 =	vld [tilespmem:s2+$0xC010];
	v9 =	vadd.f32 v9, v2  }
0xdd: {  	[tilespmem:s2+$0x8000] =	vst v8;
	v8 =	vadd.f32 v10, v2;
	v10 =	vld [tilespmem:s2+$0xE010]  }
0xde: {  	[tilespmem:s2+$0xA000] =	vst v9;
	v2 =	vadd.f32 v11, v2;
	v9 =	vld [tilespmem:s2+$0x8020]  }
0xdf: {  	v11 =	vld [tilespmem:s2+$0xA020];
	[tilespmem:s2+$0xC000] =	vst v8;
	v8 =	vadd.f32 v59, v3  }
0xe0: {  	v62 =	vld [tilespmem:s2+$0xC020];
	[tilespmem:s2+$0xE000] =	vst v2;
	v2 =	vadd.f32 v60, v3  }
0xe1: {  	v63 =	vld [tilespmem:s2+$0xE020];
	[tilespmem:s2+$0x8010] =	vst v8;
	v8 =	vadd.f32 v61, v3  }
0xe2: {  	[tilespmem:s2+$0xA010] =	vst v2;
	v2 =	vadd.f32 v10, v3;
	v3 =	vld [tilespmem:s2+$0x8030]  }
0xe3: {  	[tilespmem:s2+$0xC010] =	vst v8;
	v8 =	vadd.f32 v9, v4;
	v9 =	vld [tilespmem:s2+$0xA030]  }
0xe4: {  	v10 =	vld [tilespmem:s2+$0xC030];
	[tilespmem:s2+$0xE010] =	vst v2;
	v2 =	vadd.f32 v11, v4  }
0xe5: {  	v11 =	vld [tilespmem:s2+$0xE030];
	[tilespmem:s2+$0x8020] =	vst v8;
	v8 =	vadd.f32 v62, v4  }
0xe6: {  	[tilespmem:s2+$0xA020] =	vst v2;
	v2 =	vadd.f32 v63, v4;
	v4 =	vld [tilespmem:s2+$0x8040]  }
0xe7: {  	[tilespmem:s2+$0xC020] =	vst v8;
	v3 =	vadd.f32 v3, v5;
	v8 =	vld [tilespmem:s2+$0xA040]  }
0xe8: {  	[tilespmem:s2+$0xE020] =	vst v2;
	v2 =	vadd.f32 v9, v5;
	v9 =	vld [tilespmem:s2+$0xC040]  }
0xe9: {  	[tilespmem:s2+$0x8030] =	vst v3;
	v3 =	vadd.f32 v10, v5;
	v10 =	vld [tilespmem:s2+$0xE040]  }
0xea: {  	[tilespmem:s2+$0xA030] =	vst v2;
	v2 =	vadd.f32 v11, v5;
	v5 =	vld [tilespmem:s2+$0x8050]  }
0xeb: {  	[tilespmem:s2+$0xC030] =	vst v3;
	v3 =	vadd.f32 v4, v6;
	v4 =	vld [tilespmem:s2+$0xA050]  }
0xec: {  	[tilespmem:s2+$0xE030] =	vst v2;
	v2 =	vadd.f32 v8, v6;
	v8 =	vld [tilespmem:s2+$0xC050]  }
0xed: {  	[tilespmem:s2+$0x8040] =	vst v3;
	v3 =	vadd.f32 v9, v6;
	v9 =	vld [tilespmem:s2+$0xE050]  }
0xee: {  	[tilespmem:s2+$0xA040] =	vst v2;
	v2 =	vadd.f32 v10, v6;
	v6 =	vld [tilespmem:s2+$0x8060]  }
0xef: {  	[tilespmem:s2+$0xC040] =	vst v3;
	v3 =	vadd.f32 v5, v7;
	v5 =	vld [tilespmem:s2+$0xA060]  }
0xf0: {  	[tilespmem:s2+$0xE040] =	vst v2;
	v10 =	vadd.f32 v4, v7;
	v4 =	vld [tilespmem:s2+$0xC060]  }
0xf1: {  	v2 =	vld [tilespmem:s2+$0xE060];
	[tilespmem:s2+$0x8050] =	vst v3;
	v11 =	vadd.f32 v8, v7  }
0xf2: {  	v3 =	vld [tilespmem:s2+$0x8070];
	[tilespmem:s2+$0xA050] =	vst v10;
	v8 =	vadd.f32 v9, v7  }
0xf3: {  	s8 =	simm.s32 $0x10;
	s7 =	simm.s32 $0x400;
	[tilespmem:s2+$0xC050] =	vst v11;
	v7 =	vadd.f32 v6, v1;
	v6 =	vld [tilespmem:s2+$0xA070]  }
.LBB2_5:
0xf4: {  	s12 =	sand.u32 $0x1C00, s7;
	s13 =	sand.u32 $0x380, s8;
	p0 =	sne.s32 s8, $0x3F0;
	[tilespmem:s2+$0xE050] =	vst v8;
	v5 =	vadd.f32 v5, v1;
	v8 =	vld [tilespmem:s2+$0xC070]  }
0xf5: {  	s12 =	sor.u32 s13, s12;
	[tilespmem:s2+$0x8060] =	vst v7;
	v4 =	vadd.f32 v4, v1;
	v7 =	vld [tilespmem:s2+$0xE070]  }
0xf6: {  	v9 =	vld [tilespmem:s12+$0x1A000];
	[tilespmem:s2+$0xA060] =	vst v5;
	v1 =	vadd.f32 v2, v1  }
0xf7: {  	v2 =	vld [tilespmem:s12+$0x1A010];
	[tilespmem:s2+$0xC060] =	vst v4;
	v3 =	vadd.f32 v3, v0  }
0xf8: {  	v4 =	vld [tilespmem:s12+$0x1A020];
	[tilespmem:s2+$0xE060] =	vst v1;
	v1 =	vadd.f32 v6, v0  }
0xf9: {  	v5 =	vld [tilespmem:s12+$0x1A030];
	[tilespmem:s2+$0x8070] =	vst v3;
	v3 =	vadd.f32 v8, v0  }
0xfa: {  	v6 =	vld [tilespmem:s12+$0x1A040];
	[tilespmem:s2+$0xA070] =	vst v1;
	v0 =	vadd.f32 v7, v0  }
0xfb: {  	v7 =	vld [tilespmem:s12+$0x1A050];
	[tilespmem:s2+$0xC070] =	vst v3  }
0xfc: {  	v1 =	vld [tilespmem:s12+$0x1A060];
	[tilespmem:s2+$0xE070] =	vst v0;
	s2 =	smov.u32 s12  }
0xfd: {  	v0 =	vld [tilespmem:s2+$0x1A070]  }
0xfe: {  	v3 =	vld [tilespmem:s2+$0x8000]  }
0xff: {  	v8 =	vld [tilespmem:s2+$0xA000]  }
0x100: {  	v10 =	vld [tilespmem:s2+$0xC000]  }
0x101: {  	v11 =	vld [tilespmem:s2+$0xE000]  }
0x102: {  	v12 =	vld [tilespmem:s2+$0x8010]  }
0x103: {  	v3 =	vadd.f32 v3, v9;
	v13 =	vld [tilespmem:s2+$0xA010]  }
0x104: {  	v8 =	vadd.f32 v8, v9;
	v14 =	vld [tilespmem:s2+$0xC010]  }
0x105: {  	[tilespmem:s2+$0x8000] =	vst v3;
	v3 =	vadd.f32 v10, v9;
	v10 =	vld [tilespmem:s2+$0xE010]  }
0x106: {  	[tilespmem:s2+$0xA000] =	vst v8;
	v8 =	vadd.f32 v11, v9;
	v9 =	vld [tilespmem:s2+$0x8020]  }
0x107: {  	[tilespmem:s2+$0xC000] =	vst v3;
	v3 =	vadd.f32 v12, v2;
	v11 =	vld [tilespmem:s2+$0xA020]  }
0x108: {  	[tilespmem:s2+$0xE000] =	vst v8;
	v8 =	vadd.f32 v13, v2;
	v12 =	vld [tilespmem:s2+$0xC020]  }
0x109: {  	[tilespmem:s2+$0x8010] =	vst v3;
	v3 =	vadd.f32 v14, v2;
	v13 =	vld [tilespmem:s2+$0xE020]  }
0x10a: {  	[tilespmem:s2+$0xA010] =	vst v8;
	v2 =	vadd.f32 v10, v2;
	v8 =	vld [tilespmem:s2+$0x8030]  }
0x10b: {  	[tilespmem:s2+$0xC010] =	vst v3;
	v3 =	vadd.f32 v9, v4;
	v9 =	vld [tilespmem:s2+$0xA030]  }
0x10c: {  	[tilespmem:s2+$0xE010] =	vst v2;
	v2 =	vadd.f32 v11, v4;
	v10 =	vld [tilespmem:s2+$0xC030]  }
0x10d: {  	[tilespmem:s2+$0x8020] =	vst v3;
	v3 =	vadd.f32 v12, v4;
	v11 =	vld [tilespmem:s2+$0xE030]  }
0x10e: {  	[tilespmem:s2+$0xA020] =	vst v2;
	v2 =	vadd.f32 v13, v4;
	v4 =	vld [tilespmem:s2+$0x8040]  }
0x10f: {  	[tilespmem:s2+$0xC020] =	vst v3;
	v3 =	vadd.f32 v8, v5;
	v8 =	vld [tilespmem:s2+$0xA040]  }
0x110: {  	[tilespmem:s2+$0xE020] =	vst v2;
	v2 =	vadd.f32 v9, v5;
	v9 =	vld [tilespmem:s2+$0xC040]  }
0x111: {  	[tilespmem:s2+$0x8030] =	vst v3;
	v3 =	vadd.f32 v10, v5;
	v10 =	vld [tilespmem:s2+$0xE040]  }
0x112: {  	[tilespmem:s2+$0xA030] =	vst v2;
	v2 =	vadd.f32 v11, v5;
	v5 =	vld [tilespmem:s2+$0x8050]  }
0x113: {  	[tilespmem:s2+$0xC030] =	vst v3;
	v3 =	vadd.f32 v4, v6;
	v4 =	vld [tilespmem:s2+$0xA050]  }
0x114: {  	[tilespmem:s2+$0xE030] =	vst v2;
	v2 =	vadd.f32 v8, v6;
	v8 =	vld [tilespmem:s2+$0xC050]  }
0x115: {  	[tilespmem:s2+$0x8040] =	vst v3;
	v3 =	vadd.f32 v9, v6;
	v9 =	vld [tilespmem:s2+$0xE050]  }
0x116: {  	[tilespmem:s2+$0xA040] =	vst v2;
	v2 =	vadd.f32 v10, v6;
	v6 =	vld [tilespmem:s2+$0x8060]  }
.Ltmp1:
0x117: {  	[tilespmem:s2+$0xC040] =	vst v3;
	v3 =	vadd.f32 v5, v7;
	v5 =	vld [tilespmem:s2+$0xA060];
	(pc) =	sbr.rel @p0 .LBB2_5-.Ltmp1, $4  }
0x118: {  	[tilespmem:s2+$0xE040] =	vst v2;
	v10 =	vadd.f32 v4, v7;
	v4 =	vld [tilespmem:s2+$0xC060]  }
0x119: {  	[tilespmem:s2+$0x8050] =	vst v3;
	v11 =	vadd.f32 v8, v7;
	v2 =	vld [tilespmem:s2+$0xE060]  }
0x11a: {  	[tilespmem:s2+$0xA050] =	vst v10;
	v8 =	vadd.f32 v9, v7;
	v3 =	vld [tilespmem:s2+$0x8070]  }
0x11b: {  	s7 =	sadd.s32 $0x400, s7;
	s8 =	sadd.s32 $0x10, s8;
	[tilespmem:s2+$0xC050] =	vst v11;
	v7 =	vadd.f32 v6, v1;
	v6 =	vld [tilespmem:s2+$0xA070]  }
0x11c: {  	[tilespmem:s2+$0xE050] =	vst v8;
	v5 =	vadd.f32 v5, v1;
	v8 =	vld [tilespmem:s2+$0xC070]  }
0x11d: {  	[tilespmem:s2+$0x8060] =	vst v7;
	v4 =	vadd.f32 v4, v1;
	v7 =	vld [tilespmem:s2+$0xE070]  }
0x11e: {  	[tilespmem:s2+$0xA060] =	vst v5;
	v1 =	vadd.f32 v2, v1  }
0x11f: {  	[tilespmem:s2+$0xC060] =	vst v4;
	v2 =	vadd.f32 v3, v0  }
0x120: {  	[tilespmem:s2+$0xE060] =	vst v1;
	v1 =	vadd.f32 v6, v0  }
0x121: {  	[tilespmem:s2+$0x8070] =	vst v2;
	v2 =	vadd.f32 v8, v0  }
0x122: {  	[tilespmem:s2+$0xA070] =	vst v1;
	v0 =	vadd.f32 v7, v0  }
0x123: {  	[tilespmem:s2+$0xC070] =	vst v2  }
0x124: {  	s13 =	sadd.s32 s4, s31;
	[tilespmem:s2+$0xE070] =	vst v0  }
0x125: {  	[hbm4b:s13+s17] =	stream.strided.scatter [tilespmem:s22], [sflag:$0x2], $0x8000, s18, s17, $0x38;
	[tilespmem:$0x1E000] =	vst v63  }
0x126: {  	_ =	swait.ge [sflag:s20], $0x8000  }
0x127: {  	[sflag:s20] =	ssyncset.done $0x0  }
0x128: {  	[sflag:s20] =	ssyncadd.s32 $0xFFFF8000  }
0x129: {  	_ =	swait.ge [sflag:s21], $0x2000  }
0x12a: {  	[sflag:s21] =	ssyncset.done $0x0  }
0x12b: {  	[sflag:s21] =	ssyncadd.s32 $0xFFFFE000  }
0x12c: {  	s14 =	sadd.s32 s30, s11;
	_ =	swait.ge [sflag:s26], $0x8000  }
0x12d: {  	s2 =	sshll.u32 s14, $0x7;
	[sflag:s26] =	ssyncset.done $0x0  }
0x12e: {  	s8 =	simm.s32 $0x0;
	s7 =	sadd.s32 s1, s2;
	[sflag:s26] =	ssyncadd.s32 $0xFFFF8000  }
0x12f: {  	[tilespmem:s8], [sflag:$0x1] =	stream.strided.gather [hbm4b:s7+s17], $0x8000, s18, s17, $0x38;
	[tilespmem:$0x1E000] =	vst v63  }
0x130: {  	s30 =	sand.u32 $0x1C00, s8;
	s31 =	sand.u32 $0x380, s8;
	s2 =	sadd.s32 s3, s2  }
0x131: {  	[tilespmem:s19], [sflag:$0x3] =	stream.linear.gather [hbm4b:s2+s8], $0x2000, $0x38;
	[tilespmem:$0x1E000] =	vst v63  }
0x132: {  	s2 =	sor.u32 s31, s30  }
0x133: {  	v2 =	vld [tilespmem:s2+$0x1C000]  }
0x134: {  	v3 =	vld [tilespmem:s2+$0x1C010]  }
0x135: {  	v4 =	vld [tilespmem:s2+$0x1C020]  }
0x136: {  	v5 =	vld [tilespmem:s2+$0x1C030]  }
0x137: {  	v6 =	vld [tilespmem:s2+$0x1C040]  }
0x138: {  	v7 =	vld [tilespmem:s2+$0x1C050]  }
0x139: {  	v1 =	vld [tilespmem:s2+$0x1C060]  }
0x13a: {  	v0 =	vld [tilespmem:s2+$0x1C070]  }
0x13b: {  	v8 =	vld [tilespmem:s2+$0x10000]  }
0x13c: {  	v9 =	vld [tilespmem:s2+$0x12000]  }
0x13d: {  	v10 =	vld [tilespmem:s2+$0x14000]  }
0x13e: {  	v11 =	vld [tilespmem:s2+$0x16000]  }
0x13f: {  	v12 =	vld [tilespmem:s2+$0x10010]  }
0x140: {  	v13 =	vld [tilespmem:s2+$0x12010];
	v8 =	vadd.f32 v8, v2  }
0x141: {  	v14 =	vld [tilespmem:s2+$0x14010];
	v9 =	vadd.f32 v9, v2  }
0x142: {  	[tilespmem:s2+$0x10000] =	vst v8;
	v8 =	vadd.f32 v10, v2;
	v10 =	vld [tilespmem:s2+$0x16010]  }
0x143: {  	[tilespmem:s2+$0x12000] =	vst v9;
	v2 =	vadd.f32 v11, v2;
	v9 =	vld [tilespmem:s2+$0x10020]  }
0x144: {  	v11 =	vld [tilespmem:s2+$0x12020];
	[tilespmem:s2+$0x14000] =	vst v8;
	v8 =	vadd.f32 v12, v3  }
0x145: {  	v62 =	vld [tilespmem:s2+$0x14020];
	[tilespmem:s2+$0x16000] =	vst v2;
	v2 =	vadd.f32 v13, v3  }
0x146: {  	v63 =	vld [tilespmem:s2+$0x16020];
	[tilespmem:s2+$0x10010] =	vst v8;
	v8 =	vadd.f32 v14, v3  }
0x147: {  	[tilespmem:s2+$0x12010] =	vst v2;
	v2 =	vadd.f32 v10, v3;
	v3 =	vld [tilespmem:s2+$0x10030]  }
0x148: {  	[tilespmem:s2+$0x14010] =	vst v8;
	v8 =	vadd.f32 v9, v4;
	v9 =	vld [tilespmem:s2+$0x12030]  }
0x149: {  	v10 =	vld [tilespmem:s2+$0x14030];
	[tilespmem:s2+$0x16010] =	vst v2;
	v2 =	vadd.f32 v11, v4  }
0x14a: {  	v11 =	vld [tilespmem:s2+$0x16030];
	[tilespmem:s2+$0x10020] =	vst v8;
	v8 =	vadd.f32 v62, v4  }
0x14b: {  	[tilespmem:s2+$0x12020] =	vst v2;
	v2 =	vadd.f32 v63, v4;
	v4 =	vld [tilespmem:s2+$0x10040]  }
0x14c: {  	[tilespmem:s2+$0x14020] =	vst v8;
	v3 =	vadd.f32 v3, v5;
	v8 =	vld [tilespmem:s2+$0x12040]  }
0x14d: {  	[tilespmem:s2+$0x16020] =	vst v2;
	v2 =	vadd.f32 v9, v5;
	v9 =	vld [tilespmem:s2+$0x14040]  }
0x14e: {  	[tilespmem:s2+$0x10030] =	vst v3;
	v3 =	vadd.f32 v10, v5;
	v10 =	vld [tilespmem:s2+$0x16040]  }
0x14f: {  	[tilespmem:s2+$0x12030] =	vst v2;
	v2 =	vadd.f32 v11, v5;
	v5 =	vld [tilespmem:s2+$0x10050]  }
0x150: {  	[tilespmem:s2+$0x14030] =	vst v3;
	v3 =	vadd.f32 v4, v6;
	v4 =	vld [tilespmem:s2+$0x12050]  }
0x151: {  	[tilespmem:s2+$0x16030] =	vst v2;
	v2 =	vadd.f32 v8, v6;
	v8 =	vld [tilespmem:s2+$0x14050]  }
0x152: {  	[tilespmem:s2+$0x10040] =	vst v3;
	v3 =	vadd.f32 v9, v6;
	v9 =	vld [tilespmem:s2+$0x16050]  }
0x153: {  	[tilespmem:s2+$0x12040] =	vst v2;
	v2 =	vadd.f32 v10, v6;
	v6 =	vld [tilespmem:s2+$0x10060]  }
0x154: {  	[tilespmem:s2+$0x14040] =	vst v3;
	v3 =	vadd.f32 v5, v7;
	v5 =	vld [tilespmem:s2+$0x12060]  }
0x155: {  	[tilespmem:s2+$0x16040] =	vst v2;
	v10 =	vadd.f32 v4, v7;
	v4 =	vld [tilespmem:s2+$0x14060]  }
0x156: {  	v2 =	vld [tilespmem:s2+$0x16060];
	[tilespmem:s2+$0x10050] =	vst v3;
	v11 =	vadd.f32 v8, v7  }
0x157: {  	v3 =	vld [tilespmem:s2+$0x10070];
	[tilespmem:s2+$0x12050] =	vst v10;
	v8 =	vadd.f32 v9, v7  }
0x158: {  	s7 =	simm.s32 $0x400;
	s8 =	simm.s32 $0x10;
	[tilespmem:s2+$0x14050] =	vst v11;
	v7 =	vadd.f32 v6, v1;
	v6 =	vld [tilespmem:s2+$0x12070]  }
.LBB2_7:
0x159: {  	s12 =	sand.u32 $0x1C00, s7;
	s13 =	sand.u32 $0x380, s8;
	p0 =	sne.s32 s8, $0x3F0;
	[tilespmem:s2+$0x16050] =	vst v8;
	v5 =	vadd.f32 v5, v1;
	v8 =	vld [tilespmem:s2+$0x14070]  }
0x15a: {  	s12 =	sor.u32 s13, s12;
	[tilespmem:s2+$0x10060] =	vst v7;
	v4 =	vadd.f32 v4, v1;
	v7 =	vld [tilespmem:s2+$0x16070]  }
0x15b: {  	v9 =	vld [tilespmem:s12+$0x1C000];
	[tilespmem:s2+$0x12060] =	vst v5;
	v1 =	vadd.f32 v2, v1  }
0x15c: {  	v2 =	vld [tilespmem:s12+$0x1C010];
	[tilespmem:s2+$0x14060] =	vst v4;
	v3 =	vadd.f32 v3, v0  }
0x15d: {  	v4 =	vld [tilespmem:s12+$0x1C020];
	[tilespmem:s2+$0x16060] =	vst v1;
	v1 =	vadd.f32 v6, v0  }
0x15e: {  	v5 =	vld [tilespmem:s12+$0x1C030];
	[tilespmem:s2+$0x10070] =	vst v3;
	v3 =	vadd.f32 v8, v0  }
0x15f: {  	v6 =	vld [tilespmem:s12+$0x1C040];
	[tilespmem:s2+$0x12070] =	vst v1;
	v0 =	vadd.f32 v7, v0  }
0x160: {  	v7 =	vld [tilespmem:s12+$0x1C050];
	[tilespmem:s2+$0x14070] =	vst v3  }
0x161: {  	v1 =	vld [tilespmem:s12+$0x1C060];
	[tilespmem:s2+$0x16070] =	vst v0;
	s2 =	smov.u32 s12  }
0x162: {  	v0 =	vld [tilespmem:s2+$0x1C070]  }
0x163: {  	v3 =	vld [tilespmem:s2+$0x10000]  }
0x164: {  	v8 =	vld [tilespmem:s2+$0x12000]  }
0x165: {  	v10 =	vld [tilespmem:s2+$0x14000]  }
0x166: {  	v11 =	vld [tilespmem:s2+$0x16000]  }
0x167: {  	v12 =	vld [tilespmem:s2+$0x10010]  }
0x168: {  	v3 =	vadd.f32 v3, v9;
	v13 =	vld [tilespmem:s2+$0x12010]  }
0x169: {  	v8 =	vadd.f32 v8, v9;
	v14 =	vld [tilespmem:s2+$0x14010]  }
0x16a: {  	[tilespmem:s2+$0x10000] =	vst v3;
	v3 =	vadd.f32 v10, v9;
	v10 =	vld [tilespmem:s2+$0x16010]  }
0x16b: {  	[tilespmem:s2+$0x12000] =	vst v8;
	v8 =	vadd.f32 v11, v9;
	v9 =	vld [tilespmem:s2+$0x10020]  }
0x16c: {  	[tilespmem:s2+$0x14000] =	vst v3;
	v3 =	vadd.f32 v12, v2;
	v11 =	vld [tilespmem:s2+$0x12020]  }
0x16d: {  	[tilespmem:s2+$0x16000] =	vst v8;
	v8 =	vadd.f32 v13, v2;
	v12 =	vld [tilespmem:s2+$0x14020]  }
0x16e: {  	[tilespmem:s2+$0x10010] =	vst v3;
	v3 =	vadd.f32 v14, v2;
	v13 =	vld [tilespmem:s2+$0x16020]  }
0x16f: {  	[tilespmem:s2+$0x12010] =	vst v8;
	v2 =	vadd.f32 v10, v2;
	v8 =	vld [tilespmem:s2+$0x10030]  }
0x170: {  	[tilespmem:s2+$0x14010] =	vst v3;
	v3 =	vadd.f32 v9, v4;
	v9 =	vld [tilespmem:s2+$0x12030]  }
0x171: {  	[tilespmem:s2+$0x16010] =	vst v2;
	v2 =	vadd.f32 v11, v4;
	v10 =	vld [tilespmem:s2+$0x14030]  }
0x172: {  	[tilespmem:s2+$0x10020] =	vst v3;
	v3 =	vadd.f32 v12, v4;
	v11 =	vld [tilespmem:s2+$0x16030]  }
0x173: {  	[tilespmem:s2+$0x12020] =	vst v2;
	v2 =	vadd.f32 v13, v4;
	v4 =	vld [tilespmem:s2+$0x10040]  }
0x174: {  	[tilespmem:s2+$0x14020] =	vst v3;
	v3 =	vadd.f32 v8, v5;
	v8 =	vld [tilespmem:s2+$0x12040]  }
0x175: {  	[tilespmem:s2+$0x16020] =	vst v2;
	v2 =	vadd.f32 v9, v5;
	v9 =	vld [tilespmem:s2+$0x14040]  }
0x176: {  	[tilespmem:s2+$0x10030] =	vst v3;
	v3 =	vadd.f32 v10, v5;
	v10 =	vld [tilespmem:s2+$0x16040]  }
0x177: {  	[tilespmem:s2+$0x12030] =	vst v2;
	v2 =	vadd.f32 v11, v5;
	v5 =	vld [tilespmem:s2+$0x10050]  }
0x178: {  	[tilespmem:s2+$0x14030] =	vst v3;
	v3 =	vadd.f32 v4, v6;
	v4 =	vld [tilespmem:s2+$0x12050]  }
0x179: {  	[tilespmem:s2+$0x16030] =	vst v2;
	v2 =	vadd.f32 v8, v6;
	v8 =	vld [tilespmem:s2+$0x14050]  }
0x17a: {  	[tilespmem:s2+$0x10040] =	vst v3;
	v3 =	vadd.f32 v9, v6;
	v9 =	vld [tilespmem:s2+$0x16050]  }
0x17b: {  	[tilespmem:s2+$0x12040] =	vst v2;
	v2 =	vadd.f32 v10, v6;
	v6 =	vld [tilespmem:s2+$0x10060]  }
.Ltmp2:
0x17c: {  	[tilespmem:s2+$0x14040] =	vst v3;
	v3 =	vadd.f32 v5, v7;
	v5 =	vld [tilespmem:s2+$0x12060];
	(pc) =	sbr.rel @p0 .LBB2_7-.Ltmp2, $4  }
0x17d: {  	[tilespmem:s2+$0x16040] =	vst v2;
	v10 =	vadd.f32 v4, v7;
	v4 =	vld [tilespmem:s2+$0x14060]  }
0x17e: {  	[tilespmem:s2+$0x10050] =	vst v3;
	v11 =	vadd.f32 v8, v7;
	v2 =	vld [tilespmem:s2+$0x16060]  }
0x17f: {  	[tilespmem:s2+$0x12050] =	vst v10;
	v8 =	vadd.f32 v9, v7;
	v3 =	vld [tilespmem:s2+$0x10070]  }
0x180: {  	s7 =	sadd.s32 $0x400, s7;
	s8 =	sadd.s32 $0x10, s8;
	[tilespmem:s2+$0x14050] =	vst v11;
	v7 =	vadd.f32 v6, v1;
	v6 =	vld [tilespmem:s2+$0x12070]  }
0x181: {  	[tilespmem:s2+$0x16050] =	vst v8;
	v5 =	vadd.f32 v5, v1;
	v57 =	vld [tilespmem:s2+$0x14070]  }
0x182: {  	v58 =	vld [tilespmem:s2+$0x16070];
	[tilespmem:s2+$0x10060] =	vst v7;
	v4 =	vadd.f32 v4, v1  }
0x183: {  	[tilespmem:s2+$0x12060] =	vst v5;
	v59 =	vadd.f32 v2, v1  }
0x184: {  	s29 =	sadd.s32 $0x1, s29;
	[tilespmem:s2+$0x14060] =	vst v4;
	v60 =	vadd.f32 v3, v0  }
0x185: {  	p0 =	sne.s32 s29, $0xA;
	[tilespmem:s2+$0x16060] =	vst v59;
	v61 =	vadd.f32 v6, v0  }
.Ltmp3:
0x186: {  	[tilespmem:s2+$0x10070] =	vst v60;
	v62 =	vadd.f32 v57, v0;
	(pc) =	sbr.rel @p0 .LBB2_2-.Ltmp3, $4  }
0x187: {  	v63 =	vadd.f32 v58, v0;
	[tilespmem:s2+$0x12070] =	vst v61  }
0x188: {  	[tilespmem:s2+$0x14070] =	vst v62  }
0x189: {  	s0 =	sadd.s32 s4, s0;
	[tilespmem:s2+$0x16070] =	vst v63  }
0x18a: {  	[hbm4b:s0+s17] =	stream.strided.scatter [tilespmem:s24], [sflag:$0x2], $0x8000, s18, s17, $0x38;
	[tilespmem:$0x1E000] =	vst v63  }
0x18b: {  	_ =	swait.ge [sflag:s20], $0x8000  }
0x18c: {  	[sflag:s20] =	ssyncset.done $0x0  }
0x18d: {  	[sflag:s20] =	ssyncadd.s32 $0xFFFF8000  }
0x18e: {  	_ =	swait.ge [sflag:s21], $0x2000  }
0x18f: {  	[sflag:s21] =	ssyncset.done $0x0  }
0x190: {  	[sflag:s21] =	ssyncadd.s32 $0xFFFFE000  }
0x191: {  	s2 =	simm.s32 $0x0;
	_ =	swait.ge [sflag:s26], $0x8000  }
0x192: {  	s7 =	sand.u32 $0x1C00, s2;
	[sflag:s26] =	ssyncset.done $0x0  }
0x193: {  	s31 =	sand.u32 $0x380, s2;
	s0 =	rddreg [dreg:$0x6];
	[sflag:s26] =	ssyncadd.s32 $0xFFFF8000  }
0x194: {  	[tilespmem:s22], [sflag:$0x1] =	stream.strided.gather [hbm4b:s0+s17], $0x8000, s18, s17, $0x38;
	[tilespmem:$0x1E000] =	vst v63  }
0x195: {  	s30 =	rddreg [dreg:$0x7];
	s0 =	sor.u32 s31, s7  }
0x196: {  	[tilespmem:s23], [sflag:$0x3] =	stream.linear.gather [hbm4b:s30+s2], $0x2000, $0x38;
	[tilespmem:$0x1E000] =	vst v63  }
0x197: {  	v0 =	vld [tilespmem:s0+$0x30]  }
0x198: {  	v1 =	vld [tilespmem:s0+$0x18030]  }
0x199: {  	v2 =	vld [tilespmem:s0+$0x6060]  }
0x19a: {  	v3 =	vld [tilespmem:s0+$0x2030]  }
0x19b: {  	v4 =	vld [tilespmem:s0+$0x6030]  }
0x19c: {  	v5 =	vld [tilespmem:s0+$0x60]  }
0x19d: {  	v6 =	vld [tilespmem:s0+$0x18060]  }
0x19e: {  	v7 =	vld [tilespmem:s0+$0x50]  }
0x19f: {  	v8 =	vld [tilespmem:s0+$0x2050]  }
0x1a0: {  	v9 =	vld [tilespmem:s0+$0x4030]  }
0x1a1: {  	v10 =	vld [tilespmem:s0+$0x6050];
	v0 =	vadd.f32 v0, v1  }
0x1a2: {  	v11 =	vld [tilespmem:s0+$0x4050]  }
0x1a3: {  	[tilespmem:s0+$0x30] =	vst v0;
	v0 =	vld [tilespmem:s0+$0x18050]  }
0x1a4: {  	v12 =	vld [tilespmem:s0+$0x2040];
	v4 =	vadd.f32 v4, v1  }
0x1a5: {  	v13 =	vld [tilespmem:s0+$0x18040];
	v3 =	vadd.f32 v3, v1;
	v1 =	vadd.f32 v9, v1  }
0x1a6: {  	v14 =	vld [tilespmem:s0+$0x6040];
	[tilespmem:s0+$0x6030] =	vst v4  }
0x1a7: {  	v4 =	vld [tilespmem:s0+$0x2060];
	[tilespmem:s0+$0x4030] =	vst v1;
	v1 =	vadd.f32 v2, v6  }
0x1a8: {  	[tilespmem:s0+$0x2030] =	vst v3;
	v3 =	vld [tilespmem:s0+$0x4040];
	v8 =	vadd.f32 v8, v0  }
0x1a9: {  	v9 =	vld [tilespmem:s0+$0x4000];
	[tilespmem:s0+$0x6060] =	vst v1;
	v7 =	vadd.f32 v7, v0  }
0x1aa: {  	v2 =	vld [tilespmem:s0+$0x18000];
	v10 =	vadd.f32 v10, v0;
	v0 =	vadd.f32 v11, v0;
	[tilespmem:s0+$0x2050] =	vst v8  }
0x1ab: {  	[tilespmem:s0+$0x50] =	vst v7;
	v7 =	vld [tilespmem:s0+$0x4060]  }
0x1ac: {  	v1 =	vld [tilespmem:s0+$0x6010];
	[tilespmem:s0+$0x4050] =	vst v0;
	v0 =	vadd.f32 v4, v6  }
0x1ad: {  	v3 =	vadd.f32 v3, v13;
	v8 =	vld [tilespmem:s0+$0x40];
	[tilespmem:s0+$0x6050] =	vst v10  }
0x1ae: {  	v4 =	vadd.f32 v5, v6;
	[tilespmem:s0+$0x2060] =	vst v0;
	v0 =	vld [tilespmem:s0+$0x2000]  }
0x1af: {  	v11 =	vld [tilespmem:s0+$0x0];
	v10 =	vadd.f32 v12, v13;
	[tilespmem:s0+$0x4040] =	vst v3  }
0x1b0: {  	[tilespmem:s0+$0x60] =	vst v4;
	v4 =	vadd.f32 v7, v6;
	v6 =	vld [tilespmem:s0+$0x6000]  }
0x1b1: {  	[tilespmem:s0+$0x2040] =	vst v10;
	v10 =	vld [tilespmem:s0+$0x18010];
	v7 =	vadd.f32 v14, v13  }
0x1b2: {  	v8 =	vadd.f32 v8, v13;
	[tilespmem:s0+$0x4060] =	vst v4;
	v4 =	vld [tilespmem:s0+$0x10]  }
0x1b3: {  	v5 =	vld [tilespmem:s0+$0x2010];
	v0 =	vadd.f32 v0, v2;
	[tilespmem:s0+$0x6040] =	vst v7  }
0x1b4: {  	v9 =	vadd.f32 v9, v2;
	v7 =	vld [tilespmem:s0+$0x4010];
	[tilespmem:s0+$0x40] =	vst v8  }
0x1b5: {  	v8 =	vld [tilespmem:s0+$0x4020];
	[tilespmem:s0+$0x2000] =	vst v0;
	v0 =	vadd.f32 v6, v2  }
0x1b6: {  	[tilespmem:s0+$0x4000] =	vst v9;
	v1 =	vadd.f32 v1, v10;
	v6 =	vld [tilespmem:s0+$0x18020]  }
0x1b7: {  	[tilespmem:s0+$0x6000] =	vst v0;
	v0 =	vadd.f32 v4, v10;
	v4 =	vld [tilespmem:s0+$0x2020]  }
0x1b8: {  	v3 =	vld [tilespmem:s0+$0x20];
	[tilespmem:s0+$0x6010] =	vst v1;
	v2 =	vadd.f32 v11, v2  }
0x1b9: {  	v5 =	vadd.f32 v5, v10;
	[tilespmem:s0+$0x10] =	vst v0;
	v0 =	vld [tilespmem:s0+$0x6020]  }
0x1ba: {  	[tilespmem:s0+$0x0] =	vst v2;
	v2 =	vadd.f32 v7, v10  }
0x1bb: {  	[tilespmem:s0+$0x2010] =	vst v5;
	v1 =	vadd.f32 v8, v6  }
0x1bc: {  	[tilespmem:s0+$0x4010] =	vst v2;
	v4 =	vadd.f32 v4, v6  }
0x1bd: {  	[tilespmem:s0+$0x4020] =	vst v1;
	v1 =	vadd.f32 v3, v6  }
0x1be: {  	v0 =	vadd.f32 v0, v6;
	[tilespmem:s0+$0x2020] =	vst v4  }
0x1bf: {  	s2 =	sor.u32 s7, s2;
	[tilespmem:s0+$0x20] =	vst v1  }
0x1c0: {  	s2 =	sor.u32 $0x70, s2;
	[tilespmem:s0+$0x6020] =	vst v0  }
0x1c1: {  	v3 =	vld [tilespmem:s2+$0x18000]  }
0x1c2: {  	v0 =	vld [tilespmem:s2+$0x0];
	_ =	sdelay $0x4  }
0x1c3: {  	s13 =	simm.s32 $0x10;
	s7 =	simm.s32 $0x400;
	v0 =	vadd.f32 v0, v3  }
0x1c4: {  	s8 =	sand.u32 $0x380, s13;
	s14 =	sand.u32 $0x1C00, s7  }
0x1c5: {  	s8 =	sor.u32 s8, s14;
	[tilespmem:s2+$0x0] =	vst v0  }
0x1c6: {  	v0 =	vld [tilespmem:s8+$0x6060]  }
0x1c7: {  	v2 =	vld [tilespmem:s8+$0x2030]  }
0x1c8: {  	v4 =	vld [tilespmem:s0+$0x4070]  }
0x1c9: {  	v6 =	vld [tilespmem:s0+$0x2070]  }
0x1ca: {  	v5 =	vld [tilespmem:s8+$0x6030]  }
0x1cb: {  	v8 =	vld [tilespmem:s0+$0x6070]  }
0x1cc: {  	v1 =	vld [tilespmem:s8+$0x60]  }
0x1cd: {  	v7 =	vld [tilespmem:s8+$0x30];
	v10 =	vadd.f32 v4, v3  }
0x1ce: {  	v4 =	vld [tilespmem:s8+$0x18030]  }
0x1cf: {  	s12 =	simm.s32 $0x20;
	s2 =	sor.u32 s14, s13;
	v9 =	vadd.f32 v6, v3;
	v6 =	vld [tilespmem:s8+$0x4030];
	[tilespmem:s0+$0x4070] =	vst v10  }
.LBB2_10:
0x1d0: {  	p0 =	sne.s32 s12, $0x3F0  }
0x1d1: {  	v10 =	vld [tilespmem:s8+$0x18060];
	s7 =	sadd.s32 $0x400, s7;
	[tilespmem:s0+$0x2070] =	vst v9;
	v3 =	vadd.f32 v8, v3;
	s13 =	smov.u32 s12;
	s12 =	sadd.s32 $0x10, s12  }
0x1d2: {  	v8 =	vld [tilespmem:s8+$0x6050]  }
0x1d3: {  	v9 =	vld [tilespmem:s8+$0x4050];
	[tilespmem:s0+$0x6070] =	vst v3;
	s0 =	smov.u32 s8  }
0x1d4: {  	v3 =	vadd.f32 v7, v4;
	v2 =	vadd.f32 v2, v4;
	v7 =	vld [tilespmem:s0+$0x2050]  }
0x1d5: {  	v6 =	vadd.f32 v6, v4;
	v4 =	vadd.f32 v5, v4;
	v5 =	vld [tilespmem:s0+$0x50]  }
0x1d6: {  	[tilespmem:s0+$0x30] =	vst v3;
	v3 =	vld [tilespmem:s0+$0x18050]  }
0x1d7: {  	[tilespmem:s0+$0x6030] =	vst v4;
	v4 =	vld [tilespmem:s0+$0x6040]  }
0x1d8: {  	v11 =	vld [tilespmem:s0+$0x4040]  }
0x1d9: {  	v12 =	vld [tilespmem:s0+$0x2040]  }
0x1da: {  	v13 =	vld [tilespmem:s0+$0x2060]  }
0x1db: {  	v5 =	vadd.f32 v5, v3;
	v7 =	vadd.f32 v7, v3;
	v14 =	vld [tilespmem:s0+$0x4060]  }
0x1dc: {  	v9 =	vadd.f32 v9, v3;
	v3 =	vadd.f32 v8, v3;
	v15 =	vld [tilespmem:s0+$0x40]  }
0x1dd: {  	v8 =	vld [tilespmem:s0+$0x18040];
	[tilespmem:s0+$0x2050] =	vst v7  }
0x1de: {  	[tilespmem:s0+$0x2030] =	vst v2  }
0x1df: {  	v1 =	vadd.f32 v1, v10;
	v2 =	vld [tilespmem:s0+$0x6010];
	[tilespmem:s0+$0x50] =	vst v5;
	v5 =	vadd.f32 v13, v10  }
0x1e0: {  	v0 =	vadd.f32 v0, v10;
	v7 =	vld [tilespmem:s0+$0x2010];
	[tilespmem:s0+$0x6050] =	vst v3;
	v3 =	vadd.f32 v14, v10  }
0x1e1: {  	v10 =	vld [tilespmem:s0+$0x4000];
	[tilespmem:s0+$0x4050] =	vst v9  }
0x1e2: {  	v9 =	vld [tilespmem:s0+$0x2000];
	[tilespmem:s0+$0x4030] =	vst v6;
	v6 =	vadd.f32 v12, v8;
	v4 =	vadd.f32 v4, v8  }
0x1e3: {  	v13 =	vadd.f32 v15, v8;
	v8 =	vadd.f32 v11, v8;
	v12 =	vld [tilespmem:s0+$0x18000];
	[tilespmem:s0+$0x2060] =	vst v5  }
0x1e4: {  	v5 =	vld [tilespmem:s0+$0x6000];
	[tilespmem:s0+$0x6060] =	vst v0  }
0x1e5: {  	v0 =	vld [tilespmem:s0+$0x0];
	[tilespmem:s0+$0x60] =	vst v1  }
0x1e6: {  	v1 =	vld [tilespmem:s0+$0x10];
	[tilespmem:s0+$0x2040] =	vst v6  }
0x1e7: {  	v6 =	vld [tilespmem:s0+$0x18010];
	[tilespmem:s0+$0x4060] =	vst v3  }
0x1e8: {  	v3 =	vadd.f32 v9, v12;
	v9 =	vadd.f32 v10, v12;
	v10 =	vld [tilespmem:s0+$0x4010];
	[tilespmem:s0+$0x6040] =	vst v4  }
0x1e9: {  	v4 =	vld [tilespmem:s0+$0x4020];
	[tilespmem:s0+$0x40] =	vst v13  }
0x1ea: {  	v0 =	vadd.f32 v0, v12;
	[tilespmem:s0+$0x2000] =	vst v3;
	v3 =	vadd.f32 v5, v12;
	v5 =	vld [tilespmem:s0+$0x20]  }
0x1eb: {  	v11 =	vld [tilespmem:s0+$0x18020];
	[tilespmem:s0+$0x4040] =	vst v8  }
0x1ec: {  	[tilespmem:s0+$0x6000] =	vst v3;
	v1 =	vadd.f32 v1, v6;
	v3 =	vadd.f32 v7, v6  }
0x1ed: {  	v2 =	vadd.f32 v2, v6;
	[tilespmem:s0+$0x4000] =	vst v9;
	v7 =	vadd.f32 v10, v6;
	v6 =	vld [tilespmem:s0+$0x2020]  }
0x1ee: {  	[tilespmem:s0+$0x10] =	vst v1;
	v1 =	vld [tilespmem:s0+$0x6020]  }
0x1ef: {  	[tilespmem:s0+$0x0] =	vst v0  }
0x1f0: {  	[tilespmem:s0+$0x6010] =	vst v2;
	v0 =	vadd.f32 v5, v11;
	v2 =	vadd.f32 v4, v11  }
0x1f1: {  	s14 =	sand.u32 $0x1C00, s7;
	s8 =	sand.u32 $0x380, s13;
	[tilespmem:s0+$0x2010] =	vst v3  }
0x1f2: {  	s13 =	sor.u32 s14, s13;
	s8 =	sor.u32 s8, s14;
	v3 =	vadd.f32 v6, v11;
	[tilespmem:s0+$0x4020] =	vst v2  }
0x1f3: {  	[tilespmem:s0+$0x4010] =	vst v7;
	v1 =	vadd.f32 v1, v11  }
0x1f4: {  	[tilespmem:s0+$0x2020] =	vst v3  }
0x1f5: {  	[tilespmem:s0+$0x6020] =	vst v1  }
0x1f6: {  	s14 =	sor.u32 $0x70, s2;
	s2 =	smov.u32 s13;
	[tilespmem:s0+$0x20] =	vst v0  }
0x1f7: {  	v3 =	vld [tilespmem:s14+$0x18000]  }
0x1f8: {  	v0 =	vld [tilespmem:s14+$0x0];
	_ =	sdelay $0x4  }
0x1f9: {  	v0 =	vadd.f32 v0, v3;
	_ =	sdelay $0x1  }
0x1fa: {  	[tilespmem:s14+$0x0] =	vst v0  }
0x1fb: {  	v0 =	vld [tilespmem:s8+$0x6060]  }
0x1fc: {  	v2 =	vld [tilespmem:s8+$0x2030]  }
0x1fd: {  	v4 =	vld [tilespmem:s0+$0x4070]  }
0x1fe: {  	v6 =	vld [tilespmem:s0+$0x2070]  }
0x1ff: {  	v5 =	vld [tilespmem:s8+$0x6030]  }
.Ltmp4:
0x200: {  	v8 =	vld [tilespmem:s0+$0x6070];
	(pc) =	sbr.rel @p0 .LBB2_10-.Ltmp4, $4  }
0x201: {  	v1 =	vld [tilespmem:s8+$0x60]  }
0x202: {  	v7 =	vld [tilespmem:s8+$0x30];
	v10 =	vadd.f32 v4, v3  }
0x203: {  	v4 =	vld [tilespmem:s8+$0x18030];
	v9 =	vadd.f32 v6, v3  }
0x204: {  	v6 =	vld [tilespmem:s8+$0x4030];
	[tilespmem:s0+$0x4070] =	vst v10  }
0x205: {  	v10 =	vld [tilespmem:s8+$0x18060]  }
0x206: {  	v3 =	vadd.f32 v8, v3;
	v8 =	vld [tilespmem:s8+$0x6050]  }
0x207: {  	[tilespmem:s0+$0x2070] =	vst v9;
	v11 =	vld [tilespmem:s8+$0x4050]  }
0x208: {  	v9 =	vld [tilespmem:s8+$0x2050];
	v7 =	vadd.f32 v7, v4  }
0x209: {  	[tilespmem:s0+$0x6070] =	vst v3;
	v3 =	vld [tilespmem:s8+$0x50]  }
0x20a: {  	[tilespmem:s8+$0x30] =	vst v7;
	v7 =	vld [tilespmem:s8+$0x18050]  }
0x20b: {  	v12 =	vld [tilespmem:s8+$0x2040];
	v5 =	vadd.f32 v5, v4  }
0x20c: {  	v2 =	vadd.f32 v2, v4;
	v13 =	vld [tilespmem:s8+$0x18040]  }
0x20d: {  	[tilespmem:s8+$0x6030] =	vst v5;
	v5 =	vld [tilespmem:s8+$0x2060];
	v0 =	vadd.f32 v0, v10  }
0x20e: {  	v14 =	vld [tilespmem:s8+$0x6040];
	[tilespmem:s8+$0x2030] =	vst v2;
	v1 =	vadd.f32 v1, v10  }
0x20f: {  	v2 =	vld [tilespmem:s8+$0x4040];
	[tilespmem:s8+$0x6060] =	vst v0;
	v3 =	vadd.f32 v3, v7  }
0x210: {  	v0 =	vld [tilespmem:s8+$0x6010];
	[tilespmem:s8+$0x60] =	vst v1;
	v9 =	vadd.f32 v9, v7  }
0x211: {  	v8 =	vadd.f32 v8, v7;
	[tilespmem:s8+$0x50] =	vst v3;
	v3 =	vadd.f32 v6, v4;
	v4 =	vld [tilespmem:s8+$0x4060]  }
0x212: {  	v5 =	vadd.f32 v5, v10;
	[tilespmem:s8+$0x2050] =	vst v9;
	v9 =	vld [tilespmem:s8+$0x40]  }
0x213: {  	[tilespmem:s8+$0x6050] =	vst v8;
	v6 =	vld [tilespmem:s8+$0x4000]  }
0x214: {  	v7 =	vadd.f32 v11, v7;
	[tilespmem:s8+$0x2060] =	vst v5;
	v5 =	vld [tilespmem:s8+$0x2000]  }
0x215: {  	v8 =	vadd.f32 v12, v13;
	[tilespmem:s8+$0x4030] =	vst v3;
	v3 =	vld [tilespmem:s8+$0x18000]  }
0x216: {  	[tilespmem:s8+$0x4050] =	vst v7;
	v1 =	vadd.f32 v4, v10;
	v4 =	vld [tilespmem:s8+$0x6000]  }
0x217: {  	v2 =	vadd.f32 v2, v13;
	[tilespmem:s8+$0x2040] =	vst v8;
	v10 =	vld [tilespmem:s8+$0x18010]  }
0x218: {  	v8 =	vadd.f32 v14, v13;
	[tilespmem:s8+$0x4060] =	vst v1;
	v1 =	vld [tilespmem:s8+$0x10]  }
0x219: {  	v11 =	vld [tilespmem:s8+$0x0];
	[tilespmem:s8+$0x4040] =	vst v2;
	v9 =	vadd.f32 v9, v13  }
0x21a: {  	v7 =	vld [tilespmem:s8+$0x2010];
	[tilespmem:s8+$0x6040] =	vst v8;
	v5 =	vadd.f32 v5, v3  }
0x21b: {  	v8 =	vld [tilespmem:s8+$0x4010];
	[tilespmem:s8+$0x40] =	vst v9;
	v6 =	vadd.f32 v6, v3  }
0x21c: {  	v9 =	vld [tilespmem:s8+$0x4020];
	[tilespmem:s8+$0x2000] =	vst v5;
	v4 =	vadd.f32 v4, v3  }
0x21d: {  	v5 =	vld [tilespmem:s8+$0x18020];
	[tilespmem:s8+$0x4000] =	vst v6;
	v1 =	vadd.f32 v1, v10  }
0x21e: {  	v3 =	vadd.f32 v11, v3;
	[tilespmem:s8+$0x6000] =	vst v4;
	v4 =	vld [tilespmem:s8+$0x2020]  }
0x21f: {  	v0 =	vadd.f32 v0, v10;
	[tilespmem:s8+$0x10] =	vst v1;
	v1 =	vld [tilespmem:s8+$0x6020]  }
0x220: {  	v2 =	vld [tilespmem:s8+$0x20];
	v6 =	vadd.f32 v7, v10;
	[tilespmem:s8+$0x0] =	vst v3  }
0x221: {  	[tilespmem:s8+$0x6010] =	vst v0;
	v3 =	vadd.f32 v8, v10  }
0x222: {  	[tilespmem:s8+$0x2010] =	vst v6;
	v0 =	vadd.f32 v9, v5  }
0x223: {  	[tilespmem:s8+$0x4010] =	vst v3;
	v4 =	vadd.f32 v4, v5  }
0x224: {  	[tilespmem:s8+$0x4020] =	vst v0;
	v0 =	vadd.f32 v1, v5  }
0x225: {  	v1 =	vadd.f32 v2, v5;
	[tilespmem:s8+$0x2020] =	vst v4  }
0x226: {  	[tilespmem:s8+$0x6020] =	vst v0  }
0x227: {  	s14 =	sor.u32 $0x70, s2;
	[tilespmem:s8+$0x20] =	vst v1  }
0x228: {  	v0 =	vld [tilespmem:s14+$0x18000]  }
0x229: {  	v1 =	vld [tilespmem:s14+$0x0];
	_ =	sdelay $0x4  }
0x22a: {  	v1 =	vadd.f32 v1, v0;
	_ =	sdelay $0x1  }
0x22b: {  	[tilespmem:s14+$0x0] =	vst v1  }
0x22c: {  	v1 =	vld [tilespmem:s8+$0x4070]  }
0x22d: {  	v2 =	vld [tilespmem:s8+$0x2070]  }
0x22e: {  	v3 =	vld [tilespmem:s8+$0x6070];
	_ =	sdelay $0x2  }
0x22f: {  	v1 =	vadd.f32 v1, v0  }
0x230: {  	v2 =	vadd.f32 v2, v0  }
0x231: {  	v0 =	vadd.f32 v3, v0;
	[tilespmem:s8+$0x4070] =	vst v1  }
0x232: {  	[tilespmem:s8+$0x2070] =	vst v2  }
0x233: {  	s29 =	simm.s32 $0x0;
	s30 =	rddreg [dreg:$0x8];
	[tilespmem:s8+$0x6070] =	vst v0  }
0x234: {  	[hbm4b:s30+s17] =	stream.strided.scatter [tilespmem:s29], [sflag:$0x2], $0x8000, s18, s17, $0x38;
	[tilespmem:$0x1E000] =	vst v63  }
0x235: {  	_ =	swait.ge [sflag:s20], $0x8000  }
0x236: {  	[sflag:s20] =	ssyncset.done $0x0  }
0x237: {  	[sflag:s20] =	ssyncadd.s32 $0xFFFF8000  }
0x238: {  	_ =	swait.ge [sflag:s21], $0x2000  }
0x239: {  	[sflag:s21] =	ssyncset.done $0x0  }
0x23a: {  	[sflag:s21] =	ssyncadd.s32 $0xFFFFE000  }
0x23b: {  	_ =	swait.ge [sflag:s26], $0x8000  }
0x23c: {  	s31 =	sand.u32 $0x1C00, s29;
	s0 =	sand.u32 $0x380, s29;
	[sflag:s26] =	ssyncset.done $0x0  }
0x23d: {  	s0 =	sor.u32 s0, s31;
	[sflag:s26] =	ssyncadd.s32 $0xFFFF8000  }
0x23e: {  	v2 =	vld [tilespmem:s0+$0x1A000]  }
0x23f: {  	v3 =	vld [tilespmem:s0+$0x1A010]  }
0x240: {  	v4 =	vld [tilespmem:s0+$0x1A020]  }
0x241: {  	v5 =	vld [tilespmem:s0+$0x1A030]  }
0x242: {  	v6 =	vld [tilespmem:s0+$0x1A040]  }
0x243: {  	v7 =	vld [tilespmem:s0+$0x1A050]  }
0x244: {  	v1 =	vld [tilespmem:s0+$0x1A060]  }
0x245: {  	v0 =	vld [tilespmem:s0+$0x1A070]  }
0x246: {  	v8 =	vld [tilespmem:s0+$0x8000]  }
0x247: {  	v9 =	vld [tilespmem:s0+$0xA000]  }
0x248: {  	v10 =	vld [tilespmem:s0+$0xC000]  }
0x249: {  	v11 =	vld [tilespmem:s0+$0xE000]  }
0x24a: {  	v59 =	vld [tilespmem:s0+$0x8010]  }
0x24b: {  	v60 =	vld [tilespmem:s0+$0xA010];
	v8 =	vadd.f32 v8, v2  }
0x24c: {  	v61 =	vld [tilespmem:s0+$0xC010];
	v9 =	vadd.f32 v9, v2  }
0x24d: {  	[tilespmem:s0+$0x8000] =	vst v8;
	v8 =	vadd.f32 v10, v2;
	v10 =	vld [tilespmem:s0+$0xE010]  }
0x24e: {  	[tilespmem:s0+$0xA000] =	vst v9;
	v2 =	vadd.f32 v11, v2;
	v9 =	vld [tilespmem:s0+$0x8020]  }
0x24f: {  	v11 =	vld [tilespmem:s0+$0xA020];
	[tilespmem:s0+$0xC000] =	vst v8;
	v8 =	vadd.f32 v59, v3  }
0x250: {  	v62 =	vld [tilespmem:s0+$0xC020];
	[tilespmem:s0+$0xE000] =	vst v2;
	v2 =	vadd.f32 v60, v3  }
0x251: {  	v63 =	vld [tilespmem:s0+$0xE020];
	[tilespmem:s0+$0x8010] =	vst v8;
	v8 =	vadd.f32 v61, v3  }
0x252: {  	[tilespmem:s0+$0xA010] =	vst v2;
	v2 =	vadd.f32 v10, v3;
	v3 =	vld [tilespmem:s0+$0x8030]  }
0x253: {  	[tilespmem:s0+$0xC010] =	vst v8;
	v8 =	vadd.f32 v9, v4;
	v9 =	vld [tilespmem:s0+$0xA030]  }
0x254: {  	v10 =	vld [tilespmem:s0+$0xC030];
	[tilespmem:s0+$0xE010] =	vst v2;
	v2 =	vadd.f32 v11, v4  }
0x255: {  	v11 =	vld [tilespmem:s0+$0xE030];
	[tilespmem:s0+$0x8020] =	vst v8;
	v8 =	vadd.f32 v62, v4  }
0x256: {  	[tilespmem:s0+$0xA020] =	vst v2;
	v2 =	vadd.f32 v63, v4;
	v4 =	vld [tilespmem:s0+$0x8040]  }
0x257: {  	[tilespmem:s0+$0xC020] =	vst v8;
	v3 =	vadd.f32 v3, v5;
	v8 =	vld [tilespmem:s0+$0xA040]  }
0x258: {  	[tilespmem:s0+$0xE020] =	vst v2;
	v2 =	vadd.f32 v9, v5;
	v9 =	vld [tilespmem:s0+$0xC040]  }
0x259: {  	[tilespmem:s0+$0x8030] =	vst v3;
	v3 =	vadd.f32 v10, v5;
	v10 =	vld [tilespmem:s0+$0xE040]  }
0x25a: {  	[tilespmem:s0+$0xA030] =	vst v2;
	v2 =	vadd.f32 v11, v5;
	v5 =	vld [tilespmem:s0+$0x8050]  }
0x25b: {  	[tilespmem:s0+$0xC030] =	vst v3;
	v3 =	vadd.f32 v4, v6;
	v4 =	vld [tilespmem:s0+$0xA050]  }
0x25c: {  	[tilespmem:s0+$0xE030] =	vst v2;
	v2 =	vadd.f32 v8, v6;
	v8 =	vld [tilespmem:s0+$0xC050]  }
0x25d: {  	[tilespmem:s0+$0x8040] =	vst v3;
	v3 =	vadd.f32 v9, v6;
	v9 =	vld [tilespmem:s0+$0xE050]  }
0x25e: {  	[tilespmem:s0+$0xA040] =	vst v2;
	v2 =	vadd.f32 v10, v6;
	v6 =	vld [tilespmem:s0+$0x8060]  }
0x25f: {  	[tilespmem:s0+$0xC040] =	vst v3;
	v3 =	vadd.f32 v5, v7;
	v5 =	vld [tilespmem:s0+$0xA060]  }
0x260: {  	[tilespmem:s0+$0xE040] =	vst v2;
	v10 =	vadd.f32 v4, v7;
	v4 =	vld [tilespmem:s0+$0xC060]  }
0x261: {  	v2 =	vld [tilespmem:s0+$0xE060];
	[tilespmem:s0+$0x8050] =	vst v3;
	v11 =	vadd.f32 v8, v7  }
0x262: {  	v3 =	vld [tilespmem:s0+$0x8070];
	[tilespmem:s0+$0xA050] =	vst v10;
	v8 =	vadd.f32 v9, v7  }
0x263: {  	s2 =	simm.s32 $0x400;
	s7 =	simm.s32 $0x10;
	[tilespmem:s0+$0xC050] =	vst v11;
	v7 =	vadd.f32 v6, v1;
	v6 =	vld [tilespmem:s0+$0xA070]  }
.LBB2_12:
0x264: {  	s8 =	sand.u32 $0x1C00, s2;
	s12 =	sand.u32 $0x380, s7;
	p0 =	sne.s32 s7, $0x3F0;
	[tilespmem:s0+$0xE050] =	vst v8;
	v5 =	vadd.f32 v5, v1;
	v8 =	vld [tilespmem:s0+$0xC070]  }
0x265: {  	s8 =	sor.u32 s12, s8;
	[tilespmem:s0+$0x8060] =	vst v7;
	v4 =	vadd.f32 v4, v1;
	v7 =	vld [tilespmem:s0+$0xE070]  }
0x266: {  	v9 =	vld [tilespmem:s8+$0x1A000];
	[tilespmem:s0+$0xA060] =	vst v5;
	v1 =	vadd.f32 v2, v1  }
0x267: {  	v2 =	vld [tilespmem:s8+$0x1A010];
	[tilespmem:s0+$0xC060] =	vst v4;
	v3 =	vadd.f32 v3, v0  }
0x268: {  	v4 =	vld [tilespmem:s8+$0x1A020];
	[tilespmem:s0+$0xE060] =	vst v1;
	v1 =	vadd.f32 v6, v0  }
0x269: {  	v5 =	vld [tilespmem:s8+$0x1A030];
	[tilespmem:s0+$0x8070] =	vst v3;
	v3 =	vadd.f32 v8, v0  }
0x26a: {  	v6 =	vld [tilespmem:s8+$0x1A040];
	[tilespmem:s0+$0xA070] =	vst v1;
	v0 =	vadd.f32 v7, v0  }
0x26b: {  	v7 =	vld [tilespmem:s8+$0x1A050];
	[tilespmem:s0+$0xC070] =	vst v3  }
0x26c: {  	v1 =	vld [tilespmem:s8+$0x1A060];
	[tilespmem:s0+$0xE070] =	vst v0;
	s0 =	smov.u32 s8  }
0x26d: {  	v0 =	vld [tilespmem:s0+$0x1A070]  }
0x26e: {  	v3 =	vld [tilespmem:s0+$0x8000]  }
0x26f: {  	v8 =	vld [tilespmem:s0+$0xA000]  }
0x270: {  	v10 =	vld [tilespmem:s0+$0xC000]  }
0x271: {  	v11 =	vld [tilespmem:s0+$0xE000]  }
0x272: {  	v12 =	vld [tilespmem:s0+$0x8010]  }
0x273: {  	v3 =	vadd.f32 v3, v9;
	v13 =	vld [tilespmem:s0+$0xA010]  }
0x274: {  	v8 =	vadd.f32 v8, v9;
	v14 =	vld [tilespmem:s0+$0xC010]  }
0x275: {  	[tilespmem:s0+$0x8000] =	vst v3;
	v3 =	vadd.f32 v10, v9;
	v10 =	vld [tilespmem:s0+$0xE010]  }
0x276: {  	[tilespmem:s0+$0xA000] =	vst v8;
	v8 =	vadd.f32 v11, v9;
	v9 =	vld [tilespmem:s0+$0x8020]  }
0x277: {  	[tilespmem:s0+$0xC000] =	vst v3;
	v3 =	vadd.f32 v12, v2;
	v11 =	vld [tilespmem:s0+$0xA020]  }
0x278: {  	[tilespmem:s0+$0xE000] =	vst v8;
	v8 =	vadd.f32 v13, v2;
	v12 =	vld [tilespmem:s0+$0xC020]  }
0x279: {  	[tilespmem:s0+$0x8010] =	vst v3;
	v3 =	vadd.f32 v14, v2;
	v13 =	vld [tilespmem:s0+$0xE020]  }
0x27a: {  	[tilespmem:s0+$0xA010] =	vst v8;
	v2 =	vadd.f32 v10, v2;
	v8 =	vld [tilespmem:s0+$0x8030]  }
0x27b: {  	[tilespmem:s0+$0xC010] =	vst v3;
	v3 =	vadd.f32 v9, v4;
	v9 =	vld [tilespmem:s0+$0xA030]  }
0x27c: {  	[tilespmem:s0+$0xE010] =	vst v2;
	v2 =	vadd.f32 v11, v4;
	v10 =	vld [tilespmem:s0+$0xC030]  }
0x27d: {  	[tilespmem:s0+$0x8020] =	vst v3;
	v3 =	vadd.f32 v12, v4;
	v11 =	vld [tilespmem:s0+$0xE030]  }
0x27e: {  	[tilespmem:s0+$0xA020] =	vst v2;
	v2 =	vadd.f32 v13, v4;
	v4 =	vld [tilespmem:s0+$0x8040]  }
0x27f: {  	[tilespmem:s0+$0xC020] =	vst v3;
	v3 =	vadd.f32 v8, v5;
	v8 =	vld [tilespmem:s0+$0xA040]  }
0x280: {  	[tilespmem:s0+$0xE020] =	vst v2;
	v2 =	vadd.f32 v9, v5;
	v9 =	vld [tilespmem:s0+$0xC040]  }
0x281: {  	[tilespmem:s0+$0x8030] =	vst v3;
	v3 =	vadd.f32 v10, v5;
	v10 =	vld [tilespmem:s0+$0xE040]  }
0x282: {  	[tilespmem:s0+$0xA030] =	vst v2;
	v2 =	vadd.f32 v11, v5;
	v5 =	vld [tilespmem:s0+$0x8050]  }
0x283: {  	[tilespmem:s0+$0xC030] =	vst v3;
	v3 =	vadd.f32 v4, v6;
	v4 =	vld [tilespmem:s0+$0xA050]  }
0x284: {  	[tilespmem:s0+$0xE030] =	vst v2;
	v2 =	vadd.f32 v8, v6;
	v8 =	vld [tilespmem:s0+$0xC050]  }
0x285: {  	[tilespmem:s0+$0x8040] =	vst v3;
	v3 =	vadd.f32 v9, v6;
	v9 =	vld [tilespmem:s0+$0xE050]  }
0x286: {  	[tilespmem:s0+$0xA040] =	vst v2;
	v2 =	vadd.f32 v10, v6;
	v6 =	vld [tilespmem:s0+$0x8060]  }
.Ltmp5:
0x287: {  	[tilespmem:s0+$0xC040] =	vst v3;
	v3 =	vadd.f32 v5, v7;
	v5 =	vld [tilespmem:s0+$0xA060];
	(pc) =	sbr.rel @p0 .LBB2_12-.Ltmp5, $4  }
0x288: {  	[tilespmem:s0+$0xE040] =	vst v2;
	v10 =	vadd.f32 v4, v7;
	v4 =	vld [tilespmem:s0+$0xC060]  }
0x289: {  	[tilespmem:s0+$0x8050] =	vst v3;
	v11 =	vadd.f32 v8, v7;
	v2 =	vld [tilespmem:s0+$0xE060]  }
0x28a: {  	[tilespmem:s0+$0xA050] =	vst v10;
	v8 =	vadd.f32 v9, v7;
	v3 =	vld [tilespmem:s0+$0x8070]  }
0x28b: {  	s2 =	sadd.s32 $0x400, s2;
	s7 =	sadd.s32 $0x10, s7;
	[tilespmem:s0+$0xC050] =	vst v11;
	v7 =	vadd.f32 v6, v1;
	v6 =	vld [tilespmem:s0+$0xA070]  }
0x28c: {  	[tilespmem:s0+$0xE050] =	vst v8;
	v5 =	vadd.f32 v5, v1;
	v57 =	vld [tilespmem:s0+$0xC070]  }
0x28d: {  	v58 =	vld [tilespmem:s0+$0xE070];
	[tilespmem:s0+$0x8060] =	vst v7;
	v4 =	vadd.f32 v4, v1  }
0x28e: {  	[tilespmem:s0+$0xA060] =	vst v5;
	v59 =	vadd.f32 v2, v1  }
0x28f: {  	[tilespmem:s0+$0xC060] =	vst v4;
	v60 =	vadd.f32 v3, v0  }
0x290: {  	[tilespmem:s0+$0xE060] =	vst v59;
	v61 =	vadd.f32 v6, v0  }
0x291: {  	[tilespmem:s0+$0x8070] =	vst v60;
	v62 =	vadd.f32 v57, v0  }
0x292: {  	v63 =	vadd.f32 v58, v0;
	[tilespmem:s0+$0xA070] =	vst v61  }
0x293: {  	[tilespmem:s0+$0xC070] =	vst v62  }
0x294: {  	s28 =	sadd.s32 $0x1, s28;
	[tilespmem:s0+$0xE070] =	vst v63  }
0x295: {  	[hbm4b:s15+s17] =	stream.strided.scatter [tilespmem:s22], [sflag:$0x2], $0x8000, s18, s17, $0x38;
	[tilespmem:$0x1E000] =	vst v63  }
0x296: {  	p0 =	sne.s32 s28, s16;
	_ =	swait.ge [sflag:s26], $0x8000  }
.Ltmp6:
0x297: {  	[sflag:s26] =	ssyncset.done $0x0;
	(pc) =	sbr.rel @p0 .LBB2_1-.Ltmp6, $4  }
0x298: {  	[sflag:s26] =	ssyncadd.s32 $0xFFFF8000  }
0x299: {  	_ =	swait.ge [sflag:s26], $0x8000  }
0x29a: {  	[sflag:s26] =	ssyncset.done $0x0  }
0x29b: {  	[sflag:s26] =	ssyncadd.s32 $0xFFFF8000  }
0x29c: {  	_ =	sfence.sel $0x180000  }
0x29d: {  	[bflag:$0x0] =	sbarrier.arrive $0xFFFF  }
0x29e: {  	_ =	strace $0x90000047  }
0x29f: {  	s0 =	stileid.u32;
	[bflag:$0x2] =	sbarrier.arrive $0xFFFF  }
0x2a0: {  	p0 =	sne.s32 s0, $0x0;
	s0 =	rddreg [dreg:$0x3]  }
0x2a1: {  	s0 =	sadd.s32 @!p0 $0x100000, s0  }
0x2a2: {  	[sflag:s0] =	ssyncadd.tile.s32 @!p0 $0x1;
	_ =	shalt  }
.Lfunc_end2:
_tile_overlayer_lowered:
.L_overlay_start_2:
0x2a3: {  	(tag) =	ssettag $0x2  }
0x2a4: {  	s0 =	rddreg [dreg:$0x0];
	s2 =	stileid.u32  }
0x2a5: {  	s1 =	rddreg [dreg:$0x1];
	p0 =	sne.s32 s2, $0x0  }
0x2a6: {  	s3 =	rddreg [dreg:$0x2];
	[bflag:$0x3] =	sbarrier.arrive $0xFFFF;
	s2 =	simm.s32 @!p0 $0x1C04  }
0x2a7: {  	[timem:s3], [sflag:s2] =	dma.local @!p0 [hbm:s0], s1  }
0x2a8: {  	s0 =	simm.s32 @!p0 $0x4  }
0x2a9: {  	_ =	swait.ge @!p0 [sflag:s0], s1  }
0x2aa: {  	s1 =	ssub.s32 @!p0 $0x0, s1;
	[sflag:s0] =	ssyncset.done @!p0 $0x0  }
0x2ab: {  	[sflag:s0] =	ssyncadd.s32 @!p0 s1  }
0x2ac: {  	[bflag:$0x3] =	sbarrier.arrive $0xFFFF  }
0x2ad: {  	_ =	shalt  }

</sc_bundles>
